<compile_context>
chip_gen: v7x
topology: tpu7x:2x2x1
jax: 0.10.2.dev20260603
libtpu: 0.0.44.dev20260713+nightly
codegen_flags: <defaults>
</compile_context>

<pallas_src>
import functools

import jax
import jax.numpy as jnp
from jax import lax
from jax.experimental import pallas as pl
from jax.experimental.pallas import tpu as pltpu
from jax.experimental.pallas import tpu_sc as plsc

N_NODES = 10000
N_PAD = 10240
D = 128
DH = D // 2
NC, NS = 2, 16
NTILE = NC * NS
CHUNK = 64
NCHUNK_DEG = 160
NCHUNK = 320
E_PAD = NS * NCHUNK * CHUNK
ROWS_PER_TILE = N_PAD // NS
_NBUF = 8

_mesh = plsc.VectorSubcoreMesh(core_axis_name="c", subcore_axis_name="s")


@functools.partial(
    pl.kernel,
    out_type=jax.ShapeDtypeStruct((NC, N_PAD), jnp.float32),
    mesh=_mesh,
    scratch_types=[
        pltpu.VMEM((NCHUNK_DEG, CHUNK), jnp.int32),
        pltpu.VMEM((CHUNK,), jnp.float32),
        pltpu.VMEM((ROWS_PER_TILE,), jnp.float32),
        pltpu.VMEM_SHARED((N_PAD,), jnp.float32),
    ],
)
def _deg_kernel(dst_hbm, out_hbm, dst_v, ones_v, zeros_v, acc):
    c = lax.axis_index("c")
    s = lax.axis_index("s")
    wid = c * NS + s
    for k in range(CHUNK // 16):
        ones_v[pl.ds(k * 16, 16)] = jnp.ones((16,), jnp.float32)
    for k in range(ROWS_PER_TILE // 16):
        zeros_v[pl.ds(k * 16, 16)] = jnp.zeros((16,), jnp.float32)
    pltpu.sync_copy(zeros_v, acc.at[pl.ds(s * ROWS_PER_TILE, ROWS_PER_TILE)])
    pltpu.sync_copy(dst_hbm.at[wid], dst_v)
    plsc.subcore_barrier()

    def body(j, carry):
        pltpu.sync_copy(ones_v, acc.at[dst_v.at[j]], add=True)
        return carry

    lax.fori_loop(0, NCHUNK_DEG, body, 0)
    plsc.subcore_barrier()
    pltpu.sync_copy(acc.at[pl.ds(s * ROWS_PER_TILE, ROWS_PER_TILE)],
                    out_hbm.at[c, pl.ds(s * ROWS_PER_TILE, ROWS_PER_TILE)])


@functools.partial(
    pl.kernel,
    out_type=[jax.ShapeDtypeStruct((N_PAD, DH), jnp.float32),
              jax.ShapeDtypeStruct((N_PAD, DH), jnp.float32)],
    mesh=_mesh,
    scratch_types=[
        [pltpu.VMEM((2, CHUNK), jnp.int32)] * _NBUF,
        [pltpu.VMEM((CHUNK, DH), jnp.float32)] * _NBUF,
        pltpu.VMEM_SHARED((N_PAD, DH), jnp.float32),
        pltpu.VMEM_SHARED((N_PAD, DH), jnp.float32),
        [pltpu.SemaphoreType.DMA] * _NBUF,
        [pltpu.SemaphoreType.DMA] * _NBUF,
        [pltpu.SemaphoreType.DMA] * _NBUF,
    ],
    compiler_params=pltpu.CompilerParams(use_tc_tiling_on_sc=False),
)
def _agg_kernel(z0_hbm, z1_hbm, idx_hbm, out0_hbm, out1_hbm, idxb, rows, z_sh,
                acc, isem, gsem, ssem):
    c = lax.axis_index("c")
    s = lax.axis_index("s")
    row0 = s * ROWS_PER_TILE
    sl = pl.ds(row0, ROWS_PER_TILE)

    @pl.when(c == 0)
    def _():
        pltpu.sync_copy(z0_hbm.at[sl], z_sh.at[sl])
        pltpu.sync_copy(z0_hbm.at[sl], acc.at[sl])

    @pl.when(c != 0)
    def _():
        pltpu.sync_copy(z1_hbm.at[sl], z_sh.at[sl])
        pltpu.sync_copy(z1_hbm.at[sl], acc.at[sl])

    def idx_dma(j, b):
        return pltpu.async_copy(idx_hbm.at[s, j], idxb[b], isem[b])

    def gather(b):
        return pltpu.async_copy(z_sh.at[idxb[b].at[0]], rows[b], gsem[b])

    for b in range(_NBUF):
        idx_dma(b, b)
    plsc.subcore_barrier()
    gd = []
    for b in range(_NBUF):
        pltpu.make_async_copy(idx_hbm.at[s, 0], idxb[b], isem[b]).wait()
        gd.append(gather(b))

    def body(i, carry):
        j = _NBUF * i
        sd = []
        for b in range(_NBUF):
            gd[b].wait()
            sd.append(pltpu.async_copy(rows[b], acc.at[idxb[b].at[1]],
                                       ssem[b], add=True))
        for b in range(_NBUF):
            sd[b].wait()
            idx_dma(jnp.minimum(j + _NBUF + b, NCHUNK - _NBUF + b), b)
        for b in range(_NBUF):
            pltpu.make_async_copy(idx_hbm.at[s, 0], idxb[b], isem[b]).wait()
            gather(b)
        return carry

    lax.fori_loop(0, NCHUNK // _NBUF, body, 0)
    for b in range(_NBUF):
        gd[b].wait()
    plsc.subcore_barrier()

    @pl.when(c == 0)
    def _():
        pltpu.sync_copy(acc.at[sl], out0_hbm.at[sl])

    @pl.when(c != 0)
    def _():
        pltpu.sync_copy(acc.at[sl], out1_hbm.at[sl])


_BLK = 2048


def _dis64(dp_ref):
    dp = dp_ref[...]
    dis_row = lax.rsqrt(dp[0:1, :] + dp[1:2, :] + 1.0)
    ones = jnp.ones((1, DH), jnp.float32)
    return lax.dot_general(dis_row, ones, (((0,), (0,)), ((), ())),
                           preferred_element_type=jnp.float32)


def _tc_a_body(x_ref, w_ref, dp_ref, z0_ref, z1_ref):
    dis = _dis64(dp_ref)
    z = jnp.dot(x_ref[...].astype(jnp.bfloat16),
                w_ref[...].astype(jnp.bfloat16),
                preferred_element_type=jnp.float32)
    z0_ref[...] = z[:, :DH] * dis
    z1_ref[...] = z[:, DH:] * dis


def _tc_b_body(a0_ref, a1_ref, dp_ref, b_ref, w_ref, z0_ref, z1_ref):
    dis = _dis64(dp_ref)
    b = b_ref[...]
    h_lo = jnp.maximum(a0_ref[...] * dis + b[:, :DH], 0.0)
    h_hi = jnp.maximum(a1_ref[...] * dis + b[:, DH:], 0.0)
    h = jnp.concatenate([h_lo, h_hi], axis=1)
    z = jnp.dot(h.astype(jnp.bfloat16), w_ref[...].astype(jnp.bfloat16),
                preferred_element_type=jnp.float32)
    z0_ref[...] = z[:, :DH] * dis
    z1_ref[...] = z[:, DH:] * dis


def _tc_c_body(a0_ref, a1_ref, dp_ref, b_ref, o_ref):
    dis = _dis64(dp_ref)
    b = b_ref[...]
    o_ref[...] = jnp.concatenate(
        [a0_ref[...] * dis + b[:, :DH], a1_ref[...] * dis + b[:, DH:]],
        axis=1)


def _row_spec(blk, d=D):
    return pl.BlockSpec((blk, d), lambda i: (i, 0))


def _full_spec():
    return pl.BlockSpec((D, D), lambda i: (0, 0))


def _deg_spec(blk):
    return pl.BlockSpec((NC, blk), lambda i: (0, i))


def _bias_spec():
    return pl.BlockSpec((1, D), lambda i: (0, 0))


def kernel(x, edge_index, W1, b1, W2, b2):
    f32 = jnp.float32
    src = edge_index[0].astype(jnp.int32)
    dst = edge_index[1].astype(jnp.int32)
    n_extra = E_PAD - src.shape[0]
    src_p = jnp.concatenate([src, jnp.zeros((n_extra,), jnp.int32)])
    dst_p = jnp.concatenate(
        [dst, jnp.full((n_extra,), N_NODES + 100, jnp.int32)])
    dst_deg = dst_p.reshape(NTILE, NCHUNK_DEG, CHUNK)
    idx_agg = jnp.stack([src_p.reshape(NS, NCHUNK, CHUNK),
                         dst_p.reshape(NS, NCHUNK, CHUNK)], axis=2)

    x_pad = jnp.pad(x.astype(f32), ((0, N_PAD - N_NODES), (0, 0)))

    deg_part = _deg_kernel(dst_deg)

    grid = (N_PAD // _BLK,)
    z1_lo, z1_hi = pl.pallas_call(
        _tc_a_body,
        grid=grid,
        in_specs=[_row_spec(_BLK), _full_spec(), _deg_spec(_BLK)],
        out_specs=[_row_spec(_BLK, DH), _row_spec(_BLK, DH)],
        out_shape=[jax.ShapeDtypeStruct((N_PAD, DH), f32),
                   jax.ShapeDtypeStruct((N_PAD, DH), f32)],
    )(x_pad, W1.astype(f32), deg_part)

    s1 = _agg_kernel(z1_lo, z1_hi, idx_agg)
    z2_lo, z2_hi = pl.pallas_call(
        _tc_b_body,
        grid=grid,
        in_specs=[_row_spec(_BLK, DH), _row_spec(_BLK, DH), _deg_spec(_BLK),
                  _bias_spec(), _full_spec()],
        out_specs=[_row_spec(_BLK, DH), _row_spec(_BLK, DH)],
        out_shape=[jax.ShapeDtypeStruct((N_PAD, DH), f32),
                   jax.ShapeDtypeStruct((N_PAD, DH), f32)],
    )(s1[0], s1[1], deg_part, b1.reshape(1, D).astype(f32), W2.astype(f32))

    s2 = _agg_kernel(z2_lo, z2_hi, idx_agg)

    out = pl.pallas_call(
        _tc_c_body,
        grid=grid,
        in_specs=[_row_spec(_BLK, DH), _row_spec(_BLK, DH), _deg_spec(_BLK),
                  _bias_spec()],
        out_specs=_row_spec(_BLK),
        out_shape=jax.ShapeDtypeStruct((N_PAD, D), f32),
    )(s2[0], s2[1], deg_part, b2.reshape(1, D).astype(f32))
    return out[:N_NODES]

# --- scband reference (transcript-rebuilt; emitter-appended) ---
"""Pipeline reference for scband-gcn-31722628448475 (READ-ONLY COPY).

The authoritative reference and input builder live on the scoring server;
editing this copy changes nothing except your own understanding.
"""

import jax, jax.numpy as jnp
import numpy as np

N_NODES = 10000
N_EDGES = 320000
D_IN = 128
D_HID = 128
D_OUT = 128


def setup_inputs(seed: int = 0) -> dict:
    key = jax.random.key(seed)
    k1, k2, k3, k4, k5, k6 = jax.random.split(key, 6)
    x = jax.random.normal(k1, (N_NODES, D_IN), dtype=jnp.float32)
    edge_index = jax.random.randint(k2, (2, N_EDGES), 0, N_NODES, dtype=jnp.int64)
    s1 = (1.0 / np.sqrt(D_IN)).astype(np.float32) if isinstance(np.sqrt(D_IN), np.ndarray) else np.float32(1.0 / np.sqrt(D_IN))
    W1 = jax.random.normal(k3, (D_IN, D_HID), dtype=jnp.float32) * s1
    b1 = jnp.zeros((D_HID,), dtype=jnp.float32)
    s2 = np.float32(1.0 / np.sqrt(D_HID))
    W2 = jax.random.normal(k4, (D_HID, D_OUT), dtype=jnp.float32) * s2
    b2 = jnp.zeros((D_OUT,), dtype=jnp.float32)
    return {"x": x, "edge_index": edge_index, "W1": W1, "b1": b1, "W2": W2, "b2": b2}


def _gcn_conv(x, src, dst, W, b, num_nodes):
    # GCNConv: out = D^{-1/2} (A + I) D^{-1/2} X W + b
    loop = jnp.arange(num_nodes, dtype=src.dtype)
    src_sl = jnp.concatenate([src, loop])
    dst_sl = jnp.concatenate([dst, loop])
    deg = jnp.zeros((num_nodes,), dtype=x.dtype).at[dst_sl].add(1.0)
    deg_inv_sqrt = jnp.where(deg > 0, deg ** -0.5, 0.0)
    norm = deg_inv_sqrt[src_sl] * deg_inv_sqrt[dst_sl]
    h = x @ W
    msg = h[src_sl] * norm[:, None]
    out = jnp.zeros((num_nodes, h.shape[1]), dtype=h.dtype).at[dst_sl].add(msg)
    return out + b


def reference(x, edge_index, W1, b1, W2, b2):
    # Eval mode: dropout(p=0.5, training=False) is identity.
    num_nodes = x.shape[0]
    src, dst = edge_index[0], edge_index[1]
    h = _gcn_conv(x, src, dst, W1, b1, num_nodes)
    h = jax.nn.relu(h)
    out = _gcn_conv(h, src, dst, W2, b2, num_nodes)
    return out

if __name__ == "__main__":
    import jax
    _d = setup_inputs()
    print(jax.jit(kernel)(*tuple(_d.values())))

</pallas_src>

<mosaic_0001>
#map = affine_map<(d0, d1) -> (0, 0, 0)>
#map1 = affine_map<(d0, d1) -> (0, 0)>
module attributes {stable_mosaic.version = 14 : i64} {
  func.func @_deg_kernel(%arg0: i32, %arg1: i32, %arg2: memref<32x160x64xi32, #tpu.memory_space<hbm>>, %arg3: memref<2x10240xf32, #tpu.memory_space<hbm>>, %arg4: memref<160x64xi32, #tpu.memory_space<vmem>>, %arg5: memref<64xf32, #tpu.memory_space<vmem>>, %arg6: memref<640xf32, #tpu.memory_space<vmem>>, %arg7: memref<10240xf32, #tpu.memory_space<vmem_shared>>) attributes {dimension_semantics = [#tpu.dimension_semantics<core_parallel>, #tpu.dimension_semantics<subcore_parallel>], iteration_bounds = array<i64: 2, 16>, scalar_prefetch = 0 : i64, scratch_operands = 4 : i64, tpu.core_type = #tpu.core_type<sc_vector_subcore>, window_params = [{transform_indices = #map}, {transform_indices = #map1}]} {
    %mul3A = arith.constant 16 : i32
    %mul3A_0 = arith.muli %arg0, %mul3A : i32
    %add3A = arith.addi %mul3A_0, %arg1 : i32
    %broadcast_in_dim3A = arith.constant 1.000000e+00 : f32
    %broadcast_in_dim3A_1 = vector.broadcast %broadcast_in_dim3A : f32 to vector<16xf32>
    %swap3A = arith.constant 0 : index
    %swap3A_2 = tpu.vector_load %arg5[%swap3A] {strides = array<i32>} : memref<64xf32, #tpu.memory_space<vmem>>, vector<16xf32>,
    %swap3A_3 = vector.shape_cast %swap3A_2 : vector<16xf32> to vector<16xf32>
    %swap3A_4 = vector.shape_cast %broadcast_in_dim3A_1 : vector<16xf32> to vector<16xf32>
    tpu.vector_store %arg5[%swap3A], %swap3A_4 {strides = array<i32>} : memref<64xf32, #tpu.memory_space<vmem>>, vector<16xf32>,
    %broadcast_in_dim3A_5 = arith.constant 1.000000e+00 : f32
    %broadcast_in_dim3A_6 = vector.broadcast %broadcast_in_dim3A_5 : f32 to vector<16xf32>
    %swap3A_7 = arith.constant 16 : index
    %swap3A_8 = tpu.vector_load %arg5[%swap3A_7] {strides = array<i32>} : memref<64xf32, #tpu.memory_space<vmem>>, vector<16xf32>,
    %swap3A_9 = vector.shape_cast %swap3A_8 : vector<16xf32> to vector<16xf32>
    %swap3A_10 = vector.shape_cast %broadcast_in_dim3A_6 : vector<16xf32> to vector<16xf32>
    tpu.vector_store %arg5[%swap3A_7], %swap3A_10 {strides = array<i32>} : memref<64xf32, #tpu.memory_space<vmem>>, vector<16xf32>,
    %broadcast_in_dim3A_11 = arith.constant 1.000000e+00 : f32
    %broadcast_in_dim3A_12 = vector.broadcast %broadcast_in_dim3A_11 : f32 to vector<16xf32>
    %swap3A_13 = arith.constant 32 : index
    %swap3A_14 = tpu.vector_load %arg5[%swap3A_13] {strides = array<i32>} : memref<64xf32, #tpu.memory_space<vmem>>, vector<16xf32>,
    %swap3A_15 = vector.shape_cast %swap3A_14 : vector<16xf32> to vector<16xf32>
    %swap3A_16 = vector.shape_cast %broadcast_in_dim3A_12 : vector<16xf32> to vector<16xf32>
    tpu.vector_store %arg5[%swap3A_13], %swap3A_16 {strides = array<i32>} : memref<64xf32, #tpu.memory_space<vmem>>, vector<16xf32>,
    %broadcast_in_dim3A_17 = arith.constant 1.000000e+00 : f32
    %broadcast_in_dim3A_18 = vector.broadcast %broadcast_in_dim3A_17 : f32 to vector<16xf32>
    %swap3A_19 = arith.constant 48 : index
    %swap3A_20 = tpu.vector_load %arg5[%swap3A_19] {strides = array<i32>} : memref<64xf32, #tpu.memory_space<vmem>>, vector<16xf32>,
    %swap3A_21 = vector.shape_cast %swap3A_20 : vector<16xf32> to vector<16xf32>
    %swap3A_22 = vector.shape_cast %broadcast_in_dim3A_18 : vector<16xf32> to vector<16xf32>
    tpu.vector_store %arg5[%swap3A_19], %swap3A_22 {strides = array<i32>} : memref<64xf32, #tpu.memory_space<vmem>>, vector<16xf32>,
    %broadcast_in_dim3A_23 = arith.constant 0.000000e+00 : f32
    %broadcast_in_dim3A_24 = vector.broadcast %broadcast_in_dim3A_23 : f32 to vector<16xf32>
    %swap3A_25 = arith.constant 0 : index
    %swap3A_26 = tpu.vector_load %arg6[%swap3A_25] {strides = array<i32>} : memref<640xf32, #tpu.memory_space<vmem>>, vector<16xf32>,
    %swap3A_27 = vector.shape_cast %swap3A_26 : vector<16xf32> to vector<16xf32>
    %swap3A_28 = vector.shape_cast %broadcast_in_dim3A_24 : vector<16xf32> to vector<16xf32>
    tpu.vector_store %arg6[%swap3A_25], %swap3A_28 {strides = array<i32>} : memref<640xf32, #tpu.memory_space<vmem>>, vector<16xf32>,
    %broadcast_in_dim3A_29 = arith.constant 0.000000e+00 : f32
    %broadcast_in_dim3A_30 = vector.broadcast %broadcast_in_dim3A_29 : f32 to vector<16xf32>
    %swap3A_31 = arith.constant 16 : index
    %swap3A_32 = tpu.vector_load %arg6[%swap3A_31] {strides = array<i32>} : memref<640xf32, #tpu.memory_space<vmem>>, vector<16xf32>,
    %swap3A_33 = vector.shape_cast %swap3A_32 : vector<16xf32> to vector<16xf32>
    %swap3A_34 = vector.shape_cast %broadcast_in_dim3A_30 : vector<16xf32> to vector<16xf32>
    tpu.vector_store %arg6[%swap3A_31], %swap3A_34 {strides = array<i32>} : memref<640xf32, #tpu.memory_space<vmem>>, vector<16xf32>,
    %broadcast_in_dim3A_35 = arith.constant 0.000000e+00 : f32
    %broadcast_in_dim3A_36 = vector.broadcast %broadcast_in_dim3A_35 : f32 to vector<16xf32>
    %swap3A_37 = arith.constant 32 : index
    %swap3A_38 = tpu.vector_load %arg6[%swap3A_37] {strides = array<i32>} : memref<640xf32, #tpu.memory_space<vmem>>, vector<16xf32>,
    %swap3A_39 = vector.shape_cast %swap3A_38 : vector<16xf32> to vector<16xf32>
    %swap3A_40 = vector.shape_cast %broadcast_in_dim3A_36 : vector<16xf32> to vector<16xf32>
    tpu.vector_store %arg6[%swap3A_37], %swap3A_40 {strides = array<i32>} : memref<640xf32, #tpu.memory_space<vmem>>, vector<16xf32>,
    %broadcast_in_dim3A_41 = arith.constant 0.000000e+00 : f32
    %broadcast_in_dim3A_42 = vector.broadcast %broadcast_in_dim3A_41 : f32 to vector<16xf32>
    %swap3A_43 = arith.constant 48 : index
    %swap3A_44 = tpu.vector_load %arg6[%swap3A_43] {strides = array<i32>} : memref<640xf32, #tpu.memory_space<vmem>>, vector<16xf32>,
    %swap3A_45 = vector.shape_cast %swap3A_44 : vector<16xf32> to vector<16xf32>
    %swap3A_46 = vector.shape_cast %broadcast_in_dim3A_42 : vector<16xf32> to vector<16xf32>
    tpu.vector_store %arg6[%swap3A_43], %swap3A_46 {strides = array<i32>} : memref<640xf32, #tpu.memory_space<vmem>>, vector<16xf32>,
    %broadcast_in_dim3A_47 = arith.constant 0.000000e+00 : f32
    %broadcast_in_dim3A_48 = vector.broadcast %broadcast_in_dim3A_47 : f32 to vector<16xf32>
    %swap3A_49 = arith.constant 64 : index
    %swap3A_50 = tpu.vector_load %arg6[%swap3A_49] {strides = array<i32>} : memref<640xf32, #tpu.memory_space<vmem>>, vector<16xf32>,
    %swap3A_51 = vector.shape_cast %swap3A_50 : vector<16xf32> to vector<16xf32>
    %swap3A_52 = vector.shape_cast %broadcast_in_dim3A_48 : vector<16xf32> to vector<16xf32>
    tpu.vector_store %arg6[%swap3A_49], %swap3A_52 {strides = array<i32>} : memref<640xf32, #tpu.memory_space<vmem>>, vector<16xf32>,
    %broadcast_in_dim3A_53 = arith.constant 0.000000e+00 : f32
    %broadcast_in_dim3A_54 = vector.broadcast %broadcast_in_dim3A_53 : f32 to vector<16xf32>
    %swap3A_55 = arith.constant 80 : index
    %swap3A_56 = tpu.vector_load %arg6[%swap3A_55] {strides = array<i32>} : memref<640xf32, #tpu.memory_space<vmem>>, vector<16xf32>,
    %swap3A_57 = vector.shape_cast %swap3A_56 : vector<16xf32> to vector<16xf32>
    %swap3A_58 = vector.shape_cast %broadcast_in_dim3A_54 : vector<16xf32> to vector<16xf32>
    tpu.vector_store %arg6[%swap3A_55], %swap3A_58 {strides = array<i32>} : memref<640xf32, #tpu.memory_space<vmem>>, vector<16xf32>,
    %broadcast_in_dim3A_59 = arith.constant 0.000000e+00 : f32
    %broadcast_in_dim3A_60 = vector.broadcast %broadcast_in_dim3A_59 : f32 to vector<16xf32>
    %swap3A_61 = arith.constant 96 : index
    %swap3A_62 = tpu.vector_load %arg6[%swap3A_61] {strides = array<i32>} : memref<640xf32, #tpu.memory_space<vmem>>, vector<16xf32>,
    %swap3A_63 = vector.shape_cast %swap3A_62 : vector<16xf32> to vector<16xf32>
    %swap3A_64 = vector.shape_cast %broadcast_in_dim3A_60 : vector<16xf32> to vector<16xf32>
    tpu.vector_store %arg6[%swap3A_61], %swap3A_64 {strides = array<i32>} : memref<640xf32, #tpu.memory_space<vmem>>, vector<16xf32>,
    %broadcast_in_dim3A_65 = arith.constant 0.000000e+00 : f32
    %broadcast_in_dim3A_66 = vector.broadcast %broadcast_in_dim3A_65 : f32 to vector<16xf32>
    %swap3A_67 = arith.constant 112 : index
    %swap3A_68 = tpu.vector_load %arg6[%swap3A_67] {strides = array<i32>} : memref<640xf32, #tpu.memory_space<vmem>>, vector<16xf32>,
    %swap3A_69 = vector.shape_cast %swap3A_68 : vector<16xf32> to vector<16xf32>
    %swap3A_70 = vector.shape_cast %broadcast_in_dim3A_66 : vector<16xf32> to vector<16xf32>
    tpu.vector_store %arg6[%swap3A_67], %swap3A_70 {strides = array<i32>} : memref<640xf32, #tpu.memory_space<vmem>>, vector<16xf32>,
    %broadcast_in_dim3A_71 = arith.constant 0.000000e+00 : f32
    %broadcast_in_dim3A_72 = vector.broadcast %broadcast_in_dim3A_71 : f32 to vector<16xf32>
    %swap3A_73 = arith.constant 128 : index
    %swap3A_74 = tpu.vector_load %arg6[%swap3A_73] {strides = array<i32>} : memref<640xf32, #tpu.memory_space<vmem>>, vector<16xf32>,
    %swap3A_75 = vector.shape_cast %swap3A_74 : vector<16xf32> to vector<16xf32>
    %swap3A_76 = vector.shape_cast %broadcast_in_dim3A_72 : vector<16xf32> to vector<16xf32>
    tpu.vector_store %arg6[%swap3A_73], %swap3A_76 {strides = array<i32>} : memref<640xf32, #tpu.memory_space<vmem>>, vector<16xf32>,
    %broadcast_in_dim3A_77 = arith.constant 0.000000e+00 : f32
    %broadcast_in_dim3A_78 = vector.broadcast %broadcast_in_dim3A_77 : f32 to vector<16xf32>
    %swap3A_79 = arith.constant 144 : index
    %swap3A_80 = tpu.vector_load %arg6[%swap3A_79] {strides = array<i32>} : memref<640xf32, #tpu.memory_space<vmem>>, vector<16xf32>,
    %swap3A_81 = vector.shape_cast %swap3A_80 : vector<16xf32> to vector<16xf32>
    %swap3A_82 = vector.shape_cast %broadcast_in_dim3A_78 : vector<16xf32> to vector<16xf32>
    tpu.vector_store %arg6[%swap3A_79], %swap3A_82 {strides = array<i32>} : memref<640xf32, #tpu.memory_space<vmem>>, vector<16xf32>,
    %broadcast_in_dim3A_83 = arith.constant 0.000000e+00 : f32
    %broadcast_in_dim3A_84 = vector.broadcast %broadcast_in_dim3A_83 : f32 to vector<16xf32>
    %swap3A_85 = arith.constant 160 : index
    %swap3A_86 = tpu.vector_load %arg6[%swap3A_85] {strides = array<i32>} : memref<640xf32, #tpu.memory_space<vmem>>, vector<16xf32>,
    %swap3A_87 = vector.shape_cast %swap3A_86 : vector<16xf32> to vector<16xf32>
    %swap3A_88 = vector.shape_cast %broadcast_in_dim3A_84 : vector<16xf32> to vector<16xf32>
    tpu.vector_store %arg6[%swap3A_85], %swap3A_88 {strides = array<i32>} : memref<640xf32, #tpu.memory_space<vmem>>, vector<16xf32>,
    %broadcast_in_dim3A_89 = arith.constant 0.000000e+00 : f32
    %broadcast_in_dim3A_90 = vector.broadcast %broadcast_in_dim3A_89 : f32 to vector<16xf32>
    %swap3A_91 = arith.constant 176 : index
    %swap3A_92 = tpu.vector_load %arg6[%swap3A_91] {strides = array<i32>} : memref<640xf32, #tpu.memory_space<vmem>>, vector<16xf32>,
    %swap3A_93 = vector.shape_cast %swap3A_92 : vector<16xf32> to vector<16xf32>
    %swap3A_94 = vector.shape_cast %broadcast_in_dim3A_90 : vector<16xf32> to vector<16xf32>
    tpu.vector_store %arg6[%swap3A_91], %swap3A_94 {strides = array<i32>} : memref<640xf32, #tpu.memory_space<vmem>>, vector<16xf32>,
    %broadcast_in_dim3A_95 = arith.constant 0.000000e+00 : f32
    %broadcast_in_dim3A_96 = vector.broadcast %broadcast_in_dim3A_95 : f32 to vector<16xf32>
    %swap3A_97 = arith.constant 192 : index
    %swap3A_98 = tpu.vector_load %arg6[%swap3A_97] {strides = array<i32>} : memref<640xf32, #tpu.memory_space<vmem>>, vector<16xf32>,
    %swap3A_99 = vector.shape_cast %swap3A_98 : vector<16xf32> to vector<16xf32>
    %swap3A_100 = vector.shape_cast %broadcast_in_dim3A_96 : vector<16xf32> to vector<16xf32>
    tpu.vector_store %arg6[%swap3A_97], %swap3A_100 {strides = array<i32>} : memref<640xf32, #tpu.memory_space<vmem>>, vector<16xf32>,
    %broadcast_in_dim3A_101 = arith.constant 0.000000e+00 : f32
    %broadcast_in_dim3A_102 = vector.broadcast %broadcast_in_dim3A_101 : f32 to vector<16xf32>
    %swap3A_103 = arith.constant 208 : index
    %swap3A_104 = tpu.vector_load %arg6[%swap3A_103] {strides = array<i32>} : memref<640xf32, #tpu.memory_space<vmem>>, vector<16xf32>,
    %swap3A_105 = vector.shape_cast %swap3A_104 : vector<16xf32> to vector<16xf32>
    %swap3A_106 = vector.shape_cast %broadcast_in_dim3A_102 : vector<16xf32> to vector<16xf32>
    tpu.vector_store %arg6[%swap3A_103], %swap3A_106 {strides = array<i32>} : memref<640xf32, #tpu.memory_space<vmem>>, vector<16xf32>,
    %broadcast_in_dim3A_107 = arith.constant 0.000000e+00 : f32
    %broadcast_in_dim3A_108 = vector.broadcast %broadcast_in_dim3A_107 : f32 to vector<16xf32>
    %swap3A_109 = arith.constant 224 : index
    %swap3A_110 = tpu.vector_load %arg6[%swap3A_109] {strides = array<i32>} : memref<640xf32, #tpu.memory_space<vmem>>, vector<16xf32>,
    %swap3A_111 = vector.shape_cast %swap3A_110 : vector<16xf32> to vector<16xf32>
    %swap3A_112 = vector.shape_cast %broadcast_in_dim3A_108 : vector<16xf32> to vector<16xf32>
    tpu.vector_store %arg6[%swap3A_109], %swap3A_112 {strides = array<i32>} : memref<640xf32, #tpu.memory_space<vmem>>, vector<16xf32>,
    %broadcast_in_dim3A_113 = arith.constant 0.000000e+00 : f32
    %broadcast_in_dim3A_114 = vector.broadcast %broadcast_in_dim3A_113 : f32 to vector<16xf32>
    %swap3A_115 = arith.constant 240 : index
    %swap3A_116 = tpu.vector_load %arg6[%swap3A_115] {strides = array<i32>} : memref<640xf32, #tpu.memory_space<vmem>>, vector<16xf32>,
    %swap3A_117 = vector.shape_cast %swap3A_116 : vector<16xf32> to vector<16xf32>
    %swap3A_118 = vector.shape_cast %broadcast_in_dim3A_114 : vector<16xf32> to vector<16xf32>
    tpu.vector_store %arg6[%swap3A_115], %swap3A_118 {strides = array<i32>} : memref<640xf32, #tpu.memory_space<vmem>>, vector<16xf32>,
    %broadcast_in_dim3A_119 = arith.constant 0.000000e+00 : f32
    %broadcast_in_dim3A_120 = vector.broadcast %broadcast_in_dim3A_119 : f32 to vector<16xf32>
    %swap3A_121 = arith.constant 256 : index
    %swap3A_122 = tpu.vector_load %arg6[%swap3A_121] {strides = array<i32>} : memref<640xf32, #tpu.memory_space<vmem>>, vector<16xf32>,
    %swap3A_123 = vector.shape_cast %swap3A_122 : vector<16xf32> to vector<16xf32>
    %swap3A_124 = vector.shape_cast %broadcast_in_dim3A_120 : vector<16xf32> to vector<16xf32>
    tpu.vector_store %arg6[%swap3A_121], %swap3A_124 {strides = array<i32>} : memref<640xf32, #tpu.memory_space<vmem>>, vector<16xf32>,
    %broadcast_in_dim3A_125 = arith.constant 0.000000e+00 : f32
    %broadcast_in_dim3A_126 = vector.broadcast %broadcast_in_dim3A_125 : f32 to vector<16xf32>
    %swap3A_127 = arith.constant 272 : index
    %swap3A_128 = tpu.vector_load %arg6[%swap3A_127] {strides = array<i32>} : memref<640xf32, #tpu.memory_space<vmem>>, vector<16xf32>,
    %swap3A_129 = vector.shape_cast %swap3A_128 : vector<16xf32> to vector<16xf32>
    %swap3A_130 = vector.shape_cast %broadcast_in_dim3A_126 : vector<16xf32> to vector<16xf32>
    tpu.vector_store %arg6[%swap3A_127], %swap3A_130 {strides = array<i32>} : memref<640xf32, #tpu.memory_space<vmem>>, vector<16xf32>,
    %broadcast_in_dim3A_131 = arith.constant 0.000000e+00 : f32
    %broadcast_in_dim3A_132 = vector.broadcast %broadcast_in_dim3A_131 : f32 to vector<16xf32>
    %swap3A_133 = arith.constant 288 : index
    %swap3A_134 = tpu.vector_load %arg6[%swap3A_133] {strides = array<i32>} : memref<640xf32, #tpu.memory_space<vmem>>, vector<16xf32>,
    %swap3A_135 = vector.shape_cast %swap3A_134 : vector<16xf32> to vector<16xf32>
    %swap3A_136 = vector.shape_cast %broadcast_in_dim3A_132 : vector<16xf32> to vector<16xf32>
    tpu.vector_store %arg6[%swap3A_133], %swap3A_136 {strides = array<i32>} : memref<640xf32, #tpu.memory_space<vmem>>, vector<16xf32>,
    %broadcast_in_dim3A_137 = arith.constant 0.000000e+00 : f32
    %broadcast_in_dim3A_138 = vector.broadcast %broadcast_in_dim3A_137 : f32 to vector<16xf32>
    %swap3A_139 = arith.constant 304 : index
    %swap3A_140 = tpu.vector_load %arg6[%swap3A_139] {strides = array<i32>} : memref<640xf32, #tpu.memory_space<vmem>>, vector<16xf32>,
    %swap3A_141 = vector.shape_cast %swap3A_140 : vector<16xf32> to vector<16xf32>
    %swap3A_142 = vector.shape_cast %broadcast_in_dim3A_138 : vector<16xf32> to vector<16xf32>
    tpu.vector_store %arg6[%swap3A_139], %swap3A_142 {strides = array<i32>} : memref<640xf32, #tpu.memory_space<vmem>>, vector<16xf32>,
    %broadcast_in_dim3A_143 = arith.constant 0.000000e+00 : f32
    %broadcast_in_dim3A_144 = vector.broadcast %broadcast_in_dim3A_143 : f32 to vector<16xf32>
    %swap3A_145 = arith.constant 320 : index
    %swap3A_146 = tpu.vector_load %arg6[%swap3A_145] {strides = array<i32>} : memref<640xf32, #tpu.memory_space<vmem>>, vector<16xf32>,
    %swap3A_147 = vector.shape_cast %swap3A_146 : vector<16xf32> to vector<16xf32>
    %swap3A_148 = vector.shape_cast %broadcast_in_dim3A_144 : vector<16xf32> to vector<16xf32>
    tpu.vector_store %arg6[%swap3A_145], %swap3A_148 {strides = array<i32>} : memref<640xf32, #tpu.memory_space<vmem>>, vector<16xf32>,
    %broadcast_in_dim3A_149 = arith.constant 0.000000e+00 : f32
    %broadcast_in_dim3A_150 = vector.broadcast %broadcast_in_dim3A_149 : f32 to vector<16xf32>
    %swap3A_151 = arith.constant 336 : index
    %swap3A_152 = tpu.vector_load %arg6[%swap3A_151] {strides = array<i32>} : memref<640xf32, #tpu.memory_space<vmem>>, vector<16xf32>,
    %swap3A_153 = vector.shape_cast %swap3A_152 : vector<16xf32> to vector<16xf32>
    %swap3A_154 = vector.shape_cast %broadcast_in_dim3A_150 : vector<16xf32> to vector<16xf32>
    tpu.vector_store %arg6[%swap3A_151], %swap3A_154 {strides = array<i32>} : memref<640xf32, #tpu.memory_space<vmem>>, vector<16xf32>,
    %broadcast_in_dim3A_155 = arith.constant 0.000000e+00 : f32
    %broadcast_in_dim3A_156 = vector.broadcast %broadcast_in_dim3A_155 : f32 to vector<16xf32>
    %swap3A_157 = arith.constant 352 : index
    %swap3A_158 = tpu.vector_load %arg6[%swap3A_157] {strides = array<i32>} : memref<640xf32, #tpu.memory_space<vmem>>, vector<16xf32>,
    %swap3A_159 = vector.shape_cast %swap3A_158 : vector<16xf32> to vector<16xf32>
    %swap3A_160 = vector.shape_cast %broadcast_in_dim3A_156 : vector<16xf32> to vector<16xf32>
    tpu.vector_store %arg6[%swap3A_157], %swap3A_160 {strides = array<i32>} : memref<640xf32, #tpu.memory_space<vmem>>, vector<16xf32>,
    %broadcast_in_dim3A_161 = arith.constant 0.000000e+00 : f32
    %broadcast_in_dim3A_162 = vector.broadcast %broadcast_in_dim3A_161 : f32 to vector<16xf32>
    %swap3A_163 = arith.constant 368 : index
    %swap3A_164 = tpu.vector_load %arg6[%swap3A_163] {strides = array<i32>} : memref<640xf32, #tpu.memory_space<vmem>>, vector<16xf32>,
    %swap3A_165 = vector.shape_cast %swap3A_164 : vector<16xf32> to vector<16xf32>
    %swap3A_166 = vector.shape_cast %broadcast_in_dim3A_162 : vector<16xf32> to vector<16xf32>
    tpu.vector_store %arg6[%swap3A_163], %swap3A_166 {strides = array<i32>} : memref<640xf32, #tpu.memory_space<vmem>>, vector<16xf32>,
    %broadcast_in_dim3A_167 = arith.constant 0.000000e+00 : f32
    %broadcast_in_dim3A_168 = vector.broadcast %broadcast_in_dim3A_167 : f32 to vector<16xf32>
    %swap3A_169 = arith.constant 384 : index
    %swap3A_170 = tpu.vector_load %arg6[%swap3A_169] {strides = array<i32>} : memref<640xf32, #tpu.memory_space<vmem>>, vector<16xf32>,
    %swap3A_171 = vector.shape_cast %swap3A_170 : vector<16xf32> to vector<16xf32>
    %swap3A_172 = vector.shape_cast %broadcast_in_dim3A_168 : vector<16xf32> to vector<16xf32>
    tpu.vector_store %arg6[%swap3A_169], %swap3A_172 {strides = array<i32>} : memref<640xf32, #tpu.memory_space<vmem>>, vector<16xf32>,
    %broadcast_in_dim3A_173 = arith.constant 0.000000e+00 : f32
    %broadcast_in_dim3A_174 = vector.broadcast %broadcast_in_dim3A_173 : f32 to vector<16xf32>
    %swap3A_175 = arith.constant 400 : index
    %swap3A_176 = tpu.vector_load %arg6[%swap3A_175] {strides = array<i32>} : memref<640xf32, #tpu.memory_space<vmem>>, vector<16xf32>,
    %swap3A_177 = vector.shape_cast %swap3A_176 : vector<16xf32> to vector<16xf32>
    %swap3A_178 = vector.shape_cast %broadcast_in_dim3A_174 : vector<16xf32> to vector<16xf32>
    tpu.vector_store %arg6[%swap3A_175], %swap3A_178 {strides = array<i32>} : memref<640xf32, #tpu.memory_space<vmem>>, vector<16xf32>,
    %broadcast_in_dim3A_179 = arith.constant 0.000000e+00 : f32
    %broadcast_in_dim3A_180 = vector.broadcast %broadcast_in_dim3A_179 : f32 to vector<16xf32>
    %swap3A_181 = arith.constant 416 : index
    %swap3A_182 = tpu.vector_load %arg6[%swap3A_181] {strides = array<i32>} : memref<640xf32, #tpu.memory_space<vmem>>, vector<16xf32>,
    %swap3A_183 = vector.shape_cast %swap3A_182 : vector<16xf32> to vector<16xf32>
    %swap3A_184 = vector.shape_cast %broadcast_in_dim3A_180 : vector<16xf32> to vector<16xf32>
    tpu.vector_store %arg6[%swap3A_181], %swap3A_184 {strides = array<i32>} : memref<640xf32, #tpu.memory_space<vmem>>, vector<16xf32>,
    %broadcast_in_dim3A_185 = arith.constant 0.000000e+00 : f32
    %broadcast_in_dim3A_186 = vector.broadcast %broadcast_in_dim3A_185 : f32 to vector<16xf32>
    %swap3A_187 = arith.constant 432 : index
    %swap3A_188 = tpu.vector_load %arg6[%swap3A_187] {strides = array<i32>} : memref<640xf32, #tpu.memory_space<vmem>>, vector<16xf32>,
    %swap3A_189 = vector.shape_cast %swap3A_188 : vector<16xf32> to vector<16xf32>
    %swap3A_190 = vector.shape_cast %broadcast_in_dim3A_186 : vector<16xf32> to vector<16xf32>
    tpu.vector_store %arg6[%swap3A_187], %swap3A_190 {strides = array<i32>} : memref<640xf32, #tpu.memory_space<vmem>>, vector<16xf32>,
    %broadcast_in_dim3A_191 = arith.constant 0.000000e+00 : f32
    %broadcast_in_dim3A_192 = vector.broadcast %broadcast_in_dim3A_191 : f32 to vector<16xf32>
    %swap3A_193 = arith.constant 448 : index
    %swap3A_194 = tpu.vector_load %arg6[%swap3A_193] {strides = array<i32>} : memref<640xf32, #tpu.memory_space<vmem>>, vector<16xf32>,
    %swap3A_195 = vector.shape_cast %swap3A_194 : vector<16xf32> to vector<16xf32>
    %swap3A_196 = vector.shape_cast %broadcast_in_dim3A_192 : vector<16xf32> to vector<16xf32>
    tpu.vector_store %arg6[%swap3A_193], %swap3A_196 {strides = array<i32>} : memref<640xf32, #tpu.memory_space<vmem>>, vector<16xf32>,
    %broadcast_in_dim3A_197 = arith.constant 0.000000e+00 : f32
    %broadcast_in_dim3A_198 = vector.broadcast %broadcast_in_dim3A_197 : f32 to vector<16xf32>
    %swap3A_199 = arith.constant 464 : index
    %swap3A_200 = tpu.vector_load %arg6[%swap3A_199] {strides = array<i32>} : memref<640xf32, #tpu.memory_space<vmem>>, vector<16xf32>,
    %swap3A_201 = vector.shape_cast %swap3A_200 : vector<16xf32> to vector<16xf32>
    %swap3A_202 = vector.shape_cast %broadcast_in_dim3A_198 : vector<16xf32> to vector<16xf32>
    tpu.vector_store %arg6[%swap3A_199], %swap3A_202 {strides = array<i32>} : memref<640xf32, #tpu.memory_space<vmem>>, vector<16xf32>,
    %broadcast_in_dim3A_203 = arith.constant 0.000000e+00 : f32
    %broadcast_in_dim3A_204 = vector.broadcast %broadcast_in_dim3A_203 : f32 to vector<16xf32>
    %swap3A_205 = arith.constant 480 : index
    %swap3A_206 = tpu.vector_load %arg6[%swap3A_205] {strides = array<i32>} : memref<640xf32, #tpu.memory_space<vmem>>, vector<16xf32>,
    %swap3A_207 = vector.shape_cast %swap3A_206 : vector<16xf32> to vector<16xf32>
    %swap3A_208 = vector.shape_cast %broadcast_in_dim3A_204 : vector<16xf32> to vector<16xf32>
    tpu.vector_store %arg6[%swap3A_205], %swap3A_208 {strides = array<i32>} : memref<640xf32, #tpu.memory_space<vmem>>, vector<16xf32>,
    %broadcast_in_dim3A_209 = arith.constant 0.000000e+00 : f32
    %broadcast_in_dim3A_210 = vector.broadcast %broadcast_in_dim3A_209 : f32 to vector<16xf32>
    %swap3A_211 = arith.constant 496 : index
    %swap3A_212 = tpu.vector_load %arg6[%swap3A_211] {strides = array<i32>} : memref<640xf32, #tpu.memory_space<vmem>>, vector<16xf32>,
    %swap3A_213 = vector.shape_cast %swap3A_212 : vector<16xf32> to vector<16xf32>
    %swap3A_214 = vector.shape_cast %broadcast_in_dim3A_210 : vector<16xf32> to vector<16xf32>
    tpu.vector_store %arg6[%swap3A_211], %swap3A_214 {strides = array<i32>} : memref<640xf32, #tpu.memory_space<vmem>>, vector<16xf32>,
    %broadcast_in_dim3A_215 = arith.constant 0.000000e+00 : f32
    %broadcast_in_dim3A_216 = vector.broadcast %broadcast_in_dim3A_215 : f32 to vector<16xf32>
    %swap3A_217 = arith.constant 512 : index
    %swap3A_218 = tpu.vector_load %arg6[%swap3A_217] {strides = array<i32>} : memref<640xf32, #tpu.memory_space<vmem>>, vector<16xf32>,
    %swap3A_219 = vector.shape_cast %swap3A_218 : vector<16xf32> to vector<16xf32>
    %swap3A_220 = vector.shape_cast %broadcast_in_dim3A_216 : vector<16xf32> to vector<16xf32>
    tpu.vector_store %arg6[%swap3A_217], %swap3A_220 {strides = array<i32>} : memref<640xf32, #tpu.memory_space<vmem>>, vector<16xf32>,
    %broadcast_in_dim3A_221 = arith.constant 0.000000e+00 : f32
    %broadcast_in_dim3A_222 = vector.broadcast %broadcast_in_dim3A_221 : f32 to vector<16xf32>
    %swap3A_223 = arith.constant 528 : index
    %swap3A_224 = tpu.vector_load %arg6[%swap3A_223] {strides = array<i32>} : memref<640xf32, #tpu.memory_space<vmem>>, vector<16xf32>,
    %swap3A_225 = vector.shape_cast %swap3A_224 : vector<16xf32> to vector<16xf32>
    %swap3A_226 = vector.shape_cast %broadcast_in_dim3A_222 : vector<16xf32> to vector<16xf32>
    tpu.vector_store %arg6[%swap3A_223], %swap3A_226 {strides = array<i32>} : memref<640xf32, #tpu.memory_space<vmem>>, vector<16xf32>,
    %broadcast_in_dim3A_227 = arith.constant 0.000000e+00 : f32
    %broadcast_in_dim3A_228 = vector.broadcast %broadcast_in_dim3A_227 : f32 to vector<16xf32>
    %swap3A_229 = arith.constant 544 : index
    %swap3A_230 = tpu.vector_load %arg6[%swap3A_229] {strides = array<i32>} : memref<640xf32, #tpu.memory_space<vmem>>, vector<16xf32>,
    %swap3A_231 = vector.shape_cast %swap3A_230 : vector<16xf32> to vector<16xf32>
    %swap3A_232 = vector.shape_cast %broadcast_in_dim3A_228 : vector<16xf32> to vector<16xf32>
    tpu.vector_store %arg6[%swap3A_229], %swap3A_232 {strides = array<i32>} : memref<640xf32, #tpu.memory_space<vmem>>, vector<16xf32>,
    %broadcast_in_dim3A_233 = arith.constant 0.000000e+00 : f32
    %broadcast_in_dim3A_234 = vector.broadcast %broadcast_in_dim3A_233 : f32 to vector<16xf32>
    %swap3A_235 = arith.constant 560 : index
    %swap3A_236 = tpu.vector_load %arg6[%swap3A_235] {strides = array<i32>} : memref<640xf32, #tpu.memory_space<vmem>>, vector<16xf32>,
    %swap3A_237 = vector.shape_cast %swap3A_236 : vector<16xf32> to vector<16xf32>
    %swap3A_238 = vector.shape_cast %broadcast_in_dim3A_234 : vector<16xf32> to vector<16xf32>
    tpu.vector_store %arg6[%swap3A_235], %swap3A_238 {strides = array<i32>} : memref<640xf32, #tpu.memory_space<vmem>>, vector<16xf32>,
    %broadcast_in_dim3A_239 = arith.constant 0.000000e+00 : f32
    %broadcast_in_dim3A_240 = vector.broadcast %broadcast_in_dim3A_239 : f32 to vector<16xf32>
    %swap3A_241 = arith.constant 576 : index
    %swap3A_242 = tpu.vector_load %arg6[%swap3A_241] {strides = array<i32>} : memref<640xf32, #tpu.memory_space<vmem>>, vector<16xf32>,
    %swap3A_243 = vector.shape_cast %swap3A_242 : vector<16xf32> to vector<16xf32>
    %swap3A_244 = vector.shape_cast %broadcast_in_dim3A_240 : vector<16xf32> to vector<16xf32>
    tpu.vector_store %arg6[%swap3A_241], %swap3A_244 {strides = array<i32>} : memref<640xf32, #tpu.memory_space<vmem>>, vector<16xf32>,
    %broadcast_in_dim3A_245 = arith.constant 0.000000e+00 : f32
    %broadcast_in_dim3A_246 = vector.broadcast %broadcast_in_dim3A_245 : f32 to vector<16xf32>
    %swap3A_247 = arith.constant 592 : index
    %swap3A_248 = tpu.vector_load %arg6[%swap3A_247] {strides = array<i32>} : memref<640xf32, #tpu.memory_space<vmem>>, vector<16xf32>,
    %swap3A_249 = vector.shape_cast %swap3A_248 : vector<16xf32> to vector<16xf32>
    %swap3A_250 = vector.shape_cast %broadcast_in_dim3A_246 : vector<16xf32> to vector<16xf32>
    tpu.vector_store %arg6[%swap3A_247], %swap3A_250 {strides = array<i32>} : memref<640xf32, #tpu.memory_space<vmem>>, vector<16xf32>,
    %broadcast_in_dim3A_251 = arith.constant 0.000000e+00 : f32
    %broadcast_in_dim3A_252 = vector.broadcast %broadcast_in_dim3A_251 : f32 to vector<16xf32>
    %swap3A_253 = arith.constant 608 : index
    %swap3A_254 = tpu.vector_load %arg6[%swap3A_253] {strides = array<i32>} : memref<640xf32, #tpu.memory_space<vmem>>, vector<16xf32>,
    %swap3A_255 = vector.shape_cast %swap3A_254 : vector<16xf32> to vector<16xf32>
    %swap3A_256 = vector.shape_cast %broadcast_in_dim3A_252 : vector<16xf32> to vector<16xf32>
    tpu.vector_store %arg6[%swap3A_253], %swap3A_256 {strides = array<i32>} : memref<640xf32, #tpu.memory_space<vmem>>, vector<16xf32>,
    %broadcast_in_dim3A_257 = arith.constant 0.000000e+00 : f32
    %broadcast_in_dim3A_258 = vector.broadcast %broadcast_in_dim3A_257 : f32 to vector<16xf32>
    %swap3A_259 = arith.constant 624 : index
    %swap3A_260 = tpu.vector_load %arg6[%swap3A_259] {strides = array<i32>} : memref<640xf32, #tpu.memory_space<vmem>>, vector<16xf32>,
    %swap3A_261 = vector.shape_cast %swap3A_260 : vector<16xf32> to vector<16xf32>
    %swap3A_262 = vector.shape_cast %broadcast_in_dim3A_258 : vector<16xf32> to vector<16xf32>
    tpu.vector_store %arg6[%swap3A_259], %swap3A_262 {strides = array<i32>} : memref<640xf32, #tpu.memory_space<vmem>>, vector<16xf32>,
    %mul3A_263 = arith.constant 640 : i32
    %mul3A_264 = arith.muli %arg1, %mul3A_263 : i32
    "tpu.region"() ({
      %run_scoped3A = tpu.sem_alloc : memref<!tpu.dma_semaphore, #tpu.memory_space<semaphore_mem>>
      %dma_start3A = tpu.memref_slice %arg7[%mul3A_264] : memref<10240xf32, #tpu.memory_space<vmem_shared>> -> memref<640xf32, #tpu.memory_space<vmem_shared>>
      %dma_start3A_275 = tpu.memref_slice %arg7[%mul3A_264] : memref<10240xf32, #tpu.memory_space<vmem_shared>> -> memref<640xf32, #tpu.memory_space<vmem_shared>>
      tpu.enqueue_dma source(%arg6 : memref<640xf32, #tpu.memory_space<vmem>>) target(%dma_start3A_275 : memref<640xf32, #tpu.memory_space<vmem_shared>>) target_semaphore(%run_scoped3A : memref<!tpu.dma_semaphore, #tpu.memory_space<semaphore_mem>>)
      %dma_wait3A = tpu.memref_slice %arg7[%mul3A_264] : memref<10240xf32, #tpu.memory_space<vmem_shared>> -> memref<640xf32, #tpu.memory_space<vmem_shared>>
      %dma_wait3A_276 = tpu.memref_slice %arg7[%mul3A_264] : memref<10240xf32, #tpu.memory_space<vmem_shared>> -> memref<640xf32, #tpu.memory_space<vmem_shared>>
      tpu.wait_dma2 semaphore(%run_scoped3A : memref<!tpu.dma_semaphore, #tpu.memory_space<semaphore_mem>>) src(%arg6 : memref<640xf32, #tpu.memory_space<vmem>>) dst(%dma_wait3A_276 : memref<640xf32, #tpu.memory_space<vmem_shared>>)
      tpu.yield
    }) : () -> ()
    "tpu.region"() ({
      %run_scoped3A = tpu.sem_alloc : memref<!tpu.dma_semaphore, #tpu.memory_space<semaphore_mem>>
      %dma_start3A = arith.constant 0 : i32
      %dma_start3A_275 = arith.constant 0 : i32
      %dma_start3A_276 = tpu.memref_slice %arg2[%add3A, %dma_start3A, %dma_start3A_275] : memref<32x160x64xi32, #tpu.memory_space<hbm>> -> memref<1x160x64xi32, #tpu.memory_space<hbm>>
      %dma_start3A_277 = tpu.memref_squeeze %dma_start3A_276 : memref<1x160x64xi32, #tpu.memory_space<hbm>> -> memref<160x64xi32, #tpu.memory_space<hbm>>
      %dma_start3A_278 = arith.constant 0 : i32
      %dma_start3A_279 = arith.constant 0 : i32
      %dma_start3A_280 = tpu.memref_slice %arg2[%add3A, %dma_start3A_278, %dma_start3A_279] : memref<32x160x64xi32, #tpu.memory_space<hbm>> -> memref<1x160x64xi32, #tpu.memory_space<hbm>>
      %dma_start3A_281 = tpu.memref_squeeze %dma_start3A_280 : memref<1x160x64xi32, #tpu.memory_space<hbm>> -> memref<160x64xi32, #tpu.memory_space<hbm>>
      tpu.enqueue_dma source(%dma_start3A_281 : memref<160x64xi32, #tpu.memory_space<hbm>>) target(%arg4 : memref<160x64xi32, #tpu.memory_space<vmem>>) target_semaphore(%run_scoped3A : memref<!tpu.dma_semaphore, #tpu.memory_space<semaphore_mem>>)
      %dma_wait3A = arith.constant 0 : i32
      %dma_wait3A_282 = arith.constant 0 : i32
      %dma_wait3A_283 = tpu.memref_slice %arg2[%add3A, %dma_wait3A, %dma_wait3A_282] : memref<32x160x64xi32, #tpu.memory_space<hbm>> -> memref<1x160x64xi32, #tpu.memory_space<hbm>>
      %dma_wait3A_284 = tpu.memref_squeeze %dma_wait3A_283 : memref<1x160x64xi32, #tpu.memory_space<hbm>> -> memref<160x64xi32, #tpu.memory_space<hbm>>
      %dma_wait3A_285 = arith.constant 0 : i32
      %dma_wait3A_286 = arith.constant 0 : i32
      %dma_wait3A_287 = tpu.memref_slice %arg2[%add3A, %dma_wait3A_285, %dma_wait3A_286] : memref<32x160x64xi32, #tpu.memory_space<hbm>> -> memref<1x160x64xi32, #tpu.memory_space<hbm>>
      %dma_wait3A_288 = tpu.memref_squeeze %dma_wait3A_287 : memref<1x160x64xi32, #tpu.memory_space<hbm>> -> memref<160x64xi32, #tpu.memory_space<hbm>>
      tpu.wait_dma2 semaphore(%run_scoped3A : memref<!tpu.dma_semaphore, #tpu.memory_space<semaphore_mem>>) src(%dma_wait3A_288 : memref<160x64xi32, #tpu.memory_space<hbm>>) dst(%arg4 : memref<160x64xi32, #tpu.memory_space<vmem>>)
      tpu.yield
    }) : () -> ()
    %barrier3A = arith.constant 0 : index
    tpu.barrier barrier_id(%barrier3A)
    %scan3A = arith.constant 0 : i32
    %scan3A_265 = arith.constant 0 : i32
    %scan3A_266 = arith.constant 160 : i32
    %scan3A_267 = arith.addi %scan3A_265, %scan3A_266 : i32
    %scan3A_268 = arith.constant 1 : i32
    scf.for %scan3A_275 = %scan3A_265 to %scan3A_267 step %scan3A_268  : i32 {
      "tpu.region"() ({
        %run_scoped3A = tpu.sem_alloc : memref<!tpu.dma_semaphore, #tpu.memory_space<semaphore_mem>>
        %dma_start3A = arith.constant 0 : i32
        %dma_start3A_276 = tpu.memref_slice %arg4[%scan3A_275, %dma_start3A] : memref<160x64xi32, #tpu.memory_space<vmem>> -> memref<1x64xi32, #tpu.memory_space<vmem>>
        %dma_start3A_277 = tpu.memref_squeeze %dma_start3A_276 : memref<1x64xi32, #tpu.memory_space<vmem>> -> memref<64xi32, #tpu.memory_space<vmem>>
        %dma_start3A_278 = arith.constant 0 : i32
        %dma_start3A_279 = tpu.memref_slice %arg7[%dma_start3A_278] : memref<10240xf32, #tpu.memory_space<vmem_shared>> -> memref<10240xf32, #tpu.memory_space<vmem_shared>>
        tpu.enqueue_indirect_dma source(%arg5 : memref<64xf32, #tpu.memory_space<vmem>>) target(%dma_start3A_279 : memref<10240xf32, #tpu.memory_space<vmem_shared>>) offsets(%dma_start3A_277 : memref<64xi32, #tpu.memory_space<vmem>>) semaphore(%run_scoped3A : memref<!tpu.dma_semaphore, #tpu.memory_space<semaphore_mem>>) {add = true}
        %dma_wait3A = arith.constant 0 : i32
        %dma_wait3A_280 = tpu.memref_slice %arg4[%scan3A_275, %dma_wait3A] : memref<160x64xi32, #tpu.memory_space<vmem>> -> memref<1x64xi32, #tpu.memory_space<vmem>>
        %dma_wait3A_281 = tpu.memref_squeeze %dma_wait3A_280 : memref<1x64xi32, #tpu.memory_space<vmem>> -> memref<64xi32, #tpu.memory_space<vmem>>
        %dma_wait3A_282 = arith.constant 0 : i32
        %dma_wait3A_283 = tpu.memref_slice %arg7[%dma_wait3A_282] : memref<10240xf32, #tpu.memory_space<vmem_shared>> -> memref<10240xf32, #tpu.memory_space<vmem_shared>>
        tpu.wait_indirect_dma semaphore(%run_scoped3A : memref<!tpu.dma_semaphore, #tpu.memory_space<semaphore_mem>>) src(%arg5 : memref<64xf32, #tpu.memory_space<vmem>>) dst(%dma_wait3A_283 : memref<10240xf32, #tpu.memory_space<vmem_shared>>)
        tpu.yield
      }) : () -> ()
    }
    %scan3A_269 = arith.constant 160 : i32
    %barrier3A_270 = arith.constant 0 : index
    tpu.barrier barrier_id(%barrier3A_270)
    %mul3A_271 = arith.constant 640 : i32
    %mul3A_272 = arith.muli %arg1, %mul3A_271 : i32
    %mul3A_273 = arith.constant 640 : i32
    %mul3A_274 = arith.muli %arg1, %mul3A_273 : i32
    "tpu.region"() ({
      %run_scoped3A = tpu.sem_alloc : memref<!tpu.dma_semaphore, #tpu.memory_space<semaphore_mem>>
      %dma_start3A = tpu.memref_slice %arg3[%arg0, %mul3A_274] : memref<2x10240xf32, #tpu.memory_space<hbm>> -> memref<1x640xf32, #tpu.memory_space<hbm>>
      %dma_start3A_275 = tpu.memref_squeeze %dma_start3A : memref<1x640xf32, #tpu.memory_space<hbm>> -> memref<640xf32, #tpu.memory_space<hbm>>
      %dma_start3A_276 = tpu.memref_slice %arg7[%mul3A_272] : memref<10240xf32, #tpu.memory_space<vmem_shared>> -> memref<640xf32, #tpu.memory_space<vmem_shared>>
      tpu.enqueue_dma source(%dma_start3A_276 : memref<640xf32, #tpu.memory_space<vmem_shared>>) target(%dma_start3A_275 : memref<640xf32, #tpu.memory_space<hbm>>) target_semaphore(%run_scoped3A : memref<!tpu.dma_semaphore, #tpu.memory_space<semaphore_mem>>)
      %dma_wait3A = tpu.memref_slice %arg3[%arg0, %mul3A_274] : memref<2x10240xf32, #tpu.memory_space<hbm>> -> memref<1x640xf32, #tpu.memory_space<hbm>>
      %dma_wait3A_277 = tpu.memref_squeeze %dma_wait3A : memref<1x640xf32, #tpu.memory_space<hbm>> -> memref<640xf32, #tpu.memory_space<hbm>>
      %dma_wait3A_278 = tpu.memref_slice %arg7[%mul3A_272] : memref<10240xf32, #tpu.memory_space<vmem_shared>> -> memref<640xf32, #tpu.memory_space<vmem_shared>>
      tpu.wait_dma2 semaphore(%run_scoped3A : memref<!tpu.dma_semaphore, #tpu.memory_space<semaphore_mem>>) src(%dma_wait3A_278 : memref<640xf32, #tpu.memory_space<vmem_shared>>) dst(%dma_wait3A_277 : memref<640xf32, #tpu.memory_space<hbm>>)
      tpu.yield
    }) : () -> ()
    return
  }
}

#map = affine_map<(d0, d1) -> (0, 0)>
#map1 = affine_map<(d0, d1) -> (0, 0, 0, 0)>
module attributes {stable_mosaic.version = 14 : i64} {
  func.func @_agg_kernel(%arg0: i32, %arg1: i32, %arg2: memref<10240x64xf32, #tpu.memory_space<hbm>>, %arg3: memref<10240x64xf32, #tpu.memory_space<hbm>>, %arg4: memref<16x320x2x64xi32, #tpu.memory_space<hbm>>, %arg5: memref<10240x64xf32, #tpu.memory_space<hbm>>, %arg6: memref<10240x64xf32, #tpu.memory_space<hbm>>, %arg7: memref<2x64xi32, #tpu.memory_space<vmem>>, %arg8: memref<2x64xi32, #tpu.memory_space<vmem>>, %arg9: memref<2x64xi32, #tpu.memory_space<vmem>>, %arg10: memref<2x64xi32, #tpu.memory_space<vmem>>, %arg11: memref<2x64xi32, #tpu.memory_space<vmem>>, %arg12: memref<2x64xi32, #tpu.memory_space<vmem>>, %arg13: memref<2x64xi32, #tpu.memory_space<vmem>>, %arg14: memref<2x64xi32, #tpu.memory_space<vmem>>, %arg15: memref<64x64xf32, #tpu.memory_space<vmem>>, %arg16: memref<64x64xf32, #tpu.memory_space<vmem>>, %arg17: memref<64x64xf32, #tpu.memory_space<vmem>>, %arg18: memref<64x64xf32, #tpu.memory_space<vmem>>, %arg19: memref<64x64xf32, #tpu.memory_space<vmem>>, %arg20: memref<64x64xf32, #tpu.memory_space<vmem>>, %arg21: memref<64x64xf32, #tpu.memory_space<vmem>>, %arg22: memref<64x64xf32, #tpu.memory_space<vmem>>, %arg23: memref<10240x64xf32, #tpu.memory_space<vmem_shared>>, %arg24: memref<10240x64xf32, #tpu.memory_space<vmem_shared>>, %arg25: memref<!tpu.dma_semaphore, #tpu.memory_space<semaphore_mem>>, %arg26: memref<!tpu.dma_semaphore, #tpu.memory_space<semaphore_mem>>, %arg27: memref<!tpu.dma_semaphore, #tpu.memory_space<semaphore_mem>>, %arg28: memref<!tpu.dma_semaphore, #tpu.memory_space<semaphore_mem>>, %arg29: memref<!tpu.dma_semaphore, #tpu.memory_space<semaphore_mem>>, %arg30: memref<!tpu.dma_semaphore, #tpu.memory_space<semaphore_mem>>, %arg31: memref<!tpu.dma_semaphore, #tpu.memory_space<semaphore_mem>>, %arg32: memref<!tpu.dma_semaphore, #tpu.memory_space<semaphore_mem>>, %arg33: memref<!tpu.dma_semaphore, #tpu.memory_space<semaphore_mem>>, %arg34: memref<!tpu.dma_semaphore, #tpu.memory_space<semaphore_mem>>, %arg35: memref<!tpu.dma_semaphore, #tpu.memory_space<semaphore_mem>>, %arg36: memref<!tpu.dma_semaphore, #tpu.memory_space<semaphore_mem>>, %arg37: memref<!tpu.dma_semaphore, #tpu.memory_space<semaphore_mem>>, %arg38: memref<!tpu.dma_semaphore, #tpu.memory_space<semaphore_mem>>, %arg39: memref<!tpu.dma_semaphore, #tpu.memory_space<semaphore_mem>>, %arg40: memref<!tpu.dma_semaphore, #tpu.memory_space<semaphore_mem>>, %arg41: memref<!tpu.dma_semaphore, #tpu.memory_space<semaphore_mem>>, %arg42: memref<!tpu.dma_semaphore, #tpu.memory_space<semaphore_mem>>, %arg43: memref<!tpu.dma_semaphore, #tpu.memory_space<semaphore_mem>>, %arg44: memref<!tpu.dma_semaphore, #tpu.memory_space<semaphore_mem>>, %arg45: memref<!tpu.dma_semaphore, #tpu.memory_space<semaphore_mem>>, %arg46: memref<!tpu.dma_semaphore, #tpu.memory_space<semaphore_mem>>, %arg47: memref<!tpu.dma_semaphore, #tpu.memory_space<semaphore_mem>>, %arg48: memref<!tpu.dma_semaphore, #tpu.memory_space<semaphore_mem>>) attributes {dimension_semantics = [#tpu.dimension_semantics<core_parallel>, #tpu.dimension_semantics<subcore_parallel>], iteration_bounds = array<i64: 2, 16>, scalar_prefetch = 0 : i64, scratch_operands = 42 : i64, tpu.core_type = #tpu.core_type<sc_vector_subcore>, window_params = [{transform_indices = #map}, {transform_indices = #map}, {transform_indices = #map1}, {transform_indices = #map}, {transform_indices = #map}]} {
    %mul3A = arith.constant 640 : i32
    %mul3A_0 = arith.muli %arg1, %mul3A : i32
    %eq3A = arith.constant 0 : i32
    %eq3A_1 = arith.cmpi eq, %arg0, %eq3A : i32
    %convert_element_type3A = arith.extui %eq3A_1 : i1 to i32
    %cond3A = arith.constant 0 : i32
    %cond3A_2 = arith.cmpi ne, %convert_element_type3A, %cond3A : i32
    scf.if %cond3A_2 {
      "tpu.region"() ({
        %run_scoped3A = tpu.sem_alloc : memref<!tpu.dma_semaphore, #tpu.memory_space<semaphore_mem>>
        %dma_start3A_285 = arith.constant 0 : i32
        %dma_start3A_286 = tpu.memref_slice %arg23[%mul3A_0, %dma_start3A_285] : memref<10240x64xf32, #tpu.memory_space<vmem_shared>> -> memref<640x64xf32, #tpu.memory_space<vmem_shared>>
        %dma_start3A_287 = arith.constant 0 : i32
        %dma_start3A_288 = tpu.memref_slice %arg2[%mul3A_0, %dma_start3A_287] : memref<10240x64xf32, #tpu.memory_space<hbm>> -> memref<640x64xf32, #tpu.memory_space<hbm>>
        tpu.enqueue_dma source(%dma_start3A_288 : memref<640x64xf32, #tpu.memory_space<hbm>>) target(%dma_start3A_286 : memref<640x64xf32, #tpu.memory_space<vmem_shared>>) target_semaphore(%run_scoped3A : memref<!tpu.dma_semaphore, #tpu.memory_space<semaphore_mem>>)
        %dma_wait3A_289 = arith.constant 0 : i32
        %dma_wait3A_290 = tpu.memref_slice %arg23[%mul3A_0, %dma_wait3A_289] : memref<10240x64xf32, #tpu.memory_space<vmem_shared>> -> memref<640x64xf32, #tpu.memory_space<vmem_shared>>
        %dma_wait3A_291 = arith.constant 0 : i32
        %dma_wait3A_292 = tpu.memref_slice %arg2[%mul3A_0, %dma_wait3A_291] : memref<10240x64xf32, #tpu.memory_space<hbm>> -> memref<640x64xf32, #tpu.memory_space<hbm>>
        tpu.wait_dma2 semaphore(%run_scoped3A : memref<!tpu.dma_semaphore, #tpu.memory_space<semaphore_mem>>) src(%dma_wait3A_292 : memref<640x64xf32, #tpu.memory_space<hbm>>) dst(%dma_wait3A_290 : memref<640x64xf32, #tpu.memory_space<vmem_shared>>)
        tpu.yield
      }) : () -> ()
      "tpu.region"() ({
        %run_scoped3A = tpu.sem_alloc : memref<!tpu.dma_semaphore, #tpu.memory_space<semaphore_mem>>
        %dma_start3A_285 = arith.constant 0 : i32
        %dma_start3A_286 = tpu.memref_slice %arg24[%mul3A_0, %dma_start3A_285] : memref<10240x64xf32, #tpu.memory_space<vmem_shared>> -> memref<640x64xf32, #tpu.memory_space<vmem_shared>>
        %dma_start3A_287 = arith.constant 0 : i32
        %dma_start3A_288 = tpu.memref_slice %arg2[%mul3A_0, %dma_start3A_287] : memref<10240x64xf32, #tpu.memory_space<hbm>> -> memref<640x64xf32, #tpu.memory_space<hbm>>
        tpu.enqueue_dma source(%dma_start3A_288 : memref<640x64xf32, #tpu.memory_space<hbm>>) target(%dma_start3A_286 : memref<640x64xf32, #tpu.memory_space<vmem_shared>>) target_semaphore(%run_scoped3A : memref<!tpu.dma_semaphore, #tpu.memory_space<semaphore_mem>>)
        %dma_wait3A_289 = arith.constant 0 : i32
        %dma_wait3A_290 = tpu.memref_slice %arg24[%mul3A_0, %dma_wait3A_289] : memref<10240x64xf32, #tpu.memory_space<vmem_shared>> -> memref<640x64xf32, #tpu.memory_space<vmem_shared>>
        %dma_wait3A_291 = arith.constant 0 : i32
        %dma_wait3A_292 = tpu.memref_slice %arg2[%mul3A_0, %dma_wait3A_291] : memref<10240x64xf32, #tpu.memory_space<hbm>> -> memref<640x64xf32, #tpu.memory_space<hbm>>
        tpu.wait_dma2 semaphore(%run_scoped3A : memref<!tpu.dma_semaphore, #tpu.memory_space<semaphore_mem>>) src(%dma_wait3A_292 : memref<640x64xf32, #tpu.memory_space<hbm>>) dst(%dma_wait3A_290 : memref<640x64xf32, #tpu.memory_space<vmem_shared>>)
        tpu.yield
      }) : () -> ()
    } else {
    }
    %ne3A = arith.constant 0 : i32
    %ne3A_3 = arith.cmpi ne, %arg0, %ne3A : i32
    %convert_element_type3A_4 = arith.extui %ne3A_3 : i1 to i32
    %cond3A_5 = arith.constant 0 : i32
    %cond3A_6 = arith.cmpi ne, %convert_element_type3A_4, %cond3A_5 : i32
    scf.if %cond3A_6 {
      "tpu.region"() ({
        %run_scoped3A = tpu.sem_alloc : memref<!tpu.dma_semaphore, #tpu.memory_space<semaphore_mem>>
        %dma_start3A_285 = arith.constant 0 : i32
        %dma_start3A_286 = tpu.memref_slice %arg23[%mul3A_0, %dma_start3A_285] : memref<10240x64xf32, #tpu.memory_space<vmem_shared>> -> memref<640x64xf32, #tpu.memory_space<vmem_shared>>
        %dma_start3A_287 = arith.constant 0 : i32
        %dma_start3A_288 = tpu.memref_slice %arg3[%mul3A_0, %dma_start3A_287] : memref<10240x64xf32, #tpu.memory_space<hbm>> -> memref<640x64xf32, #tpu.memory_space<hbm>>
        tpu.enqueue_dma source(%dma_start3A_288 : memref<640x64xf32, #tpu.memory_space<hbm>>) target(%dma_start3A_286 : memref<640x64xf32, #tpu.memory_space<vmem_shared>>) target_semaphore(%run_scoped3A : memref<!tpu.dma_semaphore, #tpu.memory_space<semaphore_mem>>)
        %dma_wait3A_289 = arith.constant 0 : i32
        %dma_wait3A_290 = tpu.memref_slice %arg23[%mul3A_0, %dma_wait3A_289] : memref<10240x64xf32, #tpu.memory_space<vmem_shared>> -> memref<640x64xf32, #tpu.memory_space<vmem_shared>>
        %dma_wait3A_291 = arith.constant 0 : i32
        %dma_wait3A_292 = tpu.memref_slice %arg3[%mul3A_0, %dma_wait3A_291] : memref<10240x64xf32, #tpu.memory_space<hbm>> -> memref<640x64xf32, #tpu.memory_space<hbm>>
        tpu.wait_dma2 semaphore(%run_scoped3A : memref<!tpu.dma_semaphore, #tpu.memory_space<semaphore_mem>>) src(%dma_wait3A_292 : memref<640x64xf32, #tpu.memory_space<hbm>>) dst(%dma_wait3A_290 : memref<640x64xf32, #tpu.memory_space<vmem_shared>>)
        tpu.yield
      }) : () -> ()
      "tpu.region"() ({
        %run_scoped3A = tpu.sem_alloc : memref<!tpu.dma_semaphore, #tpu.memory_space<semaphore_mem>>
        %dma_start3A_285 = arith.constant 0 : i32
        %dma_start3A_286 = tpu.memref_slice %arg24[%mul3A_0, %dma_start3A_285] : memref<10240x64xf32, #tpu.memory_space<vmem_shared>> -> memref<640x64xf32, #tpu.memory_space<vmem_shared>>
        %dma_start3A_287 = arith.constant 0 : i32
        %dma_start3A_288 = tpu.memref_slice %arg3[%mul3A_0, %dma_start3A_287] : memref<10240x64xf32, #tpu.memory_space<hbm>> -> memref<640x64xf32, #tpu.memory_space<hbm>>
        tpu.enqueue_dma source(%dma_start3A_288 : memref<640x64xf32, #tpu.memory_space<hbm>>) target(%dma_start3A_286 : memref<640x64xf32, #tpu.memory_space<vmem_shared>>) target_semaphore(%run_scoped3A : memref<!tpu.dma_semaphore, #tpu.memory_space<semaphore_mem>>)
        %dma_wait3A_289 = arith.constant 0 : i32
        %dma_wait3A_290 = tpu.memref_slice %arg24[%mul3A_0, %dma_wait3A_289] : memref<10240x64xf32, #tpu.memory_space<vmem_shared>> -> memref<640x64xf32, #tpu.memory_space<vmem_shared>>
        %dma_wait3A_291 = arith.constant 0 : i32
        %dma_wait3A_292 = tpu.memref_slice %arg3[%mul3A_0, %dma_wait3A_291] : memref<10240x64xf32, #tpu.memory_space<hbm>> -> memref<640x64xf32, #tpu.memory_space<hbm>>
        tpu.wait_dma2 semaphore(%run_scoped3A : memref<!tpu.dma_semaphore, #tpu.memory_space<semaphore_mem>>) src(%dma_wait3A_292 : memref<640x64xf32, #tpu.memory_space<hbm>>) dst(%dma_wait3A_290 : memref<640x64xf32, #tpu.memory_space<vmem_shared>>)
        tpu.yield
      }) : () -> ()
    } else {
    }
    %dma_start3A = arith.constant 0 : i32
    %dma_start3A_7 = arith.constant 0 : i32
    %dma_start3A_8 = arith.constant 0 : i32
    %dma_start3A_9 = tpu.memref_slice %arg4[%arg1, %dma_start3A, %dma_start3A_7, %dma_start3A_8] : memref<16x320x2x64xi32, #tpu.memory_space<hbm>> -> memref<1x1x2x64xi32, #tpu.memory_space<hbm>>
    %dma_start3A_10 = tpu.memref_squeeze %dma_start3A_9 : memref<1x1x2x64xi32, #tpu.memory_space<hbm>> -> memref<2x64xi32, #tpu.memory_space<hbm>>
    %dma_start3A_11 = arith.constant 0 : i32
    %dma_start3A_12 = arith.constant 0 : i32
    %dma_start3A_13 = tpu.memref_slice %arg4[%arg1, %dma_start3A, %dma_start3A_11, %dma_start3A_12] : memref<16x320x2x64xi32, #tpu.memory_space<hbm>> -> memref<1x1x2x64xi32, #tpu.memory_space<hbm>>
    %dma_start3A_14 = tpu.memref_squeeze %dma_start3A_13 : memref<1x1x2x64xi32, #tpu.memory_space<hbm>> -> memref<2x64xi32, #tpu.memory_space<hbm>>
    tpu.enqueue_dma source(%dma_start3A_14 : memref<2x64xi32, #tpu.memory_space<hbm>>) target(%arg7 : memref<2x64xi32, #tpu.memory_space<vmem>>) target_semaphore(%arg25 : memref<!tpu.dma_semaphore, #tpu.memory_space<semaphore_mem>>)
    %dma_start3A_15 = arith.constant 1 : i32
    %dma_start3A_16 = arith.constant 0 : i32
    %dma_start3A_17 = arith.constant 0 : i32
    %dma_start3A_18 = tpu.memref_slice %arg4[%arg1, %dma_start3A_15, %dma_start3A_16, %dma_start3A_17] : memref<16x320x2x64xi32, #tpu.memory_space<hbm>> -> memref<1x1x2x64xi32, #tpu.memory_space<hbm>>
    %dma_start3A_19 = tpu.memref_squeeze %dma_start3A_18 : memref<1x1x2x64xi32, #tpu.memory_space<hbm>> -> memref<2x64xi32, #tpu.memory_space<hbm>>
    %dma_start3A_20 = arith.constant 0 : i32
    %dma_start3A_21 = arith.constant 0 : i32
    %dma_start3A_22 = tpu.memref_slice %arg4[%arg1, %dma_start3A_15, %dma_start3A_20, %dma_start3A_21] : memref<16x320x2x64xi32, #tpu.memory_space<hbm>> -> memref<1x1x2x64xi32, #tpu.memory_space<hbm>>
    %dma_start3A_23 = tpu.memref_squeeze %dma_start3A_22 : memref<1x1x2x64xi32, #tpu.memory_space<hbm>> -> memref<2x64xi32, #tpu.memory_space<hbm>>
    tpu.enqueue_dma source(%dma_start3A_23 : memref<2x64xi32, #tpu.memory_space<hbm>>) target(%arg8 : memref<2x64xi32, #tpu.memory_space<vmem>>) target_semaphore(%arg26 : memref<!tpu.dma_semaphore, #tpu.memory_space<semaphore_mem>>)
    %dma_start3A_24 = arith.constant 2 : i32
    %dma_start3A_25 = arith.constant 0 : i32
    %dma_start3A_26 = arith.constant 0 : i32
    %dma_start3A_27 = tpu.memref_slice %arg4[%arg1, %dma_start3A_24, %dma_start3A_25, %dma_start3A_26] : memref<16x320x2x64xi32, #tpu.memory_space<hbm>> -> memref<1x1x2x64xi32, #tpu.memory_space<hbm>>
    %dma_start3A_28 = tpu.memref_squeeze %dma_start3A_27 : memref<1x1x2x64xi32, #tpu.memory_space<hbm>> -> memref<2x64xi32, #tpu.memory_space<hbm>>
    %dma_start3A_29 = arith.constant 0 : i32
    %dma_start3A_30 = arith.constant 0 : i32
    %dma_start3A_31 = tpu.memref_slice %arg4[%arg1, %dma_start3A_24, %dma_start3A_29, %dma_start3A_30] : memref<16x320x2x64xi32, #tpu.memory_space<hbm>> -> memref<1x1x2x64xi32, #tpu.memory_space<hbm>>
    %dma_start3A_32 = tpu.memref_squeeze %dma_start3A_31 : memref<1x1x2x64xi32, #tpu.memory_space<hbm>> -> memref<2x64xi32, #tpu.memory_space<hbm>>
    tpu.enqueue_dma source(%dma_start3A_32 : memref<2x64xi32, #tpu.memory_space<hbm>>) target(%arg9 : memref<2x64xi32, #tpu.memory_space<vmem>>) target_semaphore(%arg27 : memref<!tpu.dma_semaphore, #tpu.memory_space<semaphore_mem>>)
    %dma_start3A_33 = arith.constant 3 : i32
    %dma_start3A_34 = arith.constant 0 : i32
    %dma_start3A_35 = arith.constant 0 : i32
    %dma_start3A_36 = tpu.memref_slice %arg4[%arg1, %dma_start3A_33, %dma_start3A_34, %dma_start3A_35] : memref<16x320x2x64xi32, #tpu.memory_space<hbm>> -> memref<1x1x2x64xi32, #tpu.memory_space<hbm>>
    %dma_start3A_37 = tpu.memref_squeeze %dma_start3A_36 : memref<1x1x2x64xi32, #tpu.memory_space<hbm>> -> memref<2x64xi32, #tpu.memory_space<hbm>>
    %dma_start3A_38 = arith.constant 0 : i32
    %dma_start3A_39 = arith.constant 0 : i32
    %dma_start3A_40 = tpu.memref_slice %arg4[%arg1, %dma_start3A_33, %dma_start3A_38, %dma_start3A_39] : memref<16x320x2x64xi32, #tpu.memory_space<hbm>> -> memref<1x1x2x64xi32, #tpu.memory_space<hbm>>
    %dma_start3A_41 = tpu.memref_squeeze %dma_start3A_40 : memref<1x1x2x64xi32, #tpu.memory_space<hbm>> -> memref<2x64xi32, #tpu.memory_space<hbm>>
    tpu.enqueue_dma source(%dma_start3A_41 : memref<2x64xi32, #tpu.memory_space<hbm>>) target(%arg10 : memref<2x64xi32, #tpu.memory_space<vmem>>) target_semaphore(%arg28 : memref<!tpu.dma_semaphore, #tpu.memory_space<semaphore_mem>>)
    %dma_start3A_42 = arith.constant 4 : i32
    %dma_start3A_43 = arith.constant 0 : i32
    %dma_start3A_44 = arith.constant 0 : i32
    %dma_start3A_45 = tpu.memref_slice %arg4[%arg1, %dma_start3A_42, %dma_start3A_43, %dma_start3A_44] : memref<16x320x2x64xi32, #tpu.memory_space<hbm>> -> memref<1x1x2x64xi32, #tpu.memory_space<hbm>>
    %dma_start3A_46 = tpu.memref_squeeze %dma_start3A_45 : memref<1x1x2x64xi32, #tpu.memory_space<hbm>> -> memref<2x64xi32, #tpu.memory_space<hbm>>
    %dma_start3A_47 = arith.constant 0 : i32
    %dma_start3A_48 = arith.constant 0 : i32
    %dma_start3A_49 = tpu.memref_slice %arg4[%arg1, %dma_start3A_42, %dma_start3A_47, %dma_start3A_48] : memref<16x320x2x64xi32, #tpu.memory_space<hbm>> -> memref<1x1x2x64xi32, #tpu.memory_space<hbm>>
    %dma_start3A_50 = tpu.memref_squeeze %dma_start3A_49 : memref<1x1x2x64xi32, #tpu.memory_space<hbm>> -> memref<2x64xi32, #tpu.memory_space<hbm>>
    tpu.enqueue_dma source(%dma_start3A_50 : memref<2x64xi32, #tpu.memory_space<hbm>>) target(%arg11 : memref<2x64xi32, #tpu.memory_space<vmem>>) target_semaphore(%arg29 : memref<!tpu.dma_semaphore, #tpu.memory_space<semaphore_mem>>)
    %dma_start3A_51 = arith.constant 5 : i32
    %dma_start3A_52 = arith.constant 0 : i32
    %dma_start3A_53 = arith.constant 0 : i32
    %dma_start3A_54 = tpu.memref_slice %arg4[%arg1, %dma_start3A_51, %dma_start3A_52, %dma_start3A_53] : memref<16x320x2x64xi32, #tpu.memory_space<hbm>> -> memref<1x1x2x64xi32, #tpu.memory_space<hbm>>
    %dma_start3A_55 = tpu.memref_squeeze %dma_start3A_54 : memref<1x1x2x64xi32, #tpu.memory_space<hbm>> -> memref<2x64xi32, #tpu.memory_space<hbm>>
    %dma_start3A_56 = arith.constant 0 : i32
    %dma_start3A_57 = arith.constant 0 : i32
    %dma_start3A_58 = tpu.memref_slice %arg4[%arg1, %dma_start3A_51, %dma_start3A_56, %dma_start3A_57] : memref<16x320x2x64xi32, #tpu.memory_space<hbm>> -> memref<1x1x2x64xi32, #tpu.memory_space<hbm>>
    %dma_start3A_59 = tpu.memref_squeeze %dma_start3A_58 : memref<1x1x2x64xi32, #tpu.memory_space<hbm>> -> memref<2x64xi32, #tpu.memory_space<hbm>>
    tpu.enqueue_dma source(%dma_start3A_59 : memref<2x64xi32, #tpu.memory_space<hbm>>) target(%arg12 : memref<2x64xi32, #tpu.memory_space<vmem>>) target_semaphore(%arg30 : memref<!tpu.dma_semaphore, #tpu.memory_space<semaphore_mem>>)
    %dma_start3A_60 = arith.constant 6 : i32
    %dma_start3A_61 = arith.constant 0 : i32
    %dma_start3A_62 = arith.constant 0 : i32
    %dma_start3A_63 = tpu.memref_slice %arg4[%arg1, %dma_start3A_60, %dma_start3A_61, %dma_start3A_62] : memref<16x320x2x64xi32, #tpu.memory_space<hbm>> -> memref<1x1x2x64xi32, #tpu.memory_space<hbm>>
    %dma_start3A_64 = tpu.memref_squeeze %dma_start3A_63 : memref<1x1x2x64xi32, #tpu.memory_space<hbm>> -> memref<2x64xi32, #tpu.memory_space<hbm>>
    %dma_start3A_65 = arith.constant 0 : i32
    %dma_start3A_66 = arith.constant 0 : i32
    %dma_start3A_67 = tpu.memref_slice %arg4[%arg1, %dma_start3A_60, %dma_start3A_65, %dma_start3A_66] : memref<16x320x2x64xi32, #tpu.memory_space<hbm>> -> memref<1x1x2x64xi32, #tpu.memory_space<hbm>>
    %dma_start3A_68 = tpu.memref_squeeze %dma_start3A_67 : memref<1x1x2x64xi32, #tpu.memory_space<hbm>> -> memref<2x64xi32, #tpu.memory_space<hbm>>
    tpu.enqueue_dma source(%dma_start3A_68 : memref<2x64xi32, #tpu.memory_space<hbm>>) target(%arg13 : memref<2x64xi32, #tpu.memory_space<vmem>>) target_semaphore(%arg31 : memref<!tpu.dma_semaphore, #tpu.memory_space<semaphore_mem>>)
    %dma_start3A_69 = arith.constant 7 : i32
    %dma_start3A_70 = arith.constant 0 : i32
    %dma_start3A_71 = arith.constant 0 : i32
    %dma_start3A_72 = tpu.memref_slice %arg4[%arg1, %dma_start3A_69, %dma_start3A_70, %dma_start3A_71] : memref<16x320x2x64xi32, #tpu.memory_space<hbm>> -> memref<1x1x2x64xi32, #tpu.memory_space<hbm>>
    %dma_start3A_73 = tpu.memref_squeeze %dma_start3A_72 : memref<1x1x2x64xi32, #tpu.memory_space<hbm>> -> memref<2x64xi32, #tpu.memory_space<hbm>>
    %dma_start3A_74 = arith.constant 0 : i32
    %dma_start3A_75 = arith.constant 0 : i32
    %dma_start3A_76 = tpu.memref_slice %arg4[%arg1, %dma_start3A_69, %dma_start3A_74, %dma_start3A_75] : memref<16x320x2x64xi32, #tpu.memory_space<hbm>> -> memref<1x1x2x64xi32, #tpu.memory_space<hbm>>
    %dma_start3A_77 = tpu.memref_squeeze %dma_start3A_76 : memref<1x1x2x64xi32, #tpu.memory_space<hbm>> -> memref<2x64xi32, #tpu.memory_space<hbm>>
    tpu.enqueue_dma source(%dma_start3A_77 : memref<2x64xi32, #tpu.memory_space<hbm>>) target(%arg14 : memref<2x64xi32, #tpu.memory_space<vmem>>) target_semaphore(%arg32 : memref<!tpu.dma_semaphore, #tpu.memory_space<semaphore_mem>>)
    %barrier3A = arith.constant 0 : index
    tpu.barrier barrier_id(%barrier3A)
    %dma_wait3A = arith.constant 0 : i32
    %dma_wait3A_78 = arith.constant 0 : i32
    %dma_wait3A_79 = arith.constant 0 : i32
    %dma_wait3A_80 = tpu.memref_slice %arg4[%arg1, %dma_wait3A, %dma_wait3A_78, %dma_wait3A_79] : memref<16x320x2x64xi32, #tpu.memory_space<hbm>> -> memref<1x1x2x64xi32, #tpu.memory_space<hbm>>
    %dma_wait3A_81 = tpu.memref_squeeze %dma_wait3A_80 : memref<1x1x2x64xi32, #tpu.memory_space<hbm>> -> memref<2x64xi32, #tpu.memory_space<hbm>>
    %dma_wait3A_82 = arith.constant 0 : i32
    %dma_wait3A_83 = arith.constant 0 : i32
    %dma_wait3A_84 = tpu.memref_slice %arg4[%arg1, %dma_wait3A, %dma_wait3A_82, %dma_wait3A_83] : memref<16x320x2x64xi32, #tpu.memory_space<hbm>> -> memref<1x1x2x64xi32, #tpu.memory_space<hbm>>
    %dma_wait3A_85 = tpu.memref_squeeze %dma_wait3A_84 : memref<1x1x2x64xi32, #tpu.memory_space<hbm>> -> memref<2x64xi32, #tpu.memory_space<hbm>>
    tpu.wait_dma2 semaphore(%arg25 : memref<!tpu.dma_semaphore, #tpu.memory_space<semaphore_mem>>) src(%dma_wait3A_85 : memref<2x64xi32, #tpu.memory_space<hbm>>) dst(%arg7 : memref<2x64xi32, #tpu.memory_space<vmem>>)
    %dma_start3A_86 = arith.constant 0 : i32
    %dma_start3A_87 = arith.constant 0 : i32
    %dma_start3A_88 = tpu.memref_slice %arg7[%dma_start3A_86, %dma_start3A_87] : memref<2x64xi32, #tpu.memory_space<vmem>> -> memref<1x64xi32, #tpu.memory_space<vmem>>
    %dma_start3A_89 = tpu.memref_squeeze %dma_start3A_88 : memref<1x64xi32, #tpu.memory_space<vmem>> -> memref<64xi32, #tpu.memory_space<vmem>>
    %dma_start3A_90 = arith.constant 0 : i32
    %dma_start3A_91 = arith.constant 0 : i32
    %dma_start3A_92 = tpu.memref_slice %arg23[%dma_start3A_90, %dma_start3A_91] : memref<10240x64xf32, #tpu.memory_space<vmem_shared>> -> memref<10240x64xf32, #tpu.memory_space<vmem_shared>>
    tpu.enqueue_indirect_dma source(%dma_start3A_92 : memref<10240x64xf32, #tpu.memory_space<vmem_shared>>) target(%arg15 : memref<64x64xf32, #tpu.memory_space<vmem>>) offsets(%dma_start3A_89 : memref<64xi32, #tpu.memory_space<vmem>>) semaphore(%arg33 : memref<!tpu.dma_semaphore, #tpu.memory_space<semaphore_mem>>)
    %dma_wait3A_93 = arith.constant 0 : i32
    %dma_wait3A_94 = arith.constant 0 : i32
    %dma_wait3A_95 = arith.constant 0 : i32
    %dma_wait3A_96 = tpu.memref_slice %arg4[%arg1, %dma_wait3A_93, %dma_wait3A_94, %dma_wait3A_95] : memref<16x320x2x64xi32, #tpu.memory_space<hbm>> -> memref<1x1x2x64xi32, #tpu.memory_space<hbm>>
    %dma_wait3A_97 = tpu.memref_squeeze %dma_wait3A_96 : memref<1x1x2x64xi32, #tpu.memory_space<hbm>> -> memref<2x64xi32, #tpu.memory_space<hbm>>
    %dma_wait3A_98 = arith.constant 0 : i32
    %dma_wait3A_99 = arith.constant 0 : i32
    %dma_wait3A_100 = tpu.memref_slice %arg4[%arg1, %dma_wait3A_93, %dma_wait3A_98, %dma_wait3A_99] : memref<16x320x2x64xi32, #tpu.memory_space<hbm>> -> memref<1x1x2x64xi32, #tpu.memory_space<hbm>>
    %dma_wait3A_101 = tpu.memref_squeeze %dma_wait3A_100 : memref<1x1x2x64xi32, #tpu.memory_space<hbm>> -> memref<2x64xi32, #tpu.memory_space<hbm>>
    tpu.wait_dma2 semaphore(%arg26 : memref<!tpu.dma_semaphore, #tpu.memory_space<semaphore_mem>>) src(%dma_wait3A_101 : memref<2x64xi32, #tpu.memory_space<hbm>>) dst(%arg8 : memref<2x64xi32, #tpu.memory_space<vmem>>)
    %dma_start3A_102 = arith.constant 0 : i32
    %dma_start3A_103 = arith.constant 0 : i32
    %dma_start3A_104 = tpu.memref_slice %arg8[%dma_start3A_102, %dma_start3A_103] : memref<2x64xi32, #tpu.memory_space<vmem>> -> memref<1x64xi32, #tpu.memory_space<vmem>>
    %dma_start3A_105 = tpu.memref_squeeze %dma_start3A_104 : memref<1x64xi32, #tpu.memory_space<vmem>> -> memref<64xi32, #tpu.memory_space<vmem>>
    %dma_start3A_106 = arith.constant 0 : i32
    %dma_start3A_107 = arith.constant 0 : i32
    %dma_start3A_108 = tpu.memref_slice %arg23[%dma_start3A_106, %dma_start3A_107] : memref<10240x64xf32, #tpu.memory_space<vmem_shared>> -> memref<10240x64xf32, #tpu.memory_space<vmem_shared>>
    tpu.enqueue_indirect_dma source(%dma_start3A_108 : memref<10240x64xf32, #tpu.memory_space<vmem_shared>>) target(%arg16 : memref<64x64xf32, #tpu.memory_space<vmem>>) offsets(%dma_start3A_105 : memref<64xi32, #tpu.memory_space<vmem>>) semaphore(%arg34 : memref<!tpu.dma_semaphore, #tpu.memory_space<semaphore_mem>>)
    %dma_wait3A_109 = arith.constant 0 : i32
    %dma_wait3A_110 = arith.constant 0 : i32
    %dma_wait3A_111 = arith.constant 0 : i32
    %dma_wait3A_112 = tpu.memref_slice %arg4[%arg1, %dma_wait3A_109, %dma_wait3A_110, %dma_wait3A_111] : memref<16x320x2x64xi32, #tpu.memory_space<hbm>> -> memref<1x1x2x64xi32, #tpu.memory_space<hbm>>
    %dma_wait3A_113 = tpu.memref_squeeze %dma_wait3A_112 : memref<1x1x2x64xi32, #tpu.memory_space<hbm>> -> memref<2x64xi32, #tpu.memory_space<hbm>>
    %dma_wait3A_114 = arith.constant 0 : i32
    %dma_wait3A_115 = arith.constant 0 : i32
    %dma_wait3A_116 = tpu.memref_slice %arg4[%arg1, %dma_wait3A_109, %dma_wait3A_114, %dma_wait3A_115] : memref<16x320x2x64xi32, #tpu.memory_space<hbm>> -> memref<1x1x2x64xi32, #tpu.memory_space<hbm>>
    %dma_wait3A_117 = tpu.memref_squeeze %dma_wait3A_116 : memref<1x1x2x64xi32, #tpu.memory_space<hbm>> -> memref<2x64xi32, #tpu.memory_space<hbm>>
    tpu.wait_dma2 semaphore(%arg27 : memref<!tpu.dma_semaphore, #tpu.memory_space<semaphore_mem>>) src(%dma_wait3A_117 : memref<2x64xi32, #tpu.memory_space<hbm>>) dst(%arg9 : memref<2x64xi32, #tpu.memory_space<vmem>>)
    %dma_start3A_118 = arith.constant 0 : i32
    %dma_start3A_119 = arith.constant 0 : i32
    %dma_start3A_120 = tpu.memref_slice %arg9[%dma_start3A_118, %dma_start3A_119] : memref<2x64xi32, #tpu.memory_space<vmem>> -> memref<1x64xi32, #tpu.memory_space<vmem>>
    %dma_start3A_121 = tpu.memref_squeeze %dma_start3A_120 : memref<1x64xi32, #tpu.memory_space<vmem>> -> memref<64xi32, #tpu.memory_space<vmem>>
    %dma_start3A_122 = arith.constant 0 : i32
    %dma_start3A_123 = arith.constant 0 : i32
    %dma_start3A_124 = tpu.memref_slice %arg23[%dma_start3A_122, %dma_start3A_123] : memref<10240x64xf32, #tpu.memory_space<vmem_shared>> -> memref<10240x64xf32, #tpu.memory_space<vmem_shared>>
    tpu.enqueue_indirect_dma source(%dma_start3A_124 : memref<10240x64xf32, #tpu.memory_space<vmem_shared>>) target(%arg17 : memref<64x64xf32, #tpu.memory_space<vmem>>) offsets(%dma_start3A_121 : memref<64xi32, #tpu.memory_space<vmem>>) semaphore(%arg35 : memref<!tpu.dma_semaphore, #tpu.memory_space<semaphore_mem>>)
    %dma_wait3A_125 = arith.constant 0 : i32
    %dma_wait3A_126 = arith.constant 0 : i32
    %dma_wait3A_127 = arith.constant 0 : i32
    %dma_wait3A_128 = tpu.memref_slice %arg4[%arg1, %dma_wait3A_125, %dma_wait3A_126, %dma_wait3A_127] : memref<16x320x2x64xi32, #tpu.memory_space<hbm>> -> memref<1x1x2x64xi32, #tpu.memory_space<hbm>>
    %dma_wait3A_129 = tpu.memref_squeeze %dma_wait3A_128 : memref<1x1x2x64xi32, #tpu.memory_space<hbm>> -> memref<2x64xi32, #tpu.memory_space<hbm>>
    %dma_wait3A_130 = arith.constant 0 : i32
    %dma_wait3A_131 = arith.constant 0 : i32
    %dma_wait3A_132 = tpu.memref_slice %arg4[%arg1, %dma_wait3A_125, %dma_wait3A_130, %dma_wait3A_131] : memref<16x320x2x64xi32, #tpu.memory_space<hbm>> -> memref<1x1x2x64xi32, #tpu.memory_space<hbm>>
    %dma_wait3A_133 = tpu.memref_squeeze %dma_wait3A_132 : memref<1x1x2x64xi32, #tpu.memory_space<hbm>> -> memref<2x64xi32, #tpu.memory_space<hbm>>
    tpu.wait_dma2 semaphore(%arg28 : memref<!tpu.dma_semaphore, #tpu.memory_space<semaphore_mem>>) src(%dma_wait3A_133 : memref<2x64xi32, #tpu.memory_space<hbm>>) dst(%arg10 : memref<2x64xi32, #tpu.memory_space<vmem>>)
    %dma_start3A_134 = arith.constant 0 : i32
    %dma_start3A_135 = arith.constant 0 : i32
    %dma_start3A_136 = tpu.memref_slice %arg10[%dma_start3A_134, %dma_start3A_135] : memref<2x64xi32, #tpu.memory_space<vmem>> -> memref<1x64xi32, #tpu.memory_space<vmem>>
    %dma_start3A_137 = tpu.memref_squeeze %dma_start3A_136 : memref<1x64xi32, #tpu.memory_space<vmem>> -> memref<64xi32, #tpu.memory_space<vmem>>
    %dma_start3A_138 = arith.constant 0 : i32
    %dma_start3A_139 = arith.constant 0 : i32
    %dma_start3A_140 = tpu.memref_slice %arg23[%dma_start3A_138, %dma_start3A_139] : memref<10240x64xf32, #tpu.memory_space<vmem_shared>> -> memref<10240x64xf32, #tpu.memory_space<vmem_shared>>
    tpu.enqueue_indirect_dma source(%dma_start3A_140 : memref<10240x64xf32, #tpu.memory_space<vmem_shared>>) target(%arg18 : memref<64x64xf32, #tpu.memory_space<vmem>>) offsets(%dma_start3A_137 : memref<64xi32, #tpu.memory_space<vmem>>) semaphore(%arg36 : memref<!tpu.dma_semaphore, #tpu.memory_space<semaphore_mem>>)
    %dma_wait3A_141 = arith.constant 0 : i32
    %dma_wait3A_142 = arith.constant 0 : i32
    %dma_wait3A_143 = arith.constant 0 : i32
    %dma_wait3A_144 = tpu.memref_slice %arg4[%arg1, %dma_wait3A_141, %dma_wait3A_142, %dma_wait3A_143] : memref<16x320x2x64xi32, #tpu.memory_space<hbm>> -> memref<1x1x2x64xi32, #tpu.memory_space<hbm>>
    %dma_wait3A_145 = tpu.memref_squeeze %dma_wait3A_144 : memref<1x1x2x64xi32, #tpu.memory_space<hbm>> -> memref<2x64xi32, #tpu.memory_space<hbm>>
    %dma_wait3A_146 = arith.constant 0 : i32
    %dma_wait3A_147 = arith.constant 0 : i32
    %dma_wait3A_148 = tpu.memref_slice %arg4[%arg1, %dma_wait3A_141, %dma_wait3A_146, %dma_wait3A_147] : memref<16x320x2x64xi32, #tpu.memory_space<hbm>> -> memref<1x1x2x64xi32, #tpu.memory_space<hbm>>
    %dma_wait3A_149 = tpu.memref_squeeze %dma_wait3A_148 : memref<1x1x2x64xi32, #tpu.memory_space<hbm>> -> memref<2x64xi32, #tpu.memory_space<hbm>>
    tpu.wait_dma2 semaphore(%arg29 : memref<!tpu.dma_semaphore, #tpu.memory_space<semaphore_mem>>) src(%dma_wait3A_149 : memref<2x64xi32, #tpu.memory_space<hbm>>) dst(%arg11 : memref<2x64xi32, #tpu.memory_space<vmem>>)
    %dma_start3A_150 = arith.constant 0 : i32
    %dma_start3A_151 = arith.constant 0 : i32
    %dma_start3A_152 = tpu.memref_slice %arg11[%dma_start3A_150, %dma_start3A_151] : memref<2x64xi32, #tpu.memory_space<vmem>> -> memref<1x64xi32, #tpu.memory_space<vmem>>
    %dma_start3A_153 = tpu.memref_squeeze %dma_start3A_152 : memref<1x64xi32, #tpu.memory_space<vmem>> -> memref<64xi32, #tpu.memory_space<vmem>>
    %dma_start3A_154 = arith.constant 0 : i32
    %dma_start3A_155 = arith.constant 0 : i32
    %dma_start3A_156 = tpu.memref_slice %arg23[%dma_start3A_154, %dma_start3A_155] : memref<10240x64xf32, #tpu.memory_space<vmem_shared>> -> memref<10240x64xf32, #tpu.memory_space<vmem_shared>>
    tpu.enqueue_indirect_dma source(%dma_start3A_156 : memref<10240x64xf32, #tpu.memory_space<vmem_shared>>) target(%arg19 : memref<64x64xf32, #tpu.memory_space<vmem>>) offsets(%dma_start3A_153 : memref<64xi32, #tpu.memory_space<vmem>>) semaphore(%arg37 : memref<!tpu.dma_semaphore, #tpu.memory_space<semaphore_mem>>)
    %dma_wait3A_157 = arith.constant 0 : i32
    %dma_wait3A_158 = arith.constant 0 : i32
    %dma_wait3A_159 = arith.constant 0 : i32
    %dma_wait3A_160 = tpu.memref_slice %arg4[%arg1, %dma_wait3A_157, %dma_wait3A_158, %dma_wait3A_159] : memref<16x320x2x64xi32, #tpu.memory_space<hbm>> -> memref<1x1x2x64xi32, #tpu.memory_space<hbm>>
    %dma_wait3A_161 = tpu.memref_squeeze %dma_wait3A_160 : memref<1x1x2x64xi32, #tpu.memory_space<hbm>> -> memref<2x64xi32, #tpu.memory_space<hbm>>
    %dma_wait3A_162 = arith.constant 0 : i32
    %dma_wait3A_163 = arith.constant 0 : i32
    %dma_wait3A_164 = tpu.memref_slice %arg4[%arg1, %dma_wait3A_157, %dma_wait3A_162, %dma_wait3A_163] : memref<16x320x2x64xi32, #tpu.memory_space<hbm>> -> memref<1x1x2x64xi32, #tpu.memory_space<hbm>>
    %dma_wait3A_165 = tpu.memref_squeeze %dma_wait3A_164 : memref<1x1x2x64xi32, #tpu.memory_space<hbm>> -> memref<2x64xi32, #tpu.memory_space<hbm>>
    tpu.wait_dma2 semaphore(%arg30 : memref<!tpu.dma_semaphore, #tpu.memory_space<semaphore_mem>>) src(%dma_wait3A_165 : memref<2x64xi32, #tpu.memory_space<hbm>>) dst(%arg12 : memref<2x64xi32, #tpu.memory_space<vmem>>)
    %dma_start3A_166 = arith.constant 0 : i32
    %dma_start3A_167 = arith.constant 0 : i32
    %dma_start3A_168 = tpu.memref_slice %arg12[%dma_start3A_166, %dma_start3A_167] : memref<2x64xi32, #tpu.memory_space<vmem>> -> memref<1x64xi32, #tpu.memory_space<vmem>>
    %dma_start3A_169 = tpu.memref_squeeze %dma_start3A_168 : memref<1x64xi32, #tpu.memory_space<vmem>> -> memref<64xi32, #tpu.memory_space<vmem>>
    %dma_start3A_170 = arith.constant 0 : i32
    %dma_start3A_171 = arith.constant 0 : i32
    %dma_start3A_172 = tpu.memref_slice %arg23[%dma_start3A_170, %dma_start3A_171] : memref<10240x64xf32, #tpu.memory_space<vmem_shared>> -> memref<10240x64xf32, #tpu.memory_space<vmem_shared>>
    tpu.enqueue_indirect_dma source(%dma_start3A_172 : memref<10240x64xf32, #tpu.memory_space<vmem_shared>>) target(%arg20 : memref<64x64xf32, #tpu.memory_space<vmem>>) offsets(%dma_start3A_169 : memref<64xi32, #tpu.memory_space<vmem>>) semaphore(%arg38 : memref<!tpu.dma_semaphore, #tpu.memory_space<semaphore_mem>>)
    %dma_wait3A_173 = arith.constant 0 : i32
    %dma_wait3A_174 = arith.constant 0 : i32
    %dma_wait3A_175 = arith.constant 0 : i32
    %dma_wait3A_176 = tpu.memref_slice %arg4[%arg1, %dma_wait3A_173, %dma_wait3A_174, %dma_wait3A_175] : memref<16x320x2x64xi32, #tpu.memory_space<hbm>> -> memref<1x1x2x64xi32, #tpu.memory_space<hbm>>
    %dma_wait3A_177 = tpu.memref_squeeze %dma_wait3A_176 : memref<1x1x2x64xi32, #tpu.memory_space<hbm>> -> memref<2x64xi32, #tpu.memory_space<hbm>>
    %dma_wait3A_178 = arith.constant 0 : i32
    %dma_wait3A_179 = arith.constant 0 : i32
    %dma_wait3A_180 = tpu.memref_slice %arg4[%arg1, %dma_wait3A_173, %dma_wait3A_178, %dma_wait3A_179] : memref<16x320x2x64xi32, #tpu.memory_space<hbm>> -> memref<1x1x2x64xi32, #tpu.memory_space<hbm>>
    %dma_wait3A_181 = tpu.memref_squeeze %dma_wait3A_180 : memref<1x1x2x64xi32, #tpu.memory_space<hbm>> -> memref<2x64xi32, #tpu.memory_space<hbm>>
    tpu.wait_dma2 semaphore(%arg31 : memref<!tpu.dma_semaphore, #tpu.memory_space<semaphore_mem>>) src(%dma_wait3A_181 : memref<2x64xi32, #tpu.memory_space<hbm>>) dst(%arg13 : memref<2x64xi32, #tpu.memory_space<vmem>>)
    %dma_start3A_182 = arith.constant 0 : i32
    %dma_start3A_183 = arith.constant 0 : i32
    %dma_start3A_184 = tpu.memref_slice %arg13[%dma_start3A_182, %dma_start3A_183] : memref<2x64xi32, #tpu.memory_space<vmem>> -> memref<1x64xi32, #tpu.memory_space<vmem>>
    %dma_start3A_185 = tpu.memref_squeeze %dma_start3A_184 : memref<1x64xi32, #tpu.memory_space<vmem>> -> memref<64xi32, #tpu.memory_space<vmem>>
    %dma_start3A_186 = arith.constant 0 : i32
    %dma_start3A_187 = arith.constant 0 : i32
    %dma_start3A_188 = tpu.memref_slice %arg23[%dma_start3A_186, %dma_start3A_187] : memref<10240x64xf32, #tpu.memory_space<vmem_shared>> -> memref<10240x64xf32, #tpu.memory_space<vmem_shared>>
    tpu.enqueue_indirect_dma source(%dma_start3A_188 : memref<10240x64xf32, #tpu.memory_space<vmem_shared>>) target(%arg21 : memref<64x64xf32, #tpu.memory_space<vmem>>) offsets(%dma_start3A_185 : memref<64xi32, #tpu.memory_space<vmem>>) semaphore(%arg39 : memref<!tpu.dma_semaphore, #tpu.memory_space<semaphore_mem>>)
    %dma_wait3A_189 = arith.constant 0 : i32
    %dma_wait3A_190 = arith.constant 0 : i32
    %dma_wait3A_191 = arith.constant 0 : i32
    %dma_wait3A_192 = tpu.memref_slice %arg4[%arg1, %dma_wait3A_189, %dma_wait3A_190, %dma_wait3A_191] : memref<16x320x2x64xi32, #tpu.memory_space<hbm>> -> memref<1x1x2x64xi32, #tpu.memory_space<hbm>>
    %dma_wait3A_193 = tpu.memref_squeeze %dma_wait3A_192 : memref<1x1x2x64xi32, #tpu.memory_space<hbm>> -> memref<2x64xi32, #tpu.memory_space<hbm>>
    %dma_wait3A_194 = arith.constant 0 : i32
    %dma_wait3A_195 = arith.constant 0 : i32
    %dma_wait3A_196 = tpu.memref_slice %arg4[%arg1, %dma_wait3A_189, %dma_wait3A_194, %dma_wait3A_195] : memref<16x320x2x64xi32, #tpu.memory_space<hbm>> -> memref<1x1x2x64xi32, #tpu.memory_space<hbm>>
    %dma_wait3A_197 = tpu.memref_squeeze %dma_wait3A_196 : memref<1x1x2x64xi32, #tpu.memory_space<hbm>> -> memref<2x64xi32, #tpu.memory_space<hbm>>
    tpu.wait_dma2 semaphore(%arg32 : memref<!tpu.dma_semaphore, #tpu.memory_space<semaphore_mem>>) src(%dma_wait3A_197 : memref<2x64xi32, #tpu.memory_space<hbm>>) dst(%arg14 : memref<2x64xi32, #tpu.memory_space<vmem>>)
    %dma_start3A_198 = arith.constant 0 : i32
    %dma_start3A_199 = arith.constant 0 : i32
    %dma_start3A_200 = tpu.memref_slice %arg14[%dma_start3A_198, %dma_start3A_199] : memref<2x64xi32, #tpu.memory_space<vmem>> -> memref<1x64xi32, #tpu.memory_space<vmem>>
    %dma_start3A_201 = tpu.memref_squeeze %dma_start3A_200 : memref<1x64xi32, #tpu.memory_space<vmem>> -> memref<64xi32, #tpu.memory_space<vmem>>
    %dma_start3A_202 = arith.constant 0 : i32
    %dma_start3A_203 = arith.constant 0 : i32
    %dma_start3A_204 = tpu.memref_slice %arg23[%dma_start3A_202, %dma_start3A_203] : memref<10240x64xf32, #tpu.memory_space<vmem_shared>> -> memref<10240x64xf32, #tpu.memory_space<vmem_shared>>
    tpu.enqueue_indirect_dma source(%dma_start3A_204 : memref<10240x64xf32, #tpu.memory_space<vmem_shared>>) target(%arg22 : memref<64x64xf32, #tpu.memory_space<vmem>>) offsets(%dma_start3A_201 : memref<64xi32, #tpu.memory_space<vmem>>) semaphore(%arg40 : memref<!tpu.dma_semaphore, #tpu.memory_space<semaphore_mem>>)
    %scan3A = arith.constant 0 : i32
    %scan3A_205 = arith.constant 0 : i32
    %scan3A_206 = arith.constant 0 : i32
    %scan3A_207 = arith.constant 0 : i32
    %scan3A_208 = arith.constant 0 : i32
    %scan3A_209 = arith.constant 0 : i32
    %scan3A_210 = arith.constant 0 : i32
    %scan3A_211 = arith.constant 0 : i32
    %scan3A_212 = arith.constant 0 : i32
    %scan3A_213 = arith.constant 0 : i32
    %scan3A_214 = arith.constant 40 : i32
    %scan3A_215 = arith.addi %scan3A_213, %scan3A_214 : i32
    %scan3A_216 = arith.constant 1 : i32
    scf.for %scan3A_285 = %scan3A_213 to %scan3A_215 step %scan3A_216  : i32 {
      %mul3A_286 = arith.constant 8 : i32
      %mul3A_287 = arith.muli %mul3A_286, %scan3A_285 : i32
      %dma_wait3A_288 = arith.constant 0 : i32
      %dma_wait3A_289 = tpu.memref_slice %arg7[%scan3A_205, %dma_wait3A_288] : memref<2x64xi32, #tpu.memory_space<vmem>> -> memref<1x64xi32, #tpu.memory_space<vmem>>
      %dma_wait3A_290 = tpu.memref_squeeze %dma_wait3A_289 : memref<1x64xi32, #tpu.memory_space<vmem>> -> memref<64xi32, #tpu.memory_space<vmem>>
      %dma_wait3A_291 = arith.constant 0 : i32
      %dma_wait3A_292 = arith.constant 0 : i32
      %dma_wait3A_293 = tpu.memref_slice %arg23[%dma_wait3A_291, %dma_wait3A_292] : memref<10240x64xf32, #tpu.memory_space<vmem_shared>> -> memref<10240x64xf32, #tpu.memory_space<vmem_shared>>
      tpu.wait_indirect_dma semaphore(%arg33 : memref<!tpu.dma_semaphore, #tpu.memory_space<semaphore_mem>>) src(%dma_wait3A_293 : memref<10240x64xf32, #tpu.memory_space<vmem_shared>>) dst(%arg15 : memref<64x64xf32, #tpu.memory_space<vmem>>)
      %dma_start3A_294 = arith.constant 1 : i32
      %dma_start3A_295 = arith.constant 0 : i32
      %dma_start3A_296 = tpu.memref_slice %arg7[%dma_start3A_294, %dma_start3A_295] : memref<2x64xi32, #tpu.memory_space<vmem>> -> memref<1x64xi32, #tpu.memory_space<vmem>>
      %dma_start3A_297 = tpu.memref_squeeze %dma_start3A_296 : memref<1x64xi32, #tpu.memory_space<vmem>> -> memref<64xi32, #tpu.memory_space<vmem>>
      %dma_start3A_298 = arith.constant 0 : i32
      %dma_start3A_299 = arith.constant 0 : i32
      %dma_start3A_300 = tpu.memref_slice %arg24[%dma_start3A_298, %dma_start3A_299] : memref<10240x64xf32, #tpu.memory_space<vmem_shared>> -> memref<10240x64xf32, #tpu.memory_space<vmem_shared>>
      tpu.enqueue_indirect_dma source(%arg15 : memref<64x64xf32, #tpu.memory_space<vmem>>) target(%dma_start3A_300 : memref<10240x64xf32, #tpu.memory_space<vmem_shared>>) offsets(%dma_start3A_297 : memref<64xi32, #tpu.memory_space<vmem>>) semaphore(%arg41 : memref<!tpu.dma_semaphore, #tpu.memory_space<semaphore_mem>>) {add = true}
      %dma_wait3A_301 = arith.constant 0 : i32
      %dma_wait3A_302 = tpu.memref_slice %arg8[%scan3A_206, %dma_wait3A_301] : memref<2x64xi32, #tpu.memory_space<vmem>> -> memref<1x64xi32, #tpu.memory_space<vmem>>
      %dma_wait3A_303 = tpu.memref_squeeze %dma_wait3A_302 : memref<1x64xi32, #tpu.memory_space<vmem>> -> memref<64xi32, #tpu.memory_space<vmem>>
      %dma_wait3A_304 = arith.constant 0 : i32
      %dma_wait3A_305 = arith.constant 0 : i32
      %dma_wait3A_306 = tpu.memref_slice %arg23[%dma_wait3A_304, %dma_wait3A_305] : memref<10240x64xf32, #tpu.memory_space<vmem_shared>> -> memref<10240x64xf32, #tpu.memory_space<vmem_shared>>
      tpu.wait_indirect_dma semaphore(%arg34 : memref<!tpu.dma_semaphore, #tpu.memory_space<semaphore_mem>>) src(%dma_wait3A_306 : memref<10240x64xf32, #tpu.memory_space<vmem_shared>>) dst(%arg16 : memref<64x64xf32, #tpu.memory_space<vmem>>)
      %dma_start3A_307 = arith.constant 1 : i32
      %dma_start3A_308 = arith.constant 0 : i32
      %dma_start3A_309 = tpu.memref_slice %arg8[%dma_start3A_307, %dma_start3A_308] : memref<2x64xi32, #tpu.memory_space<vmem>> -> memref<1x64xi32, #tpu.memory_space<vmem>>
      %dma_start3A_310 = tpu.memref_squeeze %dma_start3A_309 : memref<1x64xi32, #tpu.memory_space<vmem>> -> memref<64xi32, #tpu.memory_space<vmem>>
      %dma_start3A_311 = arith.constant 0 : i32
      %dma_start3A_312 = arith.constant 0 : i32
      %dma_start3A_313 = tpu.memref_slice %arg24[%dma_start3A_311, %dma_start3A_312] : memref<10240x64xf32, #tpu.memory_space<vmem_shared>> -> memref<10240x64xf32, #tpu.memory_space<vmem_shared>>
      tpu.enqueue_indirect_dma source(%arg16 : memref<64x64xf32, #tpu.memory_space<vmem>>) target(%dma_start3A_313 : memref<10240x64xf32, #tpu.memory_space<vmem_shared>>) offsets(%dma_start3A_310 : memref<64xi32, #tpu.memory_space<vmem>>) semaphore(%arg42 : memref<!tpu.dma_semaphore, #tpu.memory_space<semaphore_mem>>) {add = true}
      %dma_wait3A_314 = arith.constant 0 : i32
      %dma_wait3A_315 = tpu.memref_slice %arg9[%scan3A_207, %dma_wait3A_314] : memref<2x64xi32, #tpu.memory_space<vmem>> -> memref<1x64xi32, #tpu.memory_space<vmem>>
      %dma_wait3A_316 = tpu.memref_squeeze %dma_wait3A_315 : memref<1x64xi32, #tpu.memory_space<vmem>> -> memref<64xi32, #tpu.memory_space<vmem>>
      %dma_wait3A_317 = arith.constant 0 : i32
      %dma_wait3A_318 = arith.constant 0 : i32
      %dma_wait3A_319 = tpu.memref_slice %arg23[%dma_wait3A_317, %dma_wait3A_318] : memref<10240x64xf32, #tpu.memory_space<vmem_shared>> -> memref<10240x64xf32, #tpu.memory_space<vmem_shared>>
      tpu.wait_indirect_dma semaphore(%arg35 : memref<!tpu.dma_semaphore, #tpu.memory_space<semaphore_mem>>) src(%dma_wait3A_319 : memref<10240x64xf32, #tpu.memory_space<vmem_shared>>) dst(%arg17 : memref<64x64xf32, #tpu.memory_space<vmem>>)
      %dma_start3A_320 = arith.constant 1 : i32
      %dma_start3A_321 = arith.constant 0 : i32
      %dma_start3A_322 = tpu.memref_slice %arg9[%dma_start3A_320, %dma_start3A_321] : memref<2x64xi32, #tpu.memory_space<vmem>> -> memref<1x64xi32, #tpu.memory_space<vmem>>
      %dma_start3A_323 = tpu.memref_squeeze %dma_start3A_322 : memref<1x64xi32, #tpu.memory_space<vmem>> -> memref<64xi32, #tpu.memory_space<vmem>>
      %dma_start3A_324 = arith.constant 0 : i32
      %dma_start3A_325 = arith.constant 0 : i32
      %dma_start3A_326 = tpu.memref_slice %arg24[%dma_start3A_324, %dma_start3A_325] : memref<10240x64xf32, #tpu.memory_space<vmem_shared>> -> memref<10240x64xf32, #tpu.memory_space<vmem_shared>>
      tpu.enqueue_indirect_dma source(%arg17 : memref<64x64xf32, #tpu.memory_space<vmem>>) target(%dma_start3A_326 : memref<10240x64xf32, #tpu.memory_space<vmem_shared>>) offsets(%dma_start3A_323 : memref<64xi32, #tpu.memory_space<vmem>>) semaphore(%arg43 : memref<!tpu.dma_semaphore, #tpu.memory_space<semaphore_mem>>) {add = true}
      %dma_wait3A_327 = arith.constant 0 : i32
      %dma_wait3A_328 = tpu.memref_slice %arg10[%scan3A_208, %dma_wait3A_327] : memref<2x64xi32, #tpu.memory_space<vmem>> -> memref<1x64xi32, #tpu.memory_space<vmem>>
      %dma_wait3A_329 = tpu.memref_squeeze %dma_wait3A_328 : memref<1x64xi32, #tpu.memory_space<vmem>> -> memref<64xi32, #tpu.memory_space<vmem>>
      %dma_wait3A_330 = arith.constant 0 : i32
      %dma_wait3A_331 = arith.constant 0 : i32
      %dma_wait3A_332 = tpu.memref_slice %arg23[%dma_wait3A_330, %dma_wait3A_331] : memref<10240x64xf32, #tpu.memory_space<vmem_shared>> -> memref<10240x64xf32, #tpu.memory_space<vmem_shared>>
      tpu.wait_indirect_dma semaphore(%arg36 : memref<!tpu.dma_semaphore, #tpu.memory_space<semaphore_mem>>) src(%dma_wait3A_332 : memref<10240x64xf32, #tpu.memory_space<vmem_shared>>) dst(%arg18 : memref<64x64xf32, #tpu.memory_space<vmem>>)
      %dma_start3A_333 = arith.constant 1 : i32
      %dma_start3A_334 = arith.constant 0 : i32
      %dma_start3A_335 = tpu.memref_slice %arg10[%dma_start3A_333, %dma_start3A_334] : memref<2x64xi32, #tpu.memory_space<vmem>> -> memref<1x64xi32, #tpu.memory_space<vmem>>
      %dma_start3A_336 = tpu.memref_squeeze %dma_start3A_335 : memref<1x64xi32, #tpu.memory_space<vmem>> -> memref<64xi32, #tpu.memory_space<vmem>>
      %dma_start3A_337 = arith.constant 0 : i32
      %dma_start3A_338 = arith.constant 0 : i32
      %dma_start3A_339 = tpu.memref_slice %arg24[%dma_start3A_337, %dma_start3A_338] : memref<10240x64xf32, #tpu.memory_space<vmem_shared>> -> memref<10240x64xf32, #tpu.memory_space<vmem_shared>>
      tpu.enqueue_indirect_dma source(%arg18 : memref<64x64xf32, #tpu.memory_space<vmem>>) target(%dma_start3A_339 : memref<10240x64xf32, #tpu.memory_space<vmem_shared>>) offsets(%dma_start3A_336 : memref<64xi32, #tpu.memory_space<vmem>>) semaphore(%arg44 : memref<!tpu.dma_semaphore, #tpu.memory_space<semaphore_mem>>) {add = true}
      %dma_wait3A_340 = arith.constant 0 : i32
      %dma_wait3A_341 = tpu.memref_slice %arg11[%scan3A_209, %dma_wait3A_340] : memref<2x64xi32, #tpu.memory_space<vmem>> -> memref<1x64xi32, #tpu.memory_space<vmem>>
      %dma_wait3A_342 = tpu.memref_squeeze %dma_wait3A_341 : memref<1x64xi32, #tpu.memory_space<vmem>> -> memref<64xi32, #tpu.memory_space<vmem>>
      %dma_wait3A_343 = arith.constant 0 : i32
      %dma_wait3A_344 = arith.constant 0 : i32
      %dma_wait3A_345 = tpu.memref_slice %arg23[%dma_wait3A_343, %dma_wait3A_344] : memref<10240x64xf32, #tpu.memory_space<vmem_shared>> -> memref<10240x64xf32, #tpu.memory_space<vmem_shared>>
      tpu.wait_indirect_dma semaphore(%arg37 : memref<!tpu.dma_semaphore, #tpu.memory_space<semaphore_mem>>) src(%dma_wait3A_345 : memref<10240x64xf32, #tpu.memory_space<vmem_shared>>) dst(%arg19 : memref<64x64xf32, #tpu.memory_space<vmem>>)
      %dma_start3A_346 = arith.constant 1 : i32
      %dma_start3A_347 = arith.constant 0 : i32
      %dma_start3A_348 = tpu.memref_slice %arg11[%dma_start3A_346, %dma_start3A_347] : memref<2x64xi32, #tpu.memory_space<vmem>> -> memref<1x64xi32, #tpu.memory_space<vmem>>
      %dma_start3A_349 = tpu.memref_squeeze %dma_start3A_348 : memref<1x64xi32, #tpu.memory_space<vmem>> -> memref<64xi32, #tpu.memory_space<vmem>>
      %dma_start3A_350 = arith.constant 0 : i32
      %dma_start3A_351 = arith.constant 0 : i32
      %dma_start3A_352 = tpu.memref_slice %arg24[%dma_start3A_350, %dma_start3A_351] : memref<10240x64xf32, #tpu.memory_space<vmem_shared>> -> memref<10240x64xf32, #tpu.memory_space<vmem_shared>>
      tpu.enqueue_indirect_dma source(%arg19 : memref<64x64xf32, #tpu.memory_space<vmem>>) target(%dma_start3A_352 : memref<10240x64xf32, #tpu.memory_space<vmem_shared>>) offsets(%dma_start3A_349 : memref<64xi32, #tpu.memory_space<vmem>>) semaphore(%arg45 : memref<!tpu.dma_semaphore, #tpu.memory_space<semaphore_mem>>) {add = true}
      %dma_wait3A_353 = arith.constant 0 : i32
      %dma_wait3A_354 = tpu.memref_slice %arg12[%scan3A_210, %dma_wait3A_353] : memref<2x64xi32, #tpu.memory_space<vmem>> -> memref<1x64xi32, #tpu.memory_space<vmem>>
      %dma_wait3A_355 = tpu.memref_squeeze %dma_wait3A_354 : memref<1x64xi32, #tpu.memory_space<vmem>> -> memref<64xi32, #tpu.memory_space<vmem>>
      %dma_wait3A_356 = arith.constant 0 : i32
      %dma_wait3A_357 = arith.constant 0 : i32
      %dma_wait3A_358 = tpu.memref_slice %arg23[%dma_wait3A_356, %dma_wait3A_357] : memref<10240x64xf32, #tpu.memory_space<vmem_shared>> -> memref<10240x64xf32, #tpu.memory_space<vmem_shared>>
      tpu.wait_indirect_dma semaphore(%arg38 : memref<!tpu.dma_semaphore, #tpu.memory_space<semaphore_mem>>) src(%dma_wait3A_358 : memref<10240x64xf32, #tpu.memory_space<vmem_shared>>) dst(%arg20 : memref<64x64xf32, #tpu.memory_space<vmem>>)
      %dma_start3A_359 = arith.constant 1 : i32
      %dma_start3A_360 = arith.constant 0 : i32
      %dma_start3A_361 = tpu.memref_slice %arg12[%dma_start3A_359, %dma_start3A_360] : memref<2x64xi32, #tpu.memory_space<vmem>> -> memref<1x64xi32, #tpu.memory_space<vmem>>
      %dma_start3A_362 = tpu.memref_squeeze %dma_start3A_361 : memref<1x64xi32, #tpu.memory_space<vmem>> -> memref<64xi32, #tpu.memory_space<vmem>>
      %dma_start3A_363 = arith.constant 0 : i32
      %dma_start3A_364 = arith.constant 0 : i32
      %dma_start3A_365 = tpu.memref_slice %arg24[%dma_start3A_363, %dma_start3A_364] : memref<10240x64xf32, #tpu.memory_space<vmem_shared>> -> memref<10240x64xf32, #tpu.memory_space<vmem_shared>>
      tpu.enqueue_indirect_dma source(%arg20 : memref<64x64xf32, #tpu.memory_space<vmem>>) target(%dma_start3A_365 : memref<10240x64xf32, #tpu.memory_space<vmem_shared>>) offsets(%dma_start3A_362 : memref<64xi32, #tpu.memory_space<vmem>>) semaphore(%arg46 : memref<!tpu.dma_semaphore, #tpu.memory_space<semaphore_mem>>) {add = true}
      %dma_wait3A_366 = arith.constant 0 : i32
      %dma_wait3A_367 = tpu.memref_slice %arg13[%scan3A_211, %dma_wait3A_366] : memref<2x64xi32, #tpu.memory_space<vmem>> -> memref<1x64xi32, #tpu.memory_space<vmem>>
      %dma_wait3A_368 = tpu.memref_squeeze %dma_wait3A_367 : memref<1x64xi32, #tpu.memory_space<vmem>> -> memref<64xi32, #tpu.memory_space<vmem>>
      %dma_wait3A_369 = arith.constant 0 : i32
      %dma_wait3A_370 = arith.constant 0 : i32
      %dma_wait3A_371 = tpu.memref_slice %arg23[%dma_wait3A_369, %dma_wait3A_370] : memref<10240x64xf32, #tpu.memory_space<vmem_shared>> -> memref<10240x64xf32, #tpu.memory_space<vmem_shared>>
      tpu.wait_indirect_dma semaphore(%arg39 : memref<!tpu.dma_semaphore, #tpu.memory_space<semaphore_mem>>) src(%dma_wait3A_371 : memref<10240x64xf32, #tpu.memory_space<vmem_shared>>) dst(%arg21 : memref<64x64xf32, #tpu.memory_space<vmem>>)
      %dma_start3A_372 = arith.constant 1 : i32
      %dma_start3A_373 = arith.constant 0 : i32
      %dma_start3A_374 = tpu.memref_slice %arg13[%dma_start3A_372, %dma_start3A_373] : memref<2x64xi32, #tpu.memory_space<vmem>> -> memref<1x64xi32, #tpu.memory_space<vmem>>
      %dma_start3A_375 = tpu.memref_squeeze %dma_start3A_374 : memref<1x64xi32, #tpu.memory_space<vmem>> -> memref<64xi32, #tpu.memory_space<vmem>>
      %dma_start3A_376 = arith.constant 0 : i32
      %dma_start3A_377 = arith.constant 0 : i32
      %dma_start3A_378 = tpu.memref_slice %arg24[%dma_start3A_376, %dma_start3A_377] : memref<10240x64xf32, #tpu.memory_space<vmem_shared>> -> memref<10240x64xf32, #tpu.memory_space<vmem_shared>>
      tpu.enqueue_indirect_dma source(%arg21 : memref<64x64xf32, #tpu.memory_space<vmem>>) target(%dma_start3A_378 : memref<10240x64xf32, #tpu.memory_space<vmem_shared>>) offsets(%dma_start3A_375 : memref<64xi32, #tpu.memory_space<vmem>>) semaphore(%arg47 : memref<!tpu.dma_semaphore, #tpu.memory_space<semaphore_mem>>) {add = true}
      %dma_wait3A_379 = arith.constant 0 : i32
      %dma_wait3A_380 = tpu.memref_slice %arg14[%scan3A_212, %dma_wait3A_379] : memref<2x64xi32, #tpu.memory_space<vmem>> -> memref<1x64xi32, #tpu.memory_space<vmem>>
      %dma_wait3A_381 = tpu.memref_squeeze %dma_wait3A_380 : memref<1x64xi32, #tpu.memory_space<vmem>> -> memref<64xi32, #tpu.memory_space<vmem>>
      %dma_wait3A_382 = arith.constant 0 : i32
      %dma_wait3A_383 = arith.constant 0 : i32
      %dma_wait3A_384 = tpu.memref_slice %arg23[%dma_wait3A_382, %dma_wait3A_383] : memref<10240x64xf32, #tpu.memory_space<vmem_shared>> -> memref<10240x64xf32, #tpu.memory_space<vmem_shared>>
      tpu.wait_indirect_dma semaphore(%arg40 : memref<!tpu.dma_semaphore, #tpu.memory_space<semaphore_mem>>) src(%dma_wait3A_384 : memref<10240x64xf32, #tpu.memory_space<vmem_shared>>) dst(%arg22 : memref<64x64xf32, #tpu.memory_space<vmem>>)
      %dma_start3A_385 = arith.constant 1 : i32
      %dma_start3A_386 = arith.constant 0 : i32
      %dma_start3A_387 = tpu.memref_slice %arg14[%dma_start3A_385, %dma_start3A_386] : memref<2x64xi32, #tpu.memory_space<vmem>> -> memref<1x64xi32, #tpu.memory_space<vmem>>
      %dma_start3A_388 = tpu.memref_squeeze %dma_start3A_387 : memref<1x64xi32, #tpu.memory_space<vmem>> -> memref<64xi32, #tpu.memory_space<vmem>>
      %dma_start3A_389 = arith.constant 0 : i32
      %dma_start3A_390 = arith.constant 0 : i32
      %dma_start3A_391 = tpu.memref_slice %arg24[%dma_start3A_389, %dma_start3A_390] : memref<10240x64xf32, #tpu.memory_space<vmem_shared>> -> memref<10240x64xf32, #tpu.memory_space<vmem_shared>>
      tpu.enqueue_indirect_dma source(%arg22 : memref<64x64xf32, #tpu.memory_space<vmem>>) target(%dma_start3A_391 : memref<10240x64xf32, #tpu.memory_space<vmem_shared>>) offsets(%dma_start3A_388 : memref<64xi32, #tpu.memory_space<vmem>>) semaphore(%arg48 : memref<!tpu.dma_semaphore, #tpu.memory_space<semaphore_mem>>) {add = true}
      %dma_wait3A_392 = arith.constant 1 : i32
      %dma_wait3A_393 = arith.constant 0 : i32
      %dma_wait3A_394 = tpu.memref_slice %arg7[%dma_wait3A_392, %dma_wait3A_393] : memref<2x64xi32, #tpu.memory_space<vmem>> -> memref<1x64xi32, #tpu.memory_space<vmem>>
      %dma_wait3A_395 = tpu.memref_squeeze %dma_wait3A_394 : memref<1x64xi32, #tpu.memory_space<vmem>> -> memref<64xi32, #tpu.memory_space<vmem>>
      %dma_wait3A_396 = arith.constant 0 : i32
      %dma_wait3A_397 = arith.constant 0 : i32
      %dma_wait3A_398 = tpu.memref_slice %arg24[%dma_wait3A_396, %dma_wait3A_397] : memref<10240x64xf32, #tpu.memory_space<vmem_shared>> -> memref<10240x64xf32, #tpu.memory_space<vmem_shared>>
      tpu.wait_indirect_dma semaphore(%arg41 : memref<!tpu.dma_semaphore, #tpu.memory_space<semaphore_mem>>) src(%arg15 : memref<64x64xf32, #tpu.memory_space<vmem>>) dst(%dma_wait3A_398 : memref<10240x64xf32, #tpu.memory_space<vmem_shared>>)
      %add3A = arith.constant 8 : i32
      %add3A_399 = arith.addi %mul3A_287, %add3A : i32
      %add3A_400 = arith.constant 0 : i32
      %add3A_401 = arith.addi %add3A_399, %add3A_400 : i32
      %min3A = arith.constant 312 : i32
      %min3A_402 = arith.minsi %add3A_401, %min3A : i32
      %dma_start3A_403 = arith.constant 0 : i32
      %dma_start3A_404 = arith.constant 0 : i32
      %dma_start3A_405 = tpu.memref_slice %arg4[%arg1, %min3A_402, %dma_start3A_403, %dma_start3A_404] : memref<16x320x2x64xi32, #tpu.memory_space<hbm>> -> memref<1x1x2x64xi32, #tpu.memory_space<hbm>>
      %dma_start3A_406 = tpu.memref_squeeze %dma_start3A_405 : memref<1x1x2x64xi32, #tpu.memory_space<hbm>> -> memref<2x64xi32, #tpu.memory_space<hbm>>
      %dma_start3A_407 = arith.constant 0 : i32
      %dma_start3A_408 = arith.constant 0 : i32
      %dma_start3A_409 = tpu.memref_slice %arg4[%arg1, %min3A_402, %dma_start3A_407, %dma_start3A_408] : memref<16x320x2x64xi32, #tpu.memory_space<hbm>> -> memref<1x1x2x64xi32, #tpu.memory_space<hbm>>
      %dma_start3A_410 = tpu.memref_squeeze %dma_start3A_409 : memref<1x1x2x64xi32, #tpu.memory_space<hbm>> -> memref<2x64xi32, #tpu.memory_space<hbm>>
      tpu.enqueue_dma source(%dma_start3A_410 : memref<2x64xi32, #tpu.memory_space<hbm>>) target(%arg7 : memref<2x64xi32, #tpu.memory_space<vmem>>) target_semaphore(%arg25 : memref<!tpu.dma_semaphore, #tpu.memory_space<semaphore_mem>>)
      %dma_wait3A_411 = arith.constant 1 : i32
      %dma_wait3A_412 = arith.constant 0 : i32
      %dma_wait3A_413 = tpu.memref_slice %arg8[%dma_wait3A_411, %dma_wait3A_412] : memref<2x64xi32, #tpu.memory_space<vmem>> -> memref<1x64xi32, #tpu.memory_space<vmem>>
      %dma_wait3A_414 = tpu.memref_squeeze %dma_wait3A_413 : memref<1x64xi32, #tpu.memory_space<vmem>> -> memref<64xi32, #tpu.memory_space<vmem>>
      %dma_wait3A_415 = arith.constant 0 : i32
      %dma_wait3A_416 = arith.constant 0 : i32
      %dma_wait3A_417 = tpu.memref_slice %arg24[%dma_wait3A_415, %dma_wait3A_416] : memref<10240x64xf32, #tpu.memory_space<vmem_shared>> -> memref<10240x64xf32, #tpu.memory_space<vmem_shared>>
      tpu.wait_indirect_dma semaphore(%arg42 : memref<!tpu.dma_semaphore, #tpu.memory_space<semaphore_mem>>) src(%arg16 : memref<64x64xf32, #tpu.memory_space<vmem>>) dst(%dma_wait3A_417 : memref<10240x64xf32, #tpu.memory_space<vmem_shared>>)
      %add3A_418 = arith.constant 8 : i32
      %add3A_419 = arith.addi %mul3A_287, %add3A_418 : i32
      %add3A_420 = arith.constant 1 : i32
      %add3A_421 = arith.addi %add3A_419, %add3A_420 : i32
      %min3A_422 = arith.constant 313 : i32
      %min3A_423 = arith.minsi %add3A_421, %min3A_422 : i32
      %dma_start3A_424 = arith.constant 0 : i32
      %dma_start3A_425 = arith.constant 0 : i32
      %dma_start3A_426 = tpu.memref_slice %arg4[%arg1, %min3A_423, %dma_start3A_424, %dma_start3A_425] : memref<16x320x2x64xi32, #tpu.memory_space<hbm>> -> memref<1x1x2x64xi32, #tpu.memory_space<hbm>>
      %dma_start3A_427 = tpu.memref_squeeze %dma_start3A_426 : memref<1x1x2x64xi32, #tpu.memory_space<hbm>> -> memref<2x64xi32, #tpu.memory_space<hbm>>
      %dma_start3A_428 = arith.constant 0 : i32
      %dma_start3A_429 = arith.constant 0 : i32
      %dma_start3A_430 = tpu.memref_slice %arg4[%arg1, %min3A_423, %dma_start3A_428, %dma_start3A_429] : memref<16x320x2x64xi32, #tpu.memory_space<hbm>> -> memref<1x1x2x64xi32, #tpu.memory_space<hbm>>
      %dma_start3A_431 = tpu.memref_squeeze %dma_start3A_430 : memref<1x1x2x64xi32, #tpu.memory_space<hbm>> -> memref<2x64xi32, #tpu.memory_space<hbm>>
      tpu.enqueue_dma source(%dma_start3A_431 : memref<2x64xi32, #tpu.memory_space<hbm>>) target(%arg8 : memref<2x64xi32, #tpu.memory_space<vmem>>) target_semaphore(%arg26 : memref<!tpu.dma_semaphore, #tpu.memory_space<semaphore_mem>>)
      %dma_wait3A_432 = arith.constant 1 : i32
      %dma_wait3A_433 = arith.constant 0 : i32
      %dma_wait3A_434 = tpu.memref_slice %arg9[%dma_wait3A_432, %dma_wait3A_433] : memref<2x64xi32, #tpu.memory_space<vmem>> -> memref<1x64xi32, #tpu.memory_space<vmem>>
      %dma_wait3A_435 = tpu.memref_squeeze %dma_wait3A_434 : memref<1x64xi32, #tpu.memory_space<vmem>> -> memref<64xi32, #tpu.memory_space<vmem>>
      %dma_wait3A_436 = arith.constant 0 : i32
      %dma_wait3A_437 = arith.constant 0 : i32
      %dma_wait3A_438 = tpu.memref_slice %arg24[%dma_wait3A_436, %dma_wait3A_437] : memref<10240x64xf32, #tpu.memory_space<vmem_shared>> -> memref<10240x64xf32, #tpu.memory_space<vmem_shared>>
      tpu.wait_indirect_dma semaphore(%arg43 : memref<!tpu.dma_semaphore, #tpu.memory_space<semaphore_mem>>) src(%arg17 : memref<64x64xf32, #tpu.memory_space<vmem>>) dst(%dma_wait3A_438 : memref<10240x64xf32, #tpu.memory_space<vmem_shared>>)
      %add3A_439 = arith.constant 8 : i32
      %add3A_440 = arith.addi %mul3A_287, %add3A_439 : i32
      %add3A_441 = arith.constant 2 : i32
      %add3A_442 = arith.addi %add3A_440, %add3A_441 : i32
      %min3A_443 = arith.constant 314 : i32
      %min3A_444 = arith.minsi %add3A_442, %min3A_443 : i32
      %dma_start3A_445 = arith.constant 0 : i32
      %dma_start3A_446 = arith.constant 0 : i32
      %dma_start3A_447 = tpu.memref_slice %arg4[%arg1, %min3A_444, %dma_start3A_445, %dma_start3A_446] : memref<16x320x2x64xi32, #tpu.memory_space<hbm>> -> memref<1x1x2x64xi32, #tpu.memory_space<hbm>>
      %dma_start3A_448 = tpu.memref_squeeze %dma_start3A_447 : memref<1x1x2x64xi32, #tpu.memory_space<hbm>> -> memref<2x64xi32, #tpu.memory_space<hbm>>
      %dma_start3A_449 = arith.constant 0 : i32
      %dma_start3A_450 = arith.constant 0 : i32
      %dma_start3A_451 = tpu.memref_slice %arg4[%arg1, %min3A_444, %dma_start3A_449, %dma_start3A_450] : memref<16x320x2x64xi32, #tpu.memory_space<hbm>> -> memref<1x1x2x64xi32, #tpu.memory_space<hbm>>
      %dma_start3A_452 = tpu.memref_squeeze %dma_start3A_451 : memref<1x1x2x64xi32, #tpu.memory_space<hbm>> -> memref<2x64xi32, #tpu.memory_space<hbm>>
      tpu.enqueue_dma source(%dma_start3A_452 : memref<2x64xi32, #tpu.memory_space<hbm>>) target(%arg9 : memref<2x64xi32, #tpu.memory_space<vmem>>) target_semaphore(%arg27 : memref<!tpu.dma_semaphore, #tpu.memory_space<semaphore_mem>>)
      %dma_wait3A_453 = arith.constant 1 : i32
      %dma_wait3A_454 = arith.constant 0 : i32
      %dma_wait3A_455 = tpu.memref_slice %arg10[%dma_wait3A_453, %dma_wait3A_454] : memref<2x64xi32, #tpu.memory_space<vmem>> -> memref<1x64xi32, #tpu.memory_space<vmem>>
      %dma_wait3A_456 = tpu.memref_squeeze %dma_wait3A_455 : memref<1x64xi32, #tpu.memory_space<vmem>> -> memref<64xi32, #tpu.memory_space<vmem>>
      %dma_wait3A_457 = arith.constant 0 : i32
      %dma_wait3A_458 = arith.constant 0 : i32
      %dma_wait3A_459 = tpu.memref_slice %arg24[%dma_wait3A_457, %dma_wait3A_458] : memref<10240x64xf32, #tpu.memory_space<vmem_shared>> -> memref<10240x64xf32, #tpu.memory_space<vmem_shared>>
      tpu.wait_indirect_dma semaphore(%arg44 : memref<!tpu.dma_semaphore, #tpu.memory_space<semaphore_mem>>) src(%arg18 : memref<64x64xf32, #tpu.memory_space<vmem>>) dst(%dma_wait3A_459 : memref<10240x64xf32, #tpu.memory_space<vmem_shared>>)
      %add3A_460 = arith.constant 8 : i32
      %add3A_461 = arith.addi %mul3A_287, %add3A_460 : i32
      %add3A_462 = arith.constant 3 : i32
      %add3A_463 = arith.addi %add3A_461, %add3A_462 : i32
      %min3A_464 = arith.constant 315 : i32
      %min3A_465 = arith.minsi %add3A_463, %min3A_464 : i32
      %dma_start3A_466 = arith.constant 0 : i32
      %dma_start3A_467 = arith.constant 0 : i32
      %dma_start3A_468 = tpu.memref_slice %arg4[%arg1, %min3A_465, %dma_start3A_466, %dma_start3A_467] : memref<16x320x2x64xi32, #tpu.memory_space<hbm>> -> memref<1x1x2x64xi32, #tpu.memory_space<hbm>>
      %dma_start3A_469 = tpu.memref_squeeze %dma_start3A_468 : memref<1x1x2x64xi32, #tpu.memory_space<hbm>> -> memref<2x64xi32, #tpu.memory_space<hbm>>
      %dma_start3A_470 = arith.constant 0 : i32
      %dma_start3A_471 = arith.constant 0 : i32
      %dma_start3A_472 = tpu.memref_slice %arg4[%arg1, %min3A_465, %dma_start3A_470, %dma_start3A_471] : memref<16x320x2x64xi32, #tpu.memory_space<hbm>> -> memref<1x1x2x64xi32, #tpu.memory_space<hbm>>
      %dma_start3A_473 = tpu.memref_squeeze %dma_start3A_472 : memref<1x1x2x64xi32, #tpu.memory_space<hbm>> -> memref<2x64xi32, #tpu.memory_space<hbm>>
      tpu.enqueue_dma source(%dma_start3A_473 : memref<2x64xi32, #tpu.memory_space<hbm>>) target(%arg10 : memref<2x64xi32, #tpu.memory_space<vmem>>) target_semaphore(%arg28 : memref<!tpu.dma_semaphore, #tpu.memory_space<semaphore_mem>>)
      %dma_wait3A_474 = arith.constant 1 : i32
      %dma_wait3A_475 = arith.constant 0 : i32
      %dma_wait3A_476 = tpu.memref_slice %arg11[%dma_wait3A_474, %dma_wait3A_475] : memref<2x64xi32, #tpu.memory_space<vmem>> -> memref<1x64xi32, #tpu.memory_space<vmem>>
      %dma_wait3A_477 = tpu.memref_squeeze %dma_wait3A_476 : memref<1x64xi32, #tpu.memory_space<vmem>> -> memref<64xi32, #tpu.memory_space<vmem>>
      %dma_wait3A_478 = arith.constant 0 : i32
      %dma_wait3A_479 = arith.constant 0 : i32
      %dma_wait3A_480 = tpu.memref_slice %arg24[%dma_wait3A_478, %dma_wait3A_479] : memref<10240x64xf32, #tpu.memory_space<vmem_shared>> -> memref<10240x64xf32, #tpu.memory_space<vmem_shared>>
      tpu.wait_indirect_dma semaphore(%arg45 : memref<!tpu.dma_semaphore, #tpu.memory_space<semaphore_mem>>) src(%arg19 : memref<64x64xf32, #tpu.memory_space<vmem>>) dst(%dma_wait3A_480 : memref<10240x64xf32, #tpu.memory_space<vmem_shared>>)
      %add3A_481 = arith.constant 8 : i32
      %add3A_482 = arith.addi %mul3A_287, %add3A_481 : i32
      %add3A_483 = arith.constant 4 : i32
      %add3A_484 = arith.addi %add3A_482, %add3A_483 : i32
      %min3A_485 = arith.constant 316 : i32
      %min3A_486 = arith.minsi %add3A_484, %min3A_485 : i32
      %dma_start3A_487 = arith.constant 0 : i32
      %dma_start3A_488 = arith.constant 0 : i32
      %dma_start3A_489 = tpu.memref_slice %arg4[%arg1, %min3A_486, %dma_start3A_487, %dma_start3A_488] : memref<16x320x2x64xi32, #tpu.memory_space<hbm>> -> memref<1x1x2x64xi32, #tpu.memory_space<hbm>>
      %dma_start3A_490 = tpu.memref_squeeze %dma_start3A_489 : memref<1x1x2x64xi32, #tpu.memory_space<hbm>> -> memref<2x64xi32, #tpu.memory_space<hbm>>
      %dma_start3A_491 = arith.constant 0 : i32
      %dma_start3A_492 = arith.constant 0 : i32
      %dma_start3A_493 = tpu.memref_slice %arg4[%arg1, %min3A_486, %dma_start3A_491, %dma_start3A_492] : memref<16x320x2x64xi32, #tpu.memory_space<hbm>> -> memref<1x1x2x64xi32, #tpu.memory_space<hbm>>
      %dma_start3A_494 = tpu.memref_squeeze %dma_start3A_493 : memref<1x1x2x64xi32, #tpu.memory_space<hbm>> -> memref<2x64xi32, #tpu.memory_space<hbm>>
      tpu.enqueue_dma source(%dma_start3A_494 : memref<2x64xi32, #tpu.memory_space<hbm>>) target(%arg11 : memref<2x64xi32, #tpu.memory_space<vmem>>) target_semaphore(%arg29 : memref<!tpu.dma_semaphore, #tpu.memory_space<semaphore_mem>>)
      %dma_wait3A_495 = arith.constant 1 : i32
      %dma_wait3A_496 = arith.constant 0 : i32
      %dma_wait3A_497 = tpu.memref_slice %arg12[%dma_wait3A_495, %dma_wait3A_496] : memref<2x64xi32, #tpu.memory_space<vmem>> -> memref<1x64xi32, #tpu.memory_space<vmem>>
      %dma_wait3A_498 = tpu.memref_squeeze %dma_wait3A_497 : memref<1x64xi32, #tpu.memory_space<vmem>> -> memref<64xi32, #tpu.memory_space<vmem>>
      %dma_wait3A_499 = arith.constant 0 : i32
      %dma_wait3A_500 = arith.constant 0 : i32
      %dma_wait3A_501 = tpu.memref_slice %arg24[%dma_wait3A_499, %dma_wait3A_500] : memref<10240x64xf32, #tpu.memory_space<vmem_shared>> -> memref<10240x64xf32, #tpu.memory_space<vmem_shared>>
      tpu.wait_indirect_dma semaphore(%arg46 : memref<!tpu.dma_semaphore, #tpu.memory_space<semaphore_mem>>) src(%arg20 : memref<64x64xf32, #tpu.memory_space<vmem>>) dst(%dma_wait3A_501 : memref<10240x64xf32, #tpu.memory_space<vmem_shared>>)
      %add3A_502 = arith.constant 8 : i32
      %add3A_503 = arith.addi %mul3A_287, %add3A_502 : i32
      %add3A_504 = arith.constant 5 : i32
      %add3A_505 = arith.addi %add3A_503, %add3A_504 : i32
      %min3A_506 = arith.constant 317 : i32
      %min3A_507 = arith.minsi %add3A_505, %min3A_506 : i32
      %dma_start3A_508 = arith.constant 0 : i32
      %dma_start3A_509 = arith.constant 0 : i32
      %dma_start3A_510 = tpu.memref_slice %arg4[%arg1, %min3A_507, %dma_start3A_508, %dma_start3A_509] : memref<16x320x2x64xi32, #tpu.memory_space<hbm>> -> memref<1x1x2x64xi32, #tpu.memory_space<hbm>>
      %dma_start3A_511 = tpu.memref_squeeze %dma_start3A_510 : memref<1x1x2x64xi32, #tpu.memory_space<hbm>> -> memref<2x64xi32, #tpu.memory_space<hbm>>
      %dma_start3A_512 = arith.constant 0 : i32
      %dma_start3A_513 = arith.constant 0 : i32
      %dma_start3A_514 = tpu.memref_slice %arg4[%arg1, %min3A_507, %dma_start3A_512, %dma_start3A_513] : memref<16x320x2x64xi32, #tpu.memory_space<hbm>> -> memref<1x1x2x64xi32, #tpu.memory_space<hbm>>
      %dma_start3A_515 = tpu.memref_squeeze %dma_start3A_514 : memref<1x1x2x64xi32, #tpu.memory_space<hbm>> -> memref<2x64xi32, #tpu.memory_space<hbm>>
      tpu.enqueue_dma source(%dma_start3A_515 : memref<2x64xi32, #tpu.memory_space<hbm>>) target(%arg12 : memref<2x64xi32, #tpu.memory_space<vmem>>) target_semaphore(%arg30 : memref<!tpu.dma_semaphore, #tpu.memory_space<semaphore_mem>>)
      %dma_wait3A_516 = arith.constant 1 : i32
      %dma_wait3A_517 = arith.constant 0 : i32
      %dma_wait3A_518 = tpu.memref_slice %arg13[%dma_wait3A_516, %dma_wait3A_517] : memref<2x64xi32, #tpu.memory_space<vmem>> -> memref<1x64xi32, #tpu.memory_space<vmem>>
      %dma_wait3A_519 = tpu.memref_squeeze %dma_wait3A_518 : memref<1x64xi32, #tpu.memory_space<vmem>> -> memref<64xi32, #tpu.memory_space<vmem>>
      %dma_wait3A_520 = arith.constant 0 : i32
      %dma_wait3A_521 = arith.constant 0 : i32
      %dma_wait3A_522 = tpu.memref_slice %arg24[%dma_wait3A_520, %dma_wait3A_521] : memref<10240x64xf32, #tpu.memory_space<vmem_shared>> -> memref<10240x64xf32, #tpu.memory_space<vmem_shared>>
      tpu.wait_indirect_dma semaphore(%arg47 : memref<!tpu.dma_semaphore, #tpu.memory_space<semaphore_mem>>) src(%arg21 : memref<64x64xf32, #tpu.memory_space<vmem>>) dst(%dma_wait3A_522 : memref<10240x64xf32, #tpu.memory_space<vmem_shared>>)
      %add3A_523 = arith.constant 8 : i32
      %add3A_524 = arith.addi %mul3A_287, %add3A_523 : i32
      %add3A_525 = arith.constant 6 : i32
      %add3A_526 = arith.addi %add3A_524, %add3A_525 : i32
      %min3A_527 = arith.constant 318 : i32
      %min3A_528 = arith.minsi %add3A_526, %min3A_527 : i32
      %dma_start3A_529 = arith.constant 0 : i32
      %dma_start3A_530 = arith.constant 0 : i32
      %dma_start3A_531 = tpu.memref_slice %arg4[%arg1, %min3A_528, %dma_start3A_529, %dma_start3A_530] : memref<16x320x2x64xi32, #tpu.memory_space<hbm>> -> memref<1x1x2x64xi32, #tpu.memory_space<hbm>>
      %dma_start3A_532 = tpu.memref_squeeze %dma_start3A_531 : memref<1x1x2x64xi32, #tpu.memory_space<hbm>> -> memref<2x64xi32, #tpu.memory_space<hbm>>
      %dma_start3A_533 = arith.constant 0 : i32
      %dma_start3A_534 = arith.constant 0 : i32
      %dma_start3A_535 = tpu.memref_slice %arg4[%arg1, %min3A_528, %dma_start3A_533, %dma_start3A_534] : memref<16x320x2x64xi32, #tpu.memory_space<hbm>> -> memref<1x1x2x64xi32, #tpu.memory_space<hbm>>
      %dma_start3A_536 = tpu.memref_squeeze %dma_start3A_535 : memref<1x1x2x64xi32, #tpu.memory_space<hbm>> -> memref<2x64xi32, #tpu.memory_space<hbm>>
      tpu.enqueue_dma source(%dma_start3A_536 : memref<2x64xi32, #tpu.memory_space<hbm>>) target(%arg13 : memref<2x64xi32, #tpu.memory_space<vmem>>) target_semaphore(%arg31 : memref<!tpu.dma_semaphore, #tpu.memory_space<semaphore_mem>>)
      %dma_wait3A_537 = arith.constant 1 : i32
      %dma_wait3A_538 = arith.constant 0 : i32
      %dma_wait3A_539 = tpu.memref_slice %arg14[%dma_wait3A_537, %dma_wait3A_538] : memref<2x64xi32, #tpu.memory_space<vmem>> -> memref<1x64xi32, #tpu.memory_space<vmem>>
      %dma_wait3A_540 = tpu.memref_squeeze %dma_wait3A_539 : memref<1x64xi32, #tpu.memory_space<vmem>> -> memref<64xi32, #tpu.memory_space<vmem>>
      %dma_wait3A_541 = arith.constant 0 : i32
      %dma_wait3A_542 = arith.constant 0 : i32
      %dma_wait3A_543 = tpu.memref_slice %arg24[%dma_wait3A_541, %dma_wait3A_542] : memref<10240x64xf32, #tpu.memory_space<vmem_shared>> -> memref<10240x64xf32, #tpu.memory_space<vmem_shared>>
      tpu.wait_indirect_dma semaphore(%arg48 : memref<!tpu.dma_semaphore, #tpu.memory_space<semaphore_mem>>) src(%arg22 : memref<64x64xf32, #tpu.memory_space<vmem>>) dst(%dma_wait3A_543 : memref<10240x64xf32, #tpu.memory_space<vmem_shared>>)
      %add3A_544 = arith.constant 8 : i32
      %add3A_545 = arith.addi %mul3A_287, %add3A_544 : i32
      %add3A_546 = arith.constant 7 : i32
      %add3A_547 = arith.addi %add3A_545, %add3A_546 : i32
      %min3A_548 = arith.constant 319 : i32
      %min3A_549 = arith.minsi %add3A_547, %min3A_548 : i32
      %dma_start3A_550 = arith.constant 0 : i32
      %dma_start3A_551 = arith.constant 0 : i32
      %dma_start3A_552 = tpu.memref_slice %arg4[%arg1, %min3A_549, %dma_start3A_550, %dma_start3A_551] : memref<16x320x2x64xi32, #tpu.memory_space<hbm>> -> memref<1x1x2x64xi32, #tpu.memory_space<hbm>>
      %dma_start3A_553 = tpu.memref_squeeze %dma_start3A_552 : memref<1x1x2x64xi32, #tpu.memory_space<hbm>> -> memref<2x64xi32, #tpu.memory_space<hbm>>
      %dma_start3A_554 = arith.constant 0 : i32
      %dma_start3A_555 = arith.constant 0 : i32
      %dma_start3A_556 = tpu.memref_slice %arg4[%arg1, %min3A_549, %dma_start3A_554, %dma_start3A_555] : memref<16x320x2x64xi32, #tpu.memory_space<hbm>> -> memref<1x1x2x64xi32, #tpu.memory_space<hbm>>
      %dma_start3A_557 = tpu.memref_squeeze %dma_start3A_556 : memref<1x1x2x64xi32, #tpu.memory_space<hbm>> -> memref<2x64xi32, #tpu.memory_space<hbm>>
      tpu.enqueue_dma source(%dma_start3A_557 : memref<2x64xi32, #tpu.memory_space<hbm>>) target(%arg14 : memref<2x64xi32, #tpu.memory_space<vmem>>) target_semaphore(%arg32 : memref<!tpu.dma_semaphore, #tpu.memory_space<semaphore_mem>>)
      %dma_wait3A_558 = arith.constant 0 : i32
      %dma_wait3A_559 = arith.constant 0 : i32
      %dma_wait3A_560 = arith.constant 0 : i32
      %dma_wait3A_561 = tpu.memref_slice %arg4[%arg1, %dma_wait3A_558, %dma_wait3A_559, %dma_wait3A_560] : memref<16x320x2x64xi32, #tpu.memory_space<hbm>> -> memref<1x1x2x64xi32, #tpu.memory_space<hbm>>
      %dma_wait3A_562 = tpu.memref_squeeze %dma_wait3A_561 : memref<1x1x2x64xi32, #tpu.memory_space<hbm>> -> memref<2x64xi32, #tpu.memory_space<hbm>>
      %dma_wait3A_563 = arith.constant 0 : i32
      %dma_wait3A_564 = arith.constant 0 : i32
      %dma_wait3A_565 = tpu.memref_slice %arg4[%arg1, %dma_wait3A_558, %dma_wait3A_563, %dma_wait3A_564] : memref<16x320x2x64xi32, #tpu.memory_space<hbm>> -> memref<1x1x2x64xi32, #tpu.memory_space<hbm>>
      %dma_wait3A_566 = tpu.memref_squeeze %dma_wait3A_565 : memref<1x1x2x64xi32, #tpu.memory_space<hbm>> -> memref<2x64xi32, #tpu.memory_space<hbm>>
      tpu.wait_dma2 semaphore(%arg25 : memref<!tpu.dma_semaphore, #tpu.memory_space<semaphore_mem>>) src(%dma_wait3A_566 : memref<2x64xi32, #tpu.memory_space<hbm>>) dst(%arg7 : memref<2x64xi32, #tpu.memory_space<vmem>>)
      %dma_start3A_567 = arith.constant 0 : i32
      %dma_start3A_568 = arith.constant 0 : i32
      %dma_start3A_569 = tpu.memref_slice %arg7[%dma_start3A_567, %dma_start3A_568] : memref<2x64xi32, #tpu.memory_space<vmem>> -> memref<1x64xi32, #tpu.memory_space<vmem>>
      %dma_start3A_570 = tpu.memref_squeeze %dma_start3A_569 : memref<1x64xi32, #tpu.memory_space<vmem>> -> memref<64xi32, #tpu.memory_space<vmem>>
      %dma_start3A_571 = arith.constant 0 : i32
      %dma_start3A_572 = arith.constant 0 : i32
      %dma_start3A_573 = tpu.memref_slice %arg23[%dma_start3A_571, %dma_start3A_572] : memref<10240x64xf32, #tpu.memory_space<vmem_shared>> -> memref<10240x64xf32, #tpu.memory_space<vmem_shared>>
      tpu.enqueue_indirect_dma source(%dma_start3A_573 : memref<10240x64xf32, #tpu.memory_space<vmem_shared>>) target(%arg15 : memref<64x64xf32, #tpu.memory_space<vmem>>) offsets(%dma_start3A_570 : memref<64xi32, #tpu.memory_space<vmem>>) semaphore(%arg33 : memref<!tpu.dma_semaphore, #tpu.memory_space<semaphore_mem>>)
      %dma_wait3A_574 = arith.constant 0 : i32
      %dma_wait3A_575 = arith.constant 0 : i32
      %dma_wait3A_576 = arith.constant 0 : i32
      %dma_wait3A_577 = tpu.memref_slice %arg4[%arg1, %dma_wait3A_574, %dma_wait3A_575, %dma_wait3A_576] : memref<16x320x2x64xi32, #tpu.memory_space<hbm>> -> memref<1x1x2x64xi32, #tpu.memory_space<hbm>>
      %dma_wait3A_578 = tpu.memref_squeeze %dma_wait3A_577 : memref<1x1x2x64xi32, #tpu.memory_space<hbm>> -> memref<2x64xi32, #tpu.memory_space<hbm>>
      %dma_wait3A_579 = arith.constant 0 : i32
      %dma_wait3A_580 = arith.constant 0 : i32
      %dma_wait3A_581 = tpu.memref_slice %arg4[%arg1, %dma_wait3A_574, %dma_wait3A_579, %dma_wait3A_580] : memref<16x320x2x64xi32, #tpu.memory_space<hbm>> -> memref<1x1x2x64xi32, #tpu.memory_space<hbm>>
      %dma_wait3A_582 = tpu.memref_squeeze %dma_wait3A_581 : memref<1x1x2x64xi32, #tpu.memory_space<hbm>> -> memref<2x64xi32, #tpu.memory_space<hbm>>
      tpu.wait_dma2 semaphore(%arg26 : memref<!tpu.dma_semaphore, #tpu.memory_space<semaphore_mem>>) src(%dma_wait3A_582 : memref<2x64xi32, #tpu.memory_space<hbm>>) dst(%arg8 : memref<2x64xi32, #tpu.memory_space<vmem>>)
      %dma_start3A_583 = arith.constant 0 : i32
      %dma_start3A_584 = arith.constant 0 : i32
      %dma_start3A_585 = tpu.memref_slice %arg8[%dma_start3A_583, %dma_start3A_584] : memref<2x64xi32, #tpu.memory_space<vmem>> -> memref<1x64xi32, #tpu.memory_space<vmem>>
      %dma_start3A_586 = tpu.memref_squeeze %dma_start3A_585 : memref<1x64xi32, #tpu.memory_space<vmem>> -> memref<64xi32, #tpu.memory_space<vmem>>
      %dma_start3A_587 = arith.constant 0 : i32
      %dma_start3A_588 = arith.constant 0 : i32
      %dma_start3A_589 = tpu.memref_slice %arg23[%dma_start3A_587, %dma_start3A_588] : memref<10240x64xf32, #tpu.memory_space<vmem_shared>> -> memref<10240x64xf32, #tpu.memory_space<vmem_shared>>
      tpu.enqueue_indirect_dma source(%dma_start3A_589 : memref<10240x64xf32, #tpu.memory_space<vmem_shared>>) target(%arg16 : memref<64x64xf32, #tpu.memory_space<vmem>>) offsets(%dma_start3A_586 : memref<64xi32, #tpu.memory_space<vmem>>) semaphore(%arg34 : memref<!tpu.dma_semaphore, #tpu.memory_space<semaphore_mem>>)
      %dma_wait3A_590 = arith.constant 0 : i32
      %dma_wait3A_591 = arith.constant 0 : i32
      %dma_wait3A_592 = arith.constant 0 : i32
      %dma_wait3A_593 = tpu.memref_slice %arg4[%arg1, %dma_wait3A_590, %dma_wait3A_591, %dma_wait3A_592] : memref<16x320x2x64xi32, #tpu.memory_space<hbm>> -> memref<1x1x2x64xi32, #tpu.memory_space<hbm>>
      %dma_wait3A_594 = tpu.memref_squeeze %dma_wait3A_593 : memref<1x1x2x64xi32, #tpu.memory_space<hbm>> -> memref<2x64xi32, #tpu.memory_space<hbm>>
      %dma_wait3A_595 = arith.constant 0 : i32
      %dma_wait3A_596 = arith.constant 0 : i32
      %dma_wait3A_597 = tpu.memref_slice %arg4[%arg1, %dma_wait3A_590, %dma_wait3A_595, %dma_wait3A_596] : memref<16x320x2x64xi32, #tpu.memory_space<hbm>> -> memref<1x1x2x64xi32, #tpu.memory_space<hbm>>
      %dma_wait3A_598 = tpu.memref_squeeze %dma_wait3A_597 : memref<1x1x2x64xi32, #tpu.memory_space<hbm>> -> memref<2x64xi32, #tpu.memory_space<hbm>>
      tpu.wait_dma2 semaphore(%arg27 : memref<!tpu.dma_semaphore, #tpu.memory_space<semaphore_mem>>) src(%dma_wait3A_598 : memref<2x64xi32, #tpu.memory_space<hbm>>) dst(%arg9 : memref<2x64xi32, #tpu.memory_space<vmem>>)
      %dma_start3A_599 = arith.constant 0 : i32
      %dma_start3A_600 = arith.constant 0 : i32
      %dma_start3A_601 = tpu.memref_slice %arg9[%dma_start3A_599, %dma_start3A_600] : memref<2x64xi32, #tpu.memory_space<vmem>> -> memref<1x64xi32, #tpu.memory_space<vmem>>
      %dma_start3A_602 = tpu.memref_squeeze %dma_start3A_601 : memref<1x64xi32, #tpu.memory_space<vmem>> -> memref<64xi32, #tpu.memory_space<vmem>>
      %dma_start3A_603 = arith.constant 0 : i32
      %dma_start3A_604 = arith.constant 0 : i32
      %dma_start3A_605 = tpu.memref_slice %arg23[%dma_start3A_603, %dma_start3A_604] : memref<10240x64xf32, #tpu.memory_space<vmem_shared>> -> memref<10240x64xf32, #tpu.memory_space<vmem_shared>>
      tpu.enqueue_indirect_dma source(%dma_start3A_605 : memref<10240x64xf32, #tpu.memory_space<vmem_shared>>) target(%arg17 : memref<64x64xf32, #tpu.memory_space<vmem>>) offsets(%dma_start3A_602 : memref<64xi32, #tpu.memory_space<vmem>>) semaphore(%arg35 : memref<!tpu.dma_semaphore, #tpu.memory_space<semaphore_mem>>)
      %dma_wait3A_606 = arith.constant 0 : i32
      %dma_wait3A_607 = arith.constant 0 : i32
      %dma_wait3A_608 = arith.constant 0 : i32
      %dma_wait3A_609 = tpu.memref_slice %arg4[%arg1, %dma_wait3A_606, %dma_wait3A_607, %dma_wait3A_608] : memref<16x320x2x64xi32, #tpu.memory_space<hbm>> -> memref<1x1x2x64xi32, #tpu.memory_space<hbm>>
      %dma_wait3A_610 = tpu.memref_squeeze %dma_wait3A_609 : memref<1x1x2x64xi32, #tpu.memory_space<hbm>> -> memref<2x64xi32, #tpu.memory_space<hbm>>
      %dma_wait3A_611 = arith.constant 0 : i32
      %dma_wait3A_612 = arith.constant 0 : i32
      %dma_wait3A_613 = tpu.memref_slice %arg4[%arg1, %dma_wait3A_606, %dma_wait3A_611, %dma_wait3A_612] : memref<16x320x2x64xi32, #tpu.memory_space<hbm>> -> memref<1x1x2x64xi32, #tpu.memory_space<hbm>>
      %dma_wait3A_614 = tpu.memref_squeeze %dma_wait3A_613 : memref<1x1x2x64xi32, #tpu.memory_space<hbm>> -> memref<2x64xi32, #tpu.memory_space<hbm>>
      tpu.wait_dma2 semaphore(%arg28 : memref<!tpu.dma_semaphore, #tpu.memory_space<semaphore_mem>>) src(%dma_wait3A_614 : memref<2x64xi32, #tpu.memory_space<hbm>>) dst(%arg10 : memref<2x64xi32, #tpu.memory_space<vmem>>)
      %dma_start3A_615 = arith.constant 0 : i32
      %dma_start3A_616 = arith.constant 0 : i32
      %dma_start3A_617 = tpu.memref_slice %arg10[%dma_start3A_615, %dma_start3A_616] : memref<2x64xi32, #tpu.memory_space<vmem>> -> memref<1x64xi32, #tpu.memory_space<vmem>>
      %dma_start3A_618 = tpu.memref_squeeze %dma_start3A_617 : memref<1x64xi32, #tpu.memory_space<vmem>> -> memref<64xi32, #tpu.memory_space<vmem>>
      %dma_start3A_619 = arith.constant 0 : i32
      %dma_start3A_620 = arith.constant 0 : i32
      %dma_start3A_621 = tpu.memref_slice %arg23[%dma_start3A_619, %dma_start3A_620] : memref<10240x64xf32, #tpu.memory_space<vmem_shared>> -> memref<10240x64xf32, #tpu.memory_space<vmem_shared>>
      tpu.enqueue_indirect_dma source(%dma_start3A_621 : memref<10240x64xf32, #tpu.memory_space<vmem_shared>>) target(%arg18 : memref<64x64xf32, #tpu.memory_space<vmem>>) offsets(%dma_start3A_618 : memref<64xi32, #tpu.memory_space<vmem>>) semaphore(%arg36 : memref<!tpu.dma_semaphore, #tpu.memory_space<semaphore_mem>>)
      %dma_wait3A_622 = arith.constant 0 : i32
      %dma_wait3A_623 = arith.constant 0 : i32
      %dma_wait3A_624 = arith.constant 0 : i32
      %dma_wait3A_625 = tpu.memref_slice %arg4[%arg1, %dma_wait3A_622, %dma_wait3A_623, %dma_wait3A_624] : memref<16x320x2x64xi32, #tpu.memory_space<hbm>> -> memref<1x1x2x64xi32, #tpu.memory_space<hbm>>
      %dma_wait3A_626 = tpu.memref_squeeze %dma_wait3A_625 : memref<1x1x2x64xi32, #tpu.memory_space<hbm>> -> memref<2x64xi32, #tpu.memory_space<hbm>>
      %dma_wait3A_627 = arith.constant 0 : i32
      %dma_wait3A_628 = arith.constant 0 : i32
      %dma_wait3A_629 = tpu.memref_slice %arg4[%arg1, %dma_wait3A_622, %dma_wait3A_627, %dma_wait3A_628] : memref<16x320x2x64xi32, #tpu.memory_space<hbm>> -> memref<1x1x2x64xi32, #tpu.memory_space<hbm>>
      %dma_wait3A_630 = tpu.memref_squeeze %dma_wait3A_629 : memref<1x1x2x64xi32, #tpu.memory_space<hbm>> -> memref<2x64xi32, #tpu.memory_space<hbm>>
      tpu.wait_dma2 semaphore(%arg29 : memref<!tpu.dma_semaphore, #tpu.memory_space<semaphore_mem>>) src(%dma_wait3A_630 : memref<2x64xi32, #tpu.memory_space<hbm>>) dst(%arg11 : memref<2x64xi32, #tpu.memory_space<vmem>>)
      %dma_start3A_631 = arith.constant 0 : i32
      %dma_start3A_632 = arith.constant 0 : i32
      %dma_start3A_633 = tpu.memref_slice %arg11[%dma_start3A_631, %dma_start3A_632] : memref<2x64xi32, #tpu.memory_space<vmem>> -> memref<1x64xi32, #tpu.memory_space<vmem>>
      %dma_start3A_634 = tpu.memref_squeeze %dma_start3A_633 : memref<1x64xi32, #tpu.memory_space<vmem>> -> memref<64xi32, #tpu.memory_space<vmem>>
      %dma_start3A_635 = arith.constant 0 : i32
      %dma_start3A_636 = arith.constant 0 : i32
      %dma_start3A_637 = tpu.memref_slice %arg23[%dma_start3A_635, %dma_start3A_636] : memref<10240x64xf32, #tpu.memory_space<vmem_shared>> -> memref<10240x64xf32, #tpu.memory_space<vmem_shared>>
      tpu.enqueue_indirect_dma source(%dma_start3A_637 : memref<10240x64xf32, #tpu.memory_space<vmem_shared>>) target(%arg19 : memref<64x64xf32, #tpu.memory_space<vmem>>) offsets(%dma_start3A_634 : memref<64xi32, #tpu.memory_space<vmem>>) semaphore(%arg37 : memref<!tpu.dma_semaphore, #tpu.memory_space<semaphore_mem>>)
      %dma_wait3A_638 = arith.constant 0 : i32
      %dma_wait3A_639 = arith.constant 0 : i32
      %dma_wait3A_640 = arith.constant 0 : i32
      %dma_wait3A_641 = tpu.memref_slice %arg4[%arg1, %dma_wait3A_638, %dma_wait3A_639, %dma_wait3A_640] : memref<16x320x2x64xi32, #tpu.memory_space<hbm>> -> memref<1x1x2x64xi32, #tpu.memory_space<hbm>>
      %dma_wait3A_642 = tpu.memref_squeeze %dma_wait3A_641 : memref<1x1x2x64xi32, #tpu.memory_space<hbm>> -> memref<2x64xi32, #tpu.memory_space<hbm>>
      %dma_wait3A_643 = arith.constant 0 : i32
      %dma_wait3A_644 = arith.constant 0 : i32
      %dma_wait3A_645 = tpu.memref_slice %arg4[%arg1, %dma_wait3A_638, %dma_wait3A_643, %dma_wait3A_644] : memref<16x320x2x64xi32, #tpu.memory_space<hbm>> -> memref<1x1x2x64xi32, #tpu.memory_space<hbm>>
      %dma_wait3A_646 = tpu.memref_squeeze %dma_wait3A_645 : memref<1x1x2x64xi32, #tpu.memory_space<hbm>> -> memref<2x64xi32, #tpu.memory_space<hbm>>
      tpu.wait_dma2 semaphore(%arg30 : memref<!tpu.dma_semaphore, #tpu.memory_space<semaphore_mem>>) src(%dma_wait3A_646 : memref<2x64xi32, #tpu.memory_space<hbm>>) dst(%arg12 : memref<2x64xi32, #tpu.memory_space<vmem>>)
      %dma_start3A_647 = arith.constant 0 : i32
      %dma_start3A_648 = arith.constant 0 : i32
      %dma_start3A_649 = tpu.memref_slice %arg12[%dma_start3A_647, %dma_start3A_648] : memref<2x64xi32, #tpu.memory_space<vmem>> -> memref<1x64xi32, #tpu.memory_space<vmem>>
      %dma_start3A_650 = tpu.memref_squeeze %dma_start3A_649 : memref<1x64xi32, #tpu.memory_space<vmem>> -> memref<64xi32, #tpu.memory_space<vmem>>
      %dma_start3A_651 = arith.constant 0 : i32
      %dma_start3A_652 = arith.constant 0 : i32
      %dma_start3A_653 = tpu.memref_slice %arg23[%dma_start3A_651, %dma_start3A_652] : memref<10240x64xf32, #tpu.memory_space<vmem_shared>> -> memref<10240x64xf32, #tpu.memory_space<vmem_shared>>
      tpu.enqueue_indirect_dma source(%dma_start3A_653 : memref<10240x64xf32, #tpu.memory_space<vmem_shared>>) target(%arg20 : memref<64x64xf32, #tpu.memory_space<vmem>>) offsets(%dma_start3A_650 : memref<64xi32, #tpu.memory_space<vmem>>) semaphore(%arg38 : memref<!tpu.dma_semaphore, #tpu.memory_space<semaphore_mem>>)
      %dma_wait3A_654 = arith.constant 0 : i32
      %dma_wait3A_655 = arith.constant 0 : i32
      %dma_wait3A_656 = arith.constant 0 : i32
      %dma_wait3A_657 = tpu.memref_slice %arg4[%arg1, %dma_wait3A_654, %dma_wait3A_655, %dma_wait3A_656] : memref<16x320x2x64xi32, #tpu.memory_space<hbm>> -> memref<1x1x2x64xi32, #tpu.memory_space<hbm>>
      %dma_wait3A_658 = tpu.memref_squeeze %dma_wait3A_657 : memref<1x1x2x64xi32, #tpu.memory_space<hbm>> -> memref<2x64xi32, #tpu.memory_space<hbm>>
      %dma_wait3A_659 = arith.constant 0 : i32
      %dma_wait3A_660 = arith.constant 0 : i32
      %dma_wait3A_661 = tpu.memref_slice %arg4[%arg1, %dma_wait3A_654, %dma_wait3A_659, %dma_wait3A_660] : memref<16x320x2x64xi32, #tpu.memory_space<hbm>> -> memref<1x1x2x64xi32, #tpu.memory_space<hbm>>
      %dma_wait3A_662 = tpu.memref_squeeze %dma_wait3A_661 : memref<1x1x2x64xi32, #tpu.memory_space<hbm>> -> memref<2x64xi32, #tpu.memory_space<hbm>>
      tpu.wait_dma2 semaphore(%arg31 : memref<!tpu.dma_semaphore, #tpu.memory_space<semaphore_mem>>) src(%dma_wait3A_662 : memref<2x64xi32, #tpu.memory_space<hbm>>) dst(%arg13 : memref<2x64xi32, #tpu.memory_space<vmem>>)
      %dma_start3A_663 = arith.constant 0 : i32
      %dma_start3A_664 = arith.constant 0 : i32
      %dma_start3A_665 = tpu.memref_slice %arg13[%dma_start3A_663, %dma_start3A_664] : memref<2x64xi32, #tpu.memory_space<vmem>> -> memref<1x64xi32, #tpu.memory_space<vmem>>
      %dma_start3A_666 = tpu.memref_squeeze %dma_start3A_665 : memref<1x64xi32, #tpu.memory_space<vmem>> -> memref<64xi32, #tpu.memory_space<vmem>>
      %dma_start3A_667 = arith.constant 0 : i32
      %dma_start3A_668 = arith.constant 0 : i32
      %dma_start3A_669 = tpu.memref_slice %arg23[%dma_start3A_667, %dma_start3A_668] : memref<10240x64xf32, #tpu.memory_space<vmem_shared>> -> memref<10240x64xf32, #tpu.memory_space<vmem_shared>>
      tpu.enqueue_indirect_dma source(%dma_start3A_669 : memref<10240x64xf32, #tpu.memory_space<vmem_shared>>) target(%arg21 : memref<64x64xf32, #tpu.memory_space<vmem>>) offsets(%dma_start3A_666 : memref<64xi32, #tpu.memory_space<vmem>>) semaphore(%arg39 : memref<!tpu.dma_semaphore, #tpu.memory_space<semaphore_mem>>)
      %dma_wait3A_670 = arith.constant 0 : i32
      %dma_wait3A_671 = arith.constant 0 : i32
      %dma_wait3A_672 = arith.constant 0 : i32
      %dma_wait3A_673 = tpu.memref_slice %arg4[%arg1, %dma_wait3A_670, %dma_wait3A_671, %dma_wait3A_672] : memref<16x320x2x64xi32, #tpu.memory_space<hbm>> -> memref<1x1x2x64xi32, #tpu.memory_space<hbm>>
      %dma_wait3A_674 = tpu.memref_squeeze %dma_wait3A_673 : memref<1x1x2x64xi32, #tpu.memory_space<hbm>> -> memref<2x64xi32, #tpu.memory_space<hbm>>
      %dma_wait3A_675 = arith.constant 0 : i32
      %dma_wait3A_676 = arith.constant 0 : i32
      %dma_wait3A_677 = tpu.memref_slice %arg4[%arg1, %dma_wait3A_670, %dma_wait3A_675, %dma_wait3A_676] : memref<16x320x2x64xi32, #tpu.memory_space<hbm>> -> memref<1x1x2x64xi32, #tpu.memory_space<hbm>>
      %dma_wait3A_678 = tpu.memref_squeeze %dma_wait3A_677 : memref<1x1x2x64xi32, #tpu.memory_space<hbm>> -> memref<2x64xi32, #tpu.memory_space<hbm>>
      tpu.wait_dma2 semaphore(%arg32 : memref<!tpu.dma_semaphore, #tpu.memory_space<semaphore_mem>>) src(%dma_wait3A_678 : memref<2x64xi32, #tpu.memory_space<hbm>>) dst(%arg14 : memref<2x64xi32, #tpu.memory_space<vmem>>)
      %dma_start3A_679 = arith.constant 0 : i32
      %dma_start3A_680 = arith.constant 0 : i32
      %dma_start3A_681 = tpu.memref_slice %arg14[%dma_start3A_679, %dma_start3A_680] : memref<2x64xi32, #tpu.memory_space<vmem>> -> memref<1x64xi32, #tpu.memory_space<vmem>>
      %dma_start3A_682 = tpu.memref_squeeze %dma_start3A_681 : memref<1x64xi32, #tpu.memory_space<vmem>> -> memref<64xi32, #tpu.memory_space<vmem>>
      %dma_start3A_683 = arith.constant 0 : i32
      %dma_start3A_684 = arith.constant 0 : i32
      %dma_start3A_685 = tpu.memref_slice %arg23[%dma_start3A_683, %dma_start3A_684] : memref<10240x64xf32, #tpu.memory_space<vmem_shared>> -> memref<10240x64xf32, #tpu.memory_space<vmem_shared>>
      tpu.enqueue_indirect_dma source(%dma_start3A_685 : memref<10240x64xf32, #tpu.memory_space<vmem_shared>>) target(%arg22 : memref<64x64xf32, #tpu.memory_space<vmem>>) offsets(%dma_start3A_682 : memref<64xi32, #tpu.memory_space<vmem>>) semaphore(%arg40 : memref<!tpu.dma_semaphore, #tpu.memory_space<semaphore_mem>>)
    }
    %scan3A_217 = arith.constant 40 : i32
    %dma_wait3A_218 = arith.constant 0 : i32
    %dma_wait3A_219 = arith.constant 0 : i32
    %dma_wait3A_220 = tpu.memref_slice %arg7[%dma_wait3A_218, %dma_wait3A_219] : memref<2x64xi32, #tpu.memory_space<vmem>> -> memref<1x64xi32, #tpu.memory_space<vmem>>
    %dma_wait3A_221 = tpu.memref_squeeze %dma_wait3A_220 : memref<1x64xi32, #tpu.memory_space<vmem>> -> memref<64xi32, #tpu.memory_space<vmem>>
    %dma_wait3A_222 = arith.constant 0 : i32
    %dma_wait3A_223 = arith.constant 0 : i32
    %dma_wait3A_224 = tpu.memref_slice %arg23[%dma_wait3A_222, %dma_wait3A_223] : memref<10240x64xf32, #tpu.memory_space<vmem_shared>> -> memref<10240x64xf32, #tpu.memory_space<vmem_shared>>
    tpu.wait_indirect_dma semaphore(%arg33 : memref<!tpu.dma_semaphore, #tpu.memory_space<semaphore_mem>>) src(%dma_wait3A_224 : memref<10240x64xf32, #tpu.memory_space<vmem_shared>>) dst(%arg15 : memref<64x64xf32, #tpu.memory_space<vmem>>)
    %dma_wait3A_225 = arith.constant 0 : i32
    %dma_wait3A_226 = arith.constant 0 : i32
    %dma_wait3A_227 = tpu.memref_slice %arg8[%dma_wait3A_225, %dma_wait3A_226] : memref<2x64xi32, #tpu.memory_space<vmem>> -> memref<1x64xi32, #tpu.memory_space<vmem>>
    %dma_wait3A_228 = tpu.memref_squeeze %dma_wait3A_227 : memref<1x64xi32, #tpu.memory_space<vmem>> -> memref<64xi32, #tpu.memory_space<vmem>>
    %dma_wait3A_229 = arith.constant 0 : i32
    %dma_wait3A_230 = arith.constant 0 : i32
    %dma_wait3A_231 = tpu.memref_slice %arg23[%dma_wait3A_229, %dma_wait3A_230] : memref<10240x64xf32, #tpu.memory_space<vmem_shared>> -> memref<10240x64xf32, #tpu.memory_space<vmem_shared>>
    tpu.wait_indirect_dma semaphore(%arg34 : memref<!tpu.dma_semaphore, #tpu.memory_space<semaphore_mem>>) src(%dma_wait3A_231 : memref<10240x64xf32, #tpu.memory_space<vmem_shared>>) dst(%arg16 : memref<64x64xf32, #tpu.memory_space<vmem>>)
    %dma_wait3A_232 = arith.constant 0 : i32
    %dma_wait3A_233 = arith.constant 0 : i32
    %dma_wait3A_234 = tpu.memref_slice %arg9[%dma_wait3A_232, %dma_wait3A_233] : memref<2x64xi32, #tpu.memory_space<vmem>> -> memref<1x64xi32, #tpu.memory_space<vmem>>
    %dma_wait3A_235 = tpu.memref_squeeze %dma_wait3A_234 : memref<1x64xi32, #tpu.memory_space<vmem>> -> memref<64xi32, #tpu.memory_space<vmem>>
    %dma_wait3A_236 = arith.constant 0 : i32
    %dma_wait3A_237 = arith.constant 0 : i32
    %dma_wait3A_238 = tpu.memref_slice %arg23[%dma_wait3A_236, %dma_wait3A_237] : memref<10240x64xf32, #tpu.memory_space<vmem_shared>> -> memref<10240x64xf32, #tpu.memory_space<vmem_shared>>
    tpu.wait_indirect_dma semaphore(%arg35 : memref<!tpu.dma_semaphore, #tpu.memory_space<semaphore_mem>>) src(%dma_wait3A_238 : memref<10240x64xf32, #tpu.memory_space<vmem_shared>>) dst(%arg17 : memref<64x64xf32, #tpu.memory_space<vmem>>)
    %dma_wait3A_239 = arith.constant 0 : i32
    %dma_wait3A_240 = arith.constant 0 : i32
    %dma_wait3A_241 = tpu.memref_slice %arg10[%dma_wait3A_239, %dma_wait3A_240] : memref<2x64xi32, #tpu.memory_space<vmem>> -> memref<1x64xi32, #tpu.memory_space<vmem>>
    %dma_wait3A_242 = tpu.memref_squeeze %dma_wait3A_241 : memref<1x64xi32, #tpu.memory_space<vmem>> -> memref<64xi32, #tpu.memory_space<vmem>>
    %dma_wait3A_243 = arith.constant 0 : i32
    %dma_wait3A_244 = arith.constant 0 : i32
    %dma_wait3A_245 = tpu.memref_slice %arg23[%dma_wait3A_243, %dma_wait3A_244] : memref<10240x64xf32, #tpu.memory_space<vmem_shared>> -> memref<10240x64xf32, #tpu.memory_space<vmem_shared>>
    tpu.wait_indirect_dma semaphore(%arg36 : memref<!tpu.dma_semaphore, #tpu.memory_space<semaphore_mem>>) src(%dma_wait3A_245 : memref<10240x64xf32, #tpu.memory_space<vmem_shared>>) dst(%arg18 : memref<64x64xf32, #tpu.memory_space<vmem>>)
    %dma_wait3A_246 = arith.constant 0 : i32
    %dma_wait3A_247 = arith.constant 0 : i32
    %dma_wait3A_248 = tpu.memref_slice %arg11[%dma_wait3A_246, %dma_wait3A_247] : memref<2x64xi32, #tpu.memory_space<vmem>> -> memref<1x64xi32, #tpu.memory_space<vmem>>
    %dma_wait3A_249 = tpu.memref_squeeze %dma_wait3A_248 : memref<1x64xi32, #tpu.memory_space<vmem>> -> memref<64xi32, #tpu.memory_space<vmem>>
    %dma_wait3A_250 = arith.constant 0 : i32
    %dma_wait3A_251 = arith.constant 0 : i32
    %dma_wait3A_252 = tpu.memref_slice %arg23[%dma_wait3A_250, %dma_wait3A_251] : memref<10240x64xf32, #tpu.memory_space<vmem_shared>> -> memref<10240x64xf32, #tpu.memory_space<vmem_shared>>
    tpu.wait_indirect_dma semaphore(%arg37 : memref<!tpu.dma_semaphore, #tpu.memory_space<semaphore_mem>>) src(%dma_wait3A_252 : memref<10240x64xf32, #tpu.memory_space<vmem_shared>>) dst(%arg19 : memref<64x64xf32, #tpu.memory_space<vmem>>)
    %dma_wait3A_253 = arith.constant 0 : i32
    %dma_wait3A_254 = arith.constant 0 : i32
    %dma_wait3A_255 = tpu.memref_slice %arg12[%dma_wait3A_253, %dma_wait3A_254] : memref<2x64xi32, #tpu.memory_space<vmem>> -> memref<1x64xi32, #tpu.memory_space<vmem>>
    %dma_wait3A_256 = tpu.memref_squeeze %dma_wait3A_255 : memref<1x64xi32, #tpu.memory_space<vmem>> -> memref<64xi32, #tpu.memory_space<vmem>>
    %dma_wait3A_257 = arith.constant 0 : i32
    %dma_wait3A_258 = arith.constant 0 : i32
    %dma_wait3A_259 = tpu.memref_slice %arg23[%dma_wait3A_257, %dma_wait3A_258] : memref<10240x64xf32, #tpu.memory_space<vmem_shared>> -> memref<10240x64xf32, #tpu.memory_space<vmem_shared>>
    tpu.wait_indirect_dma semaphore(%arg38 : memref<!tpu.dma_semaphore, #tpu.memory_space<semaphore_mem>>) src(%dma_wait3A_259 : memref<10240x64xf32, #tpu.memory_space<vmem_shared>>) dst(%arg20 : memref<64x64xf32, #tpu.memory_space<vmem>>)
    %dma_wait3A_260 = arith.constant 0 : i32
    %dma_wait3A_261 = arith.constant 0 : i32
    %dma_wait3A_262 = tpu.memref_slice %arg13[%dma_wait3A_260, %dma_wait3A_261] : memref<2x64xi32, #tpu.memory_space<vmem>> -> memref<1x64xi32, #tpu.memory_space<vmem>>
    %dma_wait3A_263 = tpu.memref_squeeze %dma_wait3A_262 : memref<1x64xi32, #tpu.memory_space<vmem>> -> memref<64xi32, #tpu.memory_space<vmem>>
    %dma_wait3A_264 = arith.constant 0 : i32
    %dma_wait3A_265 = arith.constant 0 : i32
    %dma_wait3A_266 = tpu.memref_slice %arg23[%dma_wait3A_264, %dma_wait3A_265] : memref<10240x64xf32, #tpu.memory_space<vmem_shared>> -> memref<10240x64xf32, #tpu.memory_space<vmem_shared>>
    tpu.wait_indirect_dma semaphore(%arg39 : memref<!tpu.dma_semaphore, #tpu.memory_space<semaphore_mem>>) src(%dma_wait3A_266 : memref<10240x64xf32, #tpu.memory_space<vmem_shared>>) dst(%arg21 : memref<64x64xf32, #tpu.memory_space<vmem>>)
    %dma_wait3A_267 = arith.constant 0 : i32
    %dma_wait3A_268 = arith.constant 0 : i32
    %dma_wait3A_269 = tpu.memref_slice %arg14[%dma_wait3A_267, %dma_wait3A_268] : memref<2x64xi32, #tpu.memory_space<vmem>> -> memref<1x64xi32, #tpu.memory_space<vmem>>
    %dma_wait3A_270 = tpu.memref_squeeze %dma_wait3A_269 : memref<1x64xi32, #tpu.memory_space<vmem>> -> memref<64xi32, #tpu.memory_space<vmem>>
    %dma_wait3A_271 = arith.constant 0 : i32
    %dma_wait3A_272 = arith.constant 0 : i32
    %dma_wait3A_273 = tpu.memref_slice %arg23[%dma_wait3A_271, %dma_wait3A_272] : memref<10240x64xf32, #tpu.memory_space<vmem_shared>> -> memref<10240x64xf32, #tpu.memory_space<vmem_shared>>
    tpu.wait_indirect_dma semaphore(%arg40 : memref<!tpu.dma_semaphore, #tpu.memory_space<semaphore_mem>>) src(%dma_wait3A_273 : memref<10240x64xf32, #tpu.memory_space<vmem_shared>>) dst(%arg22 : memref<64x64xf32, #tpu.memory_space<vmem>>)
    %barrier3A_274 = arith.constant 0 : index
    tpu.barrier barrier_id(%barrier3A_274)
    %eq3A_275 = arith.constant 0 : i32
    %eq3A_276 = arith.cmpi eq, %arg0, %eq3A_275 : i32
    %convert_element_type3A_277 = arith.extui %eq3A_276 : i1 to i32
    %cond3A_278 = arith.constant 0 : i32
    %cond3A_279 = arith.cmpi ne, %convert_element_type3A_277, %cond3A_278 : i32
    scf.if %cond3A_279 {
      "tpu.region"() ({
        %run_scoped3A = tpu.sem_alloc : memref<!tpu.dma_semaphore, #tpu.memory_space<semaphore_mem>>
        %dma_start3A_285 = arith.constant 0 : i32
        %dma_start3A_286 = tpu.memref_slice %arg5[%mul3A_0, %dma_start3A_285] : memref<10240x64xf32, #tpu.memory_space<hbm>> -> memref<640x64xf32, #tpu.memory_space<hbm>>
        %dma_start3A_287 = arith.constant 0 : i32
        %dma_start3A_288 = tpu.memref_slice %arg24[%mul3A_0, %dma_start3A_287] : memref<10240x64xf32, #tpu.memory_space<vmem_shared>> -> memref<640x64xf32, #tpu.memory_space<vmem_shared>>
        tpu.enqueue_dma source(%dma_start3A_288 : memref<640x64xf32, #tpu.memory_space<vmem_shared>>) target(%dma_start3A_286 : memref<640x64xf32, #tpu.memory_space<hbm>>) target_semaphore(%run_scoped3A : memref<!tpu.dma_semaphore, #tpu.memory_space<semaphore_mem>>)
        %dma_wait3A_289 = arith.constant 0 : i32
        %dma_wait3A_290 = tpu.memref_slice %arg5[%mul3A_0, %dma_wait3A_289] : memref<10240x64xf32, #tpu.memory_space<hbm>> -> memref<640x64xf32, #tpu.memory_space<hbm>>
        %dma_wait3A_291 = arith.constant 0 : i32
        %dma_wait3A_292 = tpu.memref_slice %arg24[%mul3A_0, %dma_wait3A_291] : memref<10240x64xf32, #tpu.memory_space<vmem_shared>> -> memref<640x64xf32, #tpu.memory_space<vmem_shared>>
        tpu.wait_dma2 semaphore(%run_scoped3A : memref<!tpu.dma_semaphore, #tpu.memory_space<semaphore_mem>>) src(%dma_wait3A_292 : memref<640x64xf32, #tpu.memory_space<vmem_shared>>) dst(%dma_wait3A_290 : memref<640x64xf32, #tpu.memory_space<hbm>>)
        tpu.yield
      }) : () -> ()
    } else {
    }
    %ne3A_280 = arith.constant 0 : i32
    %ne3A_281 = arith.cmpi ne, %arg0, %ne3A_280 : i32
    %convert_element_type3A_282 = arith.extui %ne3A_281 : i1 to i32
    %cond3A_283 = arith.constant 0 : i32
    %cond3A_284 = arith.cmpi ne, %convert_element_type3A_282, %cond3A_283 : i32
    scf.if %cond3A_284 {
      "tpu.region"() ({
        %run_scoped3A = tpu.sem_alloc : memref<!tpu.dma_semaphore, #tpu.memory_space<semaphore_mem>>
        %dma_start3A_285 = arith.constant 0 : i32
        %dma_start3A_286 = tpu.memref_slice %arg6[%mul3A_0, %dma_start3A_285] : memref<10240x64xf32, #tpu.memory_space<hbm>> -> memref<640x64xf32, #tpu.memory_space<hbm>>
        %dma_start3A_287 = arith.constant 0 : i32
        %dma_start3A_288 = tpu.memref_slice %arg24[%mul3A_0, %dma_start3A_287] : memref<10240x64xf32, #tpu.memory_space<vmem_shared>> -> memref<640x64xf32, #tpu.memory_space<vmem_shared>>
        tpu.enqueue_dma source(%dma_start3A_288 : memref<640x64xf32, #tpu.memory_space<vmem_shared>>) target(%dma_start3A_286 : memref<640x64xf32, #tpu.memory_space<hbm>>) target_semaphore(%run_scoped3A : memref<!tpu.dma_semaphore, #tpu.memory_space<semaphore_mem>>)
        %dma_wait3A_289 = arith.constant 0 : i32
        %dma_wait3A_290 = tpu.memref_slice %arg6[%mul3A_0, %dma_wait3A_289] : memref<10240x64xf32, #tpu.memory_space<hbm>> -> memref<640x64xf32, #tpu.memory_space<hbm>>
        %dma_wait3A_291 = arith.constant 0 : i32
        %dma_wait3A_292 = tpu.memref_slice %arg24[%mul3A_0, %dma_wait3A_291] : memref<10240x64xf32, #tpu.memory_space<vmem_shared>> -> memref<640x64xf32, #tpu.memory_space<vmem_shared>>
        tpu.wait_dma2 semaphore(%run_scoped3A : memref<!tpu.dma_semaphore, #tpu.memory_space<semaphore_mem>>) src(%dma_wait3A_292 : memref<640x64xf32, #tpu.memory_space<vmem_shared>>) dst(%dma_wait3A_290 : memref<640x64xf32, #tpu.memory_space<hbm>>)
        tpu.yield
      }) : () -> ()
    } else {
    }
    return
  }
}

#map = affine_map<(d0, d1) -> (0, 0)>
#map1 = affine_map<(d0, d1) -> (0, 0, 0, 0)>
module attributes {stable_mosaic.version = 14 : i64} {
  func.func @_agg_kernel(%arg0: i32, %arg1: i32, %arg2: memref<10240x64xf32, #tpu.memory_space<hbm>>, %arg3: memref<10240x64xf32, #tpu.memory_space<hbm>>, %arg4: memref<16x320x2x64xi32, #tpu.memory_space<hbm>>, %arg5: memref<10240x64xf32, #tpu.memory_space<hbm>>, %arg6: memref<10240x64xf32, #tpu.memory_space<hbm>>, %arg7: memref<2x64xi32, #tpu.memory_space<vmem>>, %arg8: memref<2x64xi32, #tpu.memory_space<vmem>>, %arg9: memref<2x64xi32, #tpu.memory_space<vmem>>, %arg10: memref<2x64xi32, #tpu.memory_space<vmem>>, %arg11: memref<2x64xi32, #tpu.memory_space<vmem>>, %arg12: memref<2x64xi32, #tpu.memory_space<vmem>>, %arg13: memref<2x64xi32, #tpu.memory_space<vmem>>, %arg14: memref<2x64xi32, #tpu.memory_space<vmem>>, %arg15: memref<64x64xf32, #tpu.memory_space<vmem>>, %arg16: memref<64x64xf32, #tpu.memory_space<vmem>>, %arg17: memref<64x64xf32, #tpu.memory_space<vmem>>, %arg18: memref<64x64xf32, #tpu.memory_space<vmem>>, %arg19: memref<64x64xf32, #tpu.memory_space<vmem>>, %arg20: memref<64x64xf32, #tpu.memory_space<vmem>>, %arg21: memref<64x64xf32, #tpu.memory_space<vmem>>, %arg22: memref<64x64xf32, #tpu.memory_space<vmem>>, %arg23: memref<10240x64xf32, #tpu.memory_space<vmem_shared>>, %arg24: memref<10240x64xf32, #tpu.memory_space<vmem_shared>>, %arg25: memref<!tpu.dma_semaphore, #tpu.memory_space<semaphore_mem>>, %arg26: memref<!tpu.dma_semaphore, #tpu.memory_space<semaphore_mem>>, %arg27: memref<!tpu.dma_semaphore, #tpu.memory_space<semaphore_mem>>, %arg28: memref<!tpu.dma_semaphore, #tpu.memory_space<semaphore_mem>>, %arg29: memref<!tpu.dma_semaphore, #tpu.memory_space<semaphore_mem>>, %arg30: memref<!tpu.dma_semaphore, #tpu.memory_space<semaphore_mem>>, %arg31: memref<!tpu.dma_semaphore, #tpu.memory_space<semaphore_mem>>, %arg32: memref<!tpu.dma_semaphore, #tpu.memory_space<semaphore_mem>>, %arg33: memref<!tpu.dma_semaphore, #tpu.memory_space<semaphore_mem>>, %arg34: memref<!tpu.dma_semaphore, #tpu.memory_space<semaphore_mem>>, %arg35: memref<!tpu.dma_semaphore, #tpu.memory_space<semaphore_mem>>, %arg36: memref<!tpu.dma_semaphore, #tpu.memory_space<semaphore_mem>>, %arg37: memref<!tpu.dma_semaphore, #tpu.memory_space<semaphore_mem>>, %arg38: memref<!tpu.dma_semaphore, #tpu.memory_space<semaphore_mem>>, %arg39: memref<!tpu.dma_semaphore, #tpu.memory_space<semaphore_mem>>, %arg40: memref<!tpu.dma_semaphore, #tpu.memory_space<semaphore_mem>>, %arg41: memref<!tpu.dma_semaphore, #tpu.memory_space<semaphore_mem>>, %arg42: memref<!tpu.dma_semaphore, #tpu.memory_space<semaphore_mem>>, %arg43: memref<!tpu.dma_semaphore, #tpu.memory_space<semaphore_mem>>, %arg44: memref<!tpu.dma_semaphore, #tpu.memory_space<semaphore_mem>>, %arg45: memref<!tpu.dma_semaphore, #tpu.memory_space<semaphore_mem>>, %arg46: memref<!tpu.dma_semaphore, #tpu.memory_space<semaphore_mem>>, %arg47: memref<!tpu.dma_semaphore, #tpu.memory_space<semaphore_mem>>, %arg48: memref<!tpu.dma_semaphore, #tpu.memory_space<semaphore_mem>>) attributes {dimension_semantics = [#tpu.dimension_semantics<core_parallel>, #tpu.dimension_semantics<subcore_parallel>], iteration_bounds = array<i64: 2, 16>, scalar_prefetch = 0 : i64, scratch_operands = 42 : i64, tpu.core_type = #tpu.core_type<sc_vector_subcore>, window_params = [{transform_indices = #map}, {transform_indices = #map}, {transform_indices = #map1}, {transform_indices = #map}, {transform_indices = #map}]} {
    %mul3A = arith.constant 640 : i32
    %mul3A_0 = arith.muli %arg1, %mul3A : i32
    %eq3A = arith.constant 0 : i32
    %eq3A_1 = arith.cmpi eq, %arg0, %eq3A : i32
    %convert_element_type3A = arith.extui %eq3A_1 : i1 to i32
    %cond3A = arith.constant 0 : i32
    %cond3A_2 = arith.cmpi ne, %convert_element_type3A, %cond3A : i32
    scf.if %cond3A_2 {
      "tpu.region"() ({
        %run_scoped3A = tpu.sem_alloc : memref<!tpu.dma_semaphore, #tpu.memory_space<semaphore_mem>>
        %dma_start3A_285 = arith.constant 0 : i32
        %dma_start3A_286 = tpu.memref_slice %arg23[%mul3A_0, %dma_start3A_285] : memref<10240x64xf32, #tpu.memory_space<vmem_shared>> -> memref<640x64xf32, #tpu.memory_space<vmem_shared>>
        %dma_start3A_287 = arith.constant 0 : i32
        %dma_start3A_288 = tpu.memref_slice %arg2[%mul3A_0, %dma_start3A_287] : memref<10240x64xf32, #tpu.memory_space<hbm>> -> memref<640x64xf32, #tpu.memory_space<hbm>>
        tpu.enqueue_dma source(%dma_start3A_288 : memref<640x64xf32, #tpu.memory_space<hbm>>) target(%dma_start3A_286 : memref<640x64xf32, #tpu.memory_space<vmem_shared>>) target_semaphore(%run_scoped3A : memref<!tpu.dma_semaphore, #tpu.memory_space<semaphore_mem>>)
        %dma_wait3A_289 = arith.constant 0 : i32
        %dma_wait3A_290 = tpu.memref_slice %arg23[%mul3A_0, %dma_wait3A_289] : memref<10240x64xf32, #tpu.memory_space<vmem_shared>> -> memref<640x64xf32, #tpu.memory_space<vmem_shared>>
        %dma_wait3A_291 = arith.constant 0 : i32
        %dma_wait3A_292 = tpu.memref_slice %arg2[%mul3A_0, %dma_wait3A_291] : memref<10240x64xf32, #tpu.memory_space<hbm>> -> memref<640x64xf32, #tpu.memory_space<hbm>>
        tpu.wait_dma2 semaphore(%run_scoped3A : memref<!tpu.dma_semaphore, #tpu.memory_space<semaphore_mem>>) src(%dma_wait3A_292 : memref<640x64xf32, #tpu.memory_space<hbm>>) dst(%dma_wait3A_290 : memref<640x64xf32, #tpu.memory_space<vmem_shared>>)
        tpu.yield
      }) : () -> ()
      "tpu.region"() ({
        %run_scoped3A = tpu.sem_alloc : memref<!tpu.dma_semaphore, #tpu.memory_space<semaphore_mem>>
        %dma_start3A_285 = arith.constant 0 : i32
        %dma_start3A_286 = tpu.memref_slice %arg24[%mul3A_0, %dma_start3A_285] : memref<10240x64xf32, #tpu.memory_space<vmem_shared>> -> memref<640x64xf32, #tpu.memory_space<vmem_shared>>
        %dma_start3A_287 = arith.constant 0 : i32
        %dma_start3A_288 = tpu.memref_slice %arg2[%mul3A_0, %dma_start3A_287] : memref<10240x64xf32, #tpu.memory_space<hbm>> -> memref<640x64xf32, #tpu.memory_space<hbm>>
        tpu.enqueue_dma source(%dma_start3A_288 : memref<640x64xf32, #tpu.memory_space<hbm>>) target(%dma_start3A_286 : memref<640x64xf32, #tpu.memory_space<vmem_shared>>) target_semaphore(%run_scoped3A : memref<!tpu.dma_semaphore, #tpu.memory_space<semaphore_mem>>)
        %dma_wait3A_289 = arith.constant 0 : i32
        %dma_wait3A_290 = tpu.memref_slice %arg24[%mul3A_0, %dma_wait3A_289] : memref<10240x64xf32, #tpu.memory_space<vmem_shared>> -> memref<640x64xf32, #tpu.memory_space<vmem_shared>>
        %dma_wait3A_291 = arith.constant 0 : i32
        %dma_wait3A_292 = tpu.memref_slice %arg2[%mul3A_0, %dma_wait3A_291] : memref<10240x64xf32, #tpu.memory_space<hbm>> -> memref<640x64xf32, #tpu.memory_space<hbm>>
        tpu.wait_dma2 semaphore(%run_scoped3A : memref<!tpu.dma_semaphore, #tpu.memory_space<semaphore_mem>>) src(%dma_wait3A_292 : memref<640x64xf32, #tpu.memory_space<hbm>>) dst(%dma_wait3A_290 : memref<640x64xf32, #tpu.memory_space<vmem_shared>>)
        tpu.yield
      }) : () -> ()
    } else {
    }
    %ne3A = arith.constant 0 : i32
    %ne3A_3 = arith.cmpi ne, %arg0, %ne3A : i32
    %convert_element_type3A_4 = arith.extui %ne3A_3 : i1 to i32
    %cond3A_5 = arith.constant 0 : i32
    %cond3A_6 = arith.cmpi ne, %convert_element_type3A_4, %cond3A_5 : i32
    scf.if %cond3A_6 {
      "tpu.region"() ({
        %run_scoped3A = tpu.sem_alloc : memref<!tpu.dma_semaphore, #tpu.memory_space<semaphore_mem>>
        %dma_start3A_285 = arith.constant 0 : i32
        %dma_start3A_286 = tpu.memref_slice %arg23[%mul3A_0, %dma_start3A_285] : memref<10240x64xf32, #tpu.memory_space<vmem_shared>> -> memref<640x64xf32, #tpu.memory_space<vmem_shared>>
        %dma_start3A_287 = arith.constant 0 : i32
        %dma_start3A_288 = tpu.memref_slice %arg3[%mul3A_0, %dma_start3A_287] : memref<10240x64xf32, #tpu.memory_space<hbm>> -> memref<640x64xf32, #tpu.memory_space<hbm>>
        tpu.enqueue_dma source(%dma_start3A_288 : memref<640x64xf32, #tpu.memory_space<hbm>>) target(%dma_start3A_286 : memref<640x64xf32, #tpu.memory_space<vmem_shared>>) target_semaphore(%run_scoped3A : memref<!tpu.dma_semaphore, #tpu.memory_space<semaphore_mem>>)
        %dma_wait3A_289 = arith.constant 0 : i32
        %dma_wait3A_290 = tpu.memref_slice %arg23[%mul3A_0, %dma_wait3A_289] : memref<10240x64xf32, #tpu.memory_space<vmem_shared>> -> memref<640x64xf32, #tpu.memory_space<vmem_shared>>
        %dma_wait3A_291 = arith.constant 0 : i32
        %dma_wait3A_292 = tpu.memref_slice %arg3[%mul3A_0, %dma_wait3A_291] : memref<10240x64xf32, #tpu.memory_space<hbm>> -> memref<640x64xf32, #tpu.memory_space<hbm>>
        tpu.wait_dma2 semaphore(%run_scoped3A : memref<!tpu.dma_semaphore, #tpu.memory_space<semaphore_mem>>) src(%dma_wait3A_292 : memref<640x64xf32, #tpu.memory_space<hbm>>) dst(%dma_wait3A_290 : memref<640x64xf32, #tpu.memory_space<vmem_shared>>)
        tpu.yield
      }) : () -> ()
      "tpu.region"() ({
        %run_scoped3A = tpu.sem_alloc : memref<!tpu.dma_semaphore, #tpu.memory_space<semaphore_mem>>
        %dma_start3A_285 = arith.constant 0 : i32
        %dma_start3A_286 = tpu.memref_slice %arg24[%mul3A_0, %dma_start3A_285] : memref<10240x64xf32, #tpu.memory_space<vmem_shared>> -> memref<640x64xf32, #tpu.memory_space<vmem_shared>>
        %dma_start3A_287 = arith.constant 0 : i32
        %dma_start3A_288 = tpu.memref_slice %arg3[%mul3A_0, %dma_start3A_287] : memref<10240x64xf32, #tpu.memory_space<hbm>> -> memref<640x64xf32, #tpu.memory_space<hbm>>
        tpu.enqueue_dma source(%dma_start3A_288 : memref<640x64xf32, #tpu.memory_space<hbm>>) target(%dma_start3A_286 : memref<640x64xf32, #tpu.memory_space<vmem_shared>>) target_semaphore(%run_scoped3A : memref<!tpu.dma_semaphore, #tpu.memory_space<semaphore_mem>>)
        %dma_wait3A_289 = arith.constant 0 : i32
        %dma_wait3A_290 = tpu.memref_slice %arg24[%mul3A_0, %dma_wait3A_289] : memref<10240x64xf32, #tpu.memory_space<vmem_shared>> -> memref<640x64xf32, #tpu.memory_space<vmem_shared>>
        %dma_wait3A_291 = arith.constant 0 : i32
        %dma_wait3A_292 = tpu.memref_slice %arg3[%mul3A_0, %dma_wait3A_291] : memref<10240x64xf32, #tpu.memory_space<hbm>> -> memref<640x64xf32, #tpu.memory_space<hbm>>
        tpu.wait_dma2 semaphore(%run_scoped3A : memref<!tpu.dma_semaphore, #tpu.memory_space<semaphore_mem>>) src(%dma_wait3A_292 : memref<640x64xf32, #tpu.memory_space<hbm>>) dst(%dma_wait3A_290 : memref<640x64xf32, #tpu.memory_space<vmem_shared>>)
        tpu.yield
      }) : () -> ()
    } else {
    }
    %dma_start3A = arith.constant 0 : i32
    %dma_start3A_7 = arith.constant 0 : i32
    %dma_start3A_8 = arith.constant 0 : i32
    %dma_start3A_9 = tpu.memref_slice %arg4[%arg1, %dma_start3A, %dma_start3A_7, %dma_start3A_8] : memref<16x320x2x64xi32, #tpu.memory_space<hbm>> -> memref<1x1x2x64xi32, #tpu.memory_space<hbm>>
    %dma_start3A_10 = tpu.memref_squeeze %dma_start3A_9 : memref<1x1x2x64xi32, #tpu.memory_space<hbm>> -> memref<2x64xi32, #tpu.memory_space<hbm>>
    %dma_start3A_11 = arith.constant 0 : i32
    %dma_start3A_12 = arith.constant 0 : i32
    %dma_start3A_13 = tpu.memref_slice %arg4[%arg1, %dma_start3A, %dma_start3A_11, %dma_start3A_12] : memref<16x320x2x64xi32, #tpu.memory_space<hbm>> -> memref<1x1x2x64xi32, #tpu.memory_space<hbm>>
    %dma_start3A_14 = tpu.memref_squeeze %dma_start3A_13 : memref<1x1x2x64xi32, #tpu.memory_space<hbm>> -> memref<2x64xi32, #tpu.memory_space<hbm>>
    tpu.enqueue_dma source(%dma_start3A_14 : memref<2x64xi32, #tpu.memory_space<hbm>>) target(%arg7 : memref<2x64xi32, #tpu.memory_space<vmem>>) target_semaphore(%arg25 : memref<!tpu.dma_semaphore, #tpu.memory_space<semaphore_mem>>)
    %dma_start3A_15 = arith.constant 1 : i32
    %dma_start3A_16 = arith.constant 0 : i32
    %dma_start3A_17 = arith.constant 0 : i32
    %dma_start3A_18 = tpu.memref_slice %arg4[%arg1, %dma_start3A_15, %dma_start3A_16, %dma_start3A_17] : memref<16x320x2x64xi32, #tpu.memory_space<hbm>> -> memref<1x1x2x64xi32, #tpu.memory_space<hbm>>
    %dma_start3A_19 = tpu.memref_squeeze %dma_start3A_18 : memref<1x1x2x64xi32, #tpu.memory_space<hbm>> -> memref<2x64xi32, #tpu.memory_space<hbm>>
    %dma_start3A_20 = arith.constant 0 : i32
    %dma_start3A_21 = arith.constant 0 : i32
    %dma_start3A_22 = tpu.memref_slice %arg4[%arg1, %dma_start3A_15, %dma_start3A_20, %dma_start3A_21] : memref<16x320x2x64xi32, #tpu.memory_space<hbm>> -> memref<1x1x2x64xi32, #tpu.memory_space<hbm>>
    %dma_start3A_23 = tpu.memref_squeeze %dma_start3A_22 : memref<1x1x2x64xi32, #tpu.memory_space<hbm>> -> memref<2x64xi32, #tpu.memory_space<hbm>>
    tpu.enqueue_dma source(%dma_start3A_23 : memref<2x64xi32, #tpu.memory_space<hbm>>) target(%arg8 : memref<2x64xi32, #tpu.memory_space<vmem>>) target_semaphore(%arg26 : memref<!tpu.dma_semaphore, #tpu.memory_space<semaphore_mem>>)
    %dma_start3A_24 = arith.constant 2 : i32
    %dma_start3A_25 = arith.constant 0 : i32
    %dma_start3A_26 = arith.constant 0 : i32
    %dma_start3A_27 = tpu.memref_slice %arg4[%arg1, %dma_start3A_24, %dma_start3A_25, %dma_start3A_26] : memref<16x320x2x64xi32, #tpu.memory_space<hbm>> -> memref<1x1x2x64xi32, #tpu.memory_space<hbm>>
    %dma_start3A_28 = tpu.memref_squeeze %dma_start3A_27 : memref<1x1x2x64xi32, #tpu.memory_space<hbm>> -> memref<2x64xi32, #tpu.memory_space<hbm>>
    %dma_start3A_29 = arith.constant 0 : i32
    %dma_start3A_30 = arith.constant 0 : i32
    %dma_start3A_31 = tpu.memref_slice %arg4[%arg1, %dma_start3A_24, %dma_start3A_29, %dma_start3A_30] : memref<16x320x2x64xi32, #tpu.memory_space<hbm>> -> memref<1x1x2x64xi32, #tpu.memory_space<hbm>>
    %dma_start3A_32 = tpu.memref_squeeze %dma_start3A_31 : memref<1x1x2x64xi32, #tpu.memory_space<hbm>> -> memref<2x64xi32, #tpu.memory_space<hbm>>
    tpu.enqueue_dma source(%dma_start3A_32 : memref<2x64xi32, #tpu.memory_space<hbm>>) target(%arg9 : memref<2x64xi32, #tpu.memory_space<vmem>>) target_semaphore(%arg27 : memref<!tpu.dma_semaphore, #tpu.memory_space<semaphore_mem>>)
    %dma_start3A_33 = arith.constant 3 : i32
    %dma_start3A_34 = arith.constant 0 : i32
    %dma_start3A_35 = arith.constant 0 : i32
    %dma_start3A_36 = tpu.memref_slice %arg4[%arg1, %dma_start3A_33, %dma_start3A_34, %dma_start3A_35] : memref<16x320x2x64xi32, #tpu.memory_space<hbm>> -> memref<1x1x2x64xi32, #tpu.memory_space<hbm>>
    %dma_start3A_37 = tpu.memref_squeeze %dma_start3A_36 : memref<1x1x2x64xi32, #tpu.memory_space<hbm>> -> memref<2x64xi32, #tpu.memory_space<hbm>>
    %dma_start3A_38 = arith.constant 0 : i32
    %dma_start3A_39 = arith.constant 0 : i32
    %dma_start3A_40 = tpu.memref_slice %arg4[%arg1, %dma_start3A_33, %dma_start3A_38, %dma_start3A_39] : memref<16x320x2x64xi32, #tpu.memory_space<hbm>> -> memref<1x1x2x64xi32, #tpu.memory_space<hbm>>
    %dma_start3A_41 = tpu.memref_squeeze %dma_start3A_40 : memref<1x1x2x64xi32, #tpu.memory_space<hbm>> -> memref<2x64xi32, #tpu.memory_space<hbm>>
    tpu.enqueue_dma source(%dma_start3A_41 : memref<2x64xi32, #tpu.memory_space<hbm>>) target(%arg10 : memref<2x64xi32, #tpu.memory_space<vmem>>) target_semaphore(%arg28 : memref<!tpu.dma_semaphore, #tpu.memory_space<semaphore_mem>>)
    %dma_start3A_42 = arith.constant 4 : i32
    %dma_start3A_43 = arith.constant 0 : i32
    %dma_start3A_44 = arith.constant 0 : i32
    %dma_start3A_45 = tpu.memref_slice %arg4[%arg1, %dma_start3A_42, %dma_start3A_43, %dma_start3A_44] : memref<16x320x2x64xi32, #tpu.memory_space<hbm>> -> memref<1x1x2x64xi32, #tpu.memory_space<hbm>>
    %dma_start3A_46 = tpu.memref_squeeze %dma_start3A_45 : memref<1x1x2x64xi32, #tpu.memory_space<hbm>> -> memref<2x64xi32, #tpu.memory_space<hbm>>
    %dma_start3A_47 = arith.constant 0 : i32
    %dma_start3A_48 = arith.constant 0 : i32
    %dma_start3A_49 = tpu.memref_slice %arg4[%arg1, %dma_start3A_42, %dma_start3A_47, %dma_start3A_48] : memref<16x320x2x64xi32, #tpu.memory_space<hbm>> -> memref<1x1x2x64xi32, #tpu.memory_space<hbm>>
    %dma_start3A_50 = tpu.memref_squeeze %dma_start3A_49 : memref<1x1x2x64xi32, #tpu.memory_space<hbm>> -> memref<2x64xi32, #tpu.memory_space<hbm>>
    tpu.enqueue_dma source(%dma_start3A_50 : memref<2x64xi32, #tpu.memory_space<hbm>>) target(%arg11 : memref<2x64xi32, #tpu.memory_space<vmem>>) target_semaphore(%arg29 : memref<!tpu.dma_semaphore, #tpu.memory_space<semaphore_mem>>)
    %dma_start3A_51 = arith.constant 5 : i32
    %dma_start3A_52 = arith.constant 0 : i32
    %dma_start3A_53 = arith.constant 0 : i32
    %dma_start3A_54 = tpu.memref_slice %arg4[%arg1, %dma_start3A_51, %dma_start3A_52, %dma_start3A_53] : memref<16x320x2x64xi32, #tpu.memory_space<hbm>> -> memref<1x1x2x64xi32, #tpu.memory_space<hbm>>
    %dma_start3A_55 = tpu.memref_squeeze %dma_start3A_54 : memref<1x1x2x64xi32, #tpu.memory_space<hbm>> -> memref<2x64xi32, #tpu.memory_space<hbm>>
    %dma_start3A_56 = arith.constant 0 : i32
    %dma_start3A_57 = arith.constant 0 : i32
    %dma_start3A_58 = tpu.memref_slice %arg4[%arg1, %dma_start3A_51, %dma_start3A_56, %dma_start3A_57] : memref<16x320x2x64xi32, #tpu.memory_space<hbm>> -> memref<1x1x2x64xi32, #tpu.memory_space<hbm>>
    %dma_start3A_59 = tpu.memref_squeeze %dma_start3A_58 : memref<1x1x2x64xi32, #tpu.memory_space<hbm>> -> memref<2x64xi32, #tpu.memory_space<hbm>>
    tpu.enqueue_dma source(%dma_start3A_59 : memref<2x64xi32, #tpu.memory_space<hbm>>) target(%arg12 : memref<2x64xi32, #tpu.memory_space<vmem>>) target_semaphore(%arg30 : memref<!tpu.dma_semaphore, #tpu.memory_space<semaphore_mem>>)
    %dma_start3A_60 = arith.constant 6 : i32
    %dma_start3A_61 = arith.constant 0 : i32
    %dma_start3A_62 = arith.constant 0 : i32
    %dma_start3A_63 = tpu.memref_slice %arg4[%arg1, %dma_start3A_60, %dma_start3A_61, %dma_start3A_62] : memref<16x320x2x64xi32, #tpu.memory_space<hbm>> -> memref<1x1x2x64xi32, #tpu.memory_space<hbm>>
    %dma_start3A_64 = tpu.memref_squeeze %dma_start3A_63 : memref<1x1x2x64xi32, #tpu.memory_space<hbm>> -> memref<2x64xi32, #tpu.memory_space<hbm>>
    %dma_start3A_65 = arith.constant 0 : i32
    %dma_start3A_66 = arith.constant 0 : i32
    %dma_start3A_67 = tpu.memref_slice %arg4[%arg1, %dma_start3A_60, %dma_start3A_65, %dma_start3A_66] : memref<16x320x2x64xi32, #tpu.memory_space<hbm>> -> memref<1x1x2x64xi32, #tpu.memory_space<hbm>>
    %dma_start3A_68 = tpu.memref_squeeze %dma_start3A_67 : memref<1x1x2x64xi32, #tpu.memory_space<hbm>> -> memref<2x64xi32, #tpu.memory_space<hbm>>
    tpu.enqueue_dma source(%dma_start3A_68 : memref<2x64xi32, #tpu.memory_space<hbm>>) target(%arg13 : memref<2x64xi32, #tpu.memory_space<vmem>>) target_semaphore(%arg31 : memref<!tpu.dma_semaphore, #tpu.memory_space<semaphore_mem>>)
    %dma_start3A_69 = arith.constant 7 : i32
    %dma_start3A_70 = arith.constant 0 : i32
    %dma_start3A_71 = arith.constant 0 : i32
    %dma_start3A_72 = tpu.memref_slice %arg4[%arg1, %dma_start3A_69, %dma_start3A_70, %dma_start3A_71] : memref<16x320x2x64xi32, #tpu.memory_space<hbm>> -> memref<1x1x2x64xi32, #tpu.memory_space<hbm>>
    %dma_start3A_73 = tpu.memref_squeeze %dma_start3A_72 : memref<1x1x2x64xi32, #tpu.memory_space<hbm>> -> memref<2x64xi32, #tpu.memory_space<hbm>>
    %dma_start3A_74 = arith.constant 0 : i32
    %dma_start3A_75 = arith.constant 0 : i32
    %dma_start3A_76 = tpu.memref_slice %arg4[%arg1, %dma_start3A_69, %dma_start3A_74, %dma_start3A_75] : memref<16x320x2x64xi32, #tpu.memory_space<hbm>> -> memref<1x1x2x64xi32, #tpu.memory_space<hbm>>
    %dma_start3A_77 = tpu.memref_squeeze %dma_start3A_76 : memref<1x1x2x64xi32, #tpu.memory_space<hbm>> -> memref<2x64xi32, #tpu.memory_space<hbm>>
    tpu.enqueue_dma source(%dma_start3A_77 : memref<2x64xi32, #tpu.memory_space<hbm>>) target(%arg14 : memref<2x64xi32, #tpu.memory_space<vmem>>) target_semaphore(%arg32 : memref<!tpu.dma_semaphore, #tpu.memory_space<semaphore_mem>>)
    %barrier3A = arith.constant 0 : index
    tpu.barrier barrier_id(%barrier3A)
    %dma_wait3A = arith.constant 0 : i32
    %dma_wait3A_78 = arith.constant 0 : i32
    %dma_wait3A_79 = arith.constant 0 : i32
    %dma_wait3A_80 = tpu.memref_slice %arg4[%arg1, %dma_wait3A, %dma_wait3A_78, %dma_wait3A_79] : memref<16x320x2x64xi32, #tpu.memory_space<hbm>> -> memref<1x1x2x64xi32, #tpu.memory_space<hbm>>
    %dma_wait3A_81 = tpu.memref_squeeze %dma_wait3A_80 : memref<1x1x2x64xi32, #tpu.memory_space<hbm>> -> memref<2x64xi32, #tpu.memory_space<hbm>>
    %dma_wait3A_82 = arith.constant 0 : i32
    %dma_wait3A_83 = arith.constant 0 : i32
    %dma_wait3A_84 = tpu.memref_slice %arg4[%arg1, %dma_wait3A, %dma_wait3A_82, %dma_wait3A_83] : memref<16x320x2x64xi32, #tpu.memory_space<hbm>> -> memref<1x1x2x64xi32, #tpu.memory_space<hbm>>
    %dma_wait3A_85 = tpu.memref_squeeze %dma_wait3A_84 : memref<1x1x2x64xi32, #tpu.memory_space<hbm>> -> memref<2x64xi32, #tpu.memory_space<hbm>>
    tpu.wait_dma2 semaphore(%arg25 : memref<!tpu.dma_semaphore, #tpu.memory_space<semaphore_mem>>) src(%dma_wait3A_85 : memref<2x64xi32, #tpu.memory_space<hbm>>) dst(%arg7 : memref<2x64xi32, #tpu.memory_space<vmem>>)
    %dma_start3A_86 = arith.constant 0 : i32
    %dma_start3A_87 = arith.constant 0 : i32
    %dma_start3A_88 = tpu.memref_slice %arg7[%dma_start3A_86, %dma_start3A_87] : memref<2x64xi32, #tpu.memory_space<vmem>> -> memref<1x64xi32, #tpu.memory_space<vmem>>
    %dma_start3A_89 = tpu.memref_squeeze %dma_start3A_88 : memref<1x64xi32, #tpu.memory_space<vmem>> -> memref<64xi32, #tpu.memory_space<vmem>>
    %dma_start3A_90 = arith.constant 0 : i32
    %dma_start3A_91 = arith.constant 0 : i32
    %dma_start3A_92 = tpu.memref_slice %arg23[%dma_start3A_90, %dma_start3A_91] : memref<10240x64xf32, #tpu.memory_space<vmem_shared>> -> memref<10240x64xf32, #tpu.memory_space<vmem_shared>>
    tpu.enqueue_indirect_dma source(%dma_start3A_92 : memref<10240x64xf32, #tpu.memory_space<vmem_shared>>) target(%arg15 : memref<64x64xf32, #tpu.memory_space<vmem>>) offsets(%dma_start3A_89 : memref<64xi32, #tpu.memory_space<vmem>>) semaphore(%arg33 : memref<!tpu.dma_semaphore, #tpu.memory_space<semaphore_mem>>)
    %dma_wait3A_93 = arith.constant 0 : i32
    %dma_wait3A_94 = arith.constant 0 : i32
    %dma_wait3A_95 = arith.constant 0 : i32
    %dma_wait3A_96 = tpu.memref_slice %arg4[%arg1, %dma_wait3A_93, %dma_wait3A_94, %dma_wait3A_95] : memref<16x320x2x64xi32, #tpu.memory_space<hbm>> -> memref<1x1x2x64xi32, #tpu.memory_space<hbm>>
    %dma_wait3A_97 = tpu.memref_squeeze %dma_wait3A_96 : memref<1x1x2x64xi32, #tpu.memory_space<hbm>> -> memref<2x64xi32, #tpu.memory_space<hbm>>
    %dma_wait3A_98 = arith.constant 0 : i32
    %dma_wait3A_99 = arith.constant 0 : i32
    %dma_wait3A_100 = tpu.memref_slice %arg4[%arg1, %dma_wait3A_93, %dma_wait3A_98, %dma_wait3A_99] : memref<16x320x2x64xi32, #tpu.memory_space<hbm>> -> memref<1x1x2x64xi32, #tpu.memory_space<hbm>>
    %dma_wait3A_101 = tpu.memref_squeeze %dma_wait3A_100 : memref<1x1x2x64xi32, #tpu.memory_space<hbm>> -> memref<2x64xi32, #tpu.memory_space<hbm>>
    tpu.wait_dma2 semaphore(%arg26 : memref<!tpu.dma_semaphore, #tpu.memory_space<semaphore_mem>>) src(%dma_wait3A_101 : memref<2x64xi32, #tpu.memory_space<hbm>>) dst(%arg8 : memref<2x64xi32, #tpu.memory_space<vmem>>)
    %dma_start3A_102 = arith.constant 0 : i32
    %dma_start3A_103 = arith.constant 0 : i32
    %dma_start3A_104 = tpu.memref_slice %arg8[%dma_start3A_102, %dma_start3A_103] : memref<2x64xi32, #tpu.memory_space<vmem>> -> memref<1x64xi32, #tpu.memory_space<vmem>>
    %dma_start3A_105 = tpu.memref_squeeze %dma_start3A_104 : memref<1x64xi32, #tpu.memory_space<vmem>> -> memref<64xi32, #tpu.memory_space<vmem>>
    %dma_start3A_106 = arith.constant 0 : i32
    %dma_start3A_107 = arith.constant 0 : i32
    %dma_start3A_108 = tpu.memref_slice %arg23[%dma_start3A_106, %dma_start3A_107] : memref<10240x64xf32, #tpu.memory_space<vmem_shared>> -> memref<10240x64xf32, #tpu.memory_space<vmem_shared>>
    tpu.enqueue_indirect_dma source(%dma_start3A_108 : memref<10240x64xf32, #tpu.memory_space<vmem_shared>>) target(%arg16 : memref<64x64xf32, #tpu.memory_space<vmem>>) offsets(%dma_start3A_105 : memref<64xi32, #tpu.memory_space<vmem>>) semaphore(%arg34 : memref<!tpu.dma_semaphore, #tpu.memory_space<semaphore_mem>>)
    %dma_wait3A_109 = arith.constant 0 : i32
    %dma_wait3A_110 = arith.constant 0 : i32
    %dma_wait3A_111 = arith.constant 0 : i32
    %dma_wait3A_112 = tpu.memref_slice %arg4[%arg1, %dma_wait3A_109, %dma_wait3A_110, %dma_wait3A_111] : memref<16x320x2x64xi32, #tpu.memory_space<hbm>> -> memref<1x1x2x64xi32, #tpu.memory_space<hbm>>
    %dma_wait3A_113 = tpu.memref_squeeze %dma_wait3A_112 : memref<1x1x2x64xi32, #tpu.memory_space<hbm>> -> memref<2x64xi32, #tpu.memory_space<hbm>>
    %dma_wait3A_114 = arith.constant 0 : i32
    %dma_wait3A_115 = arith.constant 0 : i32
    %dma_wait3A_116 = tpu.memref_slice %arg4[%arg1, %dma_wait3A_109, %dma_wait3A_114, %dma_wait3A_115] : memref<16x320x2x64xi32, #tpu.memory_space<hbm>> -> memref<1x1x2x64xi32, #tpu.memory_space<hbm>>
    %dma_wait3A_117 = tpu.memref_squeeze %dma_wait3A_116 : memref<1x1x2x64xi32, #tpu.memory_space<hbm>> -> memref<2x64xi32, #tpu.memory_space<hbm>>
    tpu.wait_dma2 semaphore(%arg27 : memref<!tpu.dma_semaphore, #tpu.memory_space<semaphore_mem>>) src(%dma_wait3A_117 : memref<2x64xi32, #tpu.memory_space<hbm>>) dst(%arg9 : memref<2x64xi32, #tpu.memory_space<vmem>>)
    %dma_start3A_118 = arith.constant 0 : i32
    %dma_start3A_119 = arith.constant 0 : i32
    %dma_start3A_120 = tpu.memref_slice %arg9[%dma_start3A_118, %dma_start3A_119] : memref<2x64xi32, #tpu.memory_space<vmem>> -> memref<1x64xi32, #tpu.memory_space<vmem>>
    %dma_start3A_121 = tpu.memref_squeeze %dma_start3A_120 : memref<1x64xi32, #tpu.memory_space<vmem>> -> memref<64xi32, #tpu.memory_space<vmem>>
    %dma_start3A_122 = arith.constant 0 : i32
    %dma_start3A_123 = arith.constant 0 : i32
    %dma_start3A_124 = tpu.memref_slice %arg23[%dma_start3A_122, %dma_start3A_123] : memref<10240x64xf32, #tpu.memory_space<vmem_shared>> -> memref<10240x64xf32, #tpu.memory_space<vmem_shared>>
    tpu.enqueue_indirect_dma source(%dma_start3A_124 : memref<10240x64xf32, #tpu.memory_space<vmem_shared>>) target(%arg17 : memref<64x64xf32, #tpu.memory_space<vmem>>) offsets(%dma_start3A_121 : memref<64xi32, #tpu.memory_space<vmem>>) semaphore(%arg35 : memref<!tpu.dma_semaphore, #tpu.memory_space<semaphore_mem>>)
    %dma_wait3A_125 = arith.constant 0 : i32
    %dma_wait3A_126 = arith.constant 0 : i32
    %dma_wait3A_127 = arith.constant 0 : i32
    %dma_wait3A_128 = tpu.memref_slice %arg4[%arg1, %dma_wait3A_125, %dma_wait3A_126, %dma_wait3A_127] : memref<16x320x2x64xi32, #tpu.memory_space<hbm>> -> memref<1x1x2x64xi32, #tpu.memory_space<hbm>>
    %dma_wait3A_129 = tpu.memref_squeeze %dma_wait3A_128 : memref<1x1x2x64xi32, #tpu.memory_space<hbm>> -> memref<2x64xi32, #tpu.memory_space<hbm>>
    %dma_wait3A_130 = arith.constant 0 : i32
    %dma_wait3A_131 = arith.constant 0 : i32
    %dma_wait3A_132 = tpu.memref_slice %arg4[%arg1, %dma_wait3A_125, %dma_wait3A_130, %dma_wait3A_131] : memref<16x320x2x64xi32, #tpu.memory_space<hbm>> -> memref<1x1x2x64xi32, #tpu.memory_space<hbm>>
    %dma_wait3A_133 = tpu.memref_squeeze %dma_wait3A_132 : memref<1x1x2x64xi32, #tpu.memory_space<hbm>> -> memref<2x64xi32, #tpu.memory_space<hbm>>
    tpu.wait_dma2 semaphore(%arg28 : memref<!tpu.dma_semaphore, #tpu.memory_space<semaphore_mem>>) src(%dma_wait3A_133 : memref<2x64xi32, #tpu.memory_space<hbm>>) dst(%arg10 : memref<2x64xi32, #tpu.memory_space<vmem>>)
    %dma_start3A_134 = arith.constant 0 : i32
    %dma_start3A_135 = arith.constant 0 : i32
    %dma_start3A_136 = tpu.memref_slice %arg10[%dma_start3A_134, %dma_start3A_135] : memref<2x64xi32, #tpu.memory_space<vmem>> -> memref<1x64xi32, #tpu.memory_space<vmem>>
    %dma_start3A_137 = tpu.memref_squeeze %dma_start3A_136 : memref<1x64xi32, #tpu.memory_space<vmem>> -> memref<64xi32, #tpu.memory_space<vmem>>
    %dma_start3A_138 = arith.constant 0 : i32
    %dma_start3A_139 = arith.constant 0 : i32
    %dma_start3A_140 = tpu.memref_slice %arg23[%dma_start3A_138, %dma_start3A_139] : memref<10240x64xf32, #tpu.memory_space<vmem_shared>> -> memref<10240x64xf32, #tpu.memory_space<vmem_shared>>
    tpu.enqueue_indirect_dma source(%dma_start3A_140 : memref<10240x64xf32, #tpu.memory_space<vmem_shared>>) target(%arg18 : memref<64x64xf32, #tpu.memory_space<vmem>>) offsets(%dma_start3A_137 : memref<64xi32, #tpu.memory_space<vmem>>) semaphore(%arg36 : memref<!tpu.dma_semaphore, #tpu.memory_space<semaphore_mem>>)
    %dma_wait3A_141 = arith.constant 0 : i32
    %dma_wait3A_142 = arith.constant 0 : i32
    %dma_wait3A_143 = arith.constant 0 : i32
    %dma_wait3A_144 = tpu.memref_slice %arg4[%arg1, %dma_wait3A_141, %dma_wait3A_142, %dma_wait3A_143] : memref<16x320x2x64xi32, #tpu.memory_space<hbm>> -> memref<1x1x2x64xi32, #tpu.memory_space<hbm>>
    %dma_wait3A_145 = tpu.memref_squeeze %dma_wait3A_144 : memref<1x1x2x64xi32, #tpu.memory_space<hbm>> -> memref<2x64xi32, #tpu.memory_space<hbm>>
    %dma_wait3A_146 = arith.constant 0 : i32
    %dma_wait3A_147 = arith.constant 0 : i32
    %dma_wait3A_148 = tpu.memref_slice %arg4[%arg1, %dma_wait3A_141, %dma_wait3A_146, %dma_wait3A_147] : memref<16x320x2x64xi32, #tpu.memory_space<hbm>> -> memref<1x1x2x64xi32, #tpu.memory_space<hbm>>
    %dma_wait3A_149 = tpu.memref_squeeze %dma_wait3A_148 : memref<1x1x2x64xi32, #tpu.memory_space<hbm>> -> memref<2x64xi32, #tpu.memory_space<hbm>>
    tpu.wait_dma2 semaphore(%arg29 : memref<!tpu.dma_semaphore, #tpu.memory_space<semaphore_mem>>) src(%dma_wait3A_149 : memref<2x64xi32, #tpu.memory_space<hbm>>) dst(%arg11 : memref<2x64xi32, #tpu.memory_space<vmem>>)
    %dma_start3A_150 = arith.constant 0 : i32
    %dma_start3A_151 = arith.constant 0 : i32
    %dma_start3A_152 = tpu.memref_slice %arg11[%dma_start3A_150, %dma_start3A_151] : memref<2x64xi32, #tpu.memory_space<vmem>> -> memref<1x64xi32, #tpu.memory_space<vmem>>
    %dma_start3A_153 = tpu.memref_squeeze %dma_start3A_152 : memref<1x64xi32, #tpu.memory_space<vmem>> -> memref<64xi32, #tpu.memory_space<vmem>>
    %dma_start3A_154 = arith.constant 0 : i32
    %dma_start3A_155 = arith.constant 0 : i32
    %dma_start3A_156 = tpu.memref_slice %arg23[%dma_start3A_154, %dma_start3A_155] : memref<10240x64xf32, #tpu.memory_space<vmem_shared>> -> memref<10240x64xf32, #tpu.memory_space<vmem_shared>>
    tpu.enqueue_indirect_dma source(%dma_start3A_156 : memref<10240x64xf32, #tpu.memory_space<vmem_shared>>) target(%arg19 : memref<64x64xf32, #tpu.memory_space<vmem>>) offsets(%dma_start3A_153 : memref<64xi32, #tpu.memory_space<vmem>>) semaphore(%arg37 : memref<!tpu.dma_semaphore, #tpu.memory_space<semaphore_mem>>)
    %dma_wait3A_157 = arith.constant 0 : i32
    %dma_wait3A_158 = arith.constant 0 : i32
    %dma_wait3A_159 = arith.constant 0 : i32
    %dma_wait3A_160 = tpu.memref_slice %arg4[%arg1, %dma_wait3A_157, %dma_wait3A_158, %dma_wait3A_159] : memref<16x320x2x64xi32, #tpu.memory_space<hbm>> -> memref<1x1x2x64xi32, #tpu.memory_space<hbm>>
    %dma_wait3A_161 = tpu.memref_squeeze %dma_wait3A_160 : memref<1x1x2x64xi32, #tpu.memory_space<hbm>> -> memref<2x64xi32, #tpu.memory_space<hbm>>
    %dma_wait3A_162 = arith.constant 0 : i32
    %dma_wait3A_163 = arith.constant 0 : i32
    %dma_wait3A_164 = tpu.memref_slice %arg4[%arg1, %dma_wait3A_157, %dma_wait3A_162, %dma_wait3A_163] : memref<16x320x2x64xi32, #tpu.memory_space<hbm>> -> memref<1x1x2x64xi32, #tpu.memory_space<hbm>>
    %dma_wait3A_165 = tpu.memref_squeeze %dma_wait3A_164 : memref<1x1x2x64xi32, #tpu.memory_space<hbm>> -> memref<2x64xi32, #tpu.memory_space<hbm>>
    tpu.wait_dma2 semaphore(%arg30 : memref<!tpu.dma_semaphore, #tpu.memory_space<semaphore_mem>>) src(%dma_wait3A_165 : memref<2x64xi32, #tpu.memory_space<hbm>>) dst(%arg12 : memref<2x64xi32, #tpu.memory_space<vmem>>)
    %dma_start3A_166 = arith.constant 0 : i32
    %dma_start3A_167 = arith.constant 0 : i32
    %dma_start3A_168 = tpu.memref_slice %arg12[%dma_start3A_166, %dma_start3A_167] : memref<2x64xi32, #tpu.memory_space<vmem>> -> memref<1x64xi32, #tpu.memory_space<vmem>>
    %dma_start3A_169 = tpu.memref_squeeze %dma_start3A_168 : memref<1x64xi32, #tpu.memory_space<vmem>> -> memref<64xi32, #tpu.memory_space<vmem>>
    %dma_start3A_170 = arith.constant 0 : i32
    %dma_start3A_171 = arith.constant 0 : i32
    %dma_start3A_172 = tpu.memref_slice %arg23[%dma_start3A_170, %dma_start3A_171] : memref<10240x64xf32, #tpu.memory_space<vmem_shared>> -> memref<10240x64xf32, #tpu.memory_space<vmem_shared>>
    tpu.enqueue_indirect_dma source(%dma_start3A_172 : memref<10240x64xf32, #tpu.memory_space<vmem_shared>>) target(%arg20 : memref<64x64xf32, #tpu.memory_space<vmem>>) offsets(%dma_start3A_169 : memref<64xi32, #tpu.memory_space<vmem>>) semaphore(%arg38 : memref<!tpu.dma_semaphore, #tpu.memory_space<semaphore_mem>>)
    %dma_wait3A_173 = arith.constant 0 : i32
    %dma_wait3A_174 = arith.constant 0 : i32
    %dma_wait3A_175 = arith.constant 0 : i32
    %dma_wait3A_176 = tpu.memref_slice %arg4[%arg1, %dma_wait3A_173, %dma_wait3A_174, %dma_wait3A_175] : memref<16x320x2x64xi32, #tpu.memory_space<hbm>> -> memref<1x1x2x64xi32, #tpu.memory_space<hbm>>
    %dma_wait3A_177 = tpu.memref_squeeze %dma_wait3A_176 : memref<1x1x2x64xi32, #tpu.memory_space<hbm>> -> memref<2x64xi32, #tpu.memory_space<hbm>>
    %dma_wait3A_178 = arith.constant 0 : i32
    %dma_wait3A_179 = arith.constant 0 : i32
    %dma_wait3A_180 = tpu.memref_slice %arg4[%arg1, %dma_wait3A_173, %dma_wait3A_178, %dma_wait3A_179] : memref<16x320x2x64xi32, #tpu.memory_space<hbm>> -> memref<1x1x2x64xi32, #tpu.memory_space<hbm>>
    %dma_wait3A_181 = tpu.memref_squeeze %dma_wait3A_180 : memref<1x1x2x64xi32, #tpu.memory_space<hbm>> -> memref<2x64xi32, #tpu.memory_space<hbm>>
    tpu.wait_dma2 semaphore(%arg31 : memref<!tpu.dma_semaphore, #tpu.memory_space<semaphore_mem>>) src(%dma_wait3A_181 : memref<2x64xi32, #tpu.memory_space<hbm>>) dst(%arg13 : memref<2x64xi32, #tpu.memory_space<vmem>>)
    %dma_start3A_182 = arith.constant 0 : i32
    %dma_start3A_183 = arith.constant 0 : i32
    %dma_start3A_184 = tpu.memref_slice %arg13[%dma_start3A_182, %dma_start3A_183] : memref<2x64xi32, #tpu.memory_space<vmem>> -> memref<1x64xi32, #tpu.memory_space<vmem>>
    %dma_start3A_185 = tpu.memref_squeeze %dma_start3A_184 : memref<1x64xi32, #tpu.memory_space<vmem>> -> memref<64xi32, #tpu.memory_space<vmem>>
    %dma_start3A_186 = arith.constant 0 : i32
    %dma_start3A_187 = arith.constant 0 : i32
    %dma_start3A_188 = tpu.memref_slice %arg23[%dma_start3A_186, %dma_start3A_187] : memref<10240x64xf32, #tpu.memory_space<vmem_shared>> -> memref<10240x64xf32, #tpu.memory_space<vmem_shared>>
    tpu.enqueue_indirect_dma source(%dma_start3A_188 : memref<10240x64xf32, #tpu.memory_space<vmem_shared>>) target(%arg21 : memref<64x64xf32, #tpu.memory_space<vmem>>) offsets(%dma_start3A_185 : memref<64xi32, #tpu.memory_space<vmem>>) semaphore(%arg39 : memref<!tpu.dma_semaphore, #tpu.memory_space<semaphore_mem>>)
    %dma_wait3A_189 = arith.constant 0 : i32
    %dma_wait3A_190 = arith.constant 0 : i32
    %dma_wait3A_191 = arith.constant 0 : i32
    %dma_wait3A_192 = tpu.memref_slice %arg4[%arg1, %dma_wait3A_189, %dma_wait3A_190, %dma_wait3A_191] : memref<16x320x2x64xi32, #tpu.memory_space<hbm>> -> memref<1x1x2x64xi32, #tpu.memory_space<hbm>>
    %dma_wait3A_193 = tpu.memref_squeeze %dma_wait3A_192 : memref<1x1x2x64xi32, #tpu.memory_space<hbm>> -> memref<2x64xi32, #tpu.memory_space<hbm>>
    %dma_wait3A_194 = arith.constant 0 : i32
    %dma_wait3A_195 = arith.constant 0 : i32
    %dma_wait3A_196 = tpu.memref_slice %arg4[%arg1, %dma_wait3A_189, %dma_wait3A_194, %dma_wait3A_195] : memref<16x320x2x64xi32, #tpu.memory_space<hbm>> -> memref<1x1x2x64xi32, #tpu.memory_space<hbm>>
    %dma_wait3A_197 = tpu.memref_squeeze %dma_wait3A_196 : memref<1x1x2x64xi32, #tpu.memory_space<hbm>> -> memref<2x64xi32, #tpu.memory_space<hbm>>
    tpu.wait_dma2 semaphore(%arg32 : memref<!tpu.dma_semaphore, #tpu.memory_space<semaphore_mem>>) src(%dma_wait3A_197 : memref<2x64xi32, #tpu.memory_space<hbm>>) dst(%arg14 : memref<2x64xi32, #tpu.memory_space<vmem>>)
    %dma_start3A_198 = arith.constant 0 : i32
    %dma_start3A_199 = arith.constant 0 : i32
    %dma_start3A_200 = tpu.memref_slice %arg14[%dma_start3A_198, %dma_start3A_199] : memref<2x64xi32, #tpu.memory_space<vmem>> -> memref<1x64xi32, #tpu.memory_space<vmem>>
    %dma_start3A_201 = tpu.memref_squeeze %dma_start3A_200 : memref<1x64xi32, #tpu.memory_space<vmem>> -> memref<64xi32, #tpu.memory_space<vmem>>
    %dma_start3A_202 = arith.constant 0 : i32
    %dma_start3A_203 = arith.constant 0 : i32
    %dma_start3A_204 = tpu.memref_slice %arg23[%dma_start3A_202, %dma_start3A_203] : memref<10240x64xf32, #tpu.memory_space<vmem_shared>> -> memref<10240x64xf32, #tpu.memory_space<vmem_shared>>
    tpu.enqueue_indirect_dma source(%dma_start3A_204 : memref<10240x64xf32, #tpu.memory_space<vmem_shared>>) target(%arg22 : memref<64x64xf32, #tpu.memory_space<vmem>>) offsets(%dma_start3A_201 : memref<64xi32, #tpu.memory_space<vmem>>) semaphore(%arg40 : memref<!tpu.dma_semaphore, #tpu.memory_space<semaphore_mem>>)
    %scan3A = arith.constant 0 : i32
    %scan3A_205 = arith.constant 0 : i32
    %scan3A_206 = arith.constant 0 : i32
    %scan3A_207 = arith.constant 0 : i32
    %scan3A_208 = arith.constant 0 : i32
    %scan3A_209 = arith.constant 0 : i32
    %scan3A_210 = arith.constant 0 : i32
    %scan3A_211 = arith.constant 0 : i32
    %scan3A_212 = arith.constant 0 : i32
    %scan3A_213 = arith.constant 0 : i32
    %scan3A_214 = arith.constant 40 : i32
    %scan3A_215 = arith.addi %scan3A_213, %scan3A_214 : i32
    %scan3A_216 = arith.constant 1 : i32
    scf.for %scan3A_285 = %scan3A_213 to %scan3A_215 step %scan3A_216  : i32 {
      %mul3A_286 = arith.constant 8 : i32
      %mul3A_287 = arith.muli %mul3A_286, %scan3A_285 : i32
      %dma_wait3A_288 = arith.constant 0 : i32
      %dma_wait3A_289 = tpu.memref_slice %arg7[%scan3A_205, %dma_wait3A_288] : memref<2x64xi32, #tpu.memory_space<vmem>> -> memref<1x64xi32, #tpu.memory_space<vmem>>
      %dma_wait3A_290 = tpu.memref_squeeze %dma_wait3A_289 : memref<1x64xi32, #tpu.memory_space<vmem>> -> memref<64xi32, #tpu.memory_space<vmem>>
      %dma_wait3A_291 = arith.constant 0 : i32
      %dma_wait3A_292 = arith.constant 0 : i32
      %dma_wait3A_293 = tpu.memref_slice %arg23[%dma_wait3A_291, %dma_wait3A_292] : memref<10240x64xf32, #tpu.memory_space<vmem_shared>> -> memref<10240x64xf32, #tpu.memory_space<vmem_shared>>
      tpu.wait_indirect_dma semaphore(%arg33 : memref<!tpu.dma_semaphore, #tpu.memory_space<semaphore_mem>>) src(%dma_wait3A_293 : memref<10240x64xf32, #tpu.memory_space<vmem_shared>>) dst(%arg15 : memref<64x64xf32, #tpu.memory_space<vmem>>)
      %dma_start3A_294 = arith.constant 1 : i32
      %dma_start3A_295 = arith.constant 0 : i32
      %dma_start3A_296 = tpu.memref_slice %arg7[%dma_start3A_294, %dma_start3A_295] : memref<2x64xi32, #tpu.memory_space<vmem>> -> memref<1x64xi32, #tpu.memory_space<vmem>>
      %dma_start3A_297 = tpu.memref_squeeze %dma_start3A_296 : memref<1x64xi32, #tpu.memory_space<vmem>> -> memref<64xi32, #tpu.memory_space<vmem>>
      %dma_start3A_298 = arith.constant 0 : i32
      %dma_start3A_299 = arith.constant 0 : i32
      %dma_start3A_300 = tpu.memref_slice %arg24[%dma_start3A_298, %dma_start3A_299] : memref<10240x64xf32, #tpu.memory_space<vmem_shared>> -> memref<10240x64xf32, #tpu.memory_space<vmem_shared>>
      tpu.enqueue_indirect_dma source(%arg15 : memref<64x64xf32, #tpu.memory_space<vmem>>) target(%dma_start3A_300 : memref<10240x64xf32, #tpu.memory_space<vmem_shared>>) offsets(%dma_start3A_297 : memref<64xi32, #tpu.memory_space<vmem>>) semaphore(%arg41 : memref<!tpu.dma_semaphore, #tpu.memory_space<semaphore_mem>>) {add = true}
      %dma_wait3A_301 = arith.constant 0 : i32
      %dma_wait3A_302 = tpu.memref_slice %arg8[%scan3A_206, %dma_wait3A_301] : memref<2x64xi32, #tpu.memory_space<vmem>> -> memref<1x64xi32, #tpu.memory_space<vmem>>
      %dma_wait3A_303 = tpu.memref_squeeze %dma_wait3A_302 : memref<1x64xi32, #tpu.memory_space<vmem>> -> memref<64xi32, #tpu.memory_space<vmem>>
      %dma_wait3A_304 = arith.constant 0 : i32
      %dma_wait3A_305 = arith.constant 0 : i32
      %dma_wait3A_306 = tpu.memref_slice %arg23[%dma_wait3A_304, %dma_wait3A_305] : memref<10240x64xf32, #tpu.memory_space<vmem_shared>> -> memref<10240x64xf32, #tpu.memory_space<vmem_shared>>
      tpu.wait_indirect_dma semaphore(%arg34 : memref<!tpu.dma_semaphore, #tpu.memory_space<semaphore_mem>>) src(%dma_wait3A_306 : memref<10240x64xf32, #tpu.memory_space<vmem_shared>>) dst(%arg16 : memref<64x64xf32, #tpu.memory_space<vmem>>)
      %dma_start3A_307 = arith.constant 1 : i32
      %dma_start3A_308 = arith.constant 0 : i32
      %dma_start3A_309 = tpu.memref_slice %arg8[%dma_start3A_307, %dma_start3A_308] : memref<2x64xi32, #tpu.memory_space<vmem>> -> memref<1x64xi32, #tpu.memory_space<vmem>>
      %dma_start3A_310 = tpu.memref_squeeze %dma_start3A_309 : memref<1x64xi32, #tpu.memory_space<vmem>> -> memref<64xi32, #tpu.memory_space<vmem>>
      %dma_start3A_311 = arith.constant 0 : i32
      %dma_start3A_312 = arith.constant 0 : i32
      %dma_start3A_313 = tpu.memref_slice %arg24[%dma_start3A_311, %dma_start3A_312] : memref<10240x64xf32, #tpu.memory_space<vmem_shared>> -> memref<10240x64xf32, #tpu.memory_space<vmem_shared>>
      tpu.enqueue_indirect_dma source(%arg16 : memref<64x64xf32, #tpu.memory_space<vmem>>) target(%dma_start3A_313 : memref<10240x64xf32, #tpu.memory_space<vmem_shared>>) offsets(%dma_start3A_310 : memref<64xi32, #tpu.memory_space<vmem>>) semaphore(%arg42 : memref<!tpu.dma_semaphore, #tpu.memory_space<semaphore_mem>>) {add = true}
      %dma_wait3A_314 = arith.constant 0 : i32
      %dma_wait3A_315 = tpu.memref_slice %arg9[%scan3A_207, %dma_wait3A_314] : memref<2x64xi32, #tpu.memory_space<vmem>> -> memref<1x64xi32, #tpu.memory_space<vmem>>
      %dma_wait3A_316 = tpu.memref_squeeze %dma_wait3A_315 : memref<1x64xi32, #tpu.memory_space<vmem>> -> memref<64xi32, #tpu.memory_space<vmem>>
      %dma_wait3A_317 = arith.constant 0 : i32
      %dma_wait3A_318 = arith.constant 0 : i32
      %dma_wait3A_319 = tpu.memref_slice %arg23[%dma_wait3A_317, %dma_wait3A_318] : memref<10240x64xf32, #tpu.memory_space<vmem_shared>> -> memref<10240x64xf32, #tpu.memory_space<vmem_shared>>
      tpu.wait_indirect_dma semaphore(%arg35 : memref<!tpu.dma_semaphore, #tpu.memory_space<semaphore_mem>>) src(%dma_wait3A_319 : memref<10240x64xf32, #tpu.memory_space<vmem_shared>>) dst(%arg17 : memref<64x64xf32, #tpu.memory_space<vmem>>)
      %dma_start3A_320 = arith.constant 1 : i32
      %dma_start3A_321 = arith.constant 0 : i32
      %dma_start3A_322 = tpu.memref_slice %arg9[%dma_start3A_320, %dma_start3A_321] : memref<2x64xi32, #tpu.memory_space<vmem>> -> memref<1x64xi32, #tpu.memory_space<vmem>>
      %dma_start3A_323 = tpu.memref_squeeze %dma_start3A_322 : memref<1x64xi32, #tpu.memory_space<vmem>> -> memref<64xi32, #tpu.memory_space<vmem>>
      %dma_start3A_324 = arith.constant 0 : i32
      %dma_start3A_325 = arith.constant 0 : i32
      %dma_start3A_326 = tpu.memref_slice %arg24[%dma_start3A_324, %dma_start3A_325] : memref<10240x64xf32, #tpu.memory_space<vmem_shared>> -> memref<10240x64xf32, #tpu.memory_space<vmem_shared>>
      tpu.enqueue_indirect_dma source(%arg17 : memref<64x64xf32, #tpu.memory_space<vmem>>) target(%dma_start3A_326 : memref<10240x64xf32, #tpu.memory_space<vmem_shared>>) offsets(%dma_start3A_323 : memref<64xi32, #tpu.memory_space<vmem>>) semaphore(%arg43 : memref<!tpu.dma_semaphore, #tpu.memory_space<semaphore_mem>>) {add = true}
      %dma_wait3A_327 = arith.constant 0 : i32
      %dma_wait3A_328 = tpu.memref_slice %arg10[%scan3A_208, %dma_wait3A_327] : memref<2x64xi32, #tpu.memory_space<vmem>> -> memref<1x64xi32, #tpu.memory_space<vmem>>
      %dma_wait3A_329 = tpu.memref_squeeze %dma_wait3A_328 : memref<1x64xi32, #tpu.memory_space<vmem>> -> memref<64xi32, #tpu.memory_space<vmem>>
      %dma_wait3A_330 = arith.constant 0 : i32
      %dma_wait3A_331 = arith.constant 0 : i32
      %dma_wait3A_332 = tpu.memref_slice %arg23[%dma_wait3A_330, %dma_wait3A_331] : memref<10240x64xf32, #tpu.memory_space<vmem_shared>> -> memref<10240x64xf32, #tpu.memory_space<vmem_shared>>
      tpu.wait_indirect_dma semaphore(%arg36 : memref<!tpu.dma_semaphore, #tpu.memory_space<semaphore_mem>>) src(%dma_wait3A_332 : memref<10240x64xf32, #tpu.memory_space<vmem_shared>>) dst(%arg18 : memref<64x64xf32, #tpu.memory_space<vmem>>)
      %dma_start3A_333 = arith.constant 1 : i32
      %dma_start3A_334 = arith.constant 0 : i32
      %dma_start3A_335 = tpu.memref_slice %arg10[%dma_start3A_333, %dma_start3A_334] : memref<2x64xi32, #tpu.memory_space<vmem>> -> memref<1x64xi32, #tpu.memory_space<vmem>>
      %dma_start3A_336 = tpu.memref_squeeze %dma_start3A_335 : memref<1x64xi32, #tpu.memory_space<vmem>> -> memref<64xi32, #tpu.memory_space<vmem>>
      %dma_start3A_337 = arith.constant 0 : i32
      %dma_start3A_338 = arith.constant 0 : i32
      %dma_start3A_339 = tpu.memref_slice %arg24[%dma_start3A_337, %dma_start3A_338] : memref<10240x64xf32, #tpu.memory_space<vmem_shared>> -> memref<10240x64xf32, #tpu.memory_space<vmem_shared>>
      tpu.enqueue_indirect_dma source(%arg18 : memref<64x64xf32, #tpu.memory_space<vmem>>) target(%dma_start3A_339 : memref<10240x64xf32, #tpu.memory_space<vmem_shared>>) offsets(%dma_start3A_336 : memref<64xi32, #tpu.memory_space<vmem>>) semaphore(%arg44 : memref<!tpu.dma_semaphore, #tpu.memory_space<semaphore_mem>>) {add = true}
      %dma_wait3A_340 = arith.constant 0 : i32
      %dma_wait3A_341 = tpu.memref_slice %arg11[%scan3A_209, %dma_wait3A_340] : memref<2x64xi32, #tpu.memory_space<vmem>> -> memref<1x64xi32, #tpu.memory_space<vmem>>
      %dma_wait3A_342 = tpu.memref_squeeze %dma_wait3A_341 : memref<1x64xi32, #tpu.memory_space<vmem>> -> memref<64xi32, #tpu.memory_space<vmem>>
      %dma_wait3A_343 = arith.constant 0 : i32
      %dma_wait3A_344 = arith.constant 0 : i32
      %dma_wait3A_345 = tpu.memref_slice %arg23[%dma_wait3A_343, %dma_wait3A_344] : memref<10240x64xf32, #tpu.memory_space<vmem_shared>> -> memref<10240x64xf32, #tpu.memory_space<vmem_shared>>
      tpu.wait_indirect_dma semaphore(%arg37 : memref<!tpu.dma_semaphore, #tpu.memory_space<semaphore_mem>>) src(%dma_wait3A_345 : memref<10240x64xf32, #tpu.memory_space<vmem_shared>>) dst(%arg19 : memref<64x64xf32, #tpu.memory_space<vmem>>)
      %dma_start3A_346 = arith.constant 1 : i32
      %dma_start3A_347 = arith.constant 0 : i32
      %dma_start3A_348 = tpu.memref_slice %arg11[%dma_start3A_346, %dma_start3A_347] : memref<2x64xi32, #tpu.memory_space<vmem>> -> memref<1x64xi32, #tpu.memory_space<vmem>>
      %dma_start3A_349 = tpu.memref_squeeze %dma_start3A_348 : memref<1x64xi32, #tpu.memory_space<vmem>> -> memref<64xi32, #tpu.memory_space<vmem>>
      %dma_start3A_350 = arith.constant 0 : i32
      %dma_start3A_351 = arith.constant 0 : i32
      %dma_start3A_352 = tpu.memref_slice %arg24[%dma_start3A_350, %dma_start3A_351] : memref<10240x64xf32, #tpu.memory_space<vmem_shared>> -> memref<10240x64xf32, #tpu.memory_space<vmem_shared>>
      tpu.enqueue_indirect_dma source(%arg19 : memref<64x64xf32, #tpu.memory_space<vmem>>) target(%dma_start3A_352 : memref<10240x64xf32, #tpu.memory_space<vmem_shared>>) offsets(%dma_start3A_349 : memref<64xi32, #tpu.memory_space<vmem>>) semaphore(%arg45 : memref<!tpu.dma_semaphore, #tpu.memory_space<semaphore_mem>>) {add = true}
      %dma_wait3A_353 = arith.constant 0 : i32
      %dma_wait3A_354 = tpu.memref_slice %arg12[%scan3A_210, %dma_wait3A_353] : memref<2x64xi32, #tpu.memory_space<vmem>> -> memref<1x64xi32, #tpu.memory_space<vmem>>
      %dma_wait3A_355 = tpu.memref_squeeze %dma_wait3A_354 : memref<1x64xi32, #tpu.memory_space<vmem>> -> memref<64xi32, #tpu.memory_space<vmem>>
      %dma_wait3A_356 = arith.constant 0 : i32
      %dma_wait3A_357 = arith.constant 0 : i32
      %dma_wait3A_358 = tpu.memref_slice %arg23[%dma_wait3A_356, %dma_wait3A_357] : memref<10240x64xf32, #tpu.memory_space<vmem_shared>> -> memref<10240x64xf32, #tpu.memory_space<vmem_shared>>
      tpu.wait_indirect_dma semaphore(%arg38 : memref<!tpu.dma_semaphore, #tpu.memory_space<semaphore_mem>>) src(%dma_wait3A_358 : memref<10240x64xf32, #tpu.memory_space<vmem_shared>>) dst(%arg20 : memref<64x64xf32, #tpu.memory_space<vmem>>)
      %dma_start3A_359 = arith.constant 1 : i32
      %dma_start3A_360 = arith.constant 0 : i32
      %dma_start3A_361 = tpu.memref_slice %arg12[%dma_start3A_359, %dma_start3A_360] : memref<2x64xi32, #tpu.memory_space<vmem>> -> memref<1x64xi32, #tpu.memory_space<vmem>>
      %dma_start3A_362 = tpu.memref_squeeze %dma_start3A_361 : memref<1x64xi32, #tpu.memory_space<vmem>> -> memref<64xi32, #tpu.memory_space<vmem>>
      %dma_start3A_363 = arith.constant 0 : i32
      %dma_start3A_364 = arith.constant 0 : i32
      %dma_start3A_365 = tpu.memref_slice %arg24[%dma_start3A_363, %dma_start3A_364] : memref<10240x64xf32, #tpu.memory_space<vmem_shared>> -> memref<10240x64xf32, #tpu.memory_space<vmem_shared>>
      tpu.enqueue_indirect_dma source(%arg20 : memref<64x64xf32, #tpu.memory_space<vmem>>) target(%dma_start3A_365 : memref<10240x64xf32, #tpu.memory_space<vmem_shared>>) offsets(%dma_start3A_362 : memref<64xi32, #tpu.memory_space<vmem>>) semaphore(%arg46 : memref<!tpu.dma_semaphore, #tpu.memory_space<semaphore_mem>>) {add = true}
      %dma_wait3A_366 = arith.constant 0 : i32
      %dma_wait3A_367 = tpu.memref_slice %arg13[%scan3A_211, %dma_wait3A_366] : memref<2x64xi32, #tpu.memory_space<vmem>> -> memref<1x64xi32, #tpu.memory_space<vmem>>
      %dma_wait3A_368 = tpu.memref_squeeze %dma_wait3A_367 : memref<1x64xi32, #tpu.memory_space<vmem>> -> memref<64xi32, #tpu.memory_space<vmem>>
      %dma_wait3A_369 = arith.constant 0 : i32
      %dma_wait3A_370 = arith.constant 0 : i32
      %dma_wait3A_371 = tpu.memref_slice %arg23[%dma_wait3A_369, %dma_wait3A_370] : memref<10240x64xf32, #tpu.memory_space<vmem_shared>> -> memref<10240x64xf32, #tpu.memory_space<vmem_shared>>
      tpu.wait_indirect_dma semaphore(%arg39 : memref<!tpu.dma_semaphore, #tpu.memory_space<semaphore_mem>>) src(%dma_wait3A_371 : memref<10240x64xf32, #tpu.memory_space<vmem_shared>>) dst(%arg21 : memref<64x64xf32, #tpu.memory_space<vmem>>)
      %dma_start3A_372 = arith.constant 1 : i32
      %dma_start3A_373 = arith.constant 0 : i32
      %dma_start3A_374 = tpu.memref_slice %arg13[%dma_start3A_372, %dma_start3A_373] : memref<2x64xi32, #tpu.memory_space<vmem>> -> memref<1x64xi32, #tpu.memory_space<vmem>>
      %dma_start3A_375 = tpu.memref_squeeze %dma_start3A_374 : memref<1x64xi32, #tpu.memory_space<vmem>> -> memref<64xi32, #tpu.memory_space<vmem>>
      %dma_start3A_376 = arith.constant 0 : i32
      %dma_start3A_377 = arith.constant 0 : i32
      %dma_start3A_378 = tpu.memref_slice %arg24[%dma_start3A_376, %dma_start3A_377] : memref<10240x64xf32, #tpu.memory_space<vmem_shared>> -> memref<10240x64xf32, #tpu.memory_space<vmem_shared>>
      tpu.enqueue_indirect_dma source(%arg21 : memref<64x64xf32, #tpu.memory_space<vmem>>) target(%dma_start3A_378 : memref<10240x64xf32, #tpu.memory_space<vmem_shared>>) offsets(%dma_start3A_375 : memref<64xi32, #tpu.memory_space<vmem>>) semaphore(%arg47 : memref<!tpu.dma_semaphore, #tpu.memory_space<semaphore_mem>>) {add = true}
      %dma_wait3A_379 = arith.constant 0 : i32
      %dma_wait3A_380 = tpu.memref_slice %arg14[%scan3A_212, %dma_wait3A_379] : memref<2x64xi32, #tpu.memory_space<vmem>> -> memref<1x64xi32, #tpu.memory_space<vmem>>
      %dma_wait3A_381 = tpu.memref_squeeze %dma_wait3A_380 : memref<1x64xi32, #tpu.memory_space<vmem>> -> memref<64xi32, #tpu.memory_space<vmem>>
      %dma_wait3A_382 = arith.constant 0 : i32
      %dma_wait3A_383 = arith.constant 0 : i32
      %dma_wait3A_384 = tpu.memref_slice %arg23[%dma_wait3A_382, %dma_wait3A_383] : memref<10240x64xf32, #tpu.memory_space<vmem_shared>> -> memref<10240x64xf32, #tpu.memory_space<vmem_shared>>
      tpu.wait_indirect_dma semaphore(%arg40 : memref<!tpu.dma_semaphore, #tpu.memory_space<semaphore_mem>>) src(%dma_wait3A_384 : memref<10240x64xf32, #tpu.memory_space<vmem_shared>>) dst(%arg22 : memref<64x64xf32, #tpu.memory_space<vmem>>)
      %dma_start3A_385 = arith.constant 1 : i32
      %dma_start3A_386 = arith.constant 0 : i32
      %dma_start3A_387 = tpu.memref_slice %arg14[%dma_start3A_385, %dma_start3A_386] : memref<2x64xi32, #tpu.memory_space<vmem>> -> memref<1x64xi32, #tpu.memory_space<vmem>>
      %dma_start3A_388 = tpu.memref_squeeze %dma_start3A_387 : memref<1x64xi32, #tpu.memory_space<vmem>> -> memref<64xi32, #tpu.memory_space<vmem>>
      %dma_start3A_389 = arith.constant 0 : i32
      %dma_start3A_390 = arith.constant 0 : i32
      %dma_start3A_391 = tpu.memref_slice %arg24[%dma_start3A_389, %dma_start3A_390] : memref<10240x64xf32, #tpu.memory_space<vmem_shared>> -> memref<10240x64xf32, #tpu.memory_space<vmem_shared>>
      tpu.enqueue_indirect_dma source(%arg22 : memref<64x64xf32, #tpu.memory_space<vmem>>) target(%dma_start3A_391 : memref<10240x64xf32, #tpu.memory_space<vmem_shared>>) offsets(%dma_start3A_388 : memref<64xi32, #tpu.memory_space<vmem>>) semaphore(%arg48 : memref<!tpu.dma_semaphore, #tpu.memory_space<semaphore_mem>>) {add = true}
      %dma_wait3A_392 = arith.constant 1 : i32
      %dma_wait3A_393 = arith.constant 0 : i32
      %dma_wait3A_394 = tpu.memref_slice %arg7[%dma_wait3A_392, %dma_wait3A_393] : memref<2x64xi32, #tpu.memory_space<vmem>> -> memref<1x64xi32, #tpu.memory_space<vmem>>
      %dma_wait3A_395 = tpu.memref_squeeze %dma_wait3A_394 : memref<1x64xi32, #tpu.memory_space<vmem>> -> memref<64xi32, #tpu.memory_space<vmem>>
      %dma_wait3A_396 = arith.constant 0 : i32
      %dma_wait3A_397 = arith.constant 0 : i32
      %dma_wait3A_398 = tpu.memref_slice %arg24[%dma_wait3A_396, %dma_wait3A_397] : memref<10240x64xf32, #tpu.memory_space<vmem_shared>> -> memref<10240x64xf32, #tpu.memory_space<vmem_shared>>
      tpu.wait_indirect_dma semaphore(%arg41 : memref<!tpu.dma_semaphore, #tpu.memory_space<semaphore_mem>>) src(%arg15 : memref<64x64xf32, #tpu.memory_space<vmem>>) dst(%dma_wait3A_398 : memref<10240x64xf32, #tpu.memory_space<vmem_shared>>)
      %add3A = arith.constant 8 : i32
      %add3A_399 = arith.addi %mul3A_287, %add3A : i32
      %add3A_400 = arith.constant 0 : i32
      %add3A_401 = arith.addi %add3A_399, %add3A_400 : i32
      %min3A = arith.constant 312 : i32
      %min3A_402 = arith.minsi %add3A_401, %min3A : i32
      %dma_start3A_403 = arith.constant 0 : i32
      %dma_start3A_404 = arith.constant 0 : i32
      %dma_start3A_405 = tpu.memref_slice %arg4[%arg1, %min3A_402, %dma_start3A_403, %dma_start3A_404] : memref<16x320x2x64xi32, #tpu.memory_space<hbm>> -> memref<1x1x2x64xi32, #tpu.memory_space<hbm>>
      %dma_start3A_406 = tpu.memref_squeeze %dma_start3A_405 : memref<1x1x2x64xi32, #tpu.memory_space<hbm>> -> memref<2x64xi32, #tpu.memory_space<hbm>>
      %dma_start3A_407 = arith.constant 0 : i32
      %dma_start3A_408 = arith.constant 0 : i32
      %dma_start3A_409 = tpu.memref_slice %arg4[%arg1, %min3A_402, %dma_start3A_407, %dma_start3A_408] : memref<16x320x2x64xi32, #tpu.memory_space<hbm>> -> memref<1x1x2x64xi32, #tpu.memory_space<hbm>>
      %dma_start3A_410 = tpu.memref_squeeze %dma_start3A_409 : memref<1x1x2x64xi32, #tpu.memory_space<hbm>> -> memref<2x64xi32, #tpu.memory_space<hbm>>
      tpu.enqueue_dma source(%dma_start3A_410 : memref<2x64xi32, #tpu.memory_space<hbm>>) target(%arg7 : memref<2x64xi32, #tpu.memory_space<vmem>>) target_semaphore(%arg25 : memref<!tpu.dma_semaphore, #tpu.memory_space<semaphore_mem>>)
      %dma_wait3A_411 = arith.constant 1 : i32
      %dma_wait3A_412 = arith.constant 0 : i32
      %dma_wait3A_413 = tpu.memref_slice %arg8[%dma_wait3A_411, %dma_wait3A_412] : memref<2x64xi32, #tpu.memory_space<vmem>> -> memref<1x64xi32, #tpu.memory_space<vmem>>
      %dma_wait3A_414 = tpu.memref_squeeze %dma_wait3A_413 : memref<1x64xi32, #tpu.memory_space<vmem>> -> memref<64xi32, #tpu.memory_space<vmem>>
      %dma_wait3A_415 = arith.constant 0 : i32
      %dma_wait3A_416 = arith.constant 0 : i32
      %dma_wait3A_417 = tpu.memref_slice %arg24[%dma_wait3A_415, %dma_wait3A_416] : memref<10240x64xf32, #tpu.memory_space<vmem_shared>> -> memref<10240x64xf32, #tpu.memory_space<vmem_shared>>
      tpu.wait_indirect_dma semaphore(%arg42 : memref<!tpu.dma_semaphore, #tpu.memory_space<semaphore_mem>>) src(%arg16 : memref<64x64xf32, #tpu.memory_space<vmem>>) dst(%dma_wait3A_417 : memref<10240x64xf32, #tpu.memory_space<vmem_shared>>)
      %add3A_418 = arith.constant 8 : i32
      %add3A_419 = arith.addi %mul3A_287, %add3A_418 : i32
      %add3A_420 = arith.constant 1 : i32
      %add3A_421 = arith.addi %add3A_419, %add3A_420 : i32
      %min3A_422 = arith.constant 313 : i32
      %min3A_423 = arith.minsi %add3A_421, %min3A_422 : i32
      %dma_start3A_424 = arith.constant 0 : i32
      %dma_start3A_425 = arith.constant 0 : i32
      %dma_start3A_426 = tpu.memref_slice %arg4[%arg1, %min3A_423, %dma_start3A_424, %dma_start3A_425] : memref<16x320x2x64xi32, #tpu.memory_space<hbm>> -> memref<1x1x2x64xi32, #tpu.memory_space<hbm>>
      %dma_start3A_427 = tpu.memref_squeeze %dma_start3A_426 : memref<1x1x2x64xi32, #tpu.memory_space<hbm>> -> memref<2x64xi32, #tpu.memory_space<hbm>>
      %dma_start3A_428 = arith.constant 0 : i32
      %dma_start3A_429 = arith.constant 0 : i32
      %dma_start3A_430 = tpu.memref_slice %arg4[%arg1, %min3A_423, %dma_start3A_428, %dma_start3A_429] : memref<16x320x2x64xi32, #tpu.memory_space<hbm>> -> memref<1x1x2x64xi32, #tpu.memory_space<hbm>>
      %dma_start3A_431 = tpu.memref_squeeze %dma_start3A_430 : memref<1x1x2x64xi32, #tpu.memory_space<hbm>> -> memref<2x64xi32, #tpu.memory_space<hbm>>
      tpu.enqueue_dma source(%dma_start3A_431 : memref<2x64xi32, #tpu.memory_space<hbm>>) target(%arg8 : memref<2x64xi32, #tpu.memory_space<vmem>>) target_semaphore(%arg26 : memref<!tpu.dma_semaphore, #tpu.memory_space<semaphore_mem>>)
      %dma_wait3A_432 = arith.constant 1 : i32
      %dma_wait3A_433 = arith.constant 0 : i32
      %dma_wait3A_434 = tpu.memref_slice %arg9[%dma_wait3A_432, %dma_wait3A_433] : memref<2x64xi32, #tpu.memory_space<vmem>> -> memref<1x64xi32, #tpu.memory_space<vmem>>
      %dma_wait3A_435 = tpu.memref_squeeze %dma_wait3A_434 : memref<1x64xi32, #tpu.memory_space<vmem>> -> memref<64xi32, #tpu.memory_space<vmem>>
      %dma_wait3A_436 = arith.constant 0 : i32
      %dma_wait3A_437 = arith.constant 0 : i32
      %dma_wait3A_438 = tpu.memref_slice %arg24[%dma_wait3A_436, %dma_wait3A_437] : memref<10240x64xf32, #tpu.memory_space<vmem_shared>> -> memref<10240x64xf32, #tpu.memory_space<vmem_shared>>
      tpu.wait_indirect_dma semaphore(%arg43 : memref<!tpu.dma_semaphore, #tpu.memory_space<semaphore_mem>>) src(%arg17 : memref<64x64xf32, #tpu.memory_space<vmem>>) dst(%dma_wait3A_438 : memref<10240x64xf32, #tpu.memory_space<vmem_shared>>)
      %add3A_439 = arith.constant 8 : i32
      %add3A_440 = arith.addi %mul3A_287, %add3A_439 : i32
      %add3A_441 = arith.constant 2 : i32
      %add3A_442 = arith.addi %add3A_440, %add3A_441 : i32
      %min3A_443 = arith.constant 314 : i32
      %min3A_444 = arith.minsi %add3A_442, %min3A_443 : i32
      %dma_start3A_445 = arith.constant 0 : i32
      %dma_start3A_446 = arith.constant 0 : i32
      %dma_start3A_447 = tpu.memref_slice %arg4[%arg1, %min3A_444, %dma_start3A_445, %dma_start3A_446] : memref<16x320x2x64xi32, #tpu.memory_space<hbm>> -> memref<1x1x2x64xi32, #tpu.memory_space<hbm>>
      %dma_start3A_448 = tpu.memref_squeeze %dma_start3A_447 : memref<1x1x2x64xi32, #tpu.memory_space<hbm>> -> memref<2x64xi32, #tpu.memory_space<hbm>>
      %dma_start3A_449 = arith.constant 0 : i32
      %dma_start3A_450 = arith.constant 0 : i32
      %dma_start3A_451 = tpu.memref_slice %arg4[%arg1, %min3A_444, %dma_start3A_449, %dma_start3A_450] : memref<16x320x2x64xi32, #tpu.memory_space<hbm>> -> memref<1x1x2x64xi32, #tpu.memory_space<hbm>>
      %dma_start3A_452 = tpu.memref_squeeze %dma_start3A_451 : memref<1x1x2x64xi32, #tpu.memory_space<hbm>> -> memref<2x64xi32, #tpu.memory_space<hbm>>
      tpu.enqueue_dma source(%dma_start3A_452 : memref<2x64xi32, #tpu.memory_space<hbm>>) target(%arg9 : memref<2x64xi32, #tpu.memory_space<vmem>>) target_semaphore(%arg27 : memref<!tpu.dma_semaphore, #tpu.memory_space<semaphore_mem>>)
      %dma_wait3A_453 = arith.constant 1 : i32
      %dma_wait3A_454 = arith.constant 0 : i32
      %dma_wait3A_455 = tpu.memref_slice %arg10[%dma_wait3A_453, %dma_wait3A_454] : memref<2x64xi32, #tpu.memory_space<vmem>> -> memref<1x64xi32, #tpu.memory_space<vmem>>
      %dma_wait3A_456 = tpu.memref_squeeze %dma_wait3A_455 : memref<1x64xi32, #tpu.memory_space<vmem>> -> memref<64xi32, #tpu.memory_space<vmem>>
      %dma_wait3A_457 = arith.constant 0 : i32
      %dma_wait3A_458 = arith.constant 0 : i32
      %dma_wait3A_459 = tpu.memref_slice %arg24[%dma_wait3A_457, %dma_wait3A_458] : memref<10240x64xf32, #tpu.memory_space<vmem_shared>> -> memref<10240x64xf32, #tpu.memory_space<vmem_shared>>
      tpu.wait_indirect_dma semaphore(%arg44 : memref<!tpu.dma_semaphore, #tpu.memory_space<semaphore_mem>>) src(%arg18 : memref<64x64xf32, #tpu.memory_space<vmem>>) dst(%dma_wait3A_459 : memref<10240x64xf32, #tpu.memory_space<vmem_shared>>)
      %add3A_460 = arith.constant 8 : i32
      %add3A_461 = arith.addi %mul3A_287, %add3A_460 : i32
      %add3A_462 = arith.constant 3 : i32
      %add3A_463 = arith.addi %add3A_461, %add3A_462 : i32
      %min3A_464 = arith.constant 315 : i32
      %min3A_465 = arith.minsi %add3A_463, %min3A_464 : i32
      %dma_start3A_466 = arith.constant 0 : i32
      %dma_start3A_467 = arith.constant 0 : i32
      %dma_start3A_468 = tpu.memref_slice %arg4[%arg1, %min3A_465, %dma_start3A_466, %dma_start3A_467] : memref<16x320x2x64xi32, #tpu.memory_space<hbm>> -> memref<1x1x2x64xi32, #tpu.memory_space<hbm>>
      %dma_start3A_469 = tpu.memref_squeeze %dma_start3A_468 : memref<1x1x2x64xi32, #tpu.memory_space<hbm>> -> memref<2x64xi32, #tpu.memory_space<hbm>>
      %dma_start3A_470 = arith.constant 0 : i32
      %dma_start3A_471 = arith.constant 0 : i32
      %dma_start3A_472 = tpu.memref_slice %arg4[%arg1, %min3A_465, %dma_start3A_470, %dma_start3A_471] : memref<16x320x2x64xi32, #tpu.memory_space<hbm>> -> memref<1x1x2x64xi32, #tpu.memory_space<hbm>>
      %dma_start3A_473 = tpu.memref_squeeze %dma_start3A_472 : memref<1x1x2x64xi32, #tpu.memory_space<hbm>> -> memref<2x64xi32, #tpu.memory_space<hbm>>
      tpu.enqueue_dma source(%dma_start3A_473 : memref<2x64xi32, #tpu.memory_space<hbm>>) target(%arg10 : memref<2x64xi32, #tpu.memory_space<vmem>>) target_semaphore(%arg28 : memref<!tpu.dma_semaphore, #tpu.memory_space<semaphore_mem>>)
      %dma_wait3A_474 = arith.constant 1 : i32
      %dma_wait3A_475 = arith.constant 0 : i32
      %dma_wait3A_476 = tpu.memref_slice %arg11[%dma_wait3A_474, %dma_wait3A_475] : memref<2x64xi32, #tpu.memory_space<vmem>> -> memref<1x64xi32, #tpu.memory_space<vmem>>
      %dma_wait3A_477 = tpu.memref_squeeze %dma_wait3A_476 : memref<1x64xi32, #tpu.memory_space<vmem>> -> memref<64xi32, #tpu.memory_space<vmem>>
      %dma_wait3A_478 = arith.constant 0 : i32
      %dma_wait3A_479 = arith.constant 0 : i32
      %dma_wait3A_480 = tpu.memref_slice %arg24[%dma_wait3A_478, %dma_wait3A_479] : memref<10240x64xf32, #tpu.memory_space<vmem_shared>> -> memref<10240x64xf32, #tpu.memory_space<vmem_shared>>
      tpu.wait_indirect_dma semaphore(%arg45 : memref<!tpu.dma_semaphore, #tpu.memory_space<semaphore_mem>>) src(%arg19 : memref<64x64xf32, #tpu.memory_space<vmem>>) dst(%dma_wait3A_480 : memref<10240x64xf32, #tpu.memory_space<vmem_shared>>)
      %add3A_481 = arith.constant 8 : i32
      %add3A_482 = arith.addi %mul3A_287, %add3A_481 : i32
      %add3A_483 = arith.constant 4 : i32
      %add3A_484 = arith.addi %add3A_482, %add3A_483 : i32
      %min3A_485 = arith.constant 316 : i32
      %min3A_486 = arith.minsi %add3A_484, %min3A_485 : i32
      %dma_start3A_487 = arith.constant 0 : i32
      %dma_start3A_488 = arith.constant 0 : i32
      %dma_start3A_489 = tpu.memref_slice %arg4[%arg1, %min3A_486, %dma_start3A_487, %dma_start3A_488] : memref<16x320x2x64xi32, #tpu.memory_space<hbm>> -> memref<1x1x2x64xi32, #tpu.memory_space<hbm>>
      %dma_start3A_490 = tpu.memref_squeeze %dma_start3A_489 : memref<1x1x2x64xi32, #tpu.memory_space<hbm>> -> memref<2x64xi32, #tpu.memory_space<hbm>>
      %dma_start3A_491 = arith.constant 0 : i32
      %dma_start3A_492 = arith.constant 0 : i32
      %dma_start3A_493 = tpu.memref_slice %arg4[%arg1, %min3A_486, %dma_start3A_491, %dma_start3A_492] : memref<16x320x2x64xi32, #tpu.memory_space<hbm>> -> memref<1x1x2x64xi32, #tpu.memory_space<hbm>>
      %dma_start3A_494 = tpu.memref_squeeze %dma_start3A_493 : memref<1x1x2x64xi32, #tpu.memory_space<hbm>> -> memref<2x64xi32, #tpu.memory_space<hbm>>
      tpu.enqueue_dma source(%dma_start3A_494 : memref<2x64xi32, #tpu.memory_space<hbm>>) target(%arg11 : memref<2x64xi32, #tpu.memory_space<vmem>>) target_semaphore(%arg29 : memref<!tpu.dma_semaphore, #tpu.memory_space<semaphore_mem>>)
      %dma_wait3A_495 = arith.constant 1 : i32
      %dma_wait3A_496 = arith.constant 0 : i32
      %dma_wait3A_497 = tpu.memref_slice %arg12[%dma_wait3A_495, %dma_wait3A_496] : memref<2x64xi32, #tpu.memory_space<vmem>> -> memref<1x64xi32, #tpu.memory_space<vmem>>
      %dma_wait3A_498 = tpu.memref_squeeze %dma_wait3A_497 : memref<1x64xi32, #tpu.memory_space<vmem>> -> memref<64xi32, #tpu.memory_space<vmem>>
      %dma_wait3A_499 = arith.constant 0 : i32
      %dma_wait3A_500 = arith.constant 0 : i32
      %dma_wait3A_501 = tpu.memref_slice %arg24[%dma_wait3A_499, %dma_wait3A_500] : memref<10240x64xf32, #tpu.memory_space<vmem_shared>> -> memref<10240x64xf32, #tpu.memory_space<vmem_shared>>
      tpu.wait_indirect_dma semaphore(%arg46 : memref<!tpu.dma_semaphore, #tpu.memory_space<semaphore_mem>>) src(%arg20 : memref<64x64xf32, #tpu.memory_space<vmem>>) dst(%dma_wait3A_501 : memref<10240x64xf32, #tpu.memory_space<vmem_shared>>)
      %add3A_502 = arith.constant 8 : i32
      %add3A_503 = arith.addi %mul3A_287, %add3A_502 : i32
      %add3A_504 = arith.constant 5 : i32
      %add3A_505 = arith.addi %add3A_503, %add3A_504 : i32
      %min3A_506 = arith.constant 317 : i32
      %min3A_507 = arith.minsi %add3A_505, %min3A_506 : i32
      %dma_start3A_508 = arith.constant 0 : i32
      %dma_start3A_509 = arith.constant 0 : i32
      %dma_start3A_510 = tpu.memref_slice %arg4[%arg1, %min3A_507, %dma_start3A_508, %dma_start3A_509] : memref<16x320x2x64xi32, #tpu.memory_space<hbm>> -> memref<1x1x2x64xi32, #tpu.memory_space<hbm>>
      %dma_start3A_511 = tpu.memref_squeeze %dma_start3A_510 : memref<1x1x2x64xi32, #tpu.memory_space<hbm>> -> memref<2x64xi32, #tpu.memory_space<hbm>>
      %dma_start3A_512 = arith.constant 0 : i32
      %dma_start3A_513 = arith.constant 0 : i32
      %dma_start3A_514 = tpu.memref_slice %arg4[%arg1, %min3A_507, %dma_start3A_512, %dma_start3A_513] : memref<16x320x2x64xi32, #tpu.memory_space<hbm>> -> memref<1x1x2x64xi32, #tpu.memory_space<hbm>>
      %dma_start3A_515 = tpu.memref_squeeze %dma_start3A_514 : memref<1x1x2x64xi32, #tpu.memory_space<hbm>> -> memref<2x64xi32, #tpu.memory_space<hbm>>
      tpu.enqueue_dma source(%dma_start3A_515 : memref<2x64xi32, #tpu.memory_space<hbm>>) target(%arg12 : memref<2x64xi32, #tpu.memory_space<vmem>>) target_semaphore(%arg30 : memref<!tpu.dma_semaphore, #tpu.memory_space<semaphore_mem>>)
      %dma_wait3A_516 = arith.constant 1 : i32
      %dma_wait3A_517 = arith.constant 0 : i32
      %dma_wait3A_518 = tpu.memref_slice %arg13[%dma_wait3A_516, %dma_wait3A_517] : memref<2x64xi32, #tpu.memory_space<vmem>> -> memref<1x64xi32, #tpu.memory_space<vmem>>
      %dma_wait3A_519 = tpu.memref_squeeze %dma_wait3A_518 : memref<1x64xi32, #tpu.memory_space<vmem>> -> memref<64xi32, #tpu.memory_space<vmem>>
      %dma_wait3A_520 = arith.constant 0 : i32
      %dma_wait3A_521 = arith.constant 0 : i32
      %dma_wait3A_522 = tpu.memref_slice %arg24[%dma_wait3A_520, %dma_wait3A_521] : memref<10240x64xf32, #tpu.memory_space<vmem_shared>> -> memref<10240x64xf32, #tpu.memory_space<vmem_shared>>
      tpu.wait_indirect_dma semaphore(%arg47 : memref<!tpu.dma_semaphore, #tpu.memory_space<semaphore_mem>>) src(%arg21 : memref<64x64xf32, #tpu.memory_space<vmem>>) dst(%dma_wait3A_522 : memref<10240x64xf32, #tpu.memory_space<vmem_shared>>)
      %add3A_523 = arith.constant 8 : i32
      %add3A_524 = arith.addi %mul3A_287, %add3A_523 : i32
      %add3A_525 = arith.constant 6 : i32
      %add3A_526 = arith.addi %add3A_524, %add3A_525 : i32
      %min3A_527 = arith.constant 318 : i32
      %min3A_528 = arith.minsi %add3A_526, %min3A_527 : i32
      %dma_start3A_529 = arith.constant 0 : i32
      %dma_start3A_530 = arith.constant 0 : i32
      %dma_start3A_531 = tpu.memref_slice %arg4[%arg1, %min3A_528, %dma_start3A_529, %dma_start3A_530] : memref<16x320x2x64xi32, #tpu.memory_space<hbm>> -> memref<1x1x2x64xi32, #tpu.memory_space<hbm>>
      %dma_start3A_532 = tpu.memref_squeeze %dma_start3A_531 : memref<1x1x2x64xi32, #tpu.memory_space<hbm>> -> memref<2x64xi32, #tpu.memory_space<hbm>>
      %dma_start3A_533 = arith.constant 0 : i32
      %dma_start3A_534 = arith.constant 0 : i32
      %dma_start3A_535 = tpu.memref_slice %arg4[%arg1, %min3A_528, %dma_start3A_533, %dma_start3A_534] : memref<16x320x2x64xi32, #tpu.memory_space<hbm>> -> memref<1x1x2x64xi32, #tpu.memory_space<hbm>>
      %dma_start3A_536 = tpu.memref_squeeze %dma_start3A_535 : memref<1x1x2x64xi32, #tpu.memory_space<hbm>> -> memref<2x64xi32, #tpu.memory_space<hbm>>
      tpu.enqueue_dma source(%dma_start3A_536 : memref<2x64xi32, #tpu.memory_space<hbm>>) target(%arg13 : memref<2x64xi32, #tpu.memory_space<vmem>>) target_semaphore(%arg31 : memref<!tpu.dma_semaphore, #tpu.memory_space<semaphore_mem>>)
      %dma_wait3A_537 = arith.constant 1 : i32
      %dma_wait3A_538 = arith.constant 0 : i32
      %dma_wait3A_539 = tpu.memref_slice %arg14[%dma_wait3A_537, %dma_wait3A_538] : memref<2x64xi32, #tpu.memory_space<vmem>> -> memref<1x64xi32, #tpu.memory_space<vmem>>
      %dma_wait3A_540 = tpu.memref_squeeze %dma_wait3A_539 : memref<1x64xi32, #tpu.memory_space<vmem>> -> memref<64xi32, #tpu.memory_space<vmem>>
      %dma_wait3A_541 = arith.constant 0 : i32
      %dma_wait3A_542 = arith.constant 0 : i32
      %dma_wait3A_543 = tpu.memref_slice %arg24[%dma_wait3A_541, %dma_wait3A_542] : memref<10240x64xf32, #tpu.memory_space<vmem_shared>> -> memref<10240x64xf32, #tpu.memory_space<vmem_shared>>
      tpu.wait_indirect_dma semaphore(%arg48 : memref<!tpu.dma_semaphore, #tpu.memory_space<semaphore_mem>>) src(%arg22 : memref<64x64xf32, #tpu.memory_space<vmem>>) dst(%dma_wait3A_543 : memref<10240x64xf32, #tpu.memory_space<vmem_shared>>)
      %add3A_544 = arith.constant 8 : i32
      %add3A_545 = arith.addi %mul3A_287, %add3A_544 : i32
      %add3A_546 = arith.constant 7 : i32
      %add3A_547 = arith.addi %add3A_545, %add3A_546 : i32
      %min3A_548 = arith.constant 319 : i32
      %min3A_549 = arith.minsi %add3A_547, %min3A_548 : i32
      %dma_start3A_550 = arith.constant 0 : i32
      %dma_start3A_551 = arith.constant 0 : i32
      %dma_start3A_552 = tpu.memref_slice %arg4[%arg1, %min3A_549, %dma_start3A_550, %dma_start3A_551] : memref<16x320x2x64xi32, #tpu.memory_space<hbm>> -> memref<1x1x2x64xi32, #tpu.memory_space<hbm>>
      %dma_start3A_553 = tpu.memref_squeeze %dma_start3A_552 : memref<1x1x2x64xi32, #tpu.memory_space<hbm>> -> memref<2x64xi32, #tpu.memory_space<hbm>>
      %dma_start3A_554 = arith.constant 0 : i32
      %dma_start3A_555 = arith.constant 0 : i32
      %dma_start3A_556 = tpu.memref_slice %arg4[%arg1, %min3A_549, %dma_start3A_554, %dma_start3A_555] : memref<16x320x2x64xi32, #tpu.memory_space<hbm>> -> memref<1x1x2x64xi32, #tpu.memory_space<hbm>>
      %dma_start3A_557 = tpu.memref_squeeze %dma_start3A_556 : memref<1x1x2x64xi32, #tpu.memory_space<hbm>> -> memref<2x64xi32, #tpu.memory_space<hbm>>
      tpu.enqueue_dma source(%dma_start3A_557 : memref<2x64xi32, #tpu.memory_space<hbm>>) target(%arg14 : memref<2x64xi32, #tpu.memory_space<vmem>>) target_semaphore(%arg32 : memref<!tpu.dma_semaphore, #tpu.memory_space<semaphore_mem>>)
      %dma_wait3A_558 = arith.constant 0 : i32
      %dma_wait3A_559 = arith.constant 0 : i32
      %dma_wait3A_560 = arith.constant 0 : i32
      %dma_wait3A_561 = tpu.memref_slice %arg4[%arg1, %dma_wait3A_558, %dma_wait3A_559, %dma_wait3A_560] : memref<16x320x2x64xi32, #tpu.memory_space<hbm>> -> memref<1x1x2x64xi32, #tpu.memory_space<hbm>>
      %dma_wait3A_562 = tpu.memref_squeeze %dma_wait3A_561 : memref<1x1x2x64xi32, #tpu.memory_space<hbm>> -> memref<2x64xi32, #tpu.memory_space<hbm>>
      %dma_wait3A_563 = arith.constant 0 : i32
      %dma_wait3A_564 = arith.constant 0 : i32
      %dma_wait3A_565 = tpu.memref_slice %arg4[%arg1, %dma_wait3A_558, %dma_wait3A_563, %dma_wait3A_564] : memref<16x320x2x64xi32, #tpu.memory_space<hbm>> -> memref<1x1x2x64xi32, #tpu.memory_space<hbm>>
      %dma_wait3A_566 = tpu.memref_squeeze %dma_wait3A_565 : memref<1x1x2x64xi32, #tpu.memory_space<hbm>> -> memref<2x64xi32, #tpu.memory_space<hbm>>
      tpu.wait_dma2 semaphore(%arg25 : memref<!tpu.dma_semaphore, #tpu.memory_space<semaphore_mem>>) src(%dma_wait3A_566 : memref<2x64xi32, #tpu.memory_space<hbm>>) dst(%arg7 : memref<2x64xi32, #tpu.memory_space<vmem>>)
      %dma_start3A_567 = arith.constant 0 : i32
      %dma_start3A_568 = arith.constant 0 : i32
      %dma_start3A_569 = tpu.memref_slice %arg7[%dma_start3A_567, %dma_start3A_568] : memref<2x64xi32, #tpu.memory_space<vmem>> -> memref<1x64xi32, #tpu.memory_space<vmem>>
      %dma_start3A_570 = tpu.memref_squeeze %dma_start3A_569 : memref<1x64xi32, #tpu.memory_space<vmem>> -> memref<64xi32, #tpu.memory_space<vmem>>
      %dma_start3A_571 = arith.constant 0 : i32
      %dma_start3A_572 = arith.constant 0 : i32
      %dma_start3A_573 = tpu.memref_slice %arg23[%dma_start3A_571, %dma_start3A_572] : memref<10240x64xf32, #tpu.memory_space<vmem_shared>> -> memref<10240x64xf32, #tpu.memory_space<vmem_shared>>
      tpu.enqueue_indirect_dma source(%dma_start3A_573 : memref<10240x64xf32, #tpu.memory_space<vmem_shared>>) target(%arg15 : memref<64x64xf32, #tpu.memory_space<vmem>>) offsets(%dma_start3A_570 : memref<64xi32, #tpu.memory_space<vmem>>) semaphore(%arg33 : memref<!tpu.dma_semaphore, #tpu.memory_space<semaphore_mem>>)
      %dma_wait3A_574 = arith.constant 0 : i32
      %dma_wait3A_575 = arith.constant 0 : i32
      %dma_wait3A_576 = arith.constant 0 : i32
      %dma_wait3A_577 = tpu.memref_slice %arg4[%arg1, %dma_wait3A_574, %dma_wait3A_575, %dma_wait3A_576] : memref<16x320x2x64xi32, #tpu.memory_space<hbm>> -> memref<1x1x2x64xi32, #tpu.memory_space<hbm>>
      %dma_wait3A_578 = tpu.memref_squeeze %dma_wait3A_577 : memref<1x1x2x64xi32, #tpu.memory_space<hbm>> -> memref<2x64xi32, #tpu.memory_space<hbm>>
      %dma_wait3A_579 = arith.constant 0 : i32
      %dma_wait3A_580 = arith.constant 0 : i32
      %dma_wait3A_581 = tpu.memref_slice %arg4[%arg1, %dma_wait3A_574, %dma_wait3A_579, %dma_wait3A_580] : memref<16x320x2x64xi32, #tpu.memory_space<hbm>> -> memref<1x1x2x64xi32, #tpu.memory_space<hbm>>
      %dma_wait3A_582 = tpu.memref_squeeze %dma_wait3A_581 : memref<1x1x2x64xi32, #tpu.memory_space<hbm>> -> memref<2x64xi32, #tpu.memory_space<hbm>>
      tpu.wait_dma2 semaphore(%arg26 : memref<!tpu.dma_semaphore, #tpu.memory_space<semaphore_mem>>) src(%dma_wait3A_582 : memref<2x64xi32, #tpu.memory_space<hbm>>) dst(%arg8 : memref<2x64xi32, #tpu.memory_space<vmem>>)
      %dma_start3A_583 = arith.constant 0 : i32
      %dma_start3A_584 = arith.constant 0 : i32
      %dma_start3A_585 = tpu.memref_slice %arg8[%dma_start3A_583, %dma_start3A_584] : memref<2x64xi32, #tpu.memory_space<vmem>> -> memref<1x64xi32, #tpu.memory_space<vmem>>
      %dma_start3A_586 = tpu.memref_squeeze %dma_start3A_585 : memref<1x64xi32, #tpu.memory_space<vmem>> -> memref<64xi32, #tpu.memory_space<vmem>>
      %dma_start3A_587 = arith.constant 0 : i32
      %dma_start3A_588 = arith.constant 0 : i32
      %dma_start3A_589 = tpu.memref_slice %arg23[%dma_start3A_587, %dma_start3A_588] : memref<10240x64xf32, #tpu.memory_space<vmem_shared>> -> memref<10240x64xf32, #tpu.memory_space<vmem_shared>>
      tpu.enqueue_indirect_dma source(%dma_start3A_589 : memref<10240x64xf32, #tpu.memory_space<vmem_shared>>) target(%arg16 : memref<64x64xf32, #tpu.memory_space<vmem>>) offsets(%dma_start3A_586 : memref<64xi32, #tpu.memory_space<vmem>>) semaphore(%arg34 : memref<!tpu.dma_semaphore, #tpu.memory_space<semaphore_mem>>)
      %dma_wait3A_590 = arith.constant 0 : i32
      %dma_wait3A_591 = arith.constant 0 : i32
      %dma_wait3A_592 = arith.constant 0 : i32
      %dma_wait3A_593 = tpu.memref_slice %arg4[%arg1, %dma_wait3A_590, %dma_wait3A_591, %dma_wait3A_592] : memref<16x320x2x64xi32, #tpu.memory_space<hbm>> -> memref<1x1x2x64xi32, #tpu.memory_space<hbm>>
      %dma_wait3A_594 = tpu.memref_squeeze %dma_wait3A_593 : memref<1x1x2x64xi32, #tpu.memory_space<hbm>> -> memref<2x64xi32, #tpu.memory_space<hbm>>
      %dma_wait3A_595 = arith.constant 0 : i32
      %dma_wait3A_596 = arith.constant 0 : i32
      %dma_wait3A_597 = tpu.memref_slice %arg4[%arg1, %dma_wait3A_590, %dma_wait3A_595, %dma_wait3A_596] : memref<16x320x2x64xi32, #tpu.memory_space<hbm>> -> memref<1x1x2x64xi32, #tpu.memory_space<hbm>>
      %dma_wait3A_598 = tpu.memref_squeeze %dma_wait3A_597 : memref<1x1x2x64xi32, #tpu.memory_space<hbm>> -> memref<2x64xi32, #tpu.memory_space<hbm>>
      tpu.wait_dma2 semaphore(%arg27 : memref<!tpu.dma_semaphore, #tpu.memory_space<semaphore_mem>>) src(%dma_wait3A_598 : memref<2x64xi32, #tpu.memory_space<hbm>>) dst(%arg9 : memref<2x64xi32, #tpu.memory_space<vmem>>)
      %dma_start3A_599 = arith.constant 0 : i32
      %dma_start3A_600 = arith.constant 0 : i32
      %dma_start3A_601 = tpu.memref_slice %arg9[%dma_start3A_599, %dma_start3A_600] : memref<2x64xi32, #tpu.memory_space<vmem>> -> memref<1x64xi32, #tpu.memory_space<vmem>>
      %dma_start3A_602 = tpu.memref_squeeze %dma_start3A_601 : memref<1x64xi32, #tpu.memory_space<vmem>> -> memref<64xi32, #tpu.memory_space<vmem>>
      %dma_start3A_603 = arith.constant 0 : i32
      %dma_start3A_604 = arith.constant 0 : i32
      %dma_start3A_605 = tpu.memref_slice %arg23[%dma_start3A_603, %dma_start3A_604] : memref<10240x64xf32, #tpu.memory_space<vmem_shared>> -> memref<10240x64xf32, #tpu.memory_space<vmem_shared>>
      tpu.enqueue_indirect_dma source(%dma_start3A_605 : memref<10240x64xf32, #tpu.memory_space<vmem_shared>>) target(%arg17 : memref<64x64xf32, #tpu.memory_space<vmem>>) offsets(%dma_start3A_602 : memref<64xi32, #tpu.memory_space<vmem>>) semaphore(%arg35 : memref<!tpu.dma_semaphore, #tpu.memory_space<semaphore_mem>>)
      %dma_wait3A_606 = arith.constant 0 : i32
      %dma_wait3A_607 = arith.constant 0 : i32
      %dma_wait3A_608 = arith.constant 0 : i32
      %dma_wait3A_609 = tpu.memref_slice %arg4[%arg1, %dma_wait3A_606, %dma_wait3A_607, %dma_wait3A_608] : memref<16x320x2x64xi32, #tpu.memory_space<hbm>> -> memref<1x1x2x64xi32, #tpu.memory_space<hbm>>
      %dma_wait3A_610 = tpu.memref_squeeze %dma_wait3A_609 : memref<1x1x2x64xi32, #tpu.memory_space<hbm>> -> memref<2x64xi32, #tpu.memory_space<hbm>>
      %dma_wait3A_611 = arith.constant 0 : i32
      %dma_wait3A_612 = arith.constant 0 : i32
      %dma_wait3A_613 = tpu.memref_slice %arg4[%arg1, %dma_wait3A_606, %dma_wait3A_611, %dma_wait3A_612] : memref<16x320x2x64xi32, #tpu.memory_space<hbm>> -> memref<1x1x2x64xi32, #tpu.memory_space<hbm>>
      %dma_wait3A_614 = tpu.memref_squeeze %dma_wait3A_613 : memref<1x1x2x64xi32, #tpu.memory_space<hbm>> -> memref<2x64xi32, #tpu.memory_space<hbm>>
      tpu.wait_dma2 semaphore(%arg28 : memref<!tpu.dma_semaphore, #tpu.memory_space<semaphore_mem>>) src(%dma_wait3A_614 : memref<2x64xi32, #tpu.memory_space<hbm>>) dst(%arg10 : memref<2x64xi32, #tpu.memory_space<vmem>>)
      %dma_start3A_615 = arith.constant 0 : i32
      %dma_start3A_616 = arith.constant 0 : i32
      %dma_start3A_617 = tpu.memref_slice %arg10[%dma_start3A_615, %dma_start3A_616] : memref<2x64xi32, #tpu.memory_space<vmem>> -> memref<1x64xi32, #tpu.memory_space<vmem>>
      %dma_start3A_618 = tpu.memref_squeeze %dma_start3A_617 : memref<1x64xi32, #tpu.memory_space<vmem>> -> memref<64xi32, #tpu.memory_space<vmem>>
      %dma_start3A_619 = arith.constant 0 : i32
      %dma_start3A_620 = arith.constant 0 : i32
      %dma_start3A_621 = tpu.memref_slice %arg23[%dma_start3A_619, %dma_start3A_620] : memref<10240x64xf32, #tpu.memory_space<vmem_shared>> -> memref<10240x64xf32, #tpu.memory_space<vmem_shared>>
      tpu.enqueue_indirect_dma source(%dma_start3A_621 : memref<10240x64xf32, #tpu.memory_space<vmem_shared>>) target(%arg18 : memref<64x64xf32, #tpu.memory_space<vmem>>) offsets(%dma_start3A_618 : memref<64xi32, #tpu.memory_space<vmem>>) semaphore(%arg36 : memref<!tpu.dma_semaphore, #tpu.memory_space<semaphore_mem>>)
      %dma_wait3A_622 = arith.constant 0 : i32
      %dma_wait3A_623 = arith.constant 0 : i32
      %dma_wait3A_624 = arith.constant 0 : i32
      %dma_wait3A_625 = tpu.memref_slice %arg4[%arg1, %dma_wait3A_622, %dma_wait3A_623, %dma_wait3A_624] : memref<16x320x2x64xi32, #tpu.memory_space<hbm>> -> memref<1x1x2x64xi32, #tpu.memory_space<hbm>>
      %dma_wait3A_626 = tpu.memref_squeeze %dma_wait3A_625 : memref<1x1x2x64xi32, #tpu.memory_space<hbm>> -> memref<2x64xi32, #tpu.memory_space<hbm>>
      %dma_wait3A_627 = arith.constant 0 : i32
      %dma_wait3A_628 = arith.constant 0 : i32
      %dma_wait3A_629 = tpu.memref_slice %arg4[%arg1, %dma_wait3A_622, %dma_wait3A_627, %dma_wait3A_628] : memref<16x320x2x64xi32, #tpu.memory_space<hbm>> -> memref<1x1x2x64xi32, #tpu.memory_space<hbm>>
      %dma_wait3A_630 = tpu.memref_squeeze %dma_wait3A_629 : memref<1x1x2x64xi32, #tpu.memory_space<hbm>> -> memref<2x64xi32, #tpu.memory_space<hbm>>
      tpu.wait_dma2 semaphore(%arg29 : memref<!tpu.dma_semaphore, #tpu.memory_space<semaphore_mem>>) src(%dma_wait3A_630 : memref<2x64xi32, #tpu.memory_space<hbm>>) dst(%arg11 : memref<2x64xi32, #tpu.memory_space<vmem>>)
      %dma_start3A_631 = arith.constant 0 : i32
      %dma_start3A_632 = arith.constant 0 : i32
      %dma_start3A_633 = tpu.memref_slice %arg11[%dma_start3A_631, %dma_start3A_632] : memref<2x64xi32, #tpu.memory_space<vmem>> -> memref<1x64xi32, #tpu.memory_space<vmem>>
      %dma_start3A_634 = tpu.memref_squeeze %dma_start3A_633 : memref<1x64xi32, #tpu.memory_space<vmem>> -> memref<64xi32, #tpu.memory_space<vmem>>
      %dma_start3A_635 = arith.constant 0 : i32
      %dma_start3A_636 = arith.constant 0 : i32
      %dma_start3A_637 = tpu.memref_slice %arg23[%dma_start3A_635, %dma_start3A_636] : memref<10240x64xf32, #tpu.memory_space<vmem_shared>> -> memref<10240x64xf32, #tpu.memory_space<vmem_shared>>
      tpu.enqueue_indirect_dma source(%dma_start3A_637 : memref<10240x64xf32, #tpu.memory_space<vmem_shared>>) target(%arg19 : memref<64x64xf32, #tpu.memory_space<vmem>>) offsets(%dma_start3A_634 : memref<64xi32, #tpu.memory_space<vmem>>) semaphore(%arg37 : memref<!tpu.dma_semaphore, #tpu.memory_space<semaphore_mem>>)
      %dma_wait3A_638 = arith.constant 0 : i32
      %dma_wait3A_639 = arith.constant 0 : i32
      %dma_wait3A_640 = arith.constant 0 : i32
      %dma_wait3A_641 = tpu.memref_slice %arg4[%arg1, %dma_wait3A_638, %dma_wait3A_639, %dma_wait3A_640] : memref<16x320x2x64xi32, #tpu.memory_space<hbm>> -> memref<1x1x2x64xi32, #tpu.memory_space<hbm>>
      %dma_wait3A_642 = tpu.memref_squeeze %dma_wait3A_641 : memref<1x1x2x64xi32, #tpu.memory_space<hbm>> -> memref<2x64xi32, #tpu.memory_space<hbm>>
      %dma_wait3A_643 = arith.constant 0 : i32
      %dma_wait3A_644 = arith.constant 0 : i32
      %dma_wait3A_645 = tpu.memref_slice %arg4[%arg1, %dma_wait3A_638, %dma_wait3A_643, %dma_wait3A_644] : memref<16x320x2x64xi32, #tpu.memory_space<hbm>> -> memref<1x1x2x64xi32, #tpu.memory_space<hbm>>
      %dma_wait3A_646 = tpu.memref_squeeze %dma_wait3A_645 : memref<1x1x2x64xi32, #tpu.memory_space<hbm>> -> memref<2x64xi32, #tpu.memory_space<hbm>>
      tpu.wait_dma2 semaphore(%arg30 : memref<!tpu.dma_semaphore, #tpu.memory_space<semaphore_mem>>) src(%dma_wait3A_646 : memref<2x64xi32, #tpu.memory_space<hbm>>) dst(%arg12 : memref<2x64xi32, #tpu.memory_space<vmem>>)
      %dma_start3A_647 = arith.constant 0 : i32
      %dma_start3A_648 = arith.constant 0 : i32
      %dma_start3A_649 = tpu.memref_slice %arg12[%dma_start3A_647, %dma_start3A_648] : memref<2x64xi32, #tpu.memory_space<vmem>> -> memref<1x64xi32, #tpu.memory_space<vmem>>
      %dma_start3A_650 = tpu.memref_squeeze %dma_start3A_649 : memref<1x64xi32, #tpu.memory_space<vmem>> -> memref<64xi32, #tpu.memory_space<vmem>>
      %dma_start3A_651 = arith.constant 0 : i32
      %dma_start3A_652 = arith.constant 0 : i32
      %dma_start3A_653 = tpu.memref_slice %arg23[%dma_start3A_651, %dma_start3A_652] : memref<10240x64xf32, #tpu.memory_space<vmem_shared>> -> memref<10240x64xf32, #tpu.memory_space<vmem_shared>>
      tpu.enqueue_indirect_dma source(%dma_start3A_653 : memref<10240x64xf32, #tpu.memory_space<vmem_shared>>) target(%arg20 : memref<64x64xf32, #tpu.memory_space<vmem>>) offsets(%dma_start3A_650 : memref<64xi32, #tpu.memory_space<vmem>>) semaphore(%arg38 : memref<!tpu.dma_semaphore, #tpu.memory_space<semaphore_mem>>)
      %dma_wait3A_654 = arith.constant 0 : i32
      %dma_wait3A_655 = arith.constant 0 : i32
      %dma_wait3A_656 = arith.constant 0 : i32
      %dma_wait3A_657 = tpu.memref_slice %arg4[%arg1, %dma_wait3A_654, %dma_wait3A_655, %dma_wait3A_656] : memref<16x320x2x64xi32, #tpu.memory_space<hbm>> -> memref<1x1x2x64xi32, #tpu.memory_space<hbm>>
      %dma_wait3A_658 = tpu.memref_squeeze %dma_wait3A_657 : memref<1x1x2x64xi32, #tpu.memory_space<hbm>> -> memref<2x64xi32, #tpu.memory_space<hbm>>
      %dma_wait3A_659 = arith.constant 0 : i32
      %dma_wait3A_660 = arith.constant 0 : i32
      %dma_wait3A_661 = tpu.memref_slice %arg4[%arg1, %dma_wait3A_654, %dma_wait3A_659, %dma_wait3A_660] : memref<16x320x2x64xi32, #tpu.memory_space<hbm>> -> memref<1x1x2x64xi32, #tpu.memory_space<hbm>>
      %dma_wait3A_662 = tpu.memref_squeeze %dma_wait3A_661 : memref<1x1x2x64xi32, #tpu.memory_space<hbm>> -> memref<2x64xi32, #tpu.memory_space<hbm>>
      tpu.wait_dma2 semaphore(%arg31 : memref<!tpu.dma_semaphore, #tpu.memory_space<semaphore_mem>>) src(%dma_wait3A_662 : memref<2x64xi32, #tpu.memory_space<hbm>>) dst(%arg13 : memref<2x64xi32, #tpu.memory_space<vmem>>)
      %dma_start3A_663 = arith.constant 0 : i32
      %dma_start3A_664 = arith.constant 0 : i32
      %dma_start3A_665 = tpu.memref_slice %arg13[%dma_start3A_663, %dma_start3A_664] : memref<2x64xi32, #tpu.memory_space<vmem>> -> memref<1x64xi32, #tpu.memory_space<vmem>>
      %dma_start3A_666 = tpu.memref_squeeze %dma_start3A_665 : memref<1x64xi32, #tpu.memory_space<vmem>> -> memref<64xi32, #tpu.memory_space<vmem>>
      %dma_start3A_667 = arith.constant 0 : i32
      %dma_start3A_668 = arith.constant 0 : i32
      %dma_start3A_669 = tpu.memref_slice %arg23[%dma_start3A_667, %dma_start3A_668] : memref<10240x64xf32, #tpu.memory_space<vmem_shared>> -> memref<10240x64xf32, #tpu.memory_space<vmem_shared>>
      tpu.enqueue_indirect_dma source(%dma_start3A_669 : memref<10240x64xf32, #tpu.memory_space<vmem_shared>>) target(%arg21 : memref<64x64xf32, #tpu.memory_space<vmem>>) offsets(%dma_start3A_666 : memref<64xi32, #tpu.memory_space<vmem>>) semaphore(%arg39 : memref<!tpu.dma_semaphore, #tpu.memory_space<semaphore_mem>>)
      %dma_wait3A_670 = arith.constant 0 : i32
      %dma_wait3A_671 = arith.constant 0 : i32
      %dma_wait3A_672 = arith.constant 0 : i32
      %dma_wait3A_673 = tpu.memref_slice %arg4[%arg1, %dma_wait3A_670, %dma_wait3A_671, %dma_wait3A_672] : memref<16x320x2x64xi32, #tpu.memory_space<hbm>> -> memref<1x1x2x64xi32, #tpu.memory_space<hbm>>
      %dma_wait3A_674 = tpu.memref_squeeze %dma_wait3A_673 : memref<1x1x2x64xi32, #tpu.memory_space<hbm>> -> memref<2x64xi32, #tpu.memory_space<hbm>>
      %dma_wait3A_675 = arith.constant 0 : i32
      %dma_wait3A_676 = arith.constant 0 : i32
      %dma_wait3A_677 = tpu.memref_slice %arg4[%arg1, %dma_wait3A_670, %dma_wait3A_675, %dma_wait3A_676] : memref<16x320x2x64xi32, #tpu.memory_space<hbm>> -> memref<1x1x2x64xi32, #tpu.memory_space<hbm>>
      %dma_wait3A_678 = tpu.memref_squeeze %dma_wait3A_677 : memref<1x1x2x64xi32, #tpu.memory_space<hbm>> -> memref<2x64xi32, #tpu.memory_space<hbm>>
      tpu.wait_dma2 semaphore(%arg32 : memref<!tpu.dma_semaphore, #tpu.memory_space<semaphore_mem>>) src(%dma_wait3A_678 : memref<2x64xi32, #tpu.memory_space<hbm>>) dst(%arg14 : memref<2x64xi32, #tpu.memory_space<vmem>>)
      %dma_start3A_679 = arith.constant 0 : i32
      %dma_start3A_680 = arith.constant 0 : i32
      %dma_start3A_681 = tpu.memref_slice %arg14[%dma_start3A_679, %dma_start3A_680] : memref<2x64xi32, #tpu.memory_space<vmem>> -> memref<1x64xi32, #tpu.memory_space<vmem>>
      %dma_start3A_682 = tpu.memref_squeeze %dma_start3A_681 : memref<1x64xi32, #tpu.memory_space<vmem>> -> memref<64xi32, #tpu.memory_space<vmem>>
      %dma_start3A_683 = arith.constant 0 : i32
      %dma_start3A_684 = arith.constant 0 : i32
      %dma_start3A_685 = tpu.memref_slice %arg23[%dma_start3A_683, %dma_start3A_684] : memref<10240x64xf32, #tpu.memory_space<vmem_shared>> -> memref<10240x64xf32, #tpu.memory_space<vmem_shared>>
      tpu.enqueue_indirect_dma source(%dma_start3A_685 : memref<10240x64xf32, #tpu.memory_space<vmem_shared>>) target(%arg22 : memref<64x64xf32, #tpu.memory_space<vmem>>) offsets(%dma_start3A_682 : memref<64xi32, #tpu.memory_space<vmem>>) semaphore(%arg40 : memref<!tpu.dma_semaphore, #tpu.memory_space<semaphore_mem>>)
    }
    %scan3A_217 = arith.constant 40 : i32
    %dma_wait3A_218 = arith.constant 0 : i32
    %dma_wait3A_219 = arith.constant 0 : i32
    %dma_wait3A_220 = tpu.memref_slice %arg7[%dma_wait3A_218, %dma_wait3A_219] : memref<2x64xi32, #tpu.memory_space<vmem>> -> memref<1x64xi32, #tpu.memory_space<vmem>>
    %dma_wait3A_221 = tpu.memref_squeeze %dma_wait3A_220 : memref<1x64xi32, #tpu.memory_space<vmem>> -> memref<64xi32, #tpu.memory_space<vmem>>
    %dma_wait3A_222 = arith.constant 0 : i32
    %dma_wait3A_223 = arith.constant 0 : i32
    %dma_wait3A_224 = tpu.memref_slice %arg23[%dma_wait3A_222, %dma_wait3A_223] : memref<10240x64xf32, #tpu.memory_space<vmem_shared>> -> memref<10240x64xf32, #tpu.memory_space<vmem_shared>>
    tpu.wait_indirect_dma semaphore(%arg33 : memref<!tpu.dma_semaphore, #tpu.memory_space<semaphore_mem>>) src(%dma_wait3A_224 : memref<10240x64xf32, #tpu.memory_space<vmem_shared>>) dst(%arg15 : memref<64x64xf32, #tpu.memory_space<vmem>>)
    %dma_wait3A_225 = arith.constant 0 : i32
    %dma_wait3A_226 = arith.constant 0 : i32
    %dma_wait3A_227 = tpu.memref_slice %arg8[%dma_wait3A_225, %dma_wait3A_226] : memref<2x64xi32, #tpu.memory_space<vmem>> -> memref<1x64xi32, #tpu.memory_space<vmem>>
    %dma_wait3A_228 = tpu.memref_squeeze %dma_wait3A_227 : memref<1x64xi32, #tpu.memory_space<vmem>> -> memref<64xi32, #tpu.memory_space<vmem>>
    %dma_wait3A_229 = arith.constant 0 : i32
    %dma_wait3A_230 = arith.constant 0 : i32
    %dma_wait3A_231 = tpu.memref_slice %arg23[%dma_wait3A_229, %dma_wait3A_230] : memref<10240x64xf32, #tpu.memory_space<vmem_shared>> -> memref<10240x64xf32, #tpu.memory_space<vmem_shared>>
    tpu.wait_indirect_dma semaphore(%arg34 : memref<!tpu.dma_semaphore, #tpu.memory_space<semaphore_mem>>) src(%dma_wait3A_231 : memref<10240x64xf32, #tpu.memory_space<vmem_shared>>) dst(%arg16 : memref<64x64xf32, #tpu.memory_space<vmem>>)
    %dma_wait3A_232 = arith.constant 0 : i32
    %dma_wait3A_233 = arith.constant 0 : i32
    %dma_wait3A_234 = tpu.memref_slice %arg9[%dma_wait3A_232, %dma_wait3A_233] : memref<2x64xi32, #tpu.memory_space<vmem>> -> memref<1x64xi32, #tpu.memory_space<vmem>>
    %dma_wait3A_235 = tpu.memref_squeeze %dma_wait3A_234 : memref<1x64xi32, #tpu.memory_space<vmem>> -> memref<64xi32, #tpu.memory_space<vmem>>
    %dma_wait3A_236 = arith.constant 0 : i32
    %dma_wait3A_237 = arith.constant 0 : i32
    %dma_wait3A_238 = tpu.memref_slice %arg23[%dma_wait3A_236, %dma_wait3A_237] : memref<10240x64xf32, #tpu.memory_space<vmem_shared>> -> memref<10240x64xf32, #tpu.memory_space<vmem_shared>>
    tpu.wait_indirect_dma semaphore(%arg35 : memref<!tpu.dma_semaphore, #tpu.memory_space<semaphore_mem>>) src(%dma_wait3A_238 : memref<10240x64xf32, #tpu.memory_space<vmem_shared>>) dst(%arg17 : memref<64x64xf32, #tpu.memory_space<vmem>>)
    %dma_wait3A_239 = arith.constant 0 : i32
    %dma_wait3A_240 = arith.constant 0 : i32
    %dma_wait3A_241 = tpu.memref_slice %arg10[%dma_wait3A_239, %dma_wait3A_240] : memref<2x64xi32, #tpu.memory_space<vmem>> -> memref<1x64xi32, #tpu.memory_space<vmem>>
    %dma_wait3A_242 = tpu.memref_squeeze %dma_wait3A_241 : memref<1x64xi32, #tpu.memory_space<vmem>> -> memref<64xi32, #tpu.memory_space<vmem>>
    %dma_wait3A_243 = arith.constant 0 : i32
    %dma_wait3A_244 = arith.constant 0 : i32
    %dma_wait3A_245 = tpu.memref_slice %arg23[%dma_wait3A_243, %dma_wait3A_244] : memref<10240x64xf32, #tpu.memory_space<vmem_shared>> -> memref<10240x64xf32, #tpu.memory_space<vmem_shared>>
    tpu.wait_indirect_dma semaphore(%arg36 : memref<!tpu.dma_semaphore, #tpu.memory_space<semaphore_mem>>) src(%dma_wait3A_245 : memref<10240x64xf32, #tpu.memory_space<vmem_shared>>) dst(%arg18 : memref<64x64xf32, #tpu.memory_space<vmem>>)
    %dma_wait3A_246 = arith.constant 0 : i32
    %dma_wait3A_247 = arith.constant 0 : i32
    %dma_wait3A_248 = tpu.memref_slice %arg11[%dma_wait3A_246, %dma_wait3A_247] : memref<2x64xi32, #tpu.memory_space<vmem>> -> memref<1x64xi32, #tpu.memory_space<vmem>>
    %dma_wait3A_249 = tpu.memref_squeeze %dma_wait3A_248 : memref<1x64xi32, #tpu.memory_space<vmem>> -> memref<64xi32, #tpu.memory_space<vmem>>
    %dma_wait3A_250 = arith.constant 0 : i32
    %dma_wait3A_251 = arith.constant 0 : i32
    %dma_wait3A_252 = tpu.memref_slice %arg23[%dma_wait3A_250, %dma_wait3A_251] : memref<10240x64xf32, #tpu.memory_space<vmem_shared>> -> memref<10240x64xf32, #tpu.memory_space<vmem_shared>>
    tpu.wait_indirect_dma semaphore(%arg37 : memref<!tpu.dma_semaphore, #tpu.memory_space<semaphore_mem>>) src(%dma_wait3A_252 : memref<10240x64xf32, #tpu.memory_space<vmem_shared>>) dst(%arg19 : memref<64x64xf32, #tpu.memory_space<vmem>>)
    %dma_wait3A_253 = arith.constant 0 : i32
    %dma_wait3A_254 = arith.constant 0 : i32
    %dma_wait3A_255 = tpu.memref_slice %arg12[%dma_wait3A_253, %dma_wait3A_254] : memref<2x64xi32, #tpu.memory_space<vmem>> -> memref<1x64xi32, #tpu.memory_space<vmem>>
    %dma_wait3A_256 = tpu.memref_squeeze %dma_wait3A_255 : memref<1x64xi32, #tpu.memory_space<vmem>> -> memref<64xi32, #tpu.memory_space<vmem>>
    %dma_wait3A_257 = arith.constant 0 : i32
    %dma_wait3A_258 = arith.constant 0 : i32
    %dma_wait3A_259 = tpu.memref_slice %arg23[%dma_wait3A_257, %dma_wait3A_258] : memref<10240x64xf32, #tpu.memory_space<vmem_shared>> -> memref<10240x64xf32, #tpu.memory_space<vmem_shared>>
    tpu.wait_indirect_dma semaphore(%arg38 : memref<!tpu.dma_semaphore, #tpu.memory_space<semaphore_mem>>) src(%dma_wait3A_259 : memref<10240x64xf32, #tpu.memory_space<vmem_shared>>) dst(%arg20 : memref<64x64xf32, #tpu.memory_space<vmem>>)
    %dma_wait3A_260 = arith.constant 0 : i32
    %dma_wait3A_261 = arith.constant 0 : i32
    %dma_wait3A_262 = tpu.memref_slice %arg13[%dma_wait3A_260, %dma_wait3A_261] : memref<2x64xi32, #tpu.memory_space<vmem>> -> memref<1x64xi32, #tpu.memory_space<vmem>>
    %dma_wait3A_263 = tpu.memref_squeeze %dma_wait3A_262 : memref<1x64xi32, #tpu.memory_space<vmem>> -> memref<64xi32, #tpu.memory_space<vmem>>
    %dma_wait3A_264 = arith.constant 0 : i32
    %dma_wait3A_265 = arith.constant 0 : i32
    %dma_wait3A_266 = tpu.memref_slice %arg23[%dma_wait3A_264, %dma_wait3A_265] : memref<10240x64xf32, #tpu.memory_space<vmem_shared>> -> memref<10240x64xf32, #tpu.memory_space<vmem_shared>>
    tpu.wait_indirect_dma semaphore(%arg39 : memref<!tpu.dma_semaphore, #tpu.memory_space<semaphore_mem>>) src(%dma_wait3A_266 : memref<10240x64xf32, #tpu.memory_space<vmem_shared>>) dst(%arg21 : memref<64x64xf32, #tpu.memory_space<vmem>>)
    %dma_wait3A_267 = arith.constant 0 : i32
    %dma_wait3A_268 = arith.constant 0 : i32
    %dma_wait3A_269 = tpu.memref_slice %arg14[%dma_wait3A_267, %dma_wait3A_268] : memref<2x64xi32, #tpu.memory_space<vmem>> -> memref<1x64xi32, #tpu.memory_space<vmem>>
    %dma_wait3A_270 = tpu.memref_squeeze %dma_wait3A_269 : memref<1x64xi32, #tpu.memory_space<vmem>> -> memref<64xi32, #tpu.memory_space<vmem>>
    %dma_wait3A_271 = arith.constant 0 : i32
    %dma_wait3A_272 = arith.constant 0 : i32
    %dma_wait3A_273 = tpu.memref_slice %arg23[%dma_wait3A_271, %dma_wait3A_272] : memref<10240x64xf32, #tpu.memory_space<vmem_shared>> -> memref<10240x64xf32, #tpu.memory_space<vmem_shared>>
    tpu.wait_indirect_dma semaphore(%arg40 : memref<!tpu.dma_semaphore, #tpu.memory_space<semaphore_mem>>) src(%dma_wait3A_273 : memref<10240x64xf32, #tpu.memory_space<vmem_shared>>) dst(%arg22 : memref<64x64xf32, #tpu.memory_space<vmem>>)
    %barrier3A_274 = arith.constant 0 : index
    tpu.barrier barrier_id(%barrier3A_274)
    %eq3A_275 = arith.constant 0 : i32
    %eq3A_276 = arith.cmpi eq, %arg0, %eq3A_275 : i32
    %convert_element_type3A_277 = arith.extui %eq3A_276 : i1 to i32
    %cond3A_278 = arith.constant 0 : i32
    %cond3A_279 = arith.cmpi ne, %convert_element_type3A_277, %cond3A_278 : i32
    scf.if %cond3A_279 {
      "tpu.region"() ({
        %run_scoped3A = tpu.sem_alloc : memref<!tpu.dma_semaphore, #tpu.memory_space<semaphore_mem>>
        %dma_start3A_285 = arith.constant 0 : i32
        %dma_start3A_286 = tpu.memref_slice %arg5[%mul3A_0, %dma_start3A_285] : memref<10240x64xf32, #tpu.memory_space<hbm>> -> memref<640x64xf32, #tpu.memory_space<hbm>>
        %dma_start3A_287 = arith.constant 0 : i32
        %dma_start3A_288 = tpu.memref_slice %arg24[%mul3A_0, %dma_start3A_287] : memref<10240x64xf32, #tpu.memory_space<vmem_shared>> -> memref<640x64xf32, #tpu.memory_space<vmem_shared>>
        tpu.enqueue_dma source(%dma_start3A_288 : memref<640x64xf32, #tpu.memory_space<vmem_shared>>) target(%dma_start3A_286 : memref<640x64xf32, #tpu.memory_space<hbm>>) target_semaphore(%run_scoped3A : memref<!tpu.dma_semaphore, #tpu.memory_space<semaphore_mem>>)
        %dma_wait3A_289 = arith.constant 0 : i32
        %dma_wait3A_290 = tpu.memref_slice %arg5[%mul3A_0, %dma_wait3A_289] : memref<10240x64xf32, #tpu.memory_space<hbm>> -> memref<640x64xf32, #tpu.memory_space<hbm>>
        %dma_wait3A_291 = arith.constant 0 : i32
        %dma_wait3A_292 = tpu.memref_slice %arg24[%mul3A_0, %dma_wait3A_291] : memref<10240x64xf32, #tpu.memory_space<vmem_shared>> -> memref<640x64xf32, #tpu.memory_space<vmem_shared>>
        tpu.wait_dma2 semaphore(%run_scoped3A : memref<!tpu.dma_semaphore, #tpu.memory_space<semaphore_mem>>) src(%dma_wait3A_292 : memref<640x64xf32, #tpu.memory_space<vmem_shared>>) dst(%dma_wait3A_290 : memref<640x64xf32, #tpu.memory_space<hbm>>)
        tpu.yield
      }) : () -> ()
    } else {
    }
    %ne3A_280 = arith.constant 0 : i32
    %ne3A_281 = arith.cmpi ne, %arg0, %ne3A_280 : i32
    %convert_element_type3A_282 = arith.extui %ne3A_281 : i1 to i32
    %cond3A_283 = arith.constant 0 : i32
    %cond3A_284 = arith.cmpi ne, %convert_element_type3A_282, %cond3A_283 : i32
    scf.if %cond3A_284 {
      "tpu.region"() ({
        %run_scoped3A = tpu.sem_alloc : memref<!tpu.dma_semaphore, #tpu.memory_space<semaphore_mem>>
        %dma_start3A_285 = arith.constant 0 : i32
        %dma_start3A_286 = tpu.memref_slice %arg6[%mul3A_0, %dma_start3A_285] : memref<10240x64xf32, #tpu.memory_space<hbm>> -> memref<640x64xf32, #tpu.memory_space<hbm>>
        %dma_start3A_287 = arith.constant 0 : i32
        %dma_start3A_288 = tpu.memref_slice %arg24[%mul3A_0, %dma_start3A_287] : memref<10240x64xf32, #tpu.memory_space<vmem_shared>> -> memref<640x64xf32, #tpu.memory_space<vmem_shared>>
        tpu.enqueue_dma source(%dma_start3A_288 : memref<640x64xf32, #tpu.memory_space<vmem_shared>>) target(%dma_start3A_286 : memref<640x64xf32, #tpu.memory_space<hbm>>) target_semaphore(%run_scoped3A : memref<!tpu.dma_semaphore, #tpu.memory_space<semaphore_mem>>)
        %dma_wait3A_289 = arith.constant 0 : i32
        %dma_wait3A_290 = tpu.memref_slice %arg6[%mul3A_0, %dma_wait3A_289] : memref<10240x64xf32, #tpu.memory_space<hbm>> -> memref<640x64xf32, #tpu.memory_space<hbm>>
        %dma_wait3A_291 = arith.constant 0 : i32
        %dma_wait3A_292 = tpu.memref_slice %arg24[%mul3A_0, %dma_wait3A_291] : memref<10240x64xf32, #tpu.memory_space<vmem_shared>> -> memref<640x64xf32, #tpu.memory_space<vmem_shared>>
        tpu.wait_dma2 semaphore(%run_scoped3A : memref<!tpu.dma_semaphore, #tpu.memory_space<semaphore_mem>>) src(%dma_wait3A_292 : memref<640x64xf32, #tpu.memory_space<vmem_shared>>) dst(%dma_wait3A_290 : memref<640x64xf32, #tpu.memory_space<hbm>>)
        tpu.yield
      }) : () -> ()
    } else {
    }
    return
  }
}

module attributes {stable_mosaic.version = 14 : i64} {
  func.func @_tc_a_body(%arg0: i32, %arg1: memref<2048x128xf32, #tpu.memory_space<vmem>>, %arg2: memref<128x128xf32, #tpu.memory_space<vmem>>, %arg3: memref<2x2048xf32, #tpu.memory_space<vmem>>, %arg4: memref<2048x64xf32, #tpu.memory_space<vmem>>, %arg5: memref<2048x64xf32, #tpu.memory_space<vmem>>) attributes {dimension_semantics = [#tpu.dimension_semantics<arbitrary>], iteration_bounds = array<i64: 5>, scalar_prefetch = 0 : i64, scratch_operands = 0 : i64, tpu.core_type = #tpu.core_type<tc>, window_params = [{transform_indices = @transform_0, window_bounds = array<i64: 2048, 128>}, {pipeline_mode = #tpu.pipeline_mode<synchronous>, transform_indices = @transform_1, window_bounds = array<i64: 128, 128>}, {transform_indices = @transform_2, window_bounds = array<i64: 2, 2048>}, {transform_indices = @transform_3, window_bounds = array<i64: 2048, 64>}, {transform_indices = @transform_4, window_bounds = array<i64: 2048, 64>}]} {
    %get3A = arith.constant 0 : index
    %get3A_0 = arith.constant 0 : index
    %get3A_1 = vector.load %arg3[%get3A, %get3A_0] : memref<2x2048xf32, #tpu.memory_space<vmem>>, vector<2x2048xf32>
    %slice3A = vector.extract_strided_slice %get3A_1 {offsets = [0, 0], sizes = [1, 2048], strides = [1, 1]} : vector<2x2048xf32> to vector<1x2048xf32>
    %slice3A_2 = vector.extract_strided_slice %get3A_1 {offsets = [1, 0], sizes = [1, 2048], strides = [1, 1]} : vector<2x2048xf32> to vector<1x2048xf32>
    %add3A = arith.addf %slice3A, %slice3A_2 : vector<1x2048xf32>
    %add3A_3 = arith.constant 1.000000e+00 : f32
    %add3A_4 = vector.broadcast %add3A_3 : f32 to vector<1x2048xf32>
    %add3A_5 = arith.addf %add3A, %add3A_4 : vector<1x2048xf32>
    %rsqrt3A = math.rsqrt %add3A_5 : vector<1x2048xf32>
    %broadcast_in_dim3A = arith.constant 1.000000e+00 : f32
    %broadcast_in_dim3A_6 = vector.broadcast %broadcast_in_dim3A : f32 to vector<1x64xf32>
    %dot_general3A = arith.constant dense<0.000000e+00> : vector<2048x64xf32>
    %dot_general3A_7 = tpu.matmul %rsqrt3A, %broadcast_in_dim3A_6, %dot_general3A {dimension_numbers = #tpu.dot_dimension_numbers<[0], [0], [1], [1], [0, 1, 1, 1], [], []>, transpose_lhs_hint = false} : vector<1x2048xf32>, vector<1x64xf32>, vector<2048x64xf32> -> vector<2048x64xf32>
    %get3A_8 = arith.constant 0 : index
    %get3A_9 = arith.constant 0 : index
    %get3A_10 = vector.load %arg1[%get3A_8, %get3A_9] : memref<2048x128xf32, #tpu.memory_space<vmem>>, vector<2048x128xf32>
    %convert_element_type3A = arith.truncf %get3A_10 : vector<2048x128xf32> to vector<2048x128xbf16>
    %get3A_11 = arith.constant 0 : index
    %get3A_12 = arith.constant 0 : index
    %get3A_13 = vector.load %arg2[%get3A_11, %get3A_12] : memref<128x128xf32, #tpu.memory_space<vmem>>, vector<128x128xf32>
    %convert_element_type3A_14 = arith.truncf %get3A_13 : vector<128x128xf32> to vector<128x128xbf16>
    %dot_general3A_15 = arith.constant dense<0.000000e+00> : vector<2048x128xf32>
    %dot_general3A_16 = tpu.matmul %convert_element_type3A, %convert_element_type3A_14, %dot_general3A_15 {dimension_numbers = #tpu.dot_dimension_numbers<[1], [0], [0], [1], [0, 0, 1, 1], [], []>, transpose_lhs_hint = false} : vector<2048x128xbf16>, vector<128x128xbf16>, vector<2048x128xf32> -> vector<2048x128xf32>
    %slice3A_17 = vector.extract_strided_slice %dot_general3A_16 {offsets = [0, 0], sizes = [2048, 64], strides = [1, 1]} : vector<2048x128xf32> to vector<2048x64xf32>
    %mul3A = arith.mulf %slice3A_17, %dot_general3A_7 : vector<2048x64xf32>
    %swap3A = arith.constant 0 : index
    %swap3A_18 = arith.constant 0 : index
    %swap3A_19 = vector.load %arg4[%swap3A, %swap3A_18] : memref<2048x64xf32, #tpu.memory_space<vmem>>, vector<2048x64xf32>
    tpu.vector_store %arg4[%swap3A, %swap3A_18], %mul3A {strides = array<i32>} : memref<2048x64xf32, #tpu.memory_space<vmem>>, vector<2048x64xf32>,
    %slice3A_20 = vector.extract_strided_slice %dot_general3A_16 {offsets = [0, 64], sizes = [2048, 64], strides = [1, 1]} : vector<2048x128xf32> to vector<2048x64xf32>
    %mul3A_21 = arith.mulf %slice3A_20, %dot_general3A_7 : vector<2048x64xf32>
    %swap3A_22 = arith.constant 0 : index
    %swap3A_23 = arith.constant 0 : index
    %swap3A_24 = vector.load %arg5[%swap3A_22, %swap3A_23] : memref<2048x64xf32, #tpu.memory_space<vmem>>, vector<2048x64xf32>
    tpu.vector_store %arg5[%swap3A_22, %swap3A_23], %mul3A_21 {strides = array<i32>} : memref<2048x64xf32, #tpu.memory_space<vmem>>, vector<2048x64xf32>,
    return
  }
  func.func @transform_0(%arg0: i32) -> (i32, i32) {
    %c0_i32 = arith.constant 0 : i32
    %c0_i32_0 = arith.constant 0 : i32
    return %arg0, %c0_i32 : i32, i32
  }
  func.func @transform_1(%arg0: i32) -> (i32, i32) {
    %c0_i32 = arith.constant 0 : i32
    %c0_i32_0 = arith.constant 0 : i32
    %c0_i32_1 = arith.constant 0 : i32
    return %c0_i32, %c0_i32_0 : i32, i32
  }
  func.func @transform_2(%arg0: i32) -> (i32, i32) {
    %c0_i32 = arith.constant 0 : i32
    %c0_i32_0 = arith.constant 0 : i32
    return %c0_i32, %arg0 : i32, i32
  }
  func.func @transform_3(%arg0: i32) -> (i32, i32) {
    %c0_i32 = arith.constant 0 : i32
    %c0_i32_0 = arith.constant 0 : i32
    return %arg0, %c0_i32 : i32, i32
  }
  func.func @transform_4(%arg0: i32) -> (i32, i32) {
    %c0_i32 = arith.constant 0 : i32
    %c0_i32_0 = arith.constant 0 : i32
    return %arg0, %c0_i32 : i32, i32
  }
}

module attributes {stable_mosaic.version = 14 : i64} {
  func.func @_tc_b_body(%arg0: i32, %arg1: memref<2048x64xf32, #tpu.memory_space<vmem>>, %arg2: memref<2048x64xf32, #tpu.memory_space<vmem>>, %arg3: memref<2x2048xf32, #tpu.memory_space<vmem>>, %arg4: memref<1x128xf32, #tpu.memory_space<vmem>>, %arg5: memref<128x128xf32, #tpu.memory_space<vmem>>, %arg6: memref<2048x64xf32, #tpu.memory_space<vmem>>, %arg7: memref<2048x64xf32, #tpu.memory_space<vmem>>) attributes {dimension_semantics = [#tpu.dimension_semantics<arbitrary>], iteration_bounds = array<i64: 5>, scalar_prefetch = 0 : i64, scratch_operands = 0 : i64, tpu.core_type = #tpu.core_type<tc>, window_params = [{transform_indices = @transform_0, window_bounds = array<i64: 2048, 64>}, {transform_indices = @transform_1, window_bounds = array<i64: 2048, 64>}, {transform_indices = @transform_2, window_bounds = array<i64: 2, 2048>}, {pipeline_mode = #tpu.pipeline_mode<synchronous>, transform_indices = @transform_3, window_bounds = array<i64: 1, 128>}, {pipeline_mode = #tpu.pipeline_mode<synchronous>, transform_indices = @transform_4, window_bounds = array<i64: 128, 128>}, {transform_indices = @transform_5, window_bounds = array<i64: 2048, 64>}, {transform_indices = @transform_6, window_bounds = array<i64: 2048, 64>}]} {
    %get3A = arith.constant 0 : index
    %get3A_0 = arith.constant 0 : index
    %get3A_1 = vector.load %arg3[%get3A, %get3A_0] : memref<2x2048xf32, #tpu.memory_space<vmem>>, vector<2x2048xf32>
    %slice3A = vector.extract_strided_slice %get3A_1 {offsets = [0, 0], sizes = [1, 2048], strides = [1, 1]} : vector<2x2048xf32> to vector<1x2048xf32>
    %slice3A_2 = vector.extract_strided_slice %get3A_1 {offsets = [1, 0], sizes = [1, 2048], strides = [1, 1]} : vector<2x2048xf32> to vector<1x2048xf32>
    %add3A = arith.addf %slice3A, %slice3A_2 : vector<1x2048xf32>
    %add3A_3 = arith.constant 1.000000e+00 : f32
    %add3A_4 = vector.broadcast %add3A_3 : f32 to vector<1x2048xf32>
    %add3A_5 = arith.addf %add3A, %add3A_4 : vector<1x2048xf32>
    %rsqrt3A = math.rsqrt %add3A_5 : vector<1x2048xf32>
    %broadcast_in_dim3A = arith.constant 1.000000e+00 : f32
    %broadcast_in_dim3A_6 = vector.broadcast %broadcast_in_dim3A : f32 to vector<1x64xf32>
    %dot_general3A = arith.constant dense<0.000000e+00> : vector<2048x64xf32>
    %dot_general3A_7 = tpu.matmul %rsqrt3A, %broadcast_in_dim3A_6, %dot_general3A {dimension_numbers = #tpu.dot_dimension_numbers<[0], [0], [1], [1], [0, 1, 1, 1], [], []>, transpose_lhs_hint = false} : vector<1x2048xf32>, vector<1x64xf32>, vector<2048x64xf32> -> vector<2048x64xf32>
    %get3A_8 = arith.constant 0 : index
    %get3A_9 = arith.constant 0 : index
    %get3A_10 = vector.load %arg4[%get3A_8, %get3A_9] : memref<1x128xf32, #tpu.memory_space<vmem>>, vector<1x128xf32>
    %get3A_11 = arith.constant 0 : index
    %get3A_12 = arith.constant 0 : index
    %get3A_13 = vector.load %arg1[%get3A_11, %get3A_12] : memref<2048x64xf32, #tpu.memory_space<vmem>>, vector<2048x64xf32>
    %mul3A = arith.mulf %get3A_13, %dot_general3A_7 : vector<2048x64xf32>
    %slice3A_14 = vector.extract_strided_slice %get3A_10 {offsets = [0, 0], sizes = [1, 64], strides = [1, 1]} : vector<1x128xf32> to vector<1x64xf32>
    %add3A_15 = vector.broadcast %slice3A_14 : vector<1x64xf32> to vector<2048x64xf32>
    %add3A_16 = arith.addf %mul3A, %add3A_15 : vector<2048x64xf32>
    %max3A = arith.constant 0.000000e+00 : f32
    %max3A_17 = vector.broadcast %max3A : f32 to vector<2048x64xf32>
    %max3A_18 = arith.maximumf %add3A_16, %max3A_17 : vector<2048x64xf32>
    %get3A_19 = arith.constant 0 : index
    %get3A_20 = arith.constant 0 : index
    %get3A_21 = vector.load %arg2[%get3A_19, %get3A_20] : memref<2048x64xf32, #tpu.memory_space<vmem>>, vector<2048x64xf32>
    %mul3A_22 = arith.mulf %get3A_21, %dot_general3A_7 : vector<2048x64xf32>
    %slice3A_23 = vector.extract_strided_slice %get3A_10 {offsets = [0, 64], sizes = [1, 64], strides = [1, 1]} : vector<1x128xf32> to vector<1x64xf32>
    %add3A_24 = vector.broadcast %slice3A_23 : vector<1x64xf32> to vector<2048x64xf32>
    %add3A_25 = arith.addf %mul3A_22, %add3A_24 : vector<2048x64xf32>
    %max3A_26 = arith.constant 0.000000e+00 : f32
    %max3A_27 = vector.broadcast %max3A_26 : f32 to vector<2048x64xf32>
    %max3A_28 = arith.maximumf %add3A_25, %max3A_27 : vector<2048x64xf32>
    %concatenate3A = tpu.concatenate %max3A_18, %max3A_28 in 1 : vector<2048x64xf32>, vector<2048x64xf32> -> vector<2048x128xf32>
    %convert_element_type3A = arith.truncf %concatenate3A : vector<2048x128xf32> to vector<2048x128xbf16>
    %get3A_29 = arith.constant 0 : index
    %get3A_30 = arith.constant 0 : index
    %get3A_31 = vector.load %arg5[%get3A_29, %get3A_30] : memref<128x128xf32, #tpu.memory_space<vmem>>, vector<128x128xf32>
    %convert_element_type3A_32 = arith.truncf %get3A_31 : vector<128x128xf32> to vector<128x128xbf16>
    %dot_general3A_33 = arith.constant dense<0.000000e+00> : vector<2048x128xf32>
    %dot_general3A_34 = tpu.matmul %convert_element_type3A, %convert_element_type3A_32, %dot_general3A_33 {dimension_numbers = #tpu.dot_dimension_numbers<[1], [0], [0], [1], [0, 0, 1, 1], [], []>, transpose_lhs_hint = false} : vector<2048x128xbf16>, vector<128x128xbf16>, vector<2048x128xf32> -> vector<2048x128xf32>
    %slice3A_35 = vector.extract_strided_slice %dot_general3A_34 {offsets = [0, 0], sizes = [2048, 64], strides = [1, 1]} : vector<2048x128xf32> to vector<2048x64xf32>
    %mul3A_36 = arith.mulf %slice3A_35, %dot_general3A_7 : vector<2048x64xf32>
    %swap3A = arith.constant 0 : index
    %swap3A_37 = arith.constant 0 : index
    %swap3A_38 = vector.load %arg6[%swap3A, %swap3A_37] : memref<2048x64xf32, #tpu.memory_space<vmem>>, vector<2048x64xf32>
    tpu.vector_store %arg6[%swap3A, %swap3A_37], %mul3A_36 {strides = array<i32>} : memref<2048x64xf32, #tpu.memory_space<vmem>>, vector<2048x64xf32>,
    %slice3A_39 = vector.extract_strided_slice %dot_general3A_34 {offsets = [0, 64], sizes = [2048, 64], strides = [1, 1]} : vector<2048x128xf32> to vector<2048x64xf32>
    %mul3A_40 = arith.mulf %slice3A_39, %dot_general3A_7 : vector<2048x64xf32>
    %swap3A_41 = arith.constant 0 : index
    %swap3A_42 = arith.constant 0 : index
    %swap3A_43 = vector.load %arg7[%swap3A_41, %swap3A_42] : memref<2048x64xf32, #tpu.memory_space<vmem>>, vector<2048x64xf32>
    tpu.vector_store %arg7[%swap3A_41, %swap3A_42], %mul3A_40 {strides = array<i32>} : memref<2048x64xf32, #tpu.memory_space<vmem>>, vector<2048x64xf32>,
    return
  }
  func.func @transform_0(%arg0: i32) -> (i32, i32) {
    %c0_i32 = arith.constant 0 : i32
    %c0_i32_0 = arith.constant 0 : i32
    return %arg0, %c0_i32 : i32, i32
  }
  func.func @transform_1(%arg0: i32) -> (i32, i32) {
    %c0_i32 = arith.constant 0 : i32
    %c0_i32_0 = arith.constant 0 : i32
    return %arg0, %c0_i32 : i32, i32
  }
  func.func @transform_2(%arg0: i32) -> (i32, i32) {
    %c0_i32 = arith.constant 0 : i32
    %c0_i32_0 = arith.constant 0 : i32
    return %c0_i32, %arg0 : i32, i32
  }
  func.func @transform_3(%arg0: i32) -> (i32, i32) {
    %c0_i32 = arith.constant 0 : i32
    %c0_i32_0 = arith.constant 0 : i32
    %c0_i32_1 = arith.constant 0 : i32
    return %c0_i32, %c0_i32_0 : i32, i32
  }
  func.func @transform_4(%arg0: i32) -> (i32, i32) {
    %c0_i32 = arith.constant 0 : i32
    %c0_i32_0 = arith.constant 0 : i32
    %c0_i32_1 = arith.constant 0 : i32
    return %c0_i32, %c0_i32_0 : i32, i32
  }
  func.func @transform_5(%arg0: i32) -> (i32, i32) {
    %c0_i32 = arith.constant 0 : i32
    %c0_i32_0 = arith.constant 0 : i32
    return %arg0, %c0_i32 : i32, i32
  }
  func.func @transform_6(%arg0: i32) -> (i32, i32) {
    %c0_i32 = arith.constant 0 : i32
    %c0_i32_0 = arith.constant 0 : i32
    return %arg0, %c0_i32 : i32, i32
  }
}

module attributes {stable_mosaic.version = 14 : i64} {
  func.func @_tc_c_body(%arg0: i32, %arg1: memref<2048x64xf32, #tpu.memory_space<vmem>>, %arg2: memref<2048x64xf32, #tpu.memory_space<vmem>>, %arg3: memref<2x2048xf32, #tpu.memory_space<vmem>>, %arg4: memref<1x128xf32, #tpu.memory_space<vmem>>, %arg5: memref<2048x128xf32, #tpu.memory_space<vmem>>) attributes {dimension_semantics = [#tpu.dimension_semantics<arbitrary>], iteration_bounds = array<i64: 5>, scalar_prefetch = 0 : i64, scratch_operands = 0 : i64, tpu.core_type = #tpu.core_type<tc>, window_params = [{transform_indices = @transform_0, window_bounds = array<i64: 2048, 64>}, {transform_indices = @transform_1, window_bounds = array<i64: 2048, 64>}, {transform_indices = @transform_2, window_bounds = array<i64: 2, 2048>}, {pipeline_mode = #tpu.pipeline_mode<synchronous>, transform_indices = @transform_3, window_bounds = array<i64: 1, 128>}, {transform_indices = @transform_4, window_bounds = array<i64: 2048, 128>}]} {
    %get3A = arith.constant 0 : index
    %get3A_0 = arith.constant 0 : index
    %get3A_1 = vector.load %arg3[%get3A, %get3A_0] : memref<2x2048xf32, #tpu.memory_space<vmem>>, vector<2x2048xf32>
    %slice3A = vector.extract_strided_slice %get3A_1 {offsets = [0, 0], sizes = [1, 2048], strides = [1, 1]} : vector<2x2048xf32> to vector<1x2048xf32>
    %slice3A_2 = vector.extract_strided_slice %get3A_1 {offsets = [1, 0], sizes = [1, 2048], strides = [1, 1]} : vector<2x2048xf32> to vector<1x2048xf32>
    %add3A = arith.addf %slice3A, %slice3A_2 : vector<1x2048xf32>
    %add3A_3 = arith.constant 1.000000e+00 : f32
    %add3A_4 = vector.broadcast %add3A_3 : f32 to vector<1x2048xf32>
    %add3A_5 = arith.addf %add3A, %add3A_4 : vector<1x2048xf32>
    %rsqrt3A = math.rsqrt %add3A_5 : vector<1x2048xf32>
    %broadcast_in_dim3A = arith.constant 1.000000e+00 : f32
    %broadcast_in_dim3A_6 = vector.broadcast %broadcast_in_dim3A : f32 to vector<1x64xf32>
    %dot_general3A = arith.constant dense<0.000000e+00> : vector<2048x64xf32>
    %dot_general3A_7 = tpu.matmul %rsqrt3A, %broadcast_in_dim3A_6, %dot_general3A {dimension_numbers = #tpu.dot_dimension_numbers<[0], [0], [1], [1], [0, 1, 1, 1], [], []>, transpose_lhs_hint = false} : vector<1x2048xf32>, vector<1x64xf32>, vector<2048x64xf32> -> vector<2048x64xf32>
    %get3A_8 = arith.constant 0 : index
    %get3A_9 = arith.constant 0 : index
    %get3A_10 = vector.load %arg4[%get3A_8, %get3A_9] : memref<1x128xf32, #tpu.memory_space<vmem>>, vector<1x128xf32>
    %get3A_11 = arith.constant 0 : index
    %get3A_12 = arith.constant 0 : index
    %get3A_13 = vector.load %arg1[%get3A_11, %get3A_12] : memref<2048x64xf32, #tpu.memory_space<vmem>>, vector<2048x64xf32>
    %mul3A = arith.mulf %get3A_13, %dot_general3A_7 : vector<2048x64xf32>
    %slice3A_14 = vector.extract_strided_slice %get3A_10 {offsets = [0, 0], sizes = [1, 64], strides = [1, 1]} : vector<1x128xf32> to vector<1x64xf32>
    %add3A_15 = vector.broadcast %slice3A_14 : vector<1x64xf32> to vector<2048x64xf32>
    %add3A_16 = arith.addf %mul3A, %add3A_15 : vector<2048x64xf32>
    %get3A_17 = arith.constant 0 : index
    %get3A_18 = arith.constant 0 : index
    %get3A_19 = vector.load %arg2[%get3A_17, %get3A_18] : memref<2048x64xf32, #tpu.memory_space<vmem>>, vector<2048x64xf32>
    %mul3A_20 = arith.mulf %get3A_19, %dot_general3A_7 : vector<2048x64xf32>
    %slice3A_21 = vector.extract_strided_slice %get3A_10 {offsets = [0, 64], sizes = [1, 64], strides = [1, 1]} : vector<1x128xf32> to vector<1x64xf32>
    %add3A_22 = vector.broadcast %slice3A_21 : vector<1x64xf32> to vector<2048x64xf32>
    %add3A_23 = arith.addf %mul3A_20, %add3A_22 : vector<2048x64xf32>
    %concatenate3A = tpu.concatenate %add3A_16, %add3A_23 in 1 : vector<2048x64xf32>, vector<2048x64xf32> -> vector<2048x128xf32>
    %swap3A = arith.constant 0 : index
    %swap3A_24 = arith.constant 0 : index
    %swap3A_25 = vector.load %arg5[%swap3A, %swap3A_24] : memref<2048x128xf32, #tpu.memory_space<vmem>>, vector<2048x128xf32>
    tpu.vector_store %arg5[%swap3A, %swap3A_24], %concatenate3A {strides = array<i32>} : memref<2048x128xf32, #tpu.memory_space<vmem>>, vector<2048x128xf32>,
    return
  }
  func.func @transform_0(%arg0: i32) -> (i32, i32) {
    %c0_i32 = arith.constant 0 : i32
    %c0_i32_0 = arith.constant 0 : i32
    return %arg0, %c0_i32 : i32, i32
  }
  func.func @transform_1(%arg0: i32) -> (i32, i32) {
    %c0_i32 = arith.constant 0 : i32
    %c0_i32_0 = arith.constant 0 : i32
    return %arg0, %c0_i32 : i32, i32
  }
  func.func @transform_2(%arg0: i32) -> (i32, i32) {
    %c0_i32 = arith.constant 0 : i32
    %c0_i32_0 = arith.constant 0 : i32
    return %c0_i32, %arg0 : i32, i32
  }
  func.func @transform_3(%arg0: i32) -> (i32, i32) {
    %c0_i32 = arith.constant 0 : i32
    %c0_i32_0 = arith.constant 0 : i32
    %c0_i32_1 = arith.constant 0 : i32
    return %c0_i32, %c0_i32_0 : i32, i32
  }
  func.func @transform_4(%arg0: i32) -> (i32, i32) {
    %c0_i32 = arith.constant 0 : i32
    %c0_i32_0 = arith.constant 0 : i32
    return %arg0, %c0_i32 : i32, i32
  }
}

</mosaic_0001>

<sc_bundles>
// kernel: kernel.11.cloned.1.call-start
scs
__scs_entry_jumppad:
0x0: {  	(pc) =	sbr.rel $0x88, $3  }
0x1: {  	(tag) =	ssettag $0x0;
	lr =	simm.s32 $0x1  }
0x2: {  	[smem:$0x3F9B] =	sst lr;
	_ =	strace $0xD0000000  }
0x3: {  	_ = 	snop  }
0x4: {  	_ = 	snop  }
0x5: {  	_ = 	snop  }
0x6: {  	_ = 	snop  }
0x7: {  	_ = 	snop  }
__scs_overlays_trampoline_lowered:
0x8: {  	[smem:$0x3FAA] =	sst s0  }
0x9: {  	[smem:$0x3FAB] =	sst s1  }
0xa: {  	[smem:$0x3FAC] =	sst s2  }
0xb: {  	[smem:$0x3FAD] =	sst s3  }
0xc: {  	[smem:$0x3FAE] =	sst s4  }
0xd: {  	[smem:$0x3FAF] =	sst s5  }
0xe: {  	[smem:$0x3FB0] =	sst s6  }
0xf: {  	[smem:$0x3FB1] =	sst s7  }
0x10: {  	[smem:$0x3FB2] =	sst s8  }
0x11: {  	[smem:$0x3FB3] =	sst s9;
	s0 =	simm.s32 @!p0 $0x0  }
0x12: {  	s1 =	sld [smem:$0x3F99];
	s0 =	simm.s32 @p0 $0x1  }
0x13: {  	[smem:$0x3FB4] =	sst s0;
	s0 =	simm.s32 @!p1 $0x0  }
0x14: {  	s2 =	sld [smem:$0x3F98];
	s0 =	simm.s32 @p1 $0x1  }
0x15: {  	[smem:$0x3FB5] =	sst s0;
	s0 =	simm.s32 @!p2 $0x0  }
0x16: {  	s3 =	sld [smem:$0x3FDB];
	s0 =	simm.s32 @p2 $0x1  }
0x17: {  	s4 =	simm.s32 $0x1BF5;
	[smem:$0x3FB7] =	sst s0  }
0x18: {  	s0 =	sld [smem:$0x3F9A];
	_ =	swait.ge [sflag:s4], $0x0  }
0x19: {  	s7 =	sld [smem:$0x3F9B]  }
0x1a: {  	s8 =	sadd.s32 $0xFFFFE003, lr  }
0x1b: {  	s9 =	sadd.s32 $0xFFFFFEF7, lr;
	s5 =	simm.s32 $0xFFFFFFFF;
	p2 =	slt.u32 s8, $0xFFFFF086  }
0x1c: {  	p1 =	slt.u32 s9, $0xF7A;
	s5 =	simm.s32 @!p2 $0x0  }
0x1d: {  	s5 =	simm.s32 @p1 $0x1;
	p0 =	seq.s32 s7, s2  }
0x1e: {  	s7 =	smul.u32 @!p0 $0xF7A, s2;
	p2 =	seq.s32 @!p0 s5, $0x0  }
0x1f: {  	s9 =	smul.u32 $0xF7A, s1;
	s8 =	simm.s32 @!p0 $0x1BF5;
	p2 =	por !p2, p0  }
0x20: {  	[sflag:s8] =	ssyncset.s32 @!p0 $0xFFFFF086;
	s6 =	sadd.s32 @!p0 s3, s7;
	s7 =	simm.s32 @!p0 $0x108  }
0x21: {  	s3 =	sadd.s32 s3, s9;
	s6 =	sadd.s32 @!p0 $0x88, s6;
	s7 =	simm.s32 @p2 $0x1082  }
0x22: {  	[simem:s7], [sflag:s8] =	dma.local @!p0 [hbm:s6], $0xF7A  }
0x23: {  	s9 =	sor.u32 $0xD0000000, s2;
	s6 =	simm.s32 $0x108;
	_ =	swait.ge @!p0 [sflag:s8], $0x0  }
0x24: {  	s3 =	sadd.s32 $0x88, s3;
	s6 =	simm.s32 @!p1 $0x1082;
	[sflag:s4] =	ssyncset.s32 $0xFFFFF086  }
0x25: {  	[simem:s6], [sflag:s4] =	dma.local [hbm:s3], $0xF7A  }
0x26: {  	[smem:$0x3F9B] =	sst s1;
	(tag) =	ssettag s2;
	_ =	strace s9  }
0x27: {  	s1 =	sld [smem:$0x3FAB]  }
0x28: {  	s2 =	sld [smem:$0x3FAC]  }
0x29: {  	s4 =	sld [smem:$0x3FAE]  }
0x2a: {  	p0 =	seq.s32 s5, $0x0;
	s5 =	sld [smem:$0x3FAF]  }
0x2b: {  	s6 =	sld [smem:$0x3FB0]  }
0x2c: {  	s7 =	sld [smem:$0x3FB1]  }
0x2d: {  	s3 =	simm.s32 $0x108;
	s8 =	sld [smem:$0x3FB2]  }
0x2e: {  	s3 =	simm.s32 @!p0 $0x1082;
	s9 =	sld [smem:$0x3FB3]  }
0x2f: {  	lr =	sadd.s32 s0, s3;
	s0 =	sld [smem:$0x3FAA]  }
0x30: {  	s3 =	sld [smem:$0x3FAD]  }
0x31: {  	[smem:$0x3FB6] =	sst s10  }
0x32: {  	s10 =	sld [smem:$0x3FB4];
	_ =	sdelay $0x3  }
0x33: {  	p0 =	seq.s32 s10, $0x1;
	s10 =	sld [smem:$0x3FB6];
	_ =	sdelay $0x3  }
0x34: {  	[smem:$0x3FB6] =	sst s10  }
0x35: {  	s10 =	sld [smem:$0x3FB5];
	_ =	sdelay $0x3  }
0x36: {  	p1 =	seq.s32 s10, $0x1;
	s10 =	sld [smem:$0x3FB6];
	_ =	sdelay $0x3  }
0x37: {  	[smem:$0x3FB6] =	sst s10  }
0x38: {  	s10 =	sld [smem:$0x3FB7]  }
0x39: {  	_ = 	snop;
	(pc) =	sbr.ind lr, $3  }
0x3a: {  	_ = 	snop  }
0x3b: {  	_ = 	snop  }
0x3c: {  	p2 =	seq.s32 s10, $0x1;
	s10 =	sld [smem:$0x3FB6]  }
0x3d: {  	_ =	shalt  }
0x3e: {  	_ =	shalt  }
0x3f: {  	_ =	shalt  }
0x40: {  	_ =	shalt  }
0x41: {  	_ =	shalt  }
0x42: {  	_ =	shalt  }
0x43: {  	_ =	shalt  }
0x44: {  	_ =	shalt  }
0x45: {  	_ =	shalt  }
0x46: {  	_ =	shalt  }
0x47: {  	_ =	shalt  }
0x48: {  	_ =	shalt  }
0x49: {  	_ =	shalt  }
0x4a: {  	_ =	shalt  }
0x4b: {  	_ =	shalt  }
0x4c: {  	_ =	shalt  }
0x4d: {  	_ =	shalt  }
0x4e: {  	_ =	shalt  }
0x4f: {  	_ =	shalt  }
0x50: {  	_ =	shalt  }
0x51: {  	_ =	shalt  }
0x52: {  	_ =	shalt  }
0x53: {  	_ =	shalt  }
0x54: {  	_ =	shalt  }
0x55: {  	_ =	shalt  }
0x56: {  	_ =	shalt  }
0x57: {  	_ =	shalt  }
0x58: {  	_ =	shalt  }
0x59: {  	_ =	shalt  }
0x5a: {  	_ =	shalt  }
0x5b: {  	_ =	shalt  }
0x5c: {  	_ =	shalt  }
0x5d: {  	_ =	shalt  }
0x5e: {  	_ =	shalt  }
0x5f: {  	_ =	shalt  }
0x60: {  	_ =	shalt  }
0x61: {  	_ =	shalt  }
0x62: {  	_ =	shalt  }
0x63: {  	_ =	shalt  }
0x64: {  	_ =	shalt  }
0x65: {  	_ =	shalt  }
0x66: {  	_ =	shalt  }
0x67: {  	_ =	shalt  }
0x68: {  	_ =	shalt  }
0x69: {  	_ =	shalt  }
0x6a: {  	_ =	shalt  }
0x6b: {  	_ =	shalt  }
0x6c: {  	_ =	shalt  }
0x6d: {  	_ =	shalt  }
0x6e: {  	_ =	shalt  }
0x6f: {  	_ =	shalt  }
0x70: {  	_ =	shalt  }
0x71: {  	_ =	shalt  }
0x72: {  	_ =	shalt  }
0x73: {  	_ =	shalt  }
0x74: {  	_ =	shalt  }
0x75: {  	_ =	shalt  }
0x76: {  	_ =	shalt  }
0x77: {  	_ =	shalt  }
0x78: {  	_ =	shalt  }
0x79: {  	_ =	shalt  }
0x7a: {  	_ =	shalt  }
0x7b: {  	_ =	shalt  }
0x7c: {  	_ =	shalt  }
0x7d: {  	_ =	shalt  }
0x7e: {  	_ =	shalt  }
0x7f: {  	_ =	shalt  }
0x80: {  	_ =	shalt  }
0x81: {  	_ =	shalt  }
0x82: {  	_ =	shalt  }
0x83: {  	_ =	shalt  }
0x84: {  	_ =	shalt  }
0x85: {  	_ =	shalt  }
0x86: {  	_ =	shalt  }
0x87: {  	_ =	shalt  }
.Lfunc_end0:
.L_simem_size_0:
called_computation.1_lowered:
.L_overlay_start_0:
0x88: {  	s2 =	sld [smem:$0x3FD9]  }
0x89: {  	s3 =	sld [smem:$0x3FFE];
	_ =	sdelay $0x1  }
0x8a: {  	s1 =	srdreg.scid  }
0x8b: {  	s0 =	sand.u32 $0x1, s1  }
0x8c: {  	s17 =	sshll.u32 s0, $0xA;
	s2 =	sadd.s32 s3, s2  }
0x8d: {  	s2 =	sadd.s32 s2, s17  }
0x8e: {  	[smem:$0x3FC2] =	sst s2  }
0x8f: {  	_ = 	snop  }
0x90: {  	s2 =	sld [smem:$0x3FD0];
	(tm) =	ssettm $0x1  }
0x91: {  	s18 =	sld [smem:$0x3FFB];
	_ =	sdelay $0x3  }
0x92: {  	_ =	strace s18  }
0x93: {  	s3 =	sld [smem:$0x3FFC];
	_ =	sdelay $0x3  }
0x94: {  	_ =	strace s3  }
0x95: {  	s3 =	sld [smem:$0x3FFD];
	_ =	sdelay $0x3  }
0x96: {  	_ =	strace s3  }
0x97: {  	_ =	strace $0x8FFFFFFF  }
0x98: {  	s19 =	sld [smem:$0x3FDB];
	_ =	sdelay $0x1  }
0x99: {  	s4 =	simm.s32 $_scs_section_size  }
0x9a: {  	s5 =	simm.s32 $_size__tile_overlayer_lowered;
	s6 =	simm.s32 $_tile_overlayer_lowered  }
0x9b: {  	s22 =	simm.s32 $0x1BFF;
	s21 =	sshll.u32 s6, $0x1;
	s3 =	sadd.s32 s4, s19  }
0x9c: {  	s7 =	simm.s32 $0x0;
	s20 =	sshll.u32 s5, $0x1;
	s5 =	sadd.s32 s21, s3  }
0x9d: {  	[timem:s7], [sflag:s22] =	dma.local [hbm:s5], s20  }
0x9e: {  	_ =	swait.ge [sflag:s22], s20  }
0x9f: {  	s4 =	ssub.s32 $0x0, s20;
	[sflag:s22] =	ssyncset.done $0x0  }
0xa0: {  	[sflag:s22] =	ssyncadd.s32 s4;
	_ =	sdelay $0x1  }
0xa1: {  	s23 =	simm.s32 $0x1B8B  }
0xa2: {  	_ =	swait.ge [sflag:s23], $0x1  }
0xa3: {  	[sflag:s23] =	ssyncset.done $0x0  }
0xa4: {  	s25 =	simm.s32 $0x1B8E;
	s24 =	sld [smem:$0x3FFE];
	[sflag:s23] =	ssyncadd.s32 $0xFFFFFFFF  }
0xa5: {  	s26 =	simm.s32 $execute0_lowered;
	[smem:$0x3FD2] =	sst s25  }
0xa6: {  	s5 =	sshll.u32 s26, $0x1;
	_ =	strace $0x80000049;
	[dreg:$0x1] =	wrdreg $0xFFFFFFFF  }
0xa7: {  	s28 =	simm.s32 $_size_execute0_lowered;
	s3 =	sadd.s32 s3, s5;
	[dreg:$0x0] =	wrdreg $0x0  }
0xa8: {  	s5 =	sshll.u32 s28, $0x1;
	[dreg:$0x2] =	wrdreg s3  }
0xa9: {  	[dreg:$0x3] =	wrdreg s5  }
0xaa: {  	[dreg:$0x4] =	wrdreg $0xC0  }
0xab: {  	_ =	task [dreg:s7], $0x5FFFF  }
0xac: {  	[dreg:$0x1] =	wrdreg $0xFFFFFFFF  }
0xad: {  	[dreg:$0x0] =	wrdreg $0x60  }
0xae: {  	[dreg:$0x2] =	wrdreg s2  }
0xaf: {  	[dreg:$0x3] =	wrdreg s24  }
0xb0: {  	[dreg:$0x4] =	wrdreg $0x84000  }
0xb1: {  	[dreg:$0x5] =	wrdreg $0x124000  }
0xb2: {  	[dreg:$0x6] =	wrdreg $0x9  }
0xb3: {  	_ =	task.clear_ibuf [dreg:s7], $0x7FFFF;
	_ =	strace $0x90000049  }
0xb4: {  	s29 =	simm.s32 $0x9;
	_ =	strace $0x8000004B  }
0xb5: {  	_ =	swait.ge [sflag:s29], $0x1  }
0xb6: {  	[sflag:s29] =	ssyncadd.s32 $0xFFFFFFFF  }
0xb7: {  	_ =	strace $0x9000004B  }
0xb8: {  	_ =	sfence  }
0xb9: {  	s30 =	sld [smem:$0x0];
	_ =	sdelay $0x2  }
0xba: {  	s31 =	sshll.u32 s1, $0xD;
	s1 =	sshrl.u32 s1, $0x2  }
0xbb: {  	s3 =	sand.u32 $0x4000, s31;
	s1 =	sadd.s32 s1, s30  }
0xbc: {  	s0 =	sor.u32 s3, s0;
	s1 =	sshll.u32 s1, $0x11  }
0xbd: {  	s0 =	sor.u32 s1, s0  }
0xbe: {  	s0 =	sadd.s32 $0x8F2B, s0  }
0xbf: {  	[sflag:s0] =	ssyncadd.remote.s32 $0x1  }
0xc0: {  	_ =	sfence.sel $0xFFFF  }
0xc1: {  	[dreg:$0x0] =	wrdreg $0xFFFFFFFF;
	(pc) =	sbr.abs _section_cstart, $3  }
0xc2: {  	[dreg:$0x1] =	wrdreg $0xFFFFFFFF  }
0xc3: {  	_ =	task.clear_ibuf [dreg:s7], $0x2FFFF;
	_ =	strace $0x9FFFFFFF  }
0xc4: {  	(tm) =	ssettm $0x7FFFFFFF  }
0xc5: {  	_ =	shalt  }
tec
execute0_lowered:
.L_overlay_start_1:
0x0: {  	(tag) =	ssettag $0x1  }
0x1: {  	s0 =	rddreg [dreg:$0x0]  }
0x2: {  	s4 =	rddreg [dreg:$0x1];
	s13 =	stileid.u32  }
0x3: {  	s1 =	rddreg [dreg:$0x2];
	s9 =	smul.u32 $0xA000, s13  }
0x4: {  	s2 =	rddreg [dreg:$0x3];
	s3 =	simm.s32 $0x0  }
0x5: {  	s5 =	srdreg.scid;
	[smem:$0x7FF] =	sst s3;
	s12 =	sadd.s32 s9, s2  }
0x6: {  	_ =	strace $0x8000004A;
	s20 =	sor.u32 $0x400, s9;
	[dreg:$0x14] =	wrdreg s12  }
0x7: {  	s7 =	sand.u32 $0x1, s5;
	s21 =	sor.u32 $0x480, s9;
	[dreg:$0x5] =	wrdreg s20  }
0x8: {  	s8 =	ssub.s32 $0x2, s7;
	s22 =	sor.u32 $0x500, s9;
	[dreg:$0x6] =	wrdreg s21  }
0x9: {  	p0 =	seq.s32 s7, $0x0;
	s24 =	sor.u32 $0x580, s9;
	[dreg:$0x7] =	wrdreg s22  }
0xa: {  	s11 =	sshrl.u32 s8, $0x1;
	s26 =	sor.u32 $0x600, s9;
	[dreg:$0x8] =	wrdreg s24  }
0xb: {  	s7 =	sadd.s32 s9, s1;
	s29 =	sor.u32 $0x680, s9;
	[dreg:$0x9] =	wrdreg s26  }
0xc: {  	s16 =	sor.u32 $0x700, s9;
	s8 =	ssub.s32 s8, s11;
	[dreg:$0xa] =	wrdreg s29  }
0xd: {  	s11 =	sshrl.u32 s9, $0x3;
	[dreg:$0xb] =	wrdreg s16;
	s9 =	sor.u32 $0x780, s9  }
0xe: {  	s22 =	simm.s32 $0xC0;
	[dreg:$0xc] =	wrdreg s9  }
0xf: {  	s6 =	sadd.s32 $0x17000, s4;
	s24 =	sshrl.u32 s7, $0x3;
	[dreg:$0xd] =	wrdreg s22  }
0x10: {  	s5 =	sadd.s32 $0x3000, s4;
	s26 =	simm.s32 $0x240;
	[smem:$0x7FD] =	sst s24  }
0x11: {  	s10 =	sadd.s32 $0x3F000, s4;
	s29 =	simm.s32 $0x340;
	[dreg:$0x10] =	wrdreg s26  }
0x12: {  	s4 =	sadd.s32 $0x2B000, s4;
	s14 =	sadd.s32 s5, s11;
	[dreg:$0x12] =	wrdreg s29  }
0x13: {  	s6 =	smov.u32 @p0 s0;
	s19 =	smax.u32 s8, $0x1;
	[dreg:$0x15] =	wrdreg s14  }
0x14: {  	s4 =	smov.u32 @p0 s10;
	s20 =	sadd.s32 s6, s11;
	[dreg:$0x1d] =	wrdreg s19  }
0x15: {  	s21 =	sshll.u32 s13, $0x6;
	s4 =	sadd.s32 s4, s11;
	[dreg:$0x1e] =	wrdreg s20  }
0x16: {  	s6 =	sor.u32 $0x1C19, s21;
	[smem:$0x7FC] =	sst s4  }
0x17: {  	s15 =	sadd.s32 $0x10, s14;
	[dreg:$0x1f] =	wrdreg s6  }
0x18: {  	s23 =	sadd.s32 $0x20, s14;
	[dreg:$0x16] =	wrdreg s15  }
0x19: {  	s25 =	sadd.s32 $0x30, s14;
	[dreg:$0x17] =	wrdreg s23  }
0x1a: {  	s28 =	sadd.s32 $0x40, s14;
	[dreg:$0x18] =	wrdreg s25  }
0x1b: {  	s31 =	sadd.s32 $0x50, s14;
	[dreg:$0x19] =	wrdreg s28  }
0x1c: {  	s17 =	sadd.s32 $0x60, s14;
	[dreg:$0x1a] =	wrdreg s31  }
0x1d: {  	s18 =	sadd.s32 $0x70, s14;
	[dreg:$0x1b] =	wrdreg s17  }
0x1e: {  	[dreg:$0x1c] =	wrdreg s18;
	s23 =	simm.s32 $0x140  }
0x1f: {  	s25 =	simm.s32 $0x1C0;
	[dreg:$0xe] =	wrdreg s23  }
0x20: {  	s30 =	simm.s32 $0x40;
	s28 =	simm.s32 $0x2C0;
	[dreg:$0xf] =	wrdreg s25  }
0x21: {  	s0 =	simm.s32 $0x0;
	s31 =	simm.s32 $0x3C0;
	[dreg:$0x11] =	wrdreg s28  }
0x22: {  	s26 =	simm.s32 $0x11;
	s17 =	simm.s32 $0x8;
	[dreg:$0x13] =	wrdreg s31  }
.LBB2_1:
0x23: {  	s7 =	sld [smem:$0x7FD]  }
0x24: {  	[smem:$0x7FA] =	sst s0  }
0x25: {  	s29 =	simm.s32 $0x19;
	s18 =	rddreg [dreg:$0x1e]  }
0x26: {  	[spmem:s7], [sflag:s6] =	dma.local [hbm:s18], $0x1400  }
0x27: {  	_ =	swait.ge [sflag:s29], $0x1400  }
0x28: {  	s19 =	rddreg [dreg:$0x14]  }
0x29: {  	[sflag:s29] =	ssyncset.done $0x0;
	s20 =	sshrl.u32 s19, $0x3  }
0x2a: {  	[sflag:s29] =	ssyncadd.s32 $0xFFFFEC00;
	[smem:$0x7FB] =	sst s20  }
0x2b: {  	[spmem:s20], [sflag:s6] =	dma.local [hbm:s18], $0x1400  }
0x2c: {  	_ =	swait.ge [sflag:s29], $0x1400  }
0x2d: {  	[sflag:s29] =	ssyncset.done $0x0  }
0x2e: {  	s21 =	rddreg [dreg:$0x15];
	[sflag:s29] =	ssyncadd.s32 $0xFFFFEC00  }
0x2f: {  	[tilespmem:s3], [sflag:$0x1] =	stream.linear.gather [hbm4b:s21+s3], $0x80, $0x38;
	[tilespmem:$0x1C400] =	vst v63  }
0x30: {  	s22 =	rddreg [dreg:$0x16];
	s21 =	simm.s32 $0x80  }
0x31: {  	[tilespmem:s21], [sflag:$0x2] =	stream.linear.gather [hbm4b:s22+s3], $0x80, $0x38;
	[tilespmem:$0x1C400] =	vst v63  }
0x32: {  	s23 =	rddreg [dreg:$0x17];
	s29 =	simm.s32 $0x100  }
0x33: {  	[tilespmem:s29], [sflag:$0x3] =	stream.linear.gather [hbm4b:s23+s3], $0x80, $0x38;
	[tilespmem:$0x1C400] =	vst v63  }
0x34: {  	s24 =	rddreg [dreg:$0x18];
	s22 =	simm.s32 $0x180  }
0x35: {  	[tilespmem:s22], [sflag:$0x4] =	stream.linear.gather [hbm4b:s24+s3], $0x80, $0x38;
	[tilespmem:$0x1C400] =	vst v63  }
0x36: {  	s25 =	rddreg [dreg:$0x19];
	s23 =	simm.s32 $0x200  }
0x37: {  	[tilespmem:s23], [sflag:$0x5] =	stream.linear.gather [hbm4b:s25+s3], $0x80, $0x38;
	[tilespmem:$0x1C400] =	vst v63  }
0x38: {  	s28 =	rddreg [dreg:$0x1a];
	s24 =	simm.s32 $0x280  }
0x39: {  	[tilespmem:s24], [sflag:$0x6] =	stream.linear.gather [hbm4b:s28+s3], $0x80, $0x38;
	[tilespmem:$0x1C400] =	vst v63  }
0x3a: {  	s0 =	rddreg [dreg:$0x1b];
	s25 =	simm.s32 $0x300  }
0x3b: {  	[tilespmem:s25], [sflag:$0x7] =	stream.linear.gather [hbm4b:s0+s3], $0x80, $0x38;
	[tilespmem:$0x1C400] =	vst v63  }
0x3c: {  	s6 =	simm.s32 $0x380;
	s4 =	rddreg [dreg:$0x1c]  }
0x3d: {  	[tilespmem:s6], [sflag:$0x8] =	stream.linear.gather [hbm4b:s4+s3], $0x80, $0x38;
	[tilespmem:$0x1C400] =	vst v63  }
0x3e: {  	s0 =	simm.s32 $0x1;
	[bflag:$0x0] =	sbarrier.arrive $0xFFFF  }
0x3f: {  	_ =	swait.ge [sflag:s0], $0x80  }
0x40: {  	[sflag:s0] =	ssyncset.done $0x0  }
0x41: {  	s9 =	simm.s32 $0x2;
	s28 =	simm.s32 $0x400;
	[sflag:s0] =	ssyncadd.s32 $0xFFFFFF80  }
0x42: {  	[tilespmem:s28], [sflag:$0x9] =	stream.indirect.gather [spmem:s1], $0x40, s3, s30, $0xb8;
	[tilespmem:$0x1C400] =	vst v63  }
0x43: {  	_ =	swait.ge [sflag:s9], $0x80  }
0x44: {  	[sflag:s9] =	ssyncset.done $0x0  }
0x45: {  	s11 =	simm.s32 $0x3;
	s4 =	simm.s32 $0x1400;
	[sflag:s9] =	ssyncadd.s32 $0xFFFFFF80  }
0x46: {  	[tilespmem:s4], [sflag:$0xA] =	stream.indirect.gather [spmem:s1], $0x40, s21, s30, $0xb8;
	[tilespmem:$0x1C400] =	vst v63  }
0x47: {  	_ =	swait.ge [sflag:s11], $0x80  }
0x48: {  	[sflag:s11] =	ssyncset.done $0x0  }
0x49: {  	s10 =	simm.s32 $0x2400;
	s13 =	simm.s32 $0x4;
	[sflag:s11] =	ssyncadd.s32 $0xFFFFFF80  }
0x4a: {  	[tilespmem:s10], [sflag:$0xB] =	stream.indirect.gather [spmem:s1], $0x40, s29, s30, $0xb8;
	[tilespmem:$0x1C400] =	vst v63  }
0x4b: {  	_ =	swait.ge [sflag:s13], $0x80  }
0x4c: {  	[sflag:s13] =	ssyncset.done $0x0  }
0x4d: {  	s12 =	simm.s32 $0x3400;
	s15 =	simm.s32 $0x5;
	[sflag:s13] =	ssyncadd.s32 $0xFFFFFF80  }
0x4e: {  	[tilespmem:s12], [sflag:$0xC] =	stream.indirect.gather [spmem:s1], $0x40, s22, s30, $0xb8;
	[tilespmem:$0x1C400] =	vst v63  }
0x4f: {  	_ =	swait.ge [sflag:s15], $0x80  }
0x50: {  	[sflag:s15] =	ssyncset.done $0x0  }
0x51: {  	s14 =	simm.s32 $0x4400;
	s19 =	simm.s32 $0x6;
	[sflag:s15] =	ssyncadd.s32 $0xFFFFFF80  }
0x52: {  	[tilespmem:s14], [sflag:$0xD] =	stream.indirect.gather [spmem:s1], $0x40, s23, s30, $0xb8;
	[tilespmem:$0x1C400] =	vst v63  }
0x53: {  	_ =	swait.ge [sflag:s19], $0x80  }
0x54: {  	[sflag:s19] =	ssyncset.done $0x0  }
0x55: {  	s16 =	simm.s32 $0x5400;
	[sflag:s19] =	ssyncadd.s32 $0xFFFFFF80  }
0x56: {  	[tilespmem:s16], [sflag:$0xE] =	stream.indirect.gather [spmem:s1], $0x40, s24, s30, $0xb8;
	[tilespmem:$0x1C400] =	vst v63  }
0x57: {  	s16 =	simm.s32 $0x7  }
0x58: {  	_ =	swait.ge [sflag:s16], $0x80  }
0x59: {  	[sflag:s16] =	ssyncset.done $0x0  }
0x5a: {  	s18 =	simm.s32 $0x6400;
	[sflag:s16] =	ssyncadd.s32 $0xFFFFFF80  }
0x5b: {  	[tilespmem:s18], [sflag:$0xF] =	stream.indirect.gather [spmem:s1], $0x40, s25, s30, $0xb8;
	[tilespmem:$0x1C400] =	vst v63  }
0x5c: {  	_ =	swait.ge [sflag:s17], $0x80  }
0x5d: {  	s7 =	simm.s32 $0x380;
	[sflag:s17] =	ssyncset.done $0x0  }
0x5e: {  	s20 =	simm.s32 $0x9;
	s18 =	simm.s32 $0x7400;
	[sflag:s17] =	ssyncadd.s32 $0xFFFFFF80  }
0x5f: {  	[tilespmem:s18], [sflag:$0x10] =	stream.indirect.gather [spmem:s1], $0x40, s7, s30, $0xb8;
	[tilespmem:$0x1C400] =	vst v63  }
0x60: {  	_ =	swait.ge [sflag:s20], $0x1000  }
0x61: {  	[sflag:s20] =	ssyncset.done $0x0  }
0x62: {  	[sflag:s20] =	ssyncadd.s32 $0xFFFFF000;
	s20 =	simm.s32 $0xA  }
0x63: {  	[spmem:s2] =	stream.indirect.scatter.add.f32 [tilespmem:s28], [sflag:$0x11], $0x40, s30, s30, $0xb8;
	[tilespmem:$0x1C400] =	vst v63  }
0x64: {  	_ =	swait.ge [sflag:s20], $0x1000  }
0x65: {  	[sflag:s20] =	ssyncset.done $0x0  }
0x66: {  	s8 =	simm.s32 $0x1400;
	s6 =	rddreg [dreg:$0xd];
	[sflag:s20] =	ssyncadd.s32 $0xFFFFF000  }
0x67: {  	[spmem:s2] =	stream.indirect.scatter.add.f32 [tilespmem:s8], [sflag:$0x12], $0x40, s6, s30, $0xb8;
	[tilespmem:$0x1C400] =	vst v63  }
0x68: {  	s8 =	simm.s32 $0xB  }
0x69: {  	_ =	swait.ge [sflag:s8], $0x1000  }
0x6a: {  	s10 =	simm.s32 $0x2400;
	[sflag:s8] =	ssyncset.done $0x0  }
0x6b: {  	s7 =	simm.s32 $0xC;
	s6 =	rddreg [dreg:$0xe];
	[sflag:s8] =	ssyncadd.s32 $0xFFFFF000  }
0x6c: {  	[spmem:s2] =	stream.indirect.scatter.add.f32 [tilespmem:s10], [sflag:$0x13], $0x40, s6, s30, $0xb8;
	[tilespmem:$0x1C400] =	vst v63  }
0x6d: {  	_ =	swait.ge [sflag:s7], $0x1000  }
0x6e: {  	s12 =	simm.s32 $0x3400;
	[sflag:s7] =	ssyncset.done $0x0  }
0x6f: {  	s10 =	simm.s32 $0xD;
	s8 =	rddreg [dreg:$0xf];
	[sflag:s7] =	ssyncadd.s32 $0xFFFFF000  }
0x70: {  	[spmem:s2] =	stream.indirect.scatter.add.f32 [tilespmem:s12], [sflag:$0x14], $0x40, s8, s30, $0xb8;
	[tilespmem:$0x1C400] =	vst v63  }
0x71: {  	_ =	swait.ge [sflag:s10], $0x1000  }
0x72: {  	[sflag:s10] =	ssyncset.done $0x0  }
0x73: {  	s14 =	simm.s32 $0x4400;
	s12 =	rddreg [dreg:$0x10];
	[sflag:s10] =	ssyncadd.s32 $0xFFFFF000  }
0x74: {  	[spmem:s2] =	stream.indirect.scatter.add.f32 [tilespmem:s14], [sflag:$0x15], $0x40, s12, s30, $0xb8;
	[tilespmem:$0x1C400] =	vst v63  }
0x75: {  	s14 =	simm.s32 $0xE  }
0x76: {  	_ =	swait.ge [sflag:s14], $0x1000  }
0x77: {  	s31 =	simm.s32 $0x5400;
	[sflag:s14] =	ssyncset.done $0x0  }
0x78: {  	s8 =	simm.s32 $0xF;
	s6 =	rddreg [dreg:$0x11];
	[sflag:s14] =	ssyncadd.s32 $0xFFFFF000  }
0x79: {  	[spmem:s2] =	stream.indirect.scatter.add.f32 [tilespmem:s31], [sflag:$0x16], $0x40, s6, s30, $0xb8;
	[tilespmem:$0x1C400] =	vst v63  }
0x7a: {  	_ =	swait.ge [sflag:s8], $0x1000  }
0x7b: {  	s4 =	simm.s32 $0x6400;
	[sflag:s8] =	ssyncset.done $0x0  }
0x7c: {  	s12 =	simm.s32 $0x10;
	s10 =	rddreg [dreg:$0x12];
	[sflag:s8] =	ssyncadd.s32 $0xFFFFF000  }
0x7d: {  	[spmem:s2] =	stream.indirect.scatter.add.f32 [tilespmem:s4], [sflag:$0x17], $0x40, s10, s30, $0xb8;
	[tilespmem:$0x1C400] =	vst v63  }
0x7e: {  	_ =	swait.ge [sflag:s12], $0x1000  }
0x7f: {  	[sflag:s12] =	ssyncset.done $0x0  }
0x80: {  	s14 =	rddreg [dreg:$0x13];
	[sflag:s12] =	ssyncadd.s32 $0xFFFFF000  }
0x81: {  	[spmem:s2] =	stream.indirect.scatter.add.f32 [tilespmem:s18], [sflag:$0x18], $0x40, s14, s30, $0xb8;
	[tilespmem:$0x1C400] =	vst v63  }
0x82: {  	s6 =	smin.u32 s3, $0x130;
	_ =	swait.ge [sflag:s26], $0x1000  }
0x83: {  	s18 =	sshll.u32 s6, $0x7;
	s4 =	rddreg [dreg:$0x5]  }
0x84: {  	s7 =	sadd.s32 s18, s4  }
0x85: {  	[sflag:s26] =	ssyncset.done $0x0;
	s7 =	sshrl.u32 s7, $0x3  }
0x86: {  	s31 =	simm.s32 $0x12;
	[sflag:s26] =	ssyncadd.s32 $0xFFFFF000;
	s7 =	sadd.s32 s5, s7  }
0x87: {  	[tilespmem:s3], [sflag:$0x1] =	stream.linear.gather [hbm4b:s7+s3], $0x80, $0x38;
	[tilespmem:$0x1C400] =	vst v63  }
0x88: {  	_ =	swait.ge [sflag:s31], $0x1000  }
0x89: {  	s8 =	rddreg [dreg:$0x6]  }
0x8a: {  	s7 =	sadd.s32 s18, s8  }
0x8b: {  	[sflag:s31] =	ssyncset.done $0x0;
	s7 =	sshrl.u32 s7, $0x3  }
0x8c: {  	s4 =	simm.s32 $0x13;
	[sflag:s31] =	ssyncadd.s32 $0xFFFFF000;
	s7 =	sadd.s32 s5, s7  }
0x8d: {  	[tilespmem:s21], [sflag:$0x2] =	stream.linear.gather [hbm4b:s7+s3], $0x80, $0x38;
	[tilespmem:$0x1C400] =	vst v63  }
0x8e: {  	_ =	swait.ge [sflag:s4], $0x1000  }
0x8f: {  	s10 =	rddreg [dreg:$0x7]  }
0x90: {  	s7 =	sadd.s32 s18, s10  }
0x91: {  	[sflag:s4] =	ssyncset.done $0x0;
	s7 =	sshrl.u32 s7, $0x3  }
0x92: {  	s8 =	simm.s32 $0x14;
	[sflag:s4] =	ssyncadd.s32 $0xFFFFF000;
	s7 =	sadd.s32 s5, s7  }
0x93: {  	[tilespmem:s29], [sflag:$0x3] =	stream.linear.gather [hbm4b:s7+s3], $0x80, $0x38;
	[tilespmem:$0x1C400] =	vst v63  }
0x94: {  	_ =	swait.ge [sflag:s8], $0x1000  }
0x95: {  	s12 =	rddreg [dreg:$0x8]  }
0x96: {  	s7 =	sadd.s32 s18, s12  }
0x97: {  	[sflag:s8] =	ssyncset.done $0x0;
	s7 =	sshrl.u32 s7, $0x3  }
0x98: {  	s10 =	simm.s32 $0x15;
	[sflag:s8] =	ssyncadd.s32 $0xFFFFF000;
	s7 =	sadd.s32 s5, s7  }
0x99: {  	[tilespmem:s22], [sflag:$0x4] =	stream.linear.gather [hbm4b:s7+s3], $0x80, $0x38;
	[tilespmem:$0x1C400] =	vst v63  }
0x9a: {  	_ =	swait.ge [sflag:s10], $0x1000  }
0x9b: {  	s14 =	rddreg [dreg:$0x9]  }
0x9c: {  	s7 =	sadd.s32 s18, s14  }
0x9d: {  	[sflag:s10] =	ssyncset.done $0x0;
	s7 =	sshrl.u32 s7, $0x3  }
0x9e: {  	s12 =	simm.s32 $0x16;
	[sflag:s10] =	ssyncadd.s32 $0xFFFFF000;
	s7 =	sadd.s32 s5, s7  }
0x9f: {  	[tilespmem:s23], [sflag:$0x5] =	stream.linear.gather [hbm4b:s7+s3], $0x80, $0x38;
	[tilespmem:$0x1C400] =	vst v63  }
0xa0: {  	_ =	swait.ge [sflag:s12], $0x1000  }
0xa1: {  	s20 =	rddreg [dreg:$0xa]  }
0xa2: {  	s7 =	sadd.s32 s18, s20  }
0xa3: {  	[sflag:s12] =	ssyncset.done $0x0;
	s7 =	sshrl.u32 s7, $0x3  }
0xa4: {  	s14 =	simm.s32 $0x17;
	[sflag:s12] =	ssyncadd.s32 $0xFFFFF000;
	s7 =	sadd.s32 s5, s7  }
0xa5: {  	[tilespmem:s24], [sflag:$0x6] =	stream.linear.gather [hbm4b:s7+s3], $0x80, $0x38;
	[tilespmem:$0x1C400] =	vst v63  }
0xa6: {  	_ =	swait.ge [sflag:s14], $0x1000  }
0xa7: {  	s6 =	rddreg [dreg:$0xb]  }
0xa8: {  	s7 =	sadd.s32 s18, s6  }
0xa9: {  	[sflag:s14] =	ssyncset.done $0x0;
	s7 =	sshrl.u32 s7, $0x3  }
0xaa: {  	[sflag:s14] =	ssyncadd.s32 $0xFFFFF000;
	s6 =	simm.s32 $0x18;
	s7 =	sadd.s32 s5, s7  }
0xab: {  	[tilespmem:s25], [sflag:$0x7] =	stream.linear.gather [hbm4b:s7+s3], $0x80, $0x38;
	[tilespmem:$0x1C400] =	vst v63  }
0xac: {  	_ =	swait.ge [sflag:s6], $0x1000  }
0xad: {  	s20 =	rddreg [dreg:$0xc]  }
0xae: {  	s7 =	sadd.s32 s18, s20  }
0xaf: {  	[sflag:s6] =	ssyncset.done $0x0;
	s7 =	sshrl.u32 s7, $0x3  }
0xb0: {  	[sflag:s6] =	ssyncadd.s32 $0xFFFFF000;
	s20 =	simm.s32 $0x380;
	s7 =	sadd.s32 s5, s7  }
0xb1: {  	[tilespmem:s20], [sflag:$0x8] =	stream.linear.gather [hbm4b:s7+s3], $0x80, $0x38;
	[tilespmem:$0x1C400] =	vst v63  }
0xb2: {  	_ =	swait.ge [sflag:s0], $0x80  }
0xb3: {  	[sflag:s0] =	ssyncset.done $0x0  }
0xb4: {  	[sflag:s0] =	ssyncadd.s32 $0xFFFFFF80  }
0xb5: {  	[tilespmem:s28], [sflag:$0x9] =	stream.indirect.gather [spmem:s1], $0x40, s3, s30, $0xb8;
	[tilespmem:$0x1C400] =	vst v63  }
0xb6: {  	_ =	swait.ge [sflag:s9], $0x80  }
0xb7: {  	[sflag:s9] =	ssyncset.done $0x0  }
0xb8: {  	s18 =	simm.s32 $0x1400;
	[sflag:s9] =	ssyncadd.s32 $0xFFFFFF80  }
0xb9: {  	[tilespmem:s18], [sflag:$0xA] =	stream.indirect.gather [spmem:s1], $0x40, s21, s30, $0xb8;
	[tilespmem:$0x1C400] =	vst v63  }
0xba: {  	_ =	swait.ge [sflag:s11], $0x80  }
0xbb: {  	[sflag:s11] =	ssyncset.done $0x0  }
0xbc: {  	s20 =	simm.s32 $0x2400;
	[sflag:s11] =	ssyncadd.s32 $0xFFFFFF80  }
0xbd: {  	[tilespmem:s20], [sflag:$0xB] =	stream.indirect.gather [spmem:s1], $0x40, s29, s30, $0xb8;
	[tilespmem:$0x1C400] =	vst v63  }
0xbe: {  	_ =	swait.ge [sflag:s13], $0x80  }
0xbf: {  	[sflag:s13] =	ssyncset.done $0x0  }
0xc0: {  	s21 =	simm.s32 $0x3400;
	[sflag:s13] =	ssyncadd.s32 $0xFFFFFF80  }
0xc1: {  	[tilespmem:s21], [sflag:$0xC] =	stream.indirect.gather [spmem:s1], $0x40, s22, s30, $0xb8;
	[tilespmem:$0x1C400] =	vst v63  }
0xc2: {  	_ =	swait.ge [sflag:s15], $0x80  }
0xc3: {  	[sflag:s15] =	ssyncset.done $0x0  }
0xc4: {  	s22 =	simm.s32 $0x4400;
	[sflag:s15] =	ssyncadd.s32 $0xFFFFFF80  }
0xc5: {  	[tilespmem:s22], [sflag:$0xD] =	stream.indirect.gather [spmem:s1], $0x40, s23, s30, $0xb8;
	[tilespmem:$0x1C400] =	vst v63  }
0xc6: {  	_ =	swait.ge [sflag:s19], $0x80  }
0xc7: {  	[sflag:s19] =	ssyncset.done $0x0  }
0xc8: {  	s28 =	simm.s32 $0x5400;
	[sflag:s19] =	ssyncadd.s32 $0xFFFFFF80  }
0xc9: {  	[tilespmem:s28], [sflag:$0xE] =	stream.indirect.gather [spmem:s1], $0x40, s24, s30, $0xb8;
	[tilespmem:$0x1C400] =	vst v63  }
0xca: {  	_ =	swait.ge [sflag:s16], $0x80  }
0xcb: {  	[sflag:s16] =	ssyncset.done $0x0  }
0xcc: {  	s29 =	simm.s32 $0x6400;
	[sflag:s16] =	ssyncadd.s32 $0xFFFFFF80  }
0xcd: {  	[tilespmem:s29], [sflag:$0xF] =	stream.indirect.gather [spmem:s1], $0x40, s25, s30, $0xb8;
	[tilespmem:$0x1C400] =	vst v63  }
0xce: {  	_ =	swait.ge [sflag:s17], $0x80  }
0xcf: {  	[sflag:s17] =	ssyncset.done $0x0  }
0xd0: {  	s18 =	simm.s32 $0x8;
	[sflag:s17] =	ssyncadd.s32 $0xFFFFFF80  }
.LBB2_2:
0xd1: {  	s0 =	simm.s32 $0x380;
	s21 =	simm.s32 $0x7400;
	s20 =	simm.s32 $0x9  }
0xd2: {  	[tilespmem:s21], [sflag:$0x10] =	stream.indirect.gather [spmem:s1], $0x40, s0, s30, $0xb8;
	[tilespmem:$0x1C400] =	vst v63  }
0xd3: {  	_ =	swait.ge [sflag:s20], $0x1000  }
0xd4: {  	[sflag:s20] =	ssyncset.done $0x0  }
0xd5: {  	s28 =	simm.s32 $0x400;
	s15 =	simm.s32 $0xA;
	[sflag:s20] =	ssyncadd.s32 $0xFFFFF000  }
0xd6: {  	[spmem:s2] =	stream.indirect.scatter.add.f32 [tilespmem:s28], [sflag:$0x11], $0x40, s30, s30, $0xb8;
	[tilespmem:$0x1C400] =	vst v63  }
0xd7: {  	_ =	swait.ge [sflag:s15], $0x1000  }
0xd8: {  	s9 =	simm.s32 $0x1400;
	[sflag:s15] =	ssyncset.done $0x0  }
0xd9: {  	s16 =	simm.s32 $0xB;
	s29 =	rddreg [dreg:$0xd];
	[sflag:s15] =	ssyncadd.s32 $0xFFFFF000  }
0xda: {  	[spmem:s2] =	stream.indirect.scatter.add.f32 [tilespmem:s9], [sflag:$0x12], $0x40, s29, s30, $0xb8;
	[tilespmem:$0x1C400] =	vst v63  }
0xdb: {  	_ =	swait.ge [sflag:s16], $0x1000  }
0xdc: {  	s11 =	simm.s32 $0x2400;
	[sflag:s16] =	ssyncset.done $0x0  }
0xdd: {  	s19 =	simm.s32 $0xC;
	s29 =	rddreg [dreg:$0xe];
	[sflag:s16] =	ssyncadd.s32 $0xFFFFF000  }
0xde: {  	[spmem:s2] =	stream.indirect.scatter.add.f32 [tilespmem:s11], [sflag:$0x13], $0x40, s29, s30, $0xb8;
	[tilespmem:$0x1C400] =	vst v63  }
0xdf: {  	_ =	swait.ge [sflag:s19], $0x1000  }
0xe0: {  	s13 =	simm.s32 $0x3400;
	[sflag:s19] =	ssyncset.done $0x0  }
0xe1: {  	s22 =	simm.s32 $0xD;
	s29 =	rddreg [dreg:$0xf];
	[sflag:s19] =	ssyncadd.s32 $0xFFFFF000  }
0xe2: {  	[spmem:s2] =	stream.indirect.scatter.add.f32 [tilespmem:s13], [sflag:$0x14], $0x40, s29, s30, $0xb8;
	[tilespmem:$0x1C400] =	vst v63  }
0xe3: {  	_ =	swait.ge [sflag:s22], $0x1000  }
0xe4: {  	s23 =	simm.s32 $0xE;
	[sflag:s22] =	ssyncset.done $0x0  }
0xe5: {  	s15 =	simm.s32 $0x4400;
	s29 =	rddreg [dreg:$0x10];
	[sflag:s22] =	ssyncadd.s32 $0xFFFFF000  }
0xe6: {  	[spmem:s2] =	stream.indirect.scatter.add.f32 [tilespmem:s15], [sflag:$0x15], $0x40, s29, s30, $0xb8;
	[tilespmem:$0x1C400] =	vst v63  }
0xe7: {  	_ =	swait.ge [sflag:s23], $0x1000  }
0xe8: {  	s24 =	simm.s32 $0xF;
	[sflag:s23] =	ssyncset.done $0x0  }
0xe9: {  	s19 =	simm.s32 $0x5400;
	s29 =	rddreg [dreg:$0x11];
	[sflag:s23] =	ssyncadd.s32 $0xFFFFF000  }
0xea: {  	[spmem:s2] =	stream.indirect.scatter.add.f32 [tilespmem:s19], [sflag:$0x16], $0x40, s29, s30, $0xb8;
	[tilespmem:$0x1C400] =	vst v63  }
0xeb: {  	_ =	swait.ge [sflag:s24], $0x1000  }
0xec: {  	s25 =	simm.s32 $0x10;
	[sflag:s24] =	ssyncset.done $0x0  }
0xed: {  	s16 =	simm.s32 $0x6400;
	s29 =	rddreg [dreg:$0x12];
	[sflag:s24] =	ssyncadd.s32 $0xFFFFF000  }
0xee: {  	[spmem:s2] =	stream.indirect.scatter.add.f32 [tilespmem:s16], [sflag:$0x17], $0x40, s29, s30, $0xb8;
	[tilespmem:$0x1C400] =	vst v63  }
0xef: {  	_ =	swait.ge [sflag:s25], $0x1000  }
0xf0: {  	[sflag:s25] =	ssyncset.done $0x0  }
0xf1: {  	s7 =	smov.u32 s18;
	s29 =	rddreg [dreg:$0x13];
	[sflag:s25] =	ssyncadd.s32 $0xFFFFF000  }
0xf2: {  	[spmem:s2] =	stream.indirect.scatter.add.f32 [tilespmem:s21], [sflag:$0x18], $0x40, s29, s30, $0xb8;
	[tilespmem:$0x1C400] =	vst v63  }
0xf3: {  	s7 =	smin.u32 s7, $0x130;
	_ =	swait.ge [sflag:s26], $0x1000  }
0xf4: {  	s7 =	sshll.u32 s7, $0x7;
	s29 =	rddreg [dreg:$0x5]  }
0xf5: {  	s29 =	sadd.s32 s7, s29  }
0xf6: {  	[sflag:s26] =	ssyncset.done $0x0;
	s29 =	sshrl.u32 s29, $0x3  }
0xf7: {  	[sflag:s26] =	ssyncadd.s32 $0xFFFFF000;
	s29 =	sadd.s32 s5, s29  }
0xf8: {  	[tilespmem:s3], [sflag:$0x1] =	stream.linear.gather [hbm4b:s29+s3], $0x80, $0x38;
	[tilespmem:$0x1C400] =	vst v63  }
0xf9: {  	_ =	swait.ge [sflag:s31], $0x1000  }
0xfa: {  	s29 =	rddreg [dreg:$0x6]  }
0xfb: {  	s29 =	sadd.s32 s7, s29  }
0xfc: {  	[sflag:s31] =	ssyncset.done $0x0;
	s29 =	sshrl.u32 s29, $0x3  }
0xfd: {  	s21 =	simm.s32 $0x80;
	[sflag:s31] =	ssyncadd.s32 $0xFFFFF000;
	s29 =	sadd.s32 s5, s29  }
0xfe: {  	[tilespmem:s21], [sflag:$0x2] =	stream.linear.gather [hbm4b:s29+s3], $0x80, $0x38;
	[tilespmem:$0x1C400] =	vst v63  }
0xff: {  	_ =	swait.ge [sflag:s4], $0x1000  }
0x100: {  	s29 =	rddreg [dreg:$0x7]  }
0x101: {  	s29 =	sadd.s32 s7, s29  }
0x102: {  	[sflag:s4] =	ssyncset.done $0x0;
	s29 =	sshrl.u32 s29, $0x3  }
0x103: {  	s22 =	simm.s32 $0x100;
	[sflag:s4] =	ssyncadd.s32 $0xFFFFF000;
	s29 =	sadd.s32 s5, s29  }
0x104: {  	[tilespmem:s22], [sflag:$0x3] =	stream.linear.gather [hbm4b:s29+s3], $0x80, $0x38;
	[tilespmem:$0x1C400] =	vst v63  }
0x105: {  	_ =	swait.ge [sflag:s8], $0x1000  }
0x106: {  	s29 =	rddreg [dreg:$0x8]  }
0x107: {  	s29 =	sadd.s32 s7, s29  }
0x108: {  	[sflag:s8] =	ssyncset.done $0x0;
	s29 =	sshrl.u32 s29, $0x3  }
0x109: {  	s23 =	simm.s32 $0x180;
	[sflag:s8] =	ssyncadd.s32 $0xFFFFF000;
	s29 =	sadd.s32 s5, s29  }
0x10a: {  	[tilespmem:s23], [sflag:$0x4] =	stream.linear.gather [hbm4b:s29+s3], $0x80, $0x38;
	[tilespmem:$0x1C400] =	vst v63  }
0x10b: {  	_ =	swait.ge [sflag:s10], $0x1000  }
0x10c: {  	s29 =	rddreg [dreg:$0x9]  }
0x10d: {  	s29 =	sadd.s32 s7, s29  }
0x10e: {  	[sflag:s10] =	ssyncset.done $0x0;
	s29 =	sshrl.u32 s29, $0x3  }
0x10f: {  	s24 =	simm.s32 $0x200;
	[sflag:s10] =	ssyncadd.s32 $0xFFFFF000;
	s29 =	sadd.s32 s5, s29  }
0x110: {  	[tilespmem:s24], [sflag:$0x5] =	stream.linear.gather [hbm4b:s29+s3], $0x80, $0x38;
	[tilespmem:$0x1C400] =	vst v63  }
0x111: {  	_ =	swait.ge [sflag:s12], $0x1000  }
0x112: {  	s29 =	rddreg [dreg:$0xa]  }
0x113: {  	s29 =	sadd.s32 s7, s29  }
0x114: {  	[sflag:s12] =	ssyncset.done $0x0;
	s29 =	sshrl.u32 s29, $0x3  }
0x115: {  	s25 =	simm.s32 $0x280;
	[sflag:s12] =	ssyncadd.s32 $0xFFFFF000;
	s29 =	sadd.s32 s5, s29  }
0x116: {  	[tilespmem:s25], [sflag:$0x6] =	stream.linear.gather [hbm4b:s29+s3], $0x80, $0x38;
	[tilespmem:$0x1C400] =	vst v63  }
0x117: {  	_ =	swait.ge [sflag:s14], $0x1000  }
0x118: {  	s29 =	rddreg [dreg:$0xb]  }
0x119: {  	s29 =	sadd.s32 s7, s29  }
0x11a: {  	[sflag:s14] =	ssyncset.done $0x0;
	s29 =	sshrl.u32 s29, $0x3  }
0x11b: {  	s26 =	simm.s32 $0x300;
	[sflag:s14] =	ssyncadd.s32 $0xFFFFF000;
	s29 =	sadd.s32 s5, s29  }
0x11c: {  	[tilespmem:s26], [sflag:$0x7] =	stream.linear.gather [hbm4b:s29+s3], $0x80, $0x38;
	[tilespmem:$0x1C400] =	vst v63  }
0x11d: {  	_ =	swait.ge [sflag:s6], $0x1000  }
0x11e: {  	s29 =	rddreg [dreg:$0xc]  }
0x11f: {  	s7 =	sadd.s32 s7, s29  }
0x120: {  	[sflag:s6] =	ssyncset.done $0x0;
	s7 =	sshrl.u32 s7, $0x3  }
0x121: {  	[sflag:s6] =	ssyncadd.s32 $0xFFFFF000;
	s7 =	sadd.s32 s5, s7  }
0x122: {  	[tilespmem:s0], [sflag:$0x8] =	stream.linear.gather [hbm4b:s7+s3], $0x80, $0x38;
	[tilespmem:$0x1C400] =	vst v63  }
0x123: {  	s7 =	simm.s32 $0x1  }
0x124: {  	_ =	swait.ge [sflag:s7], $0x80  }
0x125: {  	[sflag:s7] =	ssyncset.done $0x0  }
0x126: {  	[sflag:s7] =	ssyncadd.s32 $0xFFFFFF80;
	s7 =	simm.s32 $0x2  }
0x127: {  	[tilespmem:s28], [sflag:$0x9] =	stream.indirect.gather [spmem:s1], $0x40, s3, s30, $0xb8;
	[tilespmem:$0x1C400] =	vst v63  }
0x128: {  	_ =	swait.ge [sflag:s7], $0x80  }
0x129: {  	[sflag:s7] =	ssyncset.done $0x0  }
0x12a: {  	[sflag:s7] =	ssyncadd.s32 $0xFFFFFF80  }
0x12b: {  	[tilespmem:s9], [sflag:$0xA] =	stream.indirect.gather [spmem:s1], $0x40, s21, s30, $0xb8;
	[tilespmem:$0x1C400] =	vst v63  }
0x12c: {  	s21 =	simm.s32 $0x3  }
0x12d: {  	_ =	swait.ge [sflag:s21], $0x80  }
0x12e: {  	[sflag:s21] =	ssyncset.done $0x0  }
0x12f: {  	[sflag:s21] =	ssyncadd.s32 $0xFFFFFF80  }
0x130: {  	[tilespmem:s11], [sflag:$0xB] =	stream.indirect.gather [spmem:s1], $0x40, s22, s30, $0xb8;
	[tilespmem:$0x1C400] =	vst v63  }
0x131: {  	s22 =	simm.s32 $0x4  }
0x132: {  	_ =	swait.ge [sflag:s22], $0x80  }
0x133: {  	[sflag:s22] =	ssyncset.done $0x0  }
0x134: {  	[sflag:s22] =	ssyncadd.s32 $0xFFFFFF80  }
0x135: {  	[tilespmem:s13], [sflag:$0xC] =	stream.indirect.gather [spmem:s1], $0x40, s23, s30, $0xb8;
	[tilespmem:$0x1C400] =	vst v63  }
0x136: {  	s23 =	simm.s32 $0x5  }
0x137: {  	_ =	swait.ge [sflag:s23], $0x80  }
0x138: {  	[sflag:s23] =	ssyncset.done $0x0  }
0x139: {  	[sflag:s23] =	ssyncadd.s32 $0xFFFFFF80  }
0x13a: {  	[tilespmem:s15], [sflag:$0xD] =	stream.indirect.gather [spmem:s1], $0x40, s24, s30, $0xb8;
	[tilespmem:$0x1C400] =	vst v63  }
0x13b: {  	s24 =	simm.s32 $0x6  }
0x13c: {  	_ =	swait.ge [sflag:s24], $0x80  }
0x13d: {  	[sflag:s24] =	ssyncset.done $0x0  }
0x13e: {  	s28 =	simm.s32 $0x7;
	[sflag:s24] =	ssyncadd.s32 $0xFFFFFF80  }
0x13f: {  	[tilespmem:s19], [sflag:$0xE] =	stream.indirect.gather [spmem:s1], $0x40, s25, s30, $0xb8;
	[tilespmem:$0x1C400] =	vst v63  }
0x140: {  	_ =	swait.ge [sflag:s28], $0x80  }
0x141: {  	p0 =	sne.s32 s18, $0x138;
	[sflag:s28] =	ssyncset.done $0x0  }
.Ltmp0:
0x142: {  	[sflag:s28] =	ssyncadd.s32 $0xFFFFFF80;
	(pc) =	sbr.rel @p0 .LBB2_2-.Ltmp0, $4  }
0x143: {  	[tilespmem:s16], [sflag:$0xF] =	stream.indirect.gather [spmem:s1], $0x40, s26, s30, $0xb8;
	[tilespmem:$0x1C400] =	vst v63  }
0x144: {  	_ =	swait.ge [sflag:s17], $0x80  }
0x145: {  	s18 =	sadd.s32 $0x8, s18;
	s20 =	simm.s32 $0x7400;
	[sflag:s17] =	ssyncset.done $0x0  }
0x146: {  	s29 =	simm.s32 $0x380;
	s26 =	simm.s32 $0x11;
	[sflag:s17] =	ssyncadd.s32 $0xFFFFFF80  }
0x147: {  	[tilespmem:s20], [sflag:$0x10] =	stream.indirect.gather [spmem:s1], $0x40, s29, s30, $0xb8;
	[tilespmem:$0x1C400] =	vst v63  }
0x148: {  	s0 =	simm.s32 $0x9  }
0x149: {  	_ =	swait.ge [sflag:s0], $0x1000  }
0x14a: {  	[sflag:s0] =	ssyncset.done $0x0  }
0x14b: {  	s19 =	simm.s32 $0xA;
	[sflag:s0] =	ssyncadd.s32 $0xFFFFF000  }
0x14c: {  	_ =	swait.ge [sflag:s19], $0x1000  }
0x14d: {  	[sflag:s19] =	ssyncset.done $0x0  }
0x14e: {  	s20 =	simm.s32 $0xB;
	[sflag:s19] =	ssyncadd.s32 $0xFFFFF000  }
0x14f: {  	_ =	swait.ge [sflag:s20], $0x1000  }
0x150: {  	[sflag:s20] =	ssyncset.done $0x0  }
0x151: {  	s21 =	simm.s32 $0xC;
	[sflag:s20] =	ssyncadd.s32 $0xFFFFF000  }
0x152: {  	_ =	swait.ge [sflag:s21], $0x1000  }
0x153: {  	[sflag:s21] =	ssyncset.done $0x0  }
0x154: {  	s22 =	simm.s32 $0xD;
	[sflag:s21] =	ssyncadd.s32 $0xFFFFF000  }
0x155: {  	_ =	swait.ge [sflag:s22], $0x1000  }
0x156: {  	[sflag:s22] =	ssyncset.done $0x0  }
0x157: {  	s23 =	simm.s32 $0xE;
	[sflag:s22] =	ssyncadd.s32 $0xFFFFF000  }
0x158: {  	_ =	swait.ge [sflag:s23], $0x1000  }
0x159: {  	[sflag:s23] =	ssyncset.done $0x0  }
0x15a: {  	s24 =	simm.s32 $0xF;
	[sflag:s23] =	ssyncadd.s32 $0xFFFFF000  }
0x15b: {  	_ =	swait.ge [sflag:s24], $0x1000  }
0x15c: {  	[sflag:s24] =	ssyncset.done $0x0  }
0x15d: {  	s25 =	simm.s32 $0x10;
	[sflag:s24] =	ssyncadd.s32 $0xFFFFF000  }
0x15e: {  	_ =	swait.ge [sflag:s25], $0x1000  }
0x15f: {  	[sflag:s25] =	ssyncset.done $0x0  }
0x160: {  	[sflag:s25] =	ssyncadd.s32 $0xFFFFF000  }
0x161: {  	[bflag:$0x0] =	sbarrier.arrive $0xFFFF  }
0x162: {  	s7 =	sld [smem:$0x7FC]  }
0x163: {  	s28 =	sld [smem:$0x7FB];
	_ =	sdelay $0x1  }
0x164: {  	s18 =	simm.s32 $0x19;
	s6 =	rddreg [dreg:$0x1f]  }
0x165: {  	[hbm:s7], [sflag:s6] =	dma.local [spmem:s28], $0x1400  }
0x166: {  	_ =	swait.ge [sflag:s18], $0x1400  }
0x167: {  	s29 =	sld [smem:$0x7FA];
	_ =	sdelay $0x2  }
0x168: {  	s31 =	rddreg [dreg:$0x1d];
	s0 =	sadd.s32 $0x1, s29  }
0x169: {  	p0 =	sne.s32 s0, s31  }
.Ltmp1:
0x16a: {  	_ = 	snop;
	(pc) =	sbr.rel @p0 .LBB2_1-.Ltmp1, $3  }
0x16b: {  	_ =	sdelay $0x1  }
0x16c: {  	[sflag:s18] =	ssyncset.done $0x0  }
0x16d: {  	[sflag:s18] =	ssyncadd.s32 $0xFFFFEC00  }
0x16e: {  	_ =	sfence.sel $0x180000  }
0x16f: {  	[bflag:$0x0] =	sbarrier.arrive $0xFFFF  }
0x170: {  	_ =	strace $0x9000004A  }
0x171: {  	s0 =	stileid.u32;
	[bflag:$0x2] =	sbarrier.arrive $0xFFFF  }
0x172: {  	p0 =	sne.s32 s0, $0x0;
	s0 =	rddreg [dreg:$0x4]  }
0x173: {  	s0 =	sadd.s32 @!p0 $0x100000, s0  }
0x174: {  	[sflag:s0] =	ssyncadd.tile.s32 @!p0 $0x1;
	_ =	shalt  }
.Lfunc_end2:
_tile_overlayer_lowered:
.L_overlay_start_2:
0x175: {  	(tag) =	ssettag $0x2  }
0x176: {  	s0 =	rddreg [dreg:$0x0];
	s2 =	stileid.u32  }
0x177: {  	s1 =	rddreg [dreg:$0x1];
	p0 =	sne.s32 s2, $0x0  }
0x178: {  	s3 =	rddreg [dreg:$0x2];
	[bflag:$0x3] =	sbarrier.arrive $0xFFFF;
	s2 =	simm.s32 @!p0 $0x1C19  }
0x179: {  	[timem:s3], [sflag:s2] =	dma.local @!p0 [hbm:s0], s1  }
0x17a: {  	s0 =	simm.s32 @!p0 $0x19  }
0x17b: {  	_ =	swait.ge @!p0 [sflag:s0], s1  }
0x17c: {  	s1 =	ssub.s32 @!p0 $0x0, s1;
	[sflag:s0] =	ssyncset.done @!p0 $0x0  }
0x17d: {  	[sflag:s0] =	ssyncadd.s32 @!p0 s1  }
0x17e: {  	[bflag:$0x3] =	sbarrier.arrive $0xFFFF  }
0x17f: {  	_ =	shalt  }

// kernel: kernel.14.cloned.1.call-start
scs
__scs_entry_jumppad:
0x0: {  	(pc) =	sbr.rel $0x88, $3  }
0x1: {  	(tag) =	ssettag $0x0;
	lr =	simm.s32 $0x1  }
0x2: {  	[smem:$0x3F9B] =	sst lr;
	_ =	strace $0xD0000000  }
0x3: {  	_ = 	snop  }
0x4: {  	_ = 	snop  }
0x5: {  	_ = 	snop  }
0x6: {  	_ = 	snop  }
0x7: {  	_ = 	snop  }
__scs_overlays_trampoline_lowered:
0x8: {  	[smem:$0x3FAA] =	sst s0  }
0x9: {  	[smem:$0x3FAB] =	sst s1  }
0xa: {  	[smem:$0x3FAC] =	sst s2  }
0xb: {  	[smem:$0x3FAD] =	sst s3  }
0xc: {  	[smem:$0x3FAE] =	sst s4  }
0xd: {  	[smem:$0x3FAF] =	sst s5  }
0xe: {  	[smem:$0x3FB0] =	sst s6  }
0xf: {  	[smem:$0x3FB1] =	sst s7  }
0x10: {  	[smem:$0x3FB2] =	sst s8  }
0x11: {  	[smem:$0x3FB3] =	sst s9;
	s0 =	simm.s32 @!p0 $0x0  }
0x12: {  	s1 =	sld [smem:$0x3F99];
	s0 =	simm.s32 @p0 $0x1  }
0x13: {  	[smem:$0x3FB4] =	sst s0;
	s0 =	simm.s32 @!p1 $0x0  }
0x14: {  	s2 =	sld [smem:$0x3F98];
	s0 =	simm.s32 @p1 $0x1  }
0x15: {  	[smem:$0x3FB5] =	sst s0;
	s0 =	simm.s32 @!p2 $0x0  }
0x16: {  	s3 =	sld [smem:$0x3FDB];
	s0 =	simm.s32 @p2 $0x1  }
0x17: {  	s4 =	simm.s32 $0x1BF5;
	[smem:$0x3FB7] =	sst s0  }
0x18: {  	s0 =	sld [smem:$0x3F9A];
	_ =	swait.ge [sflag:s4], $0x0  }
0x19: {  	s7 =	sld [smem:$0x3F9B]  }
0x1a: {  	s8 =	sadd.s32 $0xFFFFE003, lr  }
0x1b: {  	s9 =	sadd.s32 $0xFFFFFEF7, lr;
	s5 =	simm.s32 $0xFFFFFFFF;
	p2 =	slt.u32 s8, $0xFFFFF086  }
0x1c: {  	p1 =	slt.u32 s9, $0xF7A;
	s5 =	simm.s32 @!p2 $0x0  }
0x1d: {  	s5 =	simm.s32 @p1 $0x1;
	p0 =	seq.s32 s7, s2  }
0x1e: {  	s7 =	smul.u32 @!p0 $0xF7A, s2;
	p2 =	seq.s32 @!p0 s5, $0x0  }
0x1f: {  	s9 =	smul.u32 $0xF7A, s1;
	s8 =	simm.s32 @!p0 $0x1BF5;
	p2 =	por !p2, p0  }
0x20: {  	[sflag:s8] =	ssyncset.s32 @!p0 $0xFFFFF086;
	s6 =	sadd.s32 @!p0 s3, s7;
	s7 =	simm.s32 @!p0 $0x108  }
0x21: {  	s3 =	sadd.s32 s3, s9;
	s6 =	sadd.s32 @!p0 $0x88, s6;
	s7 =	simm.s32 @p2 $0x1082  }
0x22: {  	[simem:s7], [sflag:s8] =	dma.local @!p0 [hbm:s6], $0xF7A  }
0x23: {  	s9 =	sor.u32 $0xD0000000, s2;
	s6 =	simm.s32 $0x108;
	_ =	swait.ge @!p0 [sflag:s8], $0x0  }
0x24: {  	s3 =	sadd.s32 $0x88, s3;
	s6 =	simm.s32 @!p1 $0x1082;
	[sflag:s4] =	ssyncset.s32 $0xFFFFF086  }
0x25: {  	[simem:s6], [sflag:s4] =	dma.local [hbm:s3], $0xF7A  }
0x26: {  	[smem:$0x3F9B] =	sst s1;
	(tag) =	ssettag s2;
	_ =	strace s9  }
0x27: {  	s1 =	sld [smem:$0x3FAB]  }
0x28: {  	s2 =	sld [smem:$0x3FAC]  }
0x29: {  	s4 =	sld [smem:$0x3FAE]  }
0x2a: {  	p0 =	seq.s32 s5, $0x0;
	s5 =	sld [smem:$0x3FAF]  }
0x2b: {  	s6 =	sld [smem:$0x3FB0]  }
0x2c: {  	s7 =	sld [smem:$0x3FB1]  }
0x2d: {  	s3 =	simm.s32 $0x108;
	s8 =	sld [smem:$0x3FB2]  }
0x2e: {  	s3 =	simm.s32 @!p0 $0x1082;
	s9 =	sld [smem:$0x3FB3]  }
0x2f: {  	lr =	sadd.s32 s0, s3;
	s0 =	sld [smem:$0x3FAA]  }
0x30: {  	s3 =	sld [smem:$0x3FAD]  }
0x31: {  	[smem:$0x3FB6] =	sst s10  }
0x32: {  	s10 =	sld [smem:$0x3FB4];
	_ =	sdelay $0x3  }
0x33: {  	p0 =	seq.s32 s10, $0x1;
	s10 =	sld [smem:$0x3FB6];
	_ =	sdelay $0x3  }
0x34: {  	[smem:$0x3FB6] =	sst s10  }
0x35: {  	s10 =	sld [smem:$0x3FB5];
	_ =	sdelay $0x3  }
0x36: {  	p1 =	seq.s32 s10, $0x1;
	s10 =	sld [smem:$0x3FB6];
	_ =	sdelay $0x3  }
0x37: {  	[smem:$0x3FB6] =	sst s10  }
0x38: {  	s10 =	sld [smem:$0x3FB7]  }
0x39: {  	_ = 	snop;
	(pc) =	sbr.ind lr, $3  }
0x3a: {  	_ = 	snop  }
0x3b: {  	_ = 	snop  }
0x3c: {  	p2 =	seq.s32 s10, $0x1;
	s10 =	sld [smem:$0x3FB6]  }
0x3d: {  	_ =	shalt  }
0x3e: {  	_ =	shalt  }
0x3f: {  	_ =	shalt  }
0x40: {  	_ =	shalt  }
0x41: {  	_ =	shalt  }
0x42: {  	_ =	shalt  }
0x43: {  	_ =	shalt  }
0x44: {  	_ =	shalt  }
0x45: {  	_ =	shalt  }
0x46: {  	_ =	shalt  }
0x47: {  	_ =	shalt  }
0x48: {  	_ =	shalt  }
0x49: {  	_ =	shalt  }
0x4a: {  	_ =	shalt  }
0x4b: {  	_ =	shalt  }
0x4c: {  	_ =	shalt  }
0x4d: {  	_ =	shalt  }
0x4e: {  	_ =	shalt  }
0x4f: {  	_ =	shalt  }
0x50: {  	_ =	shalt  }
0x51: {  	_ =	shalt  }
0x52: {  	_ =	shalt  }
0x53: {  	_ =	shalt  }
0x54: {  	_ =	shalt  }
0x55: {  	_ =	shalt  }
0x56: {  	_ =	shalt  }
0x57: {  	_ =	shalt  }
0x58: {  	_ =	shalt  }
0x59: {  	_ =	shalt  }
0x5a: {  	_ =	shalt  }
0x5b: {  	_ =	shalt  }
0x5c: {  	_ =	shalt  }
0x5d: {  	_ =	shalt  }
0x5e: {  	_ =	shalt  }
0x5f: {  	_ =	shalt  }
0x60: {  	_ =	shalt  }
0x61: {  	_ =	shalt  }
0x62: {  	_ =	shalt  }
0x63: {  	_ =	shalt  }
0x64: {  	_ =	shalt  }
0x65: {  	_ =	shalt  }
0x66: {  	_ =	shalt  }
0x67: {  	_ =	shalt  }
0x68: {  	_ =	shalt  }
0x69: {  	_ =	shalt  }
0x6a: {  	_ =	shalt  }
0x6b: {  	_ =	shalt  }
0x6c: {  	_ =	shalt  }
0x6d: {  	_ =	shalt  }
0x6e: {  	_ =	shalt  }
0x6f: {  	_ =	shalt  }
0x70: {  	_ =	shalt  }
0x71: {  	_ =	shalt  }
0x72: {  	_ =	shalt  }
0x73: {  	_ =	shalt  }
0x74: {  	_ =	shalt  }
0x75: {  	_ =	shalt  }
0x76: {  	_ =	shalt  }
0x77: {  	_ =	shalt  }
0x78: {  	_ =	shalt  }
0x79: {  	_ =	shalt  }
0x7a: {  	_ =	shalt  }
0x7b: {  	_ =	shalt  }
0x7c: {  	_ =	shalt  }
0x7d: {  	_ =	shalt  }
0x7e: {  	_ =	shalt  }
0x7f: {  	_ =	shalt  }
0x80: {  	_ =	shalt  }
0x81: {  	_ =	shalt  }
0x82: {  	_ =	shalt  }
0x83: {  	_ =	shalt  }
0x84: {  	_ =	shalt  }
0x85: {  	_ =	shalt  }
0x86: {  	_ =	shalt  }
0x87: {  	_ =	shalt  }
.Lfunc_end0:
.L_simem_size_0:
called_computation.2_lowered:
.L_overlay_start_0:
0x88: {  	s2 =	sld [smem:$0x3FD9]  }
0x89: {  	s3 =	sld [smem:$0x3FFE];
	_ =	sdelay $0x1  }
0x8a: {  	s1 =	srdreg.scid  }
0x8b: {  	s0 =	sand.u32 $0x1, s1  }
0x8c: {  	s17 =	sshll.u32 s0, $0xA;
	s2 =	sadd.s32 s3, s2  }
0x8d: {  	s2 =	sadd.s32 s2, s17  }
0x8e: {  	[smem:$0x3FC2] =	sst s2  }
0x8f: {  	_ = 	snop  }
0x90: {  	s2 =	sld [smem:$0x3FD0];
	(tm) =	ssettm $0x1  }
0x91: {  	s18 =	sld [smem:$0x3FFB];
	_ =	sdelay $0x3  }
0x92: {  	_ =	strace s18  }
0x93: {  	s3 =	sld [smem:$0x3FFC];
	_ =	sdelay $0x3  }
0x94: {  	_ =	strace s3  }
0x95: {  	s3 =	sld [smem:$0x3FFD];
	_ =	sdelay $0x3  }
0x96: {  	_ =	strace s3  }
0x97: {  	_ =	strace $0x8FFFFFFF  }
0x98: {  	s19 =	sld [smem:$0x3FDB];
	_ =	sdelay $0x1  }
0x99: {  	s4 =	simm.s32 $_scs_section_size  }
0x9a: {  	s5 =	simm.s32 $_size__tile_overlayer_lowered;
	s6 =	simm.s32 $_tile_overlayer_lowered  }
0x9b: {  	s22 =	simm.s32 $0x1BFF;
	s21 =	sshll.u32 s6, $0x1;
	s3 =	sadd.s32 s4, s19  }
0x9c: {  	s7 =	simm.s32 $0x0;
	s20 =	sshll.u32 s5, $0x1;
	s5 =	sadd.s32 s21, s3  }
0x9d: {  	[timem:s7], [sflag:s22] =	dma.local [hbm:s5], s20  }
0x9e: {  	_ =	swait.ge [sflag:s22], s20  }
0x9f: {  	s4 =	ssub.s32 $0x0, s20;
	[sflag:s22] =	ssyncset.done $0x0  }
0xa0: {  	[sflag:s22] =	ssyncadd.s32 s4;
	_ =	sdelay $0x1  }
0xa1: {  	s23 =	simm.s32 $0x1B8B  }
0xa2: {  	_ =	swait.ge [sflag:s23], $0x1  }
0xa3: {  	[sflag:s23] =	ssyncset.done $0x0  }
0xa4: {  	s25 =	simm.s32 $0x1B8E;
	s24 =	sld [smem:$0x3FFE];
	[sflag:s23] =	ssyncadd.s32 $0xFFFFFFFF  }
0xa5: {  	s26 =	simm.s32 $execute0_lowered;
	[smem:$0x3FD2] =	sst s25  }
0xa6: {  	s5 =	sshll.u32 s26, $0x1;
	_ =	strace $0x8000004C;
	[dreg:$0x1] =	wrdreg $0xFFFFFFFF  }
0xa7: {  	s28 =	simm.s32 $_size_execute0_lowered;
	s3 =	sadd.s32 s3, s5;
	[dreg:$0x0] =	wrdreg $0x0  }
0xa8: {  	s5 =	sshll.u32 s28, $0x1;
	[dreg:$0x2] =	wrdreg s3  }
0xa9: {  	[dreg:$0x3] =	wrdreg s5  }
0xaa: {  	[dreg:$0x4] =	wrdreg $0xC0  }
0xab: {  	_ =	task [dreg:s7], $0x5FFFF  }
0xac: {  	[dreg:$0x1] =	wrdreg $0xFFFFFFFF  }
0xad: {  	[dreg:$0x0] =	wrdreg $0x60  }
0xae: {  	[dreg:$0x2] =	wrdreg s2  }
0xaf: {  	[dreg:$0x3] =	wrdreg s24  }
0xb0: {  	[dreg:$0x4] =	wrdreg $0x84000  }
0xb1: {  	[dreg:$0x5] =	wrdreg $0x124000  }
0xb2: {  	[dreg:$0x6] =	wrdreg $0x9  }
0xb3: {  	_ =	task.clear_ibuf [dreg:s7], $0x7FFFF;
	_ =	strace $0x9000004C  }
0xb4: {  	s29 =	simm.s32 $0x9;
	_ =	strace $0x8000004E  }
0xb5: {  	_ =	swait.ge [sflag:s29], $0x1  }
0xb6: {  	[sflag:s29] =	ssyncadd.s32 $0xFFFFFFFF  }
0xb7: {  	_ =	strace $0x9000004E  }
0xb8: {  	_ =	sfence  }
0xb9: {  	s30 =	sld [smem:$0x0];
	_ =	sdelay $0x2  }
0xba: {  	s31 =	sshll.u32 s1, $0xD;
	s1 =	sshrl.u32 s1, $0x2  }
0xbb: {  	s3 =	sand.u32 $0x4000, s31;
	s1 =	sadd.s32 s1, s30  }
0xbc: {  	s0 =	sor.u32 s3, s0;
	s1 =	sshll.u32 s1, $0x11  }
0xbd: {  	s0 =	sor.u32 s1, s0  }
0xbe: {  	s0 =	sadd.s32 $0x8F2B, s0  }
0xbf: {  	[sflag:s0] =	ssyncadd.remote.s32 $0x1  }
0xc0: {  	_ =	sfence.sel $0xFFFF  }
0xc1: {  	[dreg:$0x0] =	wrdreg $0xFFFFFFFF;
	(pc) =	sbr.abs _section_cstart, $3  }
0xc2: {  	[dreg:$0x1] =	wrdreg $0xFFFFFFFF  }
0xc3: {  	_ =	task.clear_ibuf [dreg:s7], $0x2FFFF;
	_ =	strace $0x9FFFFFFF  }
0xc4: {  	(tm) =	ssettm $0x7FFFFFFF  }
0xc5: {  	_ =	shalt  }
tec
execute0_lowered:
.L_overlay_start_1:
0x0: {  	(tag) =	ssettag $0x1  }
0x1: {  	s0 =	rddreg [dreg:$0x0]  }
0x2: {  	s4 =	rddreg [dreg:$0x1];
	s13 =	stileid.u32  }
0x3: {  	s1 =	rddreg [dreg:$0x2];
	s9 =	smul.u32 $0xA000, s13  }
0x4: {  	s2 =	rddreg [dreg:$0x3];
	s3 =	simm.s32 $0x0  }
0x5: {  	s5 =	srdreg.scid;
	[smem:$0x7FF] =	sst s3;
	s12 =	sadd.s32 s9, s2  }
0x6: {  	_ =	strace $0x8000004D;
	s20 =	sor.u32 $0x400, s9;
	[dreg:$0x14] =	wrdreg s12  }
0x7: {  	s7 =	sand.u32 $0x1, s5;
	s21 =	sor.u32 $0x480, s9;
	[dreg:$0x5] =	wrdreg s20  }
0x8: {  	s8 =	ssub.s32 $0x2, s7;
	s22 =	sor.u32 $0x500, s9;
	[dreg:$0x6] =	wrdreg s21  }
0x9: {  	p0 =	seq.s32 s7, $0x0;
	s24 =	sor.u32 $0x580, s9;
	[dreg:$0x7] =	wrdreg s22  }
0xa: {  	s11 =	sshrl.u32 s8, $0x1;
	s26 =	sor.u32 $0x600, s9;
	[dreg:$0x8] =	wrdreg s24  }
0xb: {  	s7 =	sadd.s32 s9, s1;
	s29 =	sor.u32 $0x680, s9;
	[dreg:$0x9] =	wrdreg s26  }
0xc: {  	s16 =	sor.u32 $0x700, s9;
	s8 =	ssub.s32 s8, s11;
	[dreg:$0xa] =	wrdreg s29  }
0xd: {  	s11 =	sshrl.u32 s9, $0x3;
	[dreg:$0xb] =	wrdreg s16;
	s9 =	sor.u32 $0x780, s9  }
0xe: {  	s22 =	simm.s32 $0xC0;
	[dreg:$0xc] =	wrdreg s9  }
0xf: {  	s6 =	sadd.s32 $0x17000, s4;
	s24 =	sshrl.u32 s7, $0x3;
	[dreg:$0xd] =	wrdreg s22  }
0x10: {  	s5 =	sadd.s32 $0x3000, s4;
	s26 =	simm.s32 $0x240;
	[smem:$0x7FD] =	sst s24  }
0x11: {  	s10 =	sadd.s32 $0x3F000, s4;
	s29 =	simm.s32 $0x340;
	[dreg:$0x10] =	wrdreg s26  }
0x12: {  	s4 =	sadd.s32 $0x2B000, s4;
	s14 =	sadd.s32 s5, s11;
	[dreg:$0x12] =	wrdreg s29  }
0x13: {  	s6 =	smov.u32 @p0 s0;
	s19 =	smax.u32 s8, $0x1;
	[dreg:$0x15] =	wrdreg s14  }
0x14: {  	s4 =	smov.u32 @p0 s10;
	s20 =	sadd.s32 s6, s11;
	[dreg:$0x1d] =	wrdreg s19  }
0x15: {  	s21 =	sshll.u32 s13, $0x6;
	s4 =	sadd.s32 s4, s11;
	[dreg:$0x1e] =	wrdreg s20  }
0x16: {  	s6 =	sor.u32 $0x1C19, s21;
	[smem:$0x7FC] =	sst s4  }
0x17: {  	s15 =	sadd.s32 $0x10, s14;
	[dreg:$0x1f] =	wrdreg s6  }
0x18: {  	s23 =	sadd.s32 $0x20, s14;
	[dreg:$0x16] =	wrdreg s15  }
0x19: {  	s25 =	sadd.s32 $0x30, s14;
	[dreg:$0x17] =	wrdreg s23  }
0x1a: {  	s28 =	sadd.s32 $0x40, s14;
	[dreg:$0x18] =	wrdreg s25  }
0x1b: {  	s31 =	sadd.s32 $0x50, s14;
	[dreg:$0x19] =	wrdreg s28  }
0x1c: {  	s17 =	sadd.s32 $0x60, s14;
	[dreg:$0x1a] =	wrdreg s31  }
0x1d: {  	s18 =	sadd.s32 $0x70, s14;
	[dreg:$0x1b] =	wrdreg s17  }
0x1e: {  	[dreg:$0x1c] =	wrdreg s18;
	s23 =	simm.s32 $0x140  }
0x1f: {  	s25 =	simm.s32 $0x1C0;
	[dreg:$0xe] =	wrdreg s23  }
0x20: {  	s30 =	simm.s32 $0x40;
	s28 =	simm.s32 $0x2C0;
	[dreg:$0xf] =	wrdreg s25  }
0x21: {  	s0 =	simm.s32 $0x0;
	s31 =	simm.s32 $0x3C0;
	[dreg:$0x11] =	wrdreg s28  }
0x22: {  	s26 =	simm.s32 $0x11;
	s17 =	simm.s32 $0x8;
	[dreg:$0x13] =	wrdreg s31  }
.LBB2_1:
0x23: {  	s7 =	sld [smem:$0x7FD]  }
0x24: {  	[smem:$0x7FA] =	sst s0  }
0x25: {  	s29 =	simm.s32 $0x19;
	s18 =	rddreg [dreg:$0x1e]  }
0x26: {  	[spmem:s7], [sflag:s6] =	dma.local [hbm:s18], $0x1400  }
0x27: {  	_ =	swait.ge [sflag:s29], $0x1400  }
0x28: {  	s19 =	rddreg [dreg:$0x14]  }
0x29: {  	[sflag:s29] =	ssyncset.done $0x0;
	s20 =	sshrl.u32 s19, $0x3  }
0x2a: {  	[sflag:s29] =	ssyncadd.s32 $0xFFFFEC00;
	[smem:$0x7FB] =	sst s20  }
0x2b: {  	[spmem:s20], [sflag:s6] =	dma.local [hbm:s18], $0x1400  }
0x2c: {  	_ =	swait.ge [sflag:s29], $0x1400  }
0x2d: {  	[sflag:s29] =	ssyncset.done $0x0  }
0x2e: {  	s21 =	rddreg [dreg:$0x15];
	[sflag:s29] =	ssyncadd.s32 $0xFFFFEC00  }
0x2f: {  	[tilespmem:s3], [sflag:$0x1] =	stream.linear.gather [hbm4b:s21+s3], $0x80, $0x38;
	[tilespmem:$0x1C400] =	vst v63  }
0x30: {  	s22 =	rddreg [dreg:$0x16];
	s21 =	simm.s32 $0x80  }
0x31: {  	[tilespmem:s21], [sflag:$0x2] =	stream.linear.gather [hbm4b:s22+s3], $0x80, $0x38;
	[tilespmem:$0x1C400] =	vst v63  }
0x32: {  	s23 =	rddreg [dreg:$0x17];
	s29 =	simm.s32 $0x100  }
0x33: {  	[tilespmem:s29], [sflag:$0x3] =	stream.linear.gather [hbm4b:s23+s3], $0x80, $0x38;
	[tilespmem:$0x1C400] =	vst v63  }
0x34: {  	s24 =	rddreg [dreg:$0x18];
	s22 =	simm.s32 $0x180  }
0x35: {  	[tilespmem:s22], [sflag:$0x4] =	stream.linear.gather [hbm4b:s24+s3], $0x80, $0x38;
	[tilespmem:$0x1C400] =	vst v63  }
0x36: {  	s25 =	rddreg [dreg:$0x19];
	s23 =	simm.s32 $0x200  }
0x37: {  	[tilespmem:s23], [sflag:$0x5] =	stream.linear.gather [hbm4b:s25+s3], $0x80, $0x38;
	[tilespmem:$0x1C400] =	vst v63  }
0x38: {  	s28 =	rddreg [dreg:$0x1a];
	s24 =	simm.s32 $0x280  }
0x39: {  	[tilespmem:s24], [sflag:$0x6] =	stream.linear.gather [hbm4b:s28+s3], $0x80, $0x38;
	[tilespmem:$0x1C400] =	vst v63  }
0x3a: {  	s0 =	rddreg [dreg:$0x1b];
	s25 =	simm.s32 $0x300  }
0x3b: {  	[tilespmem:s25], [sflag:$0x7] =	stream.linear.gather [hbm4b:s0+s3], $0x80, $0x38;
	[tilespmem:$0x1C400] =	vst v63  }
0x3c: {  	s6 =	simm.s32 $0x380;
	s4 =	rddreg [dreg:$0x1c]  }
0x3d: {  	[tilespmem:s6], [sflag:$0x8] =	stream.linear.gather [hbm4b:s4+s3], $0x80, $0x38;
	[tilespmem:$0x1C400] =	vst v63  }
0x3e: {  	s0 =	simm.s32 $0x1;
	[bflag:$0x0] =	sbarrier.arrive $0xFFFF  }
0x3f: {  	_ =	swait.ge [sflag:s0], $0x80  }
0x40: {  	[sflag:s0] =	ssyncset.done $0x0  }
0x41: {  	s9 =	simm.s32 $0x2;
	s28 =	simm.s32 $0x400;
	[sflag:s0] =	ssyncadd.s32 $0xFFFFFF80  }
0x42: {  	[tilespmem:s28], [sflag:$0x9] =	stream.indirect.gather [spmem:s1], $0x40, s3, s30, $0xb8;
	[tilespmem:$0x1C400] =	vst v63  }
0x43: {  	_ =	swait.ge [sflag:s9], $0x80  }
0x44: {  	[sflag:s9] =	ssyncset.done $0x0  }
0x45: {  	s11 =	simm.s32 $0x3;
	s4 =	simm.s32 $0x1400;
	[sflag:s9] =	ssyncadd.s32 $0xFFFFFF80  }
0x46: {  	[tilespmem:s4], [sflag:$0xA] =	stream.indirect.gather [spmem:s1], $0x40, s21, s30, $0xb8;
	[tilespmem:$0x1C400] =	vst v63  }
0x47: {  	_ =	swait.ge [sflag:s11], $0x80  }
0x48: {  	[sflag:s11] =	ssyncset.done $0x0  }
0x49: {  	s10 =	simm.s32 $0x2400;
	s13 =	simm.s32 $0x4;
	[sflag:s11] =	ssyncadd.s32 $0xFFFFFF80  }
0x4a: {  	[tilespmem:s10], [sflag:$0xB] =	stream.indirect.gather [spmem:s1], $0x40, s29, s30, $0xb8;
	[tilespmem:$0x1C400] =	vst v63  }
0x4b: {  	_ =	swait.ge [sflag:s13], $0x80  }
0x4c: {  	[sflag:s13] =	ssyncset.done $0x0  }
0x4d: {  	s12 =	simm.s32 $0x3400;
	s15 =	simm.s32 $0x5;
	[sflag:s13] =	ssyncadd.s32 $0xFFFFFF80  }
0x4e: {  	[tilespmem:s12], [sflag:$0xC] =	stream.indirect.gather [spmem:s1], $0x40, s22, s30, $0xb8;
	[tilespmem:$0x1C400] =	vst v63  }
0x4f: {  	_ =	swait.ge [sflag:s15], $0x80  }
0x50: {  	[sflag:s15] =	ssyncset.done $0x0  }
0x51: {  	s14 =	simm.s32 $0x4400;
	s19 =	simm.s32 $0x6;
	[sflag:s15] =	ssyncadd.s32 $0xFFFFFF80  }
0x52: {  	[tilespmem:s14], [sflag:$0xD] =	stream.indirect.gather [spmem:s1], $0x40, s23, s30, $0xb8;
	[tilespmem:$0x1C400] =	vst v63  }
0x53: {  	_ =	swait.ge [sflag:s19], $0x80  }
0x54: {  	[sflag:s19] =	ssyncset.done $0x0  }
0x55: {  	s16 =	simm.s32 $0x5400;
	[sflag:s19] =	ssyncadd.s32 $0xFFFFFF80  }
0x56: {  	[tilespmem:s16], [sflag:$0xE] =	stream.indirect.gather [spmem:s1], $0x40, s24, s30, $0xb8;
	[tilespmem:$0x1C400] =	vst v63  }
0x57: {  	s16 =	simm.s32 $0x7  }
0x58: {  	_ =	swait.ge [sflag:s16], $0x80  }
0x59: {  	[sflag:s16] =	ssyncset.done $0x0  }
0x5a: {  	s18 =	simm.s32 $0x6400;
	[sflag:s16] =	ssyncadd.s32 $0xFFFFFF80  }
0x5b: {  	[tilespmem:s18], [sflag:$0xF] =	stream.indirect.gather [spmem:s1], $0x40, s25, s30, $0xb8;
	[tilespmem:$0x1C400] =	vst v63  }
0x5c: {  	_ =	swait.ge [sflag:s17], $0x80  }
0x5d: {  	s7 =	simm.s32 $0x380;
	[sflag:s17] =	ssyncset.done $0x0  }
0x5e: {  	s20 =	simm.s32 $0x9;
	s18 =	simm.s32 $0x7400;
	[sflag:s17] =	ssyncadd.s32 $0xFFFFFF80  }
0x5f: {  	[tilespmem:s18], [sflag:$0x10] =	stream.indirect.gather [spmem:s1], $0x40, s7, s30, $0xb8;
	[tilespmem:$0x1C400] =	vst v63  }
0x60: {  	_ =	swait.ge [sflag:s20], $0x1000  }
0x61: {  	[sflag:s20] =	ssyncset.done $0x0  }
0x62: {  	[sflag:s20] =	ssyncadd.s32 $0xFFFFF000;
	s20 =	simm.s32 $0xA  }
0x63: {  	[spmem:s2] =	stream.indirect.scatter.add.f32 [tilespmem:s28], [sflag:$0x11], $0x40, s30, s30, $0xb8;
	[tilespmem:$0x1C400] =	vst v63  }
0x64: {  	_ =	swait.ge [sflag:s20], $0x1000  }
0x65: {  	[sflag:s20] =	ssyncset.done $0x0  }
0x66: {  	s8 =	simm.s32 $0x1400;
	s6 =	rddreg [dreg:$0xd];
	[sflag:s20] =	ssyncadd.s32 $0xFFFFF000  }
0x67: {  	[spmem:s2] =	stream.indirect.scatter.add.f32 [tilespmem:s8], [sflag:$0x12], $0x40, s6, s30, $0xb8;
	[tilespmem:$0x1C400] =	vst v63  }
0x68: {  	s8 =	simm.s32 $0xB  }
0x69: {  	_ =	swait.ge [sflag:s8], $0x1000  }
0x6a: {  	s10 =	simm.s32 $0x2400;
	[sflag:s8] =	ssyncset.done $0x0  }
0x6b: {  	s7 =	simm.s32 $0xC;
	s6 =	rddreg [dreg:$0xe];
	[sflag:s8] =	ssyncadd.s32 $0xFFFFF000  }
0x6c: {  	[spmem:s2] =	stream.indirect.scatter.add.f32 [tilespmem:s10], [sflag:$0x13], $0x40, s6, s30, $0xb8;
	[tilespmem:$0x1C400] =	vst v63  }
0x6d: {  	_ =	swait.ge [sflag:s7], $0x1000  }
0x6e: {  	s12 =	simm.s32 $0x3400;
	[sflag:s7] =	ssyncset.done $0x0  }
0x6f: {  	s10 =	simm.s32 $0xD;
	s8 =	rddreg [dreg:$0xf];
	[sflag:s7] =	ssyncadd.s32 $0xFFFFF000  }
0x70: {  	[spmem:s2] =	stream.indirect.scatter.add.f32 [tilespmem:s12], [sflag:$0x14], $0x40, s8, s30, $0xb8;
	[tilespmem:$0x1C400] =	vst v63  }
0x71: {  	_ =	swait.ge [sflag:s10], $0x1000  }
0x72: {  	[sflag:s10] =	ssyncset.done $0x0  }
0x73: {  	s14 =	simm.s32 $0x4400;
	s12 =	rddreg [dreg:$0x10];
	[sflag:s10] =	ssyncadd.s32 $0xFFFFF000  }
0x74: {  	[spmem:s2] =	stream.indirect.scatter.add.f32 [tilespmem:s14], [sflag:$0x15], $0x40, s12, s30, $0xb8;
	[tilespmem:$0x1C400] =	vst v63  }
0x75: {  	s14 =	simm.s32 $0xE  }
0x76: {  	_ =	swait.ge [sflag:s14], $0x1000  }
0x77: {  	s31 =	simm.s32 $0x5400;
	[sflag:s14] =	ssyncset.done $0x0  }
0x78: {  	s8 =	simm.s32 $0xF;
	s6 =	rddreg [dreg:$0x11];
	[sflag:s14] =	ssyncadd.s32 $0xFFFFF000  }
0x79: {  	[spmem:s2] =	stream.indirect.scatter.add.f32 [tilespmem:s31], [sflag:$0x16], $0x40, s6, s30, $0xb8;
	[tilespmem:$0x1C400] =	vst v63  }
0x7a: {  	_ =	swait.ge [sflag:s8], $0x1000  }
0x7b: {  	s4 =	simm.s32 $0x6400;
	[sflag:s8] =	ssyncset.done $0x0  }
0x7c: {  	s12 =	simm.s32 $0x10;
	s10 =	rddreg [dreg:$0x12];
	[sflag:s8] =	ssyncadd.s32 $0xFFFFF000  }
0x7d: {  	[spmem:s2] =	stream.indirect.scatter.add.f32 [tilespmem:s4], [sflag:$0x17], $0x40, s10, s30, $0xb8;
	[tilespmem:$0x1C400] =	vst v63  }
0x7e: {  	_ =	swait.ge [sflag:s12], $0x1000  }
0x7f: {  	[sflag:s12] =	ssyncset.done $0x0  }
0x80: {  	s14 =	rddreg [dreg:$0x13];
	[sflag:s12] =	ssyncadd.s32 $0xFFFFF000  }
0x81: {  	[spmem:s2] =	stream.indirect.scatter.add.f32 [tilespmem:s18], [sflag:$0x18], $0x40, s14, s30, $0xb8;
	[tilespmem:$0x1C400] =	vst v63  }
0x82: {  	s6 =	smin.u32 s3, $0x130;
	_ =	swait.ge [sflag:s26], $0x1000  }
0x83: {  	s18 =	sshll.u32 s6, $0x7;
	s4 =	rddreg [dreg:$0x5]  }
0x84: {  	s7 =	sadd.s32 s18, s4  }
0x85: {  	[sflag:s26] =	ssyncset.done $0x0;
	s7 =	sshrl.u32 s7, $0x3  }
0x86: {  	s31 =	simm.s32 $0x12;
	[sflag:s26] =	ssyncadd.s32 $0xFFFFF000;
	s7 =	sadd.s32 s5, s7  }
0x87: {  	[tilespmem:s3], [sflag:$0x1] =	stream.linear.gather [hbm4b:s7+s3], $0x80, $0x38;
	[tilespmem:$0x1C400] =	vst v63  }
0x88: {  	_ =	swait.ge [sflag:s31], $0x1000  }
0x89: {  	s8 =	rddreg [dreg:$0x6]  }
0x8a: {  	s7 =	sadd.s32 s18, s8  }
0x8b: {  	[sflag:s31] =	ssyncset.done $0x0;
	s7 =	sshrl.u32 s7, $0x3  }
0x8c: {  	s4 =	simm.s32 $0x13;
	[sflag:s31] =	ssyncadd.s32 $0xFFFFF000;
	s7 =	sadd.s32 s5, s7  }
0x8d: {  	[tilespmem:s21], [sflag:$0x2] =	stream.linear.gather [hbm4b:s7+s3], $0x80, $0x38;
	[tilespmem:$0x1C400] =	vst v63  }
0x8e: {  	_ =	swait.ge [sflag:s4], $0x1000  }
0x8f: {  	s10 =	rddreg [dreg:$0x7]  }
0x90: {  	s7 =	sadd.s32 s18, s10  }
0x91: {  	[sflag:s4] =	ssyncset.done $0x0;
	s7 =	sshrl.u32 s7, $0x3  }
0x92: {  	s8 =	simm.s32 $0x14;
	[sflag:s4] =	ssyncadd.s32 $0xFFFFF000;
	s7 =	sadd.s32 s5, s7  }
0x93: {  	[tilespmem:s29], [sflag:$0x3] =	stream.linear.gather [hbm4b:s7+s3], $0x80, $0x38;
	[tilespmem:$0x1C400] =	vst v63  }
0x94: {  	_ =	swait.ge [sflag:s8], $0x1000  }
0x95: {  	s12 =	rddreg [dreg:$0x8]  }
0x96: {  	s7 =	sadd.s32 s18, s12  }
0x97: {  	[sflag:s8] =	ssyncset.done $0x0;
	s7 =	sshrl.u32 s7, $0x3  }
0x98: {  	s10 =	simm.s32 $0x15;
	[sflag:s8] =	ssyncadd.s32 $0xFFFFF000;
	s7 =	sadd.s32 s5, s7  }
0x99: {  	[tilespmem:s22], [sflag:$0x4] =	stream.linear.gather [hbm4b:s7+s3], $0x80, $0x38;
	[tilespmem:$0x1C400] =	vst v63  }
0x9a: {  	_ =	swait.ge [sflag:s10], $0x1000  }
0x9b: {  	s14 =	rddreg [dreg:$0x9]  }
0x9c: {  	s7 =	sadd.s32 s18, s14  }
0x9d: {  	[sflag:s10] =	ssyncset.done $0x0;
	s7 =	sshrl.u32 s7, $0x3  }
0x9e: {  	s12 =	simm.s32 $0x16;
	[sflag:s10] =	ssyncadd.s32 $0xFFFFF000;
	s7 =	sadd.s32 s5, s7  }
0x9f: {  	[tilespmem:s23], [sflag:$0x5] =	stream.linear.gather [hbm4b:s7+s3], $0x80, $0x38;
	[tilespmem:$0x1C400] =	vst v63  }
0xa0: {  	_ =	swait.ge [sflag:s12], $0x1000  }
0xa1: {  	s20 =	rddreg [dreg:$0xa]  }
0xa2: {  	s7 =	sadd.s32 s18, s20  }
0xa3: {  	[sflag:s12] =	ssyncset.done $0x0;
	s7 =	sshrl.u32 s7, $0x3  }
0xa4: {  	s14 =	simm.s32 $0x17;
	[sflag:s12] =	ssyncadd.s32 $0xFFFFF000;
	s7 =	sadd.s32 s5, s7  }
0xa5: {  	[tilespmem:s24], [sflag:$0x6] =	stream.linear.gather [hbm4b:s7+s3], $0x80, $0x38;
	[tilespmem:$0x1C400] =	vst v63  }
0xa6: {  	_ =	swait.ge [sflag:s14], $0x1000  }
0xa7: {  	s6 =	rddreg [dreg:$0xb]  }
0xa8: {  	s7 =	sadd.s32 s18, s6  }
0xa9: {  	[sflag:s14] =	ssyncset.done $0x0;
	s7 =	sshrl.u32 s7, $0x3  }
0xaa: {  	[sflag:s14] =	ssyncadd.s32 $0xFFFFF000;
	s6 =	simm.s32 $0x18;
	s7 =	sadd.s32 s5, s7  }
0xab: {  	[tilespmem:s25], [sflag:$0x7] =	stream.linear.gather [hbm4b:s7+s3], $0x80, $0x38;
	[tilespmem:$0x1C400] =	vst v63  }
0xac: {  	_ =	swait.ge [sflag:s6], $0x1000  }
0xad: {  	s20 =	rddreg [dreg:$0xc]  }
0xae: {  	s7 =	sadd.s32 s18, s20  }
0xaf: {  	[sflag:s6] =	ssyncset.done $0x0;
	s7 =	sshrl.u32 s7, $0x3  }
0xb0: {  	[sflag:s6] =	ssyncadd.s32 $0xFFFFF000;
	s20 =	simm.s32 $0x380;
	s7 =	sadd.s32 s5, s7  }
0xb1: {  	[tilespmem:s20], [sflag:$0x8] =	stream.linear.gather [hbm4b:s7+s3], $0x80, $0x38;
	[tilespmem:$0x1C400] =	vst v63  }
0xb2: {  	_ =	swait.ge [sflag:s0], $0x80  }
0xb3: {  	[sflag:s0] =	ssyncset.done $0x0  }
0xb4: {  	[sflag:s0] =	ssyncadd.s32 $0xFFFFFF80  }
0xb5: {  	[tilespmem:s28], [sflag:$0x9] =	stream.indirect.gather [spmem:s1], $0x40, s3, s30, $0xb8;
	[tilespmem:$0x1C400] =	vst v63  }
0xb6: {  	_ =	swait.ge [sflag:s9], $0x80  }
0xb7: {  	[sflag:s9] =	ssyncset.done $0x0  }
0xb8: {  	s18 =	simm.s32 $0x1400;
	[sflag:s9] =	ssyncadd.s32 $0xFFFFFF80  }
0xb9: {  	[tilespmem:s18], [sflag:$0xA] =	stream.indirect.gather [spmem:s1], $0x40, s21, s30, $0xb8;
	[tilespmem:$0x1C400] =	vst v63  }
0xba: {  	_ =	swait.ge [sflag:s11], $0x80  }
0xbb: {  	[sflag:s11] =	ssyncset.done $0x0  }
0xbc: {  	s20 =	simm.s32 $0x2400;
	[sflag:s11] =	ssyncadd.s32 $0xFFFFFF80  }
0xbd: {  	[tilespmem:s20], [sflag:$0xB] =	stream.indirect.gather [spmem:s1], $0x40, s29, s30, $0xb8;
	[tilespmem:$0x1C400] =	vst v63  }
0xbe: {  	_ =	swait.ge [sflag:s13], $0x80  }
0xbf: {  	[sflag:s13] =	ssyncset.done $0x0  }
0xc0: {  	s21 =	simm.s32 $0x3400;
	[sflag:s13] =	ssyncadd.s32 $0xFFFFFF80  }
0xc1: {  	[tilespmem:s21], [sflag:$0xC] =	stream.indirect.gather [spmem:s1], $0x40, s22, s30, $0xb8;
	[tilespmem:$0x1C400] =	vst v63  }
0xc2: {  	_ =	swait.ge [sflag:s15], $0x80  }
0xc3: {  	[sflag:s15] =	ssyncset.done $0x0  }
0xc4: {  	s22 =	simm.s32 $0x4400;
	[sflag:s15] =	ssyncadd.s32 $0xFFFFFF80  }
0xc5: {  	[tilespmem:s22], [sflag:$0xD] =	stream.indirect.gather [spmem:s1], $0x40, s23, s30, $0xb8;
	[tilespmem:$0x1C400] =	vst v63  }
0xc6: {  	_ =	swait.ge [sflag:s19], $0x80  }
0xc7: {  	[sflag:s19] =	ssyncset.done $0x0  }
0xc8: {  	s28 =	simm.s32 $0x5400;
	[sflag:s19] =	ssyncadd.s32 $0xFFFFFF80  }
0xc9: {  	[tilespmem:s28], [sflag:$0xE] =	stream.indirect.gather [spmem:s1], $0x40, s24, s30, $0xb8;
	[tilespmem:$0x1C400] =	vst v63  }
0xca: {  	_ =	swait.ge [sflag:s16], $0x80  }
0xcb: {  	[sflag:s16] =	ssyncset.done $0x0  }
0xcc: {  	s29 =	simm.s32 $0x6400;
	[sflag:s16] =	ssyncadd.s32 $0xFFFFFF80  }
0xcd: {  	[tilespmem:s29], [sflag:$0xF] =	stream.indirect.gather [spmem:s1], $0x40, s25, s30, $0xb8;
	[tilespmem:$0x1C400] =	vst v63  }
0xce: {  	_ =	swait.ge [sflag:s17], $0x80  }
0xcf: {  	[sflag:s17] =	ssyncset.done $0x0  }
0xd0: {  	s18 =	simm.s32 $0x8;
	[sflag:s17] =	ssyncadd.s32 $0xFFFFFF80  }
.LBB2_2:
0xd1: {  	s0 =	simm.s32 $0x380;
	s21 =	simm.s32 $0x7400;
	s20 =	simm.s32 $0x9  }
0xd2: {  	[tilespmem:s21], [sflag:$0x10] =	stream.indirect.gather [spmem:s1], $0x40, s0, s30, $0xb8;
	[tilespmem:$0x1C400] =	vst v63  }
0xd3: {  	_ =	swait.ge [sflag:s20], $0x1000  }
0xd4: {  	[sflag:s20] =	ssyncset.done $0x0  }
0xd5: {  	s28 =	simm.s32 $0x400;
	s15 =	simm.s32 $0xA;
	[sflag:s20] =	ssyncadd.s32 $0xFFFFF000  }
0xd6: {  	[spmem:s2] =	stream.indirect.scatter.add.f32 [tilespmem:s28], [sflag:$0x11], $0x40, s30, s30, $0xb8;
	[tilespmem:$0x1C400] =	vst v63  }
0xd7: {  	_ =	swait.ge [sflag:s15], $0x1000  }
0xd8: {  	s9 =	simm.s32 $0x1400;
	[sflag:s15] =	ssyncset.done $0x0  }
0xd9: {  	s16 =	simm.s32 $0xB;
	s29 =	rddreg [dreg:$0xd];
	[sflag:s15] =	ssyncadd.s32 $0xFFFFF000  }
0xda: {  	[spmem:s2] =	stream.indirect.scatter.add.f32 [tilespmem:s9], [sflag:$0x12], $0x40, s29, s30, $0xb8;
	[tilespmem:$0x1C400] =	vst v63  }
0xdb: {  	_ =	swait.ge [sflag:s16], $0x1000  }
0xdc: {  	s11 =	simm.s32 $0x2400;
	[sflag:s16] =	ssyncset.done $0x0  }
0xdd: {  	s19 =	simm.s32 $0xC;
	s29 =	rddreg [dreg:$0xe];
	[sflag:s16] =	ssyncadd.s32 $0xFFFFF000  }
0xde: {  	[spmem:s2] =	stream.indirect.scatter.add.f32 [tilespmem:s11], [sflag:$0x13], $0x40, s29, s30, $0xb8;
	[tilespmem:$0x1C400] =	vst v63  }
0xdf: {  	_ =	swait.ge [sflag:s19], $0x1000  }
0xe0: {  	s13 =	simm.s32 $0x3400;
	[sflag:s19] =	ssyncset.done $0x0  }
0xe1: {  	s22 =	simm.s32 $0xD;
	s29 =	rddreg [dreg:$0xf];
	[sflag:s19] =	ssyncadd.s32 $0xFFFFF000  }
0xe2: {  	[spmem:s2] =	stream.indirect.scatter.add.f32 [tilespmem:s13], [sflag:$0x14], $0x40, s29, s30, $0xb8;
	[tilespmem:$0x1C400] =	vst v63  }
0xe3: {  	_ =	swait.ge [sflag:s22], $0x1000  }
0xe4: {  	s23 =	simm.s32 $0xE;
	[sflag:s22] =	ssyncset.done $0x0  }
0xe5: {  	s15 =	simm.s32 $0x4400;
	s29 =	rddreg [dreg:$0x10];
	[sflag:s22] =	ssyncadd.s32 $0xFFFFF000  }
0xe6: {  	[spmem:s2] =	stream.indirect.scatter.add.f32 [tilespmem:s15], [sflag:$0x15], $0x40, s29, s30, $0xb8;
	[tilespmem:$0x1C400] =	vst v63  }
0xe7: {  	_ =	swait.ge [sflag:s23], $0x1000  }
0xe8: {  	s24 =	simm.s32 $0xF;
	[sflag:s23] =	ssyncset.done $0x0  }
0xe9: {  	s19 =	simm.s32 $0x5400;
	s29 =	rddreg [dreg:$0x11];
	[sflag:s23] =	ssyncadd.s32 $0xFFFFF000  }
0xea: {  	[spmem:s2] =	stream.indirect.scatter.add.f32 [tilespmem:s19], [sflag:$0x16], $0x40, s29, s30, $0xb8;
	[tilespmem:$0x1C400] =	vst v63  }
0xeb: {  	_ =	swait.ge [sflag:s24], $0x1000  }
0xec: {  	s25 =	simm.s32 $0x10;
	[sflag:s24] =	ssyncset.done $0x0  }
0xed: {  	s16 =	simm.s32 $0x6400;
	s29 =	rddreg [dreg:$0x12];
	[sflag:s24] =	ssyncadd.s32 $0xFFFFF000  }
0xee: {  	[spmem:s2] =	stream.indirect.scatter.add.f32 [tilespmem:s16], [sflag:$0x17], $0x40, s29, s30, $0xb8;
	[tilespmem:$0x1C400] =	vst v63  }
0xef: {  	_ =	swait.ge [sflag:s25], $0x1000  }
0xf0: {  	[sflag:s25] =	ssyncset.done $0x0  }
0xf1: {  	s7 =	smov.u32 s18;
	s29 =	rddreg [dreg:$0x13];
	[sflag:s25] =	ssyncadd.s32 $0xFFFFF000  }
0xf2: {  	[spmem:s2] =	stream.indirect.scatter.add.f32 [tilespmem:s21], [sflag:$0x18], $0x40, s29, s30, $0xb8;
	[tilespmem:$0x1C400] =	vst v63  }
0xf3: {  	s7 =	smin.u32 s7, $0x130;
	_ =	swait.ge [sflag:s26], $0x1000  }
0xf4: {  	s7 =	sshll.u32 s7, $0x7;
	s29 =	rddreg [dreg:$0x5]  }
0xf5: {  	s29 =	sadd.s32 s7, s29  }
0xf6: {  	[sflag:s26] =	ssyncset.done $0x0;
	s29 =	sshrl.u32 s29, $0x3  }
0xf7: {  	[sflag:s26] =	ssyncadd.s32 $0xFFFFF000;
	s29 =	sadd.s32 s5, s29  }
0xf8: {  	[tilespmem:s3], [sflag:$0x1] =	stream.linear.gather [hbm4b:s29+s3], $0x80, $0x38;
	[tilespmem:$0x1C400] =	vst v63  }
0xf9: {  	_ =	swait.ge [sflag:s31], $0x1000  }
0xfa: {  	s29 =	rddreg [dreg:$0x6]  }
0xfb: {  	s29 =	sadd.s32 s7, s29  }
0xfc: {  	[sflag:s31] =	ssyncset.done $0x0;
	s29 =	sshrl.u32 s29, $0x3  }
0xfd: {  	s21 =	simm.s32 $0x80;
	[sflag:s31] =	ssyncadd.s32 $0xFFFFF000;
	s29 =	sadd.s32 s5, s29  }
0xfe: {  	[tilespmem:s21], [sflag:$0x2] =	stream.linear.gather [hbm4b:s29+s3], $0x80, $0x38;
	[tilespmem:$0x1C400] =	vst v63  }
0xff: {  	_ =	swait.ge [sflag:s4], $0x1000  }
0x100: {  	s29 =	rddreg [dreg:$0x7]  }
0x101: {  	s29 =	sadd.s32 s7, s29  }
0x102: {  	[sflag:s4] =	ssyncset.done $0x0;
	s29 =	sshrl.u32 s29, $0x3  }
0x103: {  	s22 =	simm.s32 $0x100;
	[sflag:s4] =	ssyncadd.s32 $0xFFFFF000;
	s29 =	sadd.s32 s5, s29  }
0x104: {  	[tilespmem:s22], [sflag:$0x3] =	stream.linear.gather [hbm4b:s29+s3], $0x80, $0x38;
	[tilespmem:$0x1C400] =	vst v63  }
0x105: {  	_ =	swait.ge [sflag:s8], $0x1000  }
0x106: {  	s29 =	rddreg [dreg:$0x8]  }
0x107: {  	s29 =	sadd.s32 s7, s29  }
0x108: {  	[sflag:s8] =	ssyncset.done $0x0;
	s29 =	sshrl.u32 s29, $0x3  }
0x109: {  	s23 =	simm.s32 $0x180;
	[sflag:s8] =	ssyncadd.s32 $0xFFFFF000;
	s29 =	sadd.s32 s5, s29  }
0x10a: {  	[tilespmem:s23], [sflag:$0x4] =	stream.linear.gather [hbm4b:s29+s3], $0x80, $0x38;
	[tilespmem:$0x1C400] =	vst v63  }
0x10b: {  	_ =	swait.ge [sflag:s10], $0x1000  }
0x10c: {  	s29 =	rddreg [dreg:$0x9]  }
0x10d: {  	s29 =	sadd.s32 s7, s29  }
0x10e: {  	[sflag:s10] =	ssyncset.done $0x0;
	s29 =	sshrl.u32 s29, $0x3  }
0x10f: {  	s24 =	simm.s32 $0x200;
	[sflag:s10] =	ssyncadd.s32 $0xFFFFF000;
	s29 =	sadd.s32 s5, s29  }
0x110: {  	[tilespmem:s24], [sflag:$0x5] =	stream.linear.gather [hbm4b:s29+s3], $0x80, $0x38;
	[tilespmem:$0x1C400] =	vst v63  }
0x111: {  	_ =	swait.ge [sflag:s12], $0x1000  }
0x112: {  	s29 =	rddreg [dreg:$0xa]  }
0x113: {  	s29 =	sadd.s32 s7, s29  }
0x114: {  	[sflag:s12] =	ssyncset.done $0x0;
	s29 =	sshrl.u32 s29, $0x3  }
0x115: {  	s25 =	simm.s32 $0x280;
	[sflag:s12] =	ssyncadd.s32 $0xFFFFF000;
	s29 =	sadd.s32 s5, s29  }
0x116: {  	[tilespmem:s25], [sflag:$0x6] =	stream.linear.gather [hbm4b:s29+s3], $0x80, $0x38;
	[tilespmem:$0x1C400] =	vst v63  }
0x117: {  	_ =	swait.ge [sflag:s14], $0x1000  }
0x118: {  	s29 =	rddreg [dreg:$0xb]  }
0x119: {  	s29 =	sadd.s32 s7, s29  }
0x11a: {  	[sflag:s14] =	ssyncset.done $0x0;
	s29 =	sshrl.u32 s29, $0x3  }
0x11b: {  	s26 =	simm.s32 $0x300;
	[sflag:s14] =	ssyncadd.s32 $0xFFFFF000;
	s29 =	sadd.s32 s5, s29  }
0x11c: {  	[tilespmem:s26], [sflag:$0x7] =	stream.linear.gather [hbm4b:s29+s3], $0x80, $0x38;
	[tilespmem:$0x1C400] =	vst v63  }
0x11d: {  	_ =	swait.ge [sflag:s6], $0x1000  }
0x11e: {  	s29 =	rddreg [dreg:$0xc]  }
0x11f: {  	s7 =	sadd.s32 s7, s29  }
0x120: {  	[sflag:s6] =	ssyncset.done $0x0;
	s7 =	sshrl.u32 s7, $0x3  }
0x121: {  	[sflag:s6] =	ssyncadd.s32 $0xFFFFF000;
	s7 =	sadd.s32 s5, s7  }
0x122: {  	[tilespmem:s0], [sflag:$0x8] =	stream.linear.gather [hbm4b:s7+s3], $0x80, $0x38;
	[tilespmem:$0x1C400] =	vst v63  }
0x123: {  	s7 =	simm.s32 $0x1  }
0x124: {  	_ =	swait.ge [sflag:s7], $0x80  }
0x125: {  	[sflag:s7] =	ssyncset.done $0x0  }
0x126: {  	[sflag:s7] =	ssyncadd.s32 $0xFFFFFF80;
	s7 =	simm.s32 $0x2  }
0x127: {  	[tilespmem:s28], [sflag:$0x9] =	stream.indirect.gather [spmem:s1], $0x40, s3, s30, $0xb8;
	[tilespmem:$0x1C400] =	vst v63  }
0x128: {  	_ =	swait.ge [sflag:s7], $0x80  }
0x129: {  	[sflag:s7] =	ssyncset.done $0x0  }
0x12a: {  	[sflag:s7] =	ssyncadd.s32 $0xFFFFFF80  }
0x12b: {  	[tilespmem:s9], [sflag:$0xA] =	stream.indirect.gather [spmem:s1], $0x40, s21, s30, $0xb8;
	[tilespmem:$0x1C400] =	vst v63  }
0x12c: {  	s21 =	simm.s32 $0x3  }
0x12d: {  	_ =	swait.ge [sflag:s21], $0x80  }
0x12e: {  	[sflag:s21] =	ssyncset.done $0x0  }
0x12f: {  	[sflag:s21] =	ssyncadd.s32 $0xFFFFFF80  }
0x130: {  	[tilespmem:s11], [sflag:$0xB] =	stream.indirect.gather [spmem:s1], $0x40, s22, s30, $0xb8;
	[tilespmem:$0x1C400] =	vst v63  }
0x131: {  	s22 =	simm.s32 $0x4  }
0x132: {  	_ =	swait.ge [sflag:s22], $0x80  }
0x133: {  	[sflag:s22] =	ssyncset.done $0x0  }
0x134: {  	[sflag:s22] =	ssyncadd.s32 $0xFFFFFF80  }
0x135: {  	[tilespmem:s13], [sflag:$0xC] =	stream.indirect.gather [spmem:s1], $0x40, s23, s30, $0xb8;
	[tilespmem:$0x1C400] =	vst v63  }
0x136: {  	s23 =	simm.s32 $0x5  }
0x137: {  	_ =	swait.ge [sflag:s23], $0x80  }
0x138: {  	[sflag:s23] =	ssyncset.done $0x0  }
0x139: {  	[sflag:s23] =	ssyncadd.s32 $0xFFFFFF80  }
0x13a: {  	[tilespmem:s15], [sflag:$0xD] =	stream.indirect.gather [spmem:s1], $0x40, s24, s30, $0xb8;
	[tilespmem:$0x1C400] =	vst v63  }
0x13b: {  	s24 =	simm.s32 $0x6  }
0x13c: {  	_ =	swait.ge [sflag:s24], $0x80  }
0x13d: {  	[sflag:s24] =	ssyncset.done $0x0  }
0x13e: {  	s28 =	simm.s32 $0x7;
	[sflag:s24] =	ssyncadd.s32 $0xFFFFFF80  }
0x13f: {  	[tilespmem:s19], [sflag:$0xE] =	stream.indirect.gather [spmem:s1], $0x40, s25, s30, $0xb8;
	[tilespmem:$0x1C400] =	vst v63  }
0x140: {  	_ =	swait.ge [sflag:s28], $0x80  }
0x141: {  	p0 =	sne.s32 s18, $0x138;
	[sflag:s28] =	ssyncset.done $0x0  }
.Ltmp0:
0x142: {  	[sflag:s28] =	ssyncadd.s32 $0xFFFFFF80;
	(pc) =	sbr.rel @p0 .LBB2_2-.Ltmp0, $4  }
0x143: {  	[tilespmem:s16], [sflag:$0xF] =	stream.indirect.gather [spmem:s1], $0x40, s26, s30, $0xb8;
	[tilespmem:$0x1C400] =	vst v63  }
0x144: {  	_ =	swait.ge [sflag:s17], $0x80  }
0x145: {  	s18 =	sadd.s32 $0x8, s18;
	s20 =	simm.s32 $0x7400;
	[sflag:s17] =	ssyncset.done $0x0  }
0x146: {  	s29 =	simm.s32 $0x380;
	s26 =	simm.s32 $0x11;
	[sflag:s17] =	ssyncadd.s32 $0xFFFFFF80  }
0x147: {  	[tilespmem:s20], [sflag:$0x10] =	stream.indirect.gather [spmem:s1], $0x40, s29, s30, $0xb8;
	[tilespmem:$0x1C400] =	vst v63  }
0x148: {  	s0 =	simm.s32 $0x9  }
0x149: {  	_ =	swait.ge [sflag:s0], $0x1000  }
0x14a: {  	[sflag:s0] =	ssyncset.done $0x0  }
0x14b: {  	s19 =	simm.s32 $0xA;
	[sflag:s0] =	ssyncadd.s32 $0xFFFFF000  }
0x14c: {  	_ =	swait.ge [sflag:s19], $0x1000  }
0x14d: {  	[sflag:s19] =	ssyncset.done $0x0  }
0x14e: {  	s20 =	simm.s32 $0xB;
	[sflag:s19] =	ssyncadd.s32 $0xFFFFF000  }
0x14f: {  	_ =	swait.ge [sflag:s20], $0x1000  }
0x150: {  	[sflag:s20] =	ssyncset.done $0x0  }
0x151: {  	s21 =	simm.s32 $0xC;
	[sflag:s20] =	ssyncadd.s32 $0xFFFFF000  }
0x152: {  	_ =	swait.ge [sflag:s21], $0x1000  }
0x153: {  	[sflag:s21] =	ssyncset.done $0x0  }
0x154: {  	s22 =	simm.s32 $0xD;
	[sflag:s21] =	ssyncadd.s32 $0xFFFFF000  }
0x155: {  	_ =	swait.ge [sflag:s22], $0x1000  }
0x156: {  	[sflag:s22] =	ssyncset.done $0x0  }
0x157: {  	s23 =	simm.s32 $0xE;
	[sflag:s22] =	ssyncadd.s32 $0xFFFFF000  }
0x158: {  	_ =	swait.ge [sflag:s23], $0x1000  }
0x159: {  	[sflag:s23] =	ssyncset.done $0x0  }
0x15a: {  	s24 =	simm.s32 $0xF;
	[sflag:s23] =	ssyncadd.s32 $0xFFFFF000  }
0x15b: {  	_ =	swait.ge [sflag:s24], $0x1000  }
0x15c: {  	[sflag:s24] =	ssyncset.done $0x0  }
0x15d: {  	s25 =	simm.s32 $0x10;
	[sflag:s24] =	ssyncadd.s32 $0xFFFFF000  }
0x15e: {  	_ =	swait.ge [sflag:s25], $0x1000  }
0x15f: {  	[sflag:s25] =	ssyncset.done $0x0  }
0x160: {  	[sflag:s25] =	ssyncadd.s32 $0xFFFFF000  }
0x161: {  	[bflag:$0x0] =	sbarrier.arrive $0xFFFF  }
0x162: {  	s7 =	sld [smem:$0x7FC]  }
0x163: {  	s28 =	sld [smem:$0x7FB];
	_ =	sdelay $0x1  }
0x164: {  	s18 =	simm.s32 $0x19;
	s6 =	rddreg [dreg:$0x1f]  }
0x165: {  	[hbm:s7], [sflag:s6] =	dma.local [spmem:s28], $0x1400  }
0x166: {  	_ =	swait.ge [sflag:s18], $0x1400  }
0x167: {  	s29 =	sld [smem:$0x7FA];
	_ =	sdelay $0x2  }
0x168: {  	s31 =	rddreg [dreg:$0x1d];
	s0 =	sadd.s32 $0x1, s29  }
0x169: {  	p0 =	sne.s32 s0, s31  }
.Ltmp1:
0x16a: {  	_ = 	snop;
	(pc) =	sbr.rel @p0 .LBB2_1-.Ltmp1, $3  }
0x16b: {  	_ =	sdelay $0x1  }
0x16c: {  	[sflag:s18] =	ssyncset.done $0x0  }
0x16d: {  	[sflag:s18] =	ssyncadd.s32 $0xFFFFEC00  }
0x16e: {  	_ =	sfence.sel $0x180000  }
0x16f: {  	[bflag:$0x0] =	sbarrier.arrive $0xFFFF  }
0x170: {  	_ =	strace $0x9000004D  }
0x171: {  	s0 =	stileid.u32;
	[bflag:$0x2] =	sbarrier.arrive $0xFFFF  }
0x172: {  	p0 =	sne.s32 s0, $0x0;
	s0 =	rddreg [dreg:$0x4]  }
0x173: {  	s0 =	sadd.s32 @!p0 $0x100000, s0  }
0x174: {  	[sflag:s0] =	ssyncadd.tile.s32 @!p0 $0x1;
	_ =	shalt  }
.Lfunc_end2:
_tile_overlayer_lowered:
.L_overlay_start_2:
0x175: {  	(tag) =	ssettag $0x2  }
0x176: {  	s0 =	rddreg [dreg:$0x0];
	s2 =	stileid.u32  }
0x177: {  	s1 =	rddreg [dreg:$0x1];
	p0 =	sne.s32 s2, $0x0  }
0x178: {  	s3 =	rddreg [dreg:$0x2];
	[bflag:$0x3] =	sbarrier.arrive $0xFFFF;
	s2 =	simm.s32 @!p0 $0x1C19  }
0x179: {  	[timem:s3], [sflag:s2] =	dma.local @!p0 [hbm:s0], s1  }
0x17a: {  	s0 =	simm.s32 @!p0 $0x19  }
0x17b: {  	_ =	swait.ge @!p0 [sflag:s0], s1  }
0x17c: {  	s1 =	ssub.s32 @!p0 $0x0, s1;
	[sflag:s0] =	ssyncset.done @!p0 $0x0  }
0x17d: {  	[sflag:s0] =	ssyncadd.s32 @!p0 s1  }
0x17e: {  	[bflag:$0x3] =	sbarrier.arrive $0xFFFF  }
0x17f: {  	_ =	shalt  }

// kernel: kernel.8.cloned.1.call-start
scs
__scs_entry_jumppad:
0x0: {  	(pc) =	sbr.rel $0x88, $3  }
0x1: {  	(tag) =	ssettag $0x0;
	lr =	simm.s32 $0x1  }
0x2: {  	[smem:$0x3F9B] =	sst lr;
	_ =	strace $0xD0000000  }
0x3: {  	_ = 	snop  }
0x4: {  	_ = 	snop  }
0x5: {  	_ = 	snop  }
0x6: {  	_ = 	snop  }
0x7: {  	_ = 	snop  }
__scs_overlays_trampoline_lowered:
0x8: {  	[smem:$0x3FAA] =	sst s0  }
0x9: {  	[smem:$0x3FAB] =	sst s1  }
0xa: {  	[smem:$0x3FAC] =	sst s2  }
0xb: {  	[smem:$0x3FAD] =	sst s3  }
0xc: {  	[smem:$0x3FAE] =	sst s4  }
0xd: {  	[smem:$0x3FAF] =	sst s5  }
0xe: {  	[smem:$0x3FB0] =	sst s6  }
0xf: {  	[smem:$0x3FB1] =	sst s7  }
0x10: {  	[smem:$0x3FB2] =	sst s8  }
0x11: {  	[smem:$0x3FB3] =	sst s9;
	s0 =	simm.s32 @!p0 $0x0  }
0x12: {  	s1 =	sld [smem:$0x3F99];
	s0 =	simm.s32 @p0 $0x1  }
0x13: {  	[smem:$0x3FB4] =	sst s0;
	s0 =	simm.s32 @!p1 $0x0  }
0x14: {  	s2 =	sld [smem:$0x3F98];
	s0 =	simm.s32 @p1 $0x1  }
0x15: {  	[smem:$0x3FB5] =	sst s0;
	s0 =	simm.s32 @!p2 $0x0  }
0x16: {  	s3 =	sld [smem:$0x3FDB];
	s0 =	simm.s32 @p2 $0x1  }
0x17: {  	s4 =	simm.s32 $0x1BF5;
	[smem:$0x3FB7] =	sst s0  }
0x18: {  	s0 =	sld [smem:$0x3F9A];
	_ =	swait.ge [sflag:s4], $0x0  }
0x19: {  	s7 =	sld [smem:$0x3F9B]  }
0x1a: {  	s8 =	sadd.s32 $0xFFFFE003, lr  }
0x1b: {  	s9 =	sadd.s32 $0xFFFFFEF7, lr;
	s5 =	simm.s32 $0xFFFFFFFF;
	p2 =	slt.u32 s8, $0xFFFFF086  }
0x1c: {  	p1 =	slt.u32 s9, $0xF7A;
	s5 =	simm.s32 @!p2 $0x0  }
0x1d: {  	s5 =	simm.s32 @p1 $0x1;
	p0 =	seq.s32 s7, s2  }
0x1e: {  	s7 =	smul.u32 @!p0 $0xF7A, s2;
	p2 =	seq.s32 @!p0 s5, $0x0  }
0x1f: {  	s9 =	smul.u32 $0xF7A, s1;
	s8 =	simm.s32 @!p0 $0x1BF5;
	p2 =	por !p2, p0  }
0x20: {  	[sflag:s8] =	ssyncset.s32 @!p0 $0xFFFFF086;
	s6 =	sadd.s32 @!p0 s3, s7;
	s7 =	simm.s32 @!p0 $0x108  }
0x21: {  	s3 =	sadd.s32 s3, s9;
	s6 =	sadd.s32 @!p0 $0x88, s6;
	s7 =	simm.s32 @p2 $0x1082  }
0x22: {  	[simem:s7], [sflag:s8] =	dma.local @!p0 [hbm:s6], $0xF7A  }
0x23: {  	s9 =	sor.u32 $0xD0000000, s2;
	s6 =	simm.s32 $0x108;
	_ =	swait.ge @!p0 [sflag:s8], $0x0  }
0x24: {  	s3 =	sadd.s32 $0x88, s3;
	s6 =	simm.s32 @!p1 $0x1082;
	[sflag:s4] =	ssyncset.s32 $0xFFFFF086  }
0x25: {  	[simem:s6], [sflag:s4] =	dma.local [hbm:s3], $0xF7A  }
0x26: {  	[smem:$0x3F9B] =	sst s1;
	(tag) =	ssettag s2;
	_ =	strace s9  }
0x27: {  	s1 =	sld [smem:$0x3FAB]  }
0x28: {  	s2 =	sld [smem:$0x3FAC]  }
0x29: {  	s4 =	sld [smem:$0x3FAE]  }
0x2a: {  	p0 =	seq.s32 s5, $0x0;
	s5 =	sld [smem:$0x3FAF]  }
0x2b: {  	s6 =	sld [smem:$0x3FB0]  }
0x2c: {  	s7 =	sld [smem:$0x3FB1]  }
0x2d: {  	s3 =	simm.s32 $0x108;
	s8 =	sld [smem:$0x3FB2]  }
0x2e: {  	s3 =	simm.s32 @!p0 $0x1082;
	s9 =	sld [smem:$0x3FB3]  }
0x2f: {  	lr =	sadd.s32 s0, s3;
	s0 =	sld [smem:$0x3FAA]  }
0x30: {  	s3 =	sld [smem:$0x3FAD]  }
0x31: {  	[smem:$0x3FB6] =	sst s10  }
0x32: {  	s10 =	sld [smem:$0x3FB4];
	_ =	sdelay $0x3  }
0x33: {  	p0 =	seq.s32 s10, $0x1;
	s10 =	sld [smem:$0x3FB6];
	_ =	sdelay $0x3  }
0x34: {  	[smem:$0x3FB6] =	sst s10  }
0x35: {  	s10 =	sld [smem:$0x3FB5];
	_ =	sdelay $0x3  }
0x36: {  	p1 =	seq.s32 s10, $0x1;
	s10 =	sld [smem:$0x3FB6];
	_ =	sdelay $0x3  }
0x37: {  	[smem:$0x3FB6] =	sst s10  }
0x38: {  	s10 =	sld [smem:$0x3FB7]  }
0x39: {  	_ = 	snop;
	(pc) =	sbr.ind lr, $3  }
0x3a: {  	_ = 	snop  }
0x3b: {  	_ = 	snop  }
0x3c: {  	p2 =	seq.s32 s10, $0x1;
	s10 =	sld [smem:$0x3FB6]  }
0x3d: {  	_ =	shalt  }
0x3e: {  	_ =	shalt  }
0x3f: {  	_ =	shalt  }
0x40: {  	_ =	shalt  }
0x41: {  	_ =	shalt  }
0x42: {  	_ =	shalt  }
0x43: {  	_ =	shalt  }
0x44: {  	_ =	shalt  }
0x45: {  	_ =	shalt  }
0x46: {  	_ =	shalt  }
0x47: {  	_ =	shalt  }
0x48: {  	_ =	shalt  }
0x49: {  	_ =	shalt  }
0x4a: {  	_ =	shalt  }
0x4b: {  	_ =	shalt  }
0x4c: {  	_ =	shalt  }
0x4d: {  	_ =	shalt  }
0x4e: {  	_ =	shalt  }
0x4f: {  	_ =	shalt  }
0x50: {  	_ =	shalt  }
0x51: {  	_ =	shalt  }
0x52: {  	_ =	shalt  }
0x53: {  	_ =	shalt  }
0x54: {  	_ =	shalt  }
0x55: {  	_ =	shalt  }
0x56: {  	_ =	shalt  }
0x57: {  	_ =	shalt  }
0x58: {  	_ =	shalt  }
0x59: {  	_ =	shalt  }
0x5a: {  	_ =	shalt  }
0x5b: {  	_ =	shalt  }
0x5c: {  	_ =	shalt  }
0x5d: {  	_ =	shalt  }
0x5e: {  	_ =	shalt  }
0x5f: {  	_ =	shalt  }
0x60: {  	_ =	shalt  }
0x61: {  	_ =	shalt  }
0x62: {  	_ =	shalt  }
0x63: {  	_ =	shalt  }
0x64: {  	_ =	shalt  }
0x65: {  	_ =	shalt  }
0x66: {  	_ =	shalt  }
0x67: {  	_ =	shalt  }
0x68: {  	_ =	shalt  }
0x69: {  	_ =	shalt  }
0x6a: {  	_ =	shalt  }
0x6b: {  	_ =	shalt  }
0x6c: {  	_ =	shalt  }
0x6d: {  	_ =	shalt  }
0x6e: {  	_ =	shalt  }
0x6f: {  	_ =	shalt  }
0x70: {  	_ =	shalt  }
0x71: {  	_ =	shalt  }
0x72: {  	_ =	shalt  }
0x73: {  	_ =	shalt  }
0x74: {  	_ =	shalt  }
0x75: {  	_ =	shalt  }
0x76: {  	_ =	shalt  }
0x77: {  	_ =	shalt  }
0x78: {  	_ =	shalt  }
0x79: {  	_ =	shalt  }
0x7a: {  	_ =	shalt  }
0x7b: {  	_ =	shalt  }
0x7c: {  	_ =	shalt  }
0x7d: {  	_ =	shalt  }
0x7e: {  	_ =	shalt  }
0x7f: {  	_ =	shalt  }
0x80: {  	_ =	shalt  }
0x81: {  	_ =	shalt  }
0x82: {  	_ =	shalt  }
0x83: {  	_ =	shalt  }
0x84: {  	_ =	shalt  }
0x85: {  	_ =	shalt  }
0x86: {  	_ =	shalt  }
0x87: {  	_ =	shalt  }
.Lfunc_end0:
.L_simem_size_0:
called_computation_lowered:
.L_overlay_start_0:
0x88: {  	s2 =	sld [smem:$0x3FD9]  }
0x89: {  	s3 =	sld [smem:$0x3FFE];
	_ =	sdelay $0x1  }
0x8a: {  	s1 =	srdreg.scid  }
0x8b: {  	s0 =	sand.u32 $0x1, s1  }
0x8c: {  	s17 =	sshll.u32 s0, $0xA;
	s2 =	sadd.s32 s3, s2  }
0x8d: {  	s2 =	sadd.s32 s2, s17  }
0x8e: {  	[smem:$0x3FC2] =	sst s2  }
0x8f: {  	_ = 	snop  }
0x90: {  	s2 =	sld [smem:$0x3FD0];
	(tm) =	ssettm $0x1  }
0x91: {  	s18 =	sld [smem:$0x3FFB];
	_ =	sdelay $0x3  }
0x92: {  	_ =	strace s18  }
0x93: {  	s3 =	sld [smem:$0x3FFC];
	_ =	sdelay $0x3  }
0x94: {  	_ =	strace s3  }
0x95: {  	s3 =	sld [smem:$0x3FFD];
	_ =	sdelay $0x3  }
0x96: {  	_ =	strace s3  }
0x97: {  	_ =	strace $0x8FFFFFFF  }
0x98: {  	s19 =	sld [smem:$0x3FDB];
	_ =	sdelay $0x1  }
0x99: {  	s4 =	simm.s32 $_scs_section_size  }
0x9a: {  	s5 =	simm.s32 $_size__tile_overlayer_lowered;
	s6 =	simm.s32 $_tile_overlayer_lowered  }
0x9b: {  	s22 =	simm.s32 $0x1BFF;
	s21 =	sshll.u32 s6, $0x1;
	s3 =	sadd.s32 s4, s19  }
0x9c: {  	s7 =	simm.s32 $0x0;
	s20 =	sshll.u32 s5, $0x1;
	s5 =	sadd.s32 s21, s3  }
0x9d: {  	[timem:s7], [sflag:s22] =	dma.local [hbm:s5], s20  }
0x9e: {  	_ =	swait.ge [sflag:s22], s20  }
0x9f: {  	s4 =	ssub.s32 $0x0, s20;
	[sflag:s22] =	ssyncset.done $0x0  }
0xa0: {  	[sflag:s22] =	ssyncadd.s32 s4;
	_ =	sdelay $0x1  }
0xa1: {  	s23 =	simm.s32 $0x1B8B  }
0xa2: {  	_ =	swait.ge [sflag:s23], $0x1  }
0xa3: {  	[sflag:s23] =	ssyncset.done $0x0  }
0xa4: {  	s25 =	simm.s32 $0x1B8E;
	s24 =	sld [smem:$0x3FFE];
	[sflag:s23] =	ssyncadd.s32 $0xFFFFFFFF  }
0xa5: {  	s26 =	simm.s32 $execute0_lowered;
	[smem:$0x3FD2] =	sst s25  }
0xa6: {  	s5 =	sshll.u32 s26, $0x1;
	_ =	strace $0x80000046;
	[dreg:$0x1] =	wrdreg $0xFFFFFFFF  }
0xa7: {  	s28 =	simm.s32 $_size_execute0_lowered;
	s3 =	sadd.s32 s3, s5;
	[dreg:$0x0] =	wrdreg $0x0  }
0xa8: {  	s5 =	sshll.u32 s28, $0x1;
	[dreg:$0x2] =	wrdreg s3  }
0xa9: {  	[dreg:$0x3] =	wrdreg s5  }
0xaa: {  	[dreg:$0x4] =	wrdreg $0xC0  }
0xab: {  	_ =	task [dreg:s7], $0x5FFFF  }
0xac: {  	[dreg:$0x1] =	wrdreg $0xFFFFFFFF  }
0xad: {  	[dreg:$0x0] =	wrdreg $0x60  }
0xae: {  	[dreg:$0x2] =	wrdreg s2  }
0xaf: {  	[dreg:$0x3] =	wrdreg s24  }
0xb0: {  	[dreg:$0x4] =	wrdreg $0x53000  }
0xb1: {  	[dreg:$0x5] =	wrdreg $0x9  }
0xb2: {  	_ =	task.clear_ibuf [dreg:s7], $0x6FFFF;
	_ =	strace $0x90000046  }
0xb3: {  	s29 =	simm.s32 $0x9;
	_ =	strace $0x80000048  }
0xb4: {  	_ =	swait.ge [sflag:s29], $0x1  }
0xb5: {  	[sflag:s29] =	ssyncadd.s32 $0xFFFFFFFF  }
0xb6: {  	_ =	strace $0x90000048  }
0xb7: {  	_ =	sfence  }
0xb8: {  	s30 =	sld [smem:$0x0];
	_ =	sdelay $0x2  }
0xb9: {  	s31 =	sshll.u32 s1, $0xD;
	s1 =	sshrl.u32 s1, $0x2  }
0xba: {  	s3 =	sand.u32 $0x4000, s31;
	s1 =	sadd.s32 s1, s30  }
0xbb: {  	s0 =	sor.u32 s3, s0;
	s1 =	sshll.u32 s1, $0x11  }
0xbc: {  	s0 =	sor.u32 s1, s0  }
0xbd: {  	s0 =	sadd.s32 $0x8F2B, s0  }
0xbe: {  	[sflag:s0] =	ssyncadd.remote.s32 $0x1  }
0xbf: {  	_ =	sfence.sel $0xFFFF  }
0xc0: {  	[dreg:$0x0] =	wrdreg $0xFFFFFFFF;
	(pc) =	sbr.abs _section_cstart, $3  }
0xc1: {  	[dreg:$0x1] =	wrdreg $0xFFFFFFFF  }
0xc2: {  	_ =	task.clear_ibuf [dreg:s7], $0x2FFFF;
	_ =	strace $0x9FFFFFFF  }
0xc3: {  	(tm) =	ssettm $0x7FFFFFFF  }
tec
execute0_lowered:
.L_overlay_start_1:
0x0: {  	(tag) =	ssettag $0x1  }
0x1: {  	s5 =	rddreg [dreg:$0x0]  }
0x2: {  	s4 =	rddreg [dreg:$0x1]  }
0x3: {  	s2 =	rddreg [dreg:$0x2]  }
0x4: {  	s0 =	rddreg [dreg:$0x3]  }
0x5: {  	s3 =	simm.s32 $0x0;
	s6 =	srdreg.scid;
	s1 =	stileid.u32  }
0x6: {  	s11 =	simm.s32 $0x5000;
	s14 =	simm.s32 $0x20;
	s15 =	simm.s32 $0x10  }
0x7: {  	s16 =	simm.s32 $0x0;
	[smem:$0x7FF] =	sst s3;
	s7 =	smul.u32 $0x500, s1  }
0x8: {  	s6 =	sand.u32 $0x1, s6;
	s30 =	smul.u32 $0xA00, s1;
	s12 =	sshll.u32 s1, $0x6  }
0x9: {  	_ =	strace $0x80000047;
	s8 =	sshll.u32 s6, $0x7;
	s9 =	sshll.u32 s6, $0x4  }
0xa: {  	s6 =	ssub.s32 $0x2, s6;
	s12 =	sor.u32 $0x1C01, s12;
	s7 =	sor.u32 s8, s7  }
0xb: {  	s9 =	sor.u32 s1, s9;
	s31 =	sshrl.u32 s6, $0x1;
	s8 =	sshrl.u32 s30, $0x2  }
0xc: {  	s7 =	sshrl.u32 s7, $0x3;
	s9 =	smul.u32 $0xA00, s9;
	s10 =	ssub.s32 s6, s31  }
0xd: {  	s7 =	sadd.s32 s7, s4;
	s4 =	sadd.s32 s8, s2;
	s8 =	simm.s32 $0x5080  }
0xe: {  	s5 =	sadd.s32 s5, s9;
	s6 =	sadd.s32 $0x2600, s7;
	s7 =	smax.u32 s10, $0x1  }
0xf: {  	v0 =	vimm.f32 $1.000000000e+00;
	v1 =	vimm.f32 $0.0e+00;
	s9 =	simm.s32 $0x1;
	s10 =	simm.s32 $0x40;
	s13 =	sshrl.u32 s4, $0x3  }
.LBB2_1:
0x10: {  	[tilespmem:$0x5000] =	vst v0  }
0x11: {  	[tilespmem:$0x5010] =	vst v0  }
0x12: {  	[tilespmem:$0x5020] =	vst v0  }
0x13: {  	[tilespmem:$0x5030] =	vst v0  }
0x14: {  	[tilespmem:$0x5080] =	vst v1  }
0x15: {  	[tilespmem:$0x5090] =	vst v1  }
0x16: {  	[tilespmem:$0x50A0] =	vst v1  }
0x17: {  	[tilespmem:$0x50B0] =	vst v1  }
0x18: {  	[tilespmem:$0x50C0] =	vst v1  }
0x19: {  	[tilespmem:$0x50D0] =	vst v1  }
0x1a: {  	[tilespmem:$0x50E0] =	vst v1  }
0x1b: {  	[tilespmem:$0x50F0] =	vst v1  }
0x1c: {  	[tilespmem:$0x5100] =	vst v1  }
0x1d: {  	[tilespmem:$0x5110] =	vst v1  }
0x1e: {  	[tilespmem:$0x5120] =	vst v1  }
0x1f: {  	[tilespmem:$0x5130] =	vst v1  }
0x20: {  	[tilespmem:$0x5140] =	vst v1  }
0x21: {  	[tilespmem:$0x5150] =	vst v1  }
0x22: {  	[tilespmem:$0x5160] =	vst v1  }
0x23: {  	[tilespmem:$0x5170] =	vst v1  }
0x24: {  	[tilespmem:$0x5180] =	vst v1  }
0x25: {  	[tilespmem:$0x5190] =	vst v1  }
0x26: {  	[tilespmem:$0x51A0] =	vst v1  }
0x27: {  	[tilespmem:$0x51B0] =	vst v1  }
0x28: {  	[tilespmem:$0x51C0] =	vst v1  }
0x29: {  	[tilespmem:$0x51D0] =	vst v1  }
0x2a: {  	[tilespmem:$0x51E0] =	vst v1  }
0x2b: {  	[tilespmem:$0x51F0] =	vst v1  }
0x2c: {  	[tilespmem:$0x5200] =	vst v1  }
0x2d: {  	[tilespmem:$0x5210] =	vst v1  }
0x2e: {  	[tilespmem:$0x5220] =	vst v1  }
0x2f: {  	[tilespmem:$0x5230] =	vst v1  }
0x30: {  	[tilespmem:$0x5240] =	vst v1  }
0x31: {  	[tilespmem:$0x5250] =	vst v1  }
0x32: {  	[tilespmem:$0x5260] =	vst v1  }
0x33: {  	[tilespmem:$0x5270] =	vst v1  }
0x34: {  	[tilespmem:$0x5280] =	vst v1  }
0x35: {  	[tilespmem:$0x5290] =	vst v1  }
0x36: {  	[tilespmem:$0x52A0] =	vst v1  }
0x37: {  	[tilespmem:$0x52B0] =	vst v1  }
0x38: {  	[tilespmem:$0x52C0] =	vst v1  }
0x39: {  	[tilespmem:$0x52D0] =	vst v1  }
0x3a: {  	[tilespmem:$0x52E0] =	vst v1  }
0x3b: {  	[tilespmem:$0x52F0] =	vst v1  }
0x3c: {  	[spmem:s4] =	stream.linear.scatter [tilespmem:s8], [sflag:$0x1], $0x280, $0x38;
	[tilespmem:$0x5580] =	vst v63  }
0x3d: {  	_ =	swait.ge [sflag:s9], $0x280  }
0x3e: {  	[sflag:s9] =	ssyncset.done $0x0  }
0x3f: {  	[sflag:s9] =	ssyncadd.s32 $0xFFFFFD80  }
0x40: {  	[tilespmem:s3], [sflag:$0x1] =	stream.linear.gather [hbm4b:s5+s3], $0x5000, $0x38;
	[tilespmem:$0x5580] =	vst v63  }
0x41: {  	_ =	swait.ge [sflag:s9], $0x5000  }
0x42: {  	[sflag:s9] =	ssyncset.done $0x0  }
0x43: {  	[sflag:s9] =	ssyncadd.s32 $0xFFFFB000  }
0x44: {  	s17 =	simm.s32 $0x0;
	[bflag:$0x0] =	sbarrier.arrive $0xFFFF  }
0x45: {  	[spmem:s2] =	stream.indirect.scatter.add.f32 [tilespmem:s11], [sflag:$0x1], $0x1, s17, s10, $0xb8;
	[tilespmem:$0x5580] =	vst v63  }
0x46: {  	_ =	swait.ge [sflag:s9], $0x40  }
0x47: {  	s17 =	simm.s32 $0x200;
	[sflag:s9] =	ssyncset.done $0x0  }
.LBB2_2:
0x48: {  	s18 =	sshra.s32 s17, $0x2;
	[sflag:s9] =	ssyncadd.s32 $0xFFFFFFC0;
	p0 =	sne.s32 s17, $0x13E00  }
0x49: {  	[spmem:s2] =	stream.indirect.scatter.add.f32 [tilespmem:s11], [sflag:$0x1], $0x1, s18, s10, $0xb8;
	[tilespmem:$0x5580] =	vst v63  }
.Ltmp0:
0x4a: {  	_ = 	snop;
	(pc) =	sbr.rel @p0 .LBB2_2-.Ltmp0, $4  }
0x4b: {  	_ = 	snop  }
0x4c: {  	s17 =	sadd.s32 $0x200, s17  }
0x4d: {  	_ =	swait.ge [sflag:s9], $0x40  }
0x4e: {  	[sflag:s9] =	ssyncset.done $0x0  }
0x4f: {  	s16 =	sadd.s32 $0x1, s16  }
0x50: {  	[sflag:s9] =	ssyncadd.s32 $0xFFFFFFC0;
	p0 =	sne.s32 s16, s7  }
.Ltmp1:
0x51: {  	[bflag:$0x0] =	sbarrier.arrive $0xFFFF;
	(pc) =	sbr.rel @p0 .LBB2_1-.Ltmp1, $4  }
0x52: {  	[hbm:s6@s14], [sflag:s12] =	dma.strided [spmem:s13@s15], $0x50, s9, $0x10   }
0x53: {  	_ =	swait.ge [sflag:s9], $0x50  }
0x54: {  	[sflag:s9] =	ssyncset.done $0x0  }
0x55: {  	[sflag:s9] =	ssyncadd.s32 $0xFFFFFFB0  }
0x56: {  	_ =	sfence.sel $0x180000  }
0x57: {  	[bflag:$0x0] =	sbarrier.arrive $0xFFFF  }
0x58: {  	p0 =	sne.s32 s1, $0x0;
	_ =	strace $0x90000047  }
0x59: {  	s0 =	sadd.s32 @!p0 $0x100000, s0;
	[bflag:$0x2] =	sbarrier.arrive $0xFFFF  }
0x5a: {  	[sflag:s0] =	ssyncadd.tile.s32 @!p0 $0x1;
	_ =	shalt  }
.Lfunc_end2:
_tile_overlayer_lowered:
.L_overlay_start_2:
0x5b: {  	(tag) =	ssettag $0x2  }
0x5c: {  	s0 =	rddreg [dreg:$0x0];
	s2 =	stileid.u32  }
0x5d: {  	s1 =	rddreg [dreg:$0x1];
	p0 =	sne.s32 s2, $0x0  }
0x5e: {  	s3 =	rddreg [dreg:$0x2];
	[bflag:$0x3] =	sbarrier.arrive $0xFFFF;
	s2 =	simm.s32 @!p0 $0x1C01  }
0x5f: {  	[timem:s3], [sflag:s2] =	dma.local @!p0 [hbm:s0], s1  }
0x60: {  	s0 =	simm.s32 @!p0 $0x1  }
0x61: {  	_ =	swait.ge @!p0 [sflag:s0], s1  }
0x62: {  	s1 =	ssub.s32 @!p0 $0x0, s1;
	[sflag:s0] =	ssyncset.done @!p0 $0x0  }
0x63: {  	[sflag:s0] =	ssyncadd.s32 @!p0 s1  }
0x64: {  	[bflag:$0x3] =	sbarrier.arrive $0xFFFF  }
0x65: {  	_ =	shalt  }

</sc_bundles>
